<compile_context>
chip_gen: v7x
topology: tpu7x:2x2x1
jax: 0.10.2.dev20260603
libtpu: 0.0.44.dev20260713+nightly
codegen_flags: <defaults>
</compile_context>

<pallas_src>
import functools

import jax
import jax.numpy as jnp
from jax import lax
from jax.experimental import pallas as pl
from jax.experimental.pallas import tpu as pltpu
from jax.experimental.pallas import tpu_sc as plsc

_NC = 2
_NS = 16
_NW = _NC * _NS

_W0 = 64 // _NW
_NBUF = 4
_NCHUNK = 64
_C1 = 128 // _NCHUNK


def _sc_copy(x_hbm, o_hbm, *scratch):
    bufs = scratch[:_NBUF]
    in_sems = scratch[_NBUF:2 * _NBUF]
    out_sems = scratch[2 * _NBUF:]
    wid = lax.axis_index("s") * _NC + lax.axis_index("c")
    base = wid * _W0

    def in_copy(j):
        b = j % _NBUF
        return pltpu.make_async_copy(
            x_hbm.at[pl.ds(base, _W0), pl.ds(j * _C1, _C1)], bufs[b], in_sems[b]
        )

    def out_copy(j):
        b = j % _NBUF
        return pltpu.make_async_copy(
            bufs[b], o_hbm.at[pl.ds(base, _W0), pl.ds(j * _C1, _C1)], out_sems[b]
        )

    for j in range(min(_NBUF, _NCHUNK)):
        in_copy(j).start()
    for j in range(_NCHUNK):
        in_copy(j).wait()
        out_copy(j).start()
        nxt = j + _NBUF
        if nxt < _NCHUNK:
            out_copy(j).wait()
            in_copy(nxt).start()
    for j in range(max(0, _NCHUNK - _NBUF), _NCHUNK):
        out_copy(j).wait()


def kernel(x):
    run = functools.partial(
        pl.kernel,
        mesh=plsc.VectorSubcoreMesh(core_axis_name="c", subcore_axis_name="s"),
        out_type=jax.ShapeDtypeStruct(x.shape, x.dtype),
        scratch_types=(
            [pltpu.VMEM((_W0, _C1, 56, 56), jnp.float32) for _ in range(_NBUF)]
            + [pltpu.SemaphoreType.DMA for _ in range(2 * _NBUF)]
        ),
    )(_sc_copy)
    return run(x)

# --- scband reference (transcript-rebuilt; emitter-appended) ---
"""Pipeline reference for scband-sparsity-checker-56745107915393 (READ-ONLY COPY).

The authoritative reference and input builder live on the scoring server;
editing this copy changes nothing except your own understanding.
"""

import jax, jax.numpy as jnp
import numpy as np

TIME = 4

def setup_inputs(seed: int = 0) -> dict:
    key = jax.random.key(seed)
    x = jax.random.normal(key, (64, 128, 56, 56), dtype=jnp.float32)
    return {"x": x}

def reference(x):
    # Single forward step of Sparsity_Checker with t == 0 (fresh state):
    # spike_collector starts at zeros, then accumulates x.
    spike_collector = jnp.zeros_like(x) + x
    # Histogram of accumulated spike values (torch.unique with counts).
    unique_vals, unique_counts = jnp.unique(
        spike_collector, return_counts=True,
        size=spike_collector.size, fill_value=0.0)
    # Zero-count based sparsity statistics (side-effect state in the torch module).
    total_elements = x.size
    num_zeros_of_collector = (spike_collector == 0).sum()
    num_zeros = (x == 0).sum()
    temp_sparsity_ratio_of_collector = num_zeros_of_collector / total_elements
    sparsity_ratio = num_zeros / total_elements
    # Module returns the input unchanged (pass-through monitor).
    return x

if __name__ == "__main__":
    import jax
    _d = setup_inputs()
    print(jax.jit(kernel)(*tuple(_d.values())))

</pallas_src>

<mosaic_0001>
#map = affine_map<(d0, d1) -> (0, 0, 0, 0)>
module attributes {stable_mosaic.version = 14 : i64} {
  func.func @_sc_copy(%arg0: i32, %arg1: i32, %arg2: memref<64x128x56x56xf32, #tpu.memory_space<hbm>>, %arg3: memref<64x128x56x56xf32, #tpu.memory_space<hbm>>, %arg4: memref<2x2x56x56xf32, #tpu.memory_space<vmem>>, %arg5: memref<2x2x56x56xf32, #tpu.memory_space<vmem>>, %arg6: memref<2x2x56x56xf32, #tpu.memory_space<vmem>>, %arg7: memref<2x2x56x56xf32, #tpu.memory_space<vmem>>, %arg8: memref<!tpu.dma_semaphore, #tpu.memory_space<semaphore_mem>>, %arg9: memref<!tpu.dma_semaphore, #tpu.memory_space<semaphore_mem>>, %arg10: memref<!tpu.dma_semaphore, #tpu.memory_space<semaphore_mem>>, %arg11: memref<!tpu.dma_semaphore, #tpu.memory_space<semaphore_mem>>, %arg12: memref<!tpu.dma_semaphore, #tpu.memory_space<semaphore_mem>>, %arg13: memref<!tpu.dma_semaphore, #tpu.memory_space<semaphore_mem>>, %arg14: memref<!tpu.dma_semaphore, #tpu.memory_space<semaphore_mem>>, %arg15: memref<!tpu.dma_semaphore, #tpu.memory_space<semaphore_mem>>) attributes {dimension_semantics = [#tpu.dimension_semantics<core_parallel>, #tpu.dimension_semantics<subcore_parallel>], iteration_bounds = array<i64: 2, 16>, scalar_prefetch = 0 : i64, scratch_operands = 12 : i64, tpu.core_type = #tpu.core_type<sc_vector_subcore>, window_params = [{transform_indices = #map}, {transform_indices = #map}]} {
    %mul3A = arith.constant 2 : i32
    %mul3A_0 = arith.muli %arg1, %mul3A : i32
    %add3A = arith.addi %mul3A_0, %arg0 : i32
    %mul3A_1 = arith.constant 2 : i32
    %mul3A_2 = arith.muli %add3A, %mul3A_1 : i32
    %dma_start3A = arith.constant 0 : i32
    %dma_start3A_3 = arith.constant 0 : i32
    %dma_start3A_4 = arith.constant 0 : i32
    %dma_start3A_5 = tpu.memref_slice %arg2[%mul3A_2, %dma_start3A, %dma_start3A_3, %dma_start3A_4] : memref<64x128x56x56xf32, #tpu.memory_space<hbm>> -> memref<2x2x56x56xf32, #tpu.memory_space<hbm>>
    %dma_start3A_6 = arith.constant 0 : i32
    %dma_start3A_7 = arith.constant 0 : i32
    %dma_start3A_8 = arith.constant 0 : i32
    %dma_start3A_9 = tpu.memref_slice %arg2[%mul3A_2, %dma_start3A_6, %dma_start3A_7, %dma_start3A_8] : memref<64x128x56x56xf32, #tpu.memory_space<hbm>> -> memref<2x2x56x56xf32, #tpu.memory_space<hbm>>
    tpu.enqueue_dma source(%dma_start3A_9 : memref<2x2x56x56xf32, #tpu.memory_space<hbm>>) target(%arg4 : memref<2x2x56x56xf32, #tpu.memory_space<vmem>>) target_semaphore(%arg8 : memref<!tpu.dma_semaphore, #tpu.memory_space<semaphore_mem>>)
    %dma_start3A_10 = arith.constant 2 : i32
    %dma_start3A_11 = arith.constant 0 : i32
    %dma_start3A_12 = arith.constant 0 : i32
    %dma_start3A_13 = tpu.memref_slice %arg2[%mul3A_2, %dma_start3A_10, %dma_start3A_11, %dma_start3A_12] : memref<64x128x56x56xf32, #tpu.memory_space<hbm>> -> memref<2x2x56x56xf32, #tpu.memory_space<hbm>>
    %dma_start3A_14 = arith.constant 2 : i32
    %dma_start3A_15 = arith.constant 0 : i32
    %dma_start3A_16 = arith.constant 0 : i32
    %dma_start3A_17 = tpu.memref_slice %arg2[%mul3A_2, %dma_start3A_14, %dma_start3A_15, %dma_start3A_16] : memref<64x128x56x56xf32, #tpu.memory_space<hbm>> -> memref<2x2x56x56xf32, #tpu.memory_space<hbm>>
    tpu.enqueue_dma source(%dma_start3A_17 : memref<2x2x56x56xf32, #tpu.memory_space<hbm>>) target(%arg5 : memref<2x2x56x56xf32, #tpu.memory_space<vmem>>) target_semaphore(%arg9 : memref<!tpu.dma_semaphore, #tpu.memory_space<semaphore_mem>>)
    %dma_start3A_18 = arith.constant 4 : i32
    %dma_start3A_19 = arith.constant 0 : i32
    %dma_start3A_20 = arith.constant 0 : i32
    %dma_start3A_21 = tpu.memref_slice %arg2[%mul3A_2, %dma_start3A_18, %dma_start3A_19, %dma_start3A_20] : memref<64x128x56x56xf32, #tpu.memory_space<hbm>> -> memref<2x2x56x56xf32, #tpu.memory_space<hbm>>
    %dma_start3A_22 = arith.constant 4 : i32
    %dma_start3A_23 = arith.constant 0 : i32
    %dma_start3A_24 = arith.constant 0 : i32
    %dma_start3A_25 = tpu.memref_slice %arg2[%mul3A_2, %dma_start3A_22, %dma_start3A_23, %dma_start3A_24] : memref<64x128x56x56xf32, #tpu.memory_space<hbm>> -> memref<2x2x56x56xf32, #tpu.memory_space<hbm>>
    tpu.enqueue_dma source(%dma_start3A_25 : memref<2x2x56x56xf32, #tpu.memory_space<hbm>>) target(%arg6 : memref<2x2x56x56xf32, #tpu.memory_space<vmem>>) target_semaphore(%arg10 : memref<!tpu.dma_semaphore, #tpu.memory_space<semaphore_mem>>)
    %dma_start3A_26 = arith.constant 6 : i32
    %dma_start3A_27 = arith.constant 0 : i32
    %dma_start3A_28 = arith.constant 0 : i32
    %dma_start3A_29 = tpu.memref_slice %arg2[%mul3A_2, %dma_start3A_26, %dma_start3A_27, %dma_start3A_28] : memref<64x128x56x56xf32, #tpu.memory_space<hbm>> -> memref<2x2x56x56xf32, #tpu.memory_space<hbm>>
    %dma_start3A_30 = arith.constant 6 : i32
    %dma_start3A_31 = arith.constant 0 : i32
    %dma_start3A_32 = arith.constant 0 : i32
    %dma_start3A_33 = tpu.memref_slice %arg2[%mul3A_2, %dma_start3A_30, %dma_start3A_31, %dma_start3A_32] : memref<64x128x56x56xf32, #tpu.memory_space<hbm>> -> memref<2x2x56x56xf32, #tpu.memory_space<hbm>>
    tpu.enqueue_dma source(%dma_start3A_33 : memref<2x2x56x56xf32, #tpu.memory_space<hbm>>) target(%arg7 : memref<2x2x56x56xf32, #tpu.memory_space<vmem>>) target_semaphore(%arg11 : memref<!tpu.dma_semaphore, #tpu.memory_space<semaphore_mem>>)
    %dma_wait3A = arith.constant 0 : i32
    %dma_wait3A_34 = arith.constant 0 : i32
    %dma_wait3A_35 = arith.constant 0 : i32
    %dma_wait3A_36 = tpu.memref_slice %arg2[%mul3A_2, %dma_wait3A, %dma_wait3A_34, %dma_wait3A_35] : memref<64x128x56x56xf32, #tpu.memory_space<hbm>> -> memref<2x2x56x56xf32, #tpu.memory_space<hbm>>
    %dma_wait3A_37 = arith.constant 0 : i32
    %dma_wait3A_38 = arith.constant 0 : i32
    %dma_wait3A_39 = arith.constant 0 : i32
    %dma_wait3A_40 = tpu.memref_slice %arg2[%mul3A_2, %dma_wait3A_37, %dma_wait3A_38, %dma_wait3A_39] : memref<64x128x56x56xf32, #tpu.memory_space<hbm>> -> memref<2x2x56x56xf32, #tpu.memory_space<hbm>>
    tpu.wait_dma2 semaphore(%arg8 : memref<!tpu.dma_semaphore, #tpu.memory_space<semaphore_mem>>) src(%dma_wait3A_40 : memref<2x2x56x56xf32, #tpu.memory_space<hbm>>) dst(%arg4 : memref<2x2x56x56xf32, #tpu.memory_space<vmem>>)
    %dma_start3A_41 = arith.constant 0 : i32
    %dma_start3A_42 = arith.constant 0 : i32
    %dma_start3A_43 = arith.constant 0 : i32
    %dma_start3A_44 = tpu.memref_slice %arg3[%mul3A_2, %dma_start3A_41, %dma_start3A_42, %dma_start3A_43] : memref<64x128x56x56xf32, #tpu.memory_space<hbm>> -> memref<2x2x56x56xf32, #tpu.memory_space<hbm>>
    %dma_start3A_45 = arith.constant 0 : i32
    %dma_start3A_46 = arith.constant 0 : i32
    %dma_start3A_47 = arith.constant 0 : i32
    %dma_start3A_48 = tpu.memref_slice %arg3[%mul3A_2, %dma_start3A_45, %dma_start3A_46, %dma_start3A_47] : memref<64x128x56x56xf32, #tpu.memory_space<hbm>> -> memref<2x2x56x56xf32, #tpu.memory_space<hbm>>
    tpu.enqueue_dma source(%arg4 : memref<2x2x56x56xf32, #tpu.memory_space<vmem>>) target(%dma_start3A_48 : memref<2x2x56x56xf32, #tpu.memory_space<hbm>>) target_semaphore(%arg12 : memref<!tpu.dma_semaphore, #tpu.memory_space<semaphore_mem>>)
    %dma_wait3A_49 = arith.constant 0 : i32
    %dma_wait3A_50 = arith.constant 0 : i32
    %dma_wait3A_51 = arith.constant 0 : i32
    %dma_wait3A_52 = tpu.memref_slice %arg3[%mul3A_2, %dma_wait3A_49, %dma_wait3A_50, %dma_wait3A_51] : memref<64x128x56x56xf32, #tpu.memory_space<hbm>> -> memref<2x2x56x56xf32, #tpu.memory_space<hbm>>
    %dma_wait3A_53 = arith.constant 0 : i32
    %dma_wait3A_54 = arith.constant 0 : i32
    %dma_wait3A_55 = arith.constant 0 : i32
    %dma_wait3A_56 = tpu.memref_slice %arg3[%mul3A_2, %dma_wait3A_53, %dma_wait3A_54, %dma_wait3A_55] : memref<64x128x56x56xf32, #tpu.memory_space<hbm>> -> memref<2x2x56x56xf32, #tpu.memory_space<hbm>>
    tpu.wait_dma2 semaphore(%arg12 : memref<!tpu.dma_semaphore, #tpu.memory_space<semaphore_mem>>) src(%arg4 : memref<2x2x56x56xf32, #tpu.memory_space<vmem>>) dst(%dma_wait3A_56 : memref<2x2x56x56xf32, #tpu.memory_space<hbm>>)
    %dma_start3A_57 = arith.constant 8 : i32
    %dma_start3A_58 = arith.constant 0 : i32
    %dma_start3A_59 = arith.constant 0 : i32
    %dma_start3A_60 = tpu.memref_slice %arg2[%mul3A_2, %dma_start3A_57, %dma_start3A_58, %dma_start3A_59] : memref<64x128x56x56xf32, #tpu.memory_space<hbm>> -> memref<2x2x56x56xf32, #tpu.memory_space<hbm>>
    %dma_start3A_61 = arith.constant 8 : i32
    %dma_start3A_62 = arith.constant 0 : i32
    %dma_start3A_63 = arith.constant 0 : i32
    %dma_start3A_64 = tpu.memref_slice %arg2[%mul3A_2, %dma_start3A_61, %dma_start3A_62, %dma_start3A_63] : memref<64x128x56x56xf32, #tpu.memory_space<hbm>> -> memref<2x2x56x56xf32, #tpu.memory_space<hbm>>
    tpu.enqueue_dma source(%dma_start3A_64 : memref<2x2x56x56xf32, #tpu.memory_space<hbm>>) target(%arg4 : memref<2x2x56x56xf32, #tpu.memory_space<vmem>>) target_semaphore(%arg8 : memref<!tpu.dma_semaphore, #tpu.memory_space<semaphore_mem>>)
    %dma_wait3A_65 = arith.constant 2 : i32
    %dma_wait3A_66 = arith.constant 0 : i32
    %dma_wait3A_67 = arith.constant 0 : i32
    %dma_wait3A_68 = tpu.memref_slice %arg2[%mul3A_2, %dma_wait3A_65, %dma_wait3A_66, %dma_wait3A_67] : memref<64x128x56x56xf32, #tpu.memory_space<hbm>> -> memref<2x2x56x56xf32, #tpu.memory_space<hbm>>
    %dma_wait3A_69 = arith.constant 2 : i32
    %dma_wait3A_70 = arith.constant 0 : i32
    %dma_wait3A_71 = arith.constant 0 : i32
    %dma_wait3A_72 = tpu.memref_slice %arg2[%mul3A_2, %dma_wait3A_69, %dma_wait3A_70, %dma_wait3A_71] : memref<64x128x56x56xf32, #tpu.memory_space<hbm>> -> memref<2x2x56x56xf32, #tpu.memory_space<hbm>>
    tpu.wait_dma2 semaphore(%arg9 : memref<!tpu.dma_semaphore, #tpu.memory_space<semaphore_mem>>) src(%dma_wait3A_72 : memref<2x2x56x56xf32, #tpu.memory_space<hbm>>) dst(%arg5 : memref<2x2x56x56xf32, #tpu.memory_space<vmem>>)
    %dma_start3A_73 = arith.constant 2 : i32
    %dma_start3A_74 = arith.constant 0 : i32
    %dma_start3A_75 = arith.constant 0 : i32
    %dma_start3A_76 = tpu.memref_slice %arg3[%mul3A_2, %dma_start3A_73, %dma_start3A_74, %dma_start3A_75] : memref<64x128x56x56xf32, #tpu.memory_space<hbm>> -> memref<2x2x56x56xf32, #tpu.memory_space<hbm>>
    %dma_start3A_77 = arith.constant 2 : i32
    %dma_start3A_78 = arith.constant 0 : i32
    %dma_start3A_79 = arith.constant 0 : i32
    %dma_start3A_80 = tpu.memref_slice %arg3[%mul3A_2, %dma_start3A_77, %dma_start3A_78, %dma_start3A_79] : memref<64x128x56x56xf32, #tpu.memory_space<hbm>> -> memref<2x2x56x56xf32, #tpu.memory_space<hbm>>
    tpu.enqueue_dma source(%arg5 : memref<2x2x56x56xf32, #tpu.memory_space<vmem>>) target(%dma_start3A_80 : memref<2x2x56x56xf32, #tpu.memory_space<hbm>>) target_semaphore(%arg13 : memref<!tpu.dma_semaphore, #tpu.memory_space<semaphore_mem>>)
    %dma_wait3A_81 = arith.constant 2 : i32
    %dma_wait3A_82 = arith.constant 0 : i32
    %dma_wait3A_83 = arith.constant 0 : i32
    %dma_wait3A_84 = tpu.memref_slice %arg3[%mul3A_2, %dma_wait3A_81, %dma_wait3A_82, %dma_wait3A_83] : memref<64x128x56x56xf32, #tpu.memory_space<hbm>> -> memref<2x2x56x56xf32, #tpu.memory_space<hbm>>
    %dma_wait3A_85 = arith.constant 2 : i32
    %dma_wait3A_86 = arith.constant 0 : i32
    %dma_wait3A_87 = arith.constant 0 : i32
    %dma_wait3A_88 = tpu.memref_slice %arg3[%mul3A_2, %dma_wait3A_85, %dma_wait3A_86, %dma_wait3A_87] : memref<64x128x56x56xf32, #tpu.memory_space<hbm>> -> memref<2x2x56x56xf32, #tpu.memory_space<hbm>>
    tpu.wait_dma2 semaphore(%arg13 : memref<!tpu.dma_semaphore, #tpu.memory_space<semaphore_mem>>) src(%arg5 : memref<2x2x56x56xf32, #tpu.memory_space<vmem>>) dst(%dma_wait3A_88 : memref<2x2x56x56xf32, #tpu.memory_space<hbm>>)
    %dma_start3A_89 = arith.constant 10 : i32
    %dma_start3A_90 = arith.constant 0 : i32
    %dma_start3A_91 = arith.constant 0 : i32
    %dma_start3A_92 = tpu.memref_slice %arg2[%mul3A_2, %dma_start3A_89, %dma_start3A_90, %dma_start3A_91] : memref<64x128x56x56xf32, #tpu.memory_space<hbm>> -> memref<2x2x56x56xf32, #tpu.memory_space<hbm>>
    %dma_start3A_93 = arith.constant 10 : i32
    %dma_start3A_94 = arith.constant 0 : i32
    %dma_start3A_95 = arith.constant 0 : i32
    %dma_start3A_96 = tpu.memref_slice %arg2[%mul3A_2, %dma_start3A_93, %dma_start3A_94, %dma_start3A_95] : memref<64x128x56x56xf32, #tpu.memory_space<hbm>> -> memref<2x2x56x56xf32, #tpu.memory_space<hbm>>
    tpu.enqueue_dma source(%dma_start3A_96 : memref<2x2x56x56xf32, #tpu.memory_space<hbm>>) target(%arg5 : memref<2x2x56x56xf32, #tpu.memory_space<vmem>>) target_semaphore(%arg9 : memref<!tpu.dma_semaphore, #tpu.memory_space<semaphore_mem>>)
    %dma_wait3A_97 = arith.constant 4 : i32
    %dma_wait3A_98 = arith.constant 0 : i32
    %dma_wait3A_99 = arith.constant 0 : i32
    %dma_wait3A_100 = tpu.memref_slice %arg2[%mul3A_2, %dma_wait3A_97, %dma_wait3A_98, %dma_wait3A_99] : memref<64x128x56x56xf32, #tpu.memory_space<hbm>> -> memref<2x2x56x56xf32, #tpu.memory_space<hbm>>
    %dma_wait3A_101 = arith.constant 4 : i32
    %dma_wait3A_102 = arith.constant 0 : i32
    %dma_wait3A_103 = arith.constant 0 : i32
    %dma_wait3A_104 = tpu.memref_slice %arg2[%mul3A_2, %dma_wait3A_101, %dma_wait3A_102, %dma_wait3A_103] : memref<64x128x56x56xf32, #tpu.memory_space<hbm>> -> memref<2x2x56x56xf32, #tpu.memory_space<hbm>>
    tpu.wait_dma2 semaphore(%arg10 : memref<!tpu.dma_semaphore, #tpu.memory_space<semaphore_mem>>) src(%dma_wait3A_104 : memref<2x2x56x56xf32, #tpu.memory_space<hbm>>) dst(%arg6 : memref<2x2x56x56xf32, #tpu.memory_space<vmem>>)
    %dma_start3A_105 = arith.constant 4 : i32
    %dma_start3A_106 = arith.constant 0 : i32
    %dma_start3A_107 = arith.constant 0 : i32
    %dma_start3A_108 = tpu.memref_slice %arg3[%mul3A_2, %dma_start3A_105, %dma_start3A_106, %dma_start3A_107] : memref<64x128x56x56xf32, #tpu.memory_space<hbm>> -> memref<2x2x56x56xf32, #tpu.memory_space<hbm>>
    %dma_start3A_109 = arith.constant 4 : i32
    %dma_start3A_110 = arith.constant 0 : i32
    %dma_start3A_111 = arith.constant 0 : i32
    %dma_start3A_112 = tpu.memref_slice %arg3[%mul3A_2, %dma_start3A_109, %dma_start3A_110, %dma_start3A_111] : memref<64x128x56x56xf32, #tpu.memory_space<hbm>> -> memref<2x2x56x56xf32, #tpu.memory_space<hbm>>
    tpu.enqueue_dma source(%arg6 : memref<2x2x56x56xf32, #tpu.memory_space<vmem>>) target(%dma_start3A_112 : memref<2x2x56x56xf32, #tpu.memory_space<hbm>>) target_semaphore(%arg14 : memref<!tpu.dma_semaphore, #tpu.memory_space<semaphore_mem>>)
    %dma_wait3A_113 = arith.constant 4 : i32
    %dma_wait3A_114 = arith.constant 0 : i32
    %dma_wait3A_115 = arith.constant 0 : i32
    %dma_wait3A_116 = tpu.memref_slice %arg3[%mul3A_2, %dma_wait3A_113, %dma_wait3A_114, %dma_wait3A_115] : memref<64x128x56x56xf32, #tpu.memory_space<hbm>> -> memref<2x2x56x56xf32, #tpu.memory_space<hbm>>
    %dma_wait3A_117 = arith.constant 4 : i32
    %dma_wait3A_118 = arith.constant 0 : i32
    %dma_wait3A_119 = arith.constant 0 : i32
    %dma_wait3A_120 = tpu.memref_slice %arg3[%mul3A_2, %dma_wait3A_117, %dma_wait3A_118, %dma_wait3A_119] : memref<64x128x56x56xf32, #tpu.memory_space<hbm>> -> memref<2x2x56x56xf32, #tpu.memory_space<hbm>>
    tpu.wait_dma2 semaphore(%arg14 : memref<!tpu.dma_semaphore, #tpu.memory_space<semaphore_mem>>) src(%arg6 : memref<2x2x56x56xf32, #tpu.memory_space<vmem>>) dst(%dma_wait3A_120 : memref<2x2x56x56xf32, #tpu.memory_space<hbm>>)
    %dma_start3A_121 = arith.constant 12 : i32
    %dma_start3A_122 = arith.constant 0 : i32
    %dma_start3A_123 = arith.constant 0 : i32
    %dma_start3A_124 = tpu.memref_slice %arg2[%mul3A_2, %dma_start3A_121, %dma_start3A_122, %dma_start3A_123] : memref<64x128x56x56xf32, #tpu.memory_space<hbm>> -> memref<2x2x56x56xf32, #tpu.memory_space<hbm>>
    %dma_start3A_125 = arith.constant 12 : i32
    %dma_start3A_126 = arith.constant 0 : i32
    %dma_start3A_127 = arith.constant 0 : i32
    %dma_start3A_128 = tpu.memref_slice %arg2[%mul3A_2, %dma_start3A_125, %dma_start3A_126, %dma_start3A_127] : memref<64x128x56x56xf32, #tpu.memory_space<hbm>> -> memref<2x2x56x56xf32, #tpu.memory_space<hbm>>
    tpu.enqueue_dma source(%dma_start3A_128 : memref<2x2x56x56xf32, #tpu.memory_space<hbm>>) target(%arg6 : memref<2x2x56x56xf32, #tpu.memory_space<vmem>>) target_semaphore(%arg10 : memref<!tpu.dma_semaphore, #tpu.memory_space<semaphore_mem>>)
    %dma_wait3A_129 = arith.constant 6 : i32
    %dma_wait3A_130 = arith.constant 0 : i32
    %dma_wait3A_131 = arith.constant 0 : i32
    %dma_wait3A_132 = tpu.memref_slice %arg2[%mul3A_2, %dma_wait3A_129, %dma_wait3A_130, %dma_wait3A_131] : memref<64x128x56x56xf32, #tpu.memory_space<hbm>> -> memref<2x2x56x56xf32, #tpu.memory_space<hbm>>
    %dma_wait3A_133 = arith.constant 6 : i32
    %dma_wait3A_134 = arith.constant 0 : i32
    %dma_wait3A_135 = arith.constant 0 : i32
    %dma_wait3A_136 = tpu.memref_slice %arg2[%mul3A_2, %dma_wait3A_133, %dma_wait3A_134, %dma_wait3A_135] : memref<64x128x56x56xf32, #tpu.memory_space<hbm>> -> memref<2x2x56x56xf32, #tpu.memory_space<hbm>>
    tpu.wait_dma2 semaphore(%arg11 : memref<!tpu.dma_semaphore, #tpu.memory_space<semaphore_mem>>) src(%dma_wait3A_136 : memref<2x2x56x56xf32, #tpu.memory_space<hbm>>) dst(%arg7 : memref<2x2x56x56xf32, #tpu.memory_space<vmem>>)
    %dma_start3A_137 = arith.constant 6 : i32
    %dma_start3A_138 = arith.constant 0 : i32
    %dma_start3A_139 = arith.constant 0 : i32
    %dma_start3A_140 = tpu.memref_slice %arg3[%mul3A_2, %dma_start3A_137, %dma_start3A_138, %dma_start3A_139] : memref<64x128x56x56xf32, #tpu.memory_space<hbm>> -> memref<2x2x56x56xf32, #tpu.memory_space<hbm>>
    %dma_start3A_141 = arith.constant 6 : i32
    %dma_start3A_142 = arith.constant 0 : i32
    %dma_start3A_143 = arith.constant 0 : i32
    %dma_start3A_144 = tpu.memref_slice %arg3[%mul3A_2, %dma_start3A_141, %dma_start3A_142, %dma_start3A_143] : memref<64x128x56x56xf32, #tpu.memory_space<hbm>> -> memref<2x2x56x56xf32, #tpu.memory_space<hbm>>
    tpu.enqueue_dma source(%arg7 : memref<2x2x56x56xf32, #tpu.memory_space<vmem>>) target(%dma_start3A_144 : memref<2x2x56x56xf32, #tpu.memory_space<hbm>>) target_semaphore(%arg15 : memref<!tpu.dma_semaphore, #tpu.memory_space<semaphore_mem>>)
    %dma_wait3A_145 = arith.constant 6 : i32
    %dma_wait3A_146 = arith.constant 0 : i32
    %dma_wait3A_147 = arith.constant 0 : i32
    %dma_wait3A_148 = tpu.memref_slice %arg3[%mul3A_2, %dma_wait3A_145, %dma_wait3A_146, %dma_wait3A_147] : memref<64x128x56x56xf32, #tpu.memory_space<hbm>> -> memref<2x2x56x56xf32, #tpu.memory_space<hbm>>
    %dma_wait3A_149 = arith.constant 6 : i32
    %dma_wait3A_150 = arith.constant 0 : i32
    %dma_wait3A_151 = arith.constant 0 : i32
    %dma_wait3A_152 = tpu.memref_slice %arg3[%mul3A_2, %dma_wait3A_149, %dma_wait3A_150, %dma_wait3A_151] : memref<64x128x56x56xf32, #tpu.memory_space<hbm>> -> memref<2x2x56x56xf32, #tpu.memory_space<hbm>>
    tpu.wait_dma2 semaphore(%arg15 : memref<!tpu.dma_semaphore, #tpu.memory_space<semaphore_mem>>) src(%arg7 : memref<2x2x56x56xf32, #tpu.memory_space<vmem>>) dst(%dma_wait3A_152 : memref<2x2x56x56xf32, #tpu.memory_space<hbm>>)
    %dma_start3A_153 = arith.constant 14 : i32
    %dma_start3A_154 = arith.constant 0 : i32
    %dma_start3A_155 = arith.constant 0 : i32
    %dma_start3A_156 = tpu.memref_slice %arg2[%mul3A_2, %dma_start3A_153, %dma_start3A_154, %dma_start3A_155] : memref<64x128x56x56xf32, #tpu.memory_space<hbm>> -> memref<2x2x56x56xf32, #tpu.memory_space<hbm>>
    %dma_start3A_157 = arith.constant 14 : i32
    %dma_start3A_158 = arith.constant 0 : i32
    %dma_start3A_159 = arith.constant 0 : i32
    %dma_start3A_160 = tpu.memref_slice %arg2[%mul3A_2, %dma_start3A_157, %dma_start3A_158, %dma_start3A_159] : memref<64x128x56x56xf32, #tpu.memory_space<hbm>> -> memref<2x2x56x56xf32, #tpu.memory_space<hbm>>
    tpu.enqueue_dma source(%dma_start3A_160 : memref<2x2x56x56xf32, #tpu.memory_space<hbm>>) target(%arg7 : memref<2x2x56x56xf32, #tpu.memory_space<vmem>>) target_semaphore(%arg11 : memref<!tpu.dma_semaphore, #tpu.memory_space<semaphore_mem>>)
    %dma_wait3A_161 = arith.constant 8 : i32
    %dma_wait3A_162 = arith.constant 0 : i32
    %dma_wait3A_163 = arith.constant 0 : i32
    %dma_wait3A_164 = tpu.memref_slice %arg2[%mul3A_2, %dma_wait3A_161, %dma_wait3A_162, %dma_wait3A_163] : memref<64x128x56x56xf32, #tpu.memory_space<hbm>> -> memref<2x2x56x56xf32, #tpu.memory_space<hbm>>
    %dma_wait3A_165 = arith.constant 8 : i32
    %dma_wait3A_166 = arith.constant 0 : i32
    %dma_wait3A_167 = arith.constant 0 : i32
    %dma_wait3A_168 = tpu.memref_slice %arg2[%mul3A_2, %dma_wait3A_165, %dma_wait3A_166, %dma_wait3A_167] : memref<64x128x56x56xf32, #tpu.memory_space<hbm>> -> memref<2x2x56x56xf32, #tpu.memory_space<hbm>>
    tpu.wait_dma2 semaphore(%arg8 : memref<!tpu.dma_semaphore, #tpu.memory_space<semaphore_mem>>) src(%dma_wait3A_168 : memref<2x2x56x56xf32, #tpu.memory_space<hbm>>) dst(%arg4 : memref<2x2x56x56xf32, #tpu.memory_space<vmem>>)
    %dma_start3A_169 = arith.constant 8 : i32
    %dma_start3A_170 = arith.constant 0 : i32
    %dma_start3A_171 = arith.constant 0 : i32
    %dma_start3A_172 = tpu.memref_slice %arg3[%mul3A_2, %dma_start3A_169, %dma_start3A_170, %dma_start3A_171] : memref<64x128x56x56xf32, #tpu.memory_space<hbm>> -> memref<2x2x56x56xf32, #tpu.memory_space<hbm>>
    %dma_start3A_173 = arith.constant 8 : i32
    %dma_start3A_174 = arith.constant 0 : i32
    %dma_start3A_175 = arith.constant 0 : i32
    %dma_start3A_176 = tpu.memref_slice %arg3[%mul3A_2, %dma_start3A_173, %dma_start3A_174, %dma_start3A_175] : memref<64x128x56x56xf32, #tpu.memory_space<hbm>> -> memref<2x2x56x56xf32, #tpu.memory_space<hbm>>
    tpu.enqueue_dma source(%arg4 : memref<2x2x56x56xf32, #tpu.memory_space<vmem>>) target(%dma_start3A_176 : memref<2x2x56x56xf32, #tpu.memory_space<hbm>>) target_semaphore(%arg12 : memref<!tpu.dma_semaphore, #tpu.memory_space<semaphore_mem>>)
    %dma_wait3A_177 = arith.constant 8 : i32
    %dma_wait3A_178 = arith.constant 0 : i32
    %dma_wait3A_179 = arith.constant 0 : i32
    %dma_wait3A_180 = tpu.memref_slice %arg3[%mul3A_2, %dma_wait3A_177, %dma_wait3A_178, %dma_wait3A_179] : memref<64x128x56x56xf32, #tpu.memory_space<hbm>> -> memref<2x2x56x56xf32, #tpu.memory_space<hbm>>
    %dma_wait3A_181 = arith.constant 8 : i32
    %dma_wait3A_182 = arith.constant 0 : i32
    %dma_wait3A_183 = arith.constant 0 : i32
    %dma_wait3A_184 = tpu.memref_slice %arg3[%mul3A_2, %dma_wait3A_181, %dma_wait3A_182, %dma_wait3A_183] : memref<64x128x56x56xf32, #tpu.memory_space<hbm>> -> memref<2x2x56x56xf32, #tpu.memory_space<hbm>>
    tpu.wait_dma2 semaphore(%arg12 : memref<!tpu.dma_semaphore, #tpu.memory_space<semaphore_mem>>) src(%arg4 : memref<2x2x56x56xf32, #tpu.memory_space<vmem>>) dst(%dma_wait3A_184 : memref<2x2x56x56xf32, #tpu.memory_space<hbm>>)
    %dma_start3A_185 = arith.constant 16 : i32
    %dma_start3A_186 = arith.constant 0 : i32
    %dma_start3A_187 = arith.constant 0 : i32
    %dma_start3A_188 = tpu.memref_slice %arg2[%mul3A_2, %dma_start3A_185, %dma_start3A_186, %dma_start3A_187] : memref<64x128x56x56xf32, #tpu.memory_space<hbm>> -> memref<2x2x56x56xf32, #tpu.memory_space<hbm>>
    %dma_start3A_189 = arith.constant 16 : i32
    %dma_start3A_190 = arith.constant 0 : i32
    %dma_start3A_191 = arith.constant 0 : i32
    %dma_start3A_192 = tpu.memref_slice %arg2[%mul3A_2, %dma_start3A_189, %dma_start3A_190, %dma_start3A_191] : memref<64x128x56x56xf32, #tpu.memory_space<hbm>> -> memref<2x2x56x56xf32, #tpu.memory_space<hbm>>
    tpu.enqueue_dma source(%dma_start3A_192 : memref<2x2x56x56xf32, #tpu.memory_space<hbm>>) target(%arg4 : memref<2x2x56x56xf32, #tpu.memory_space<vmem>>) target_semaphore(%arg8 : memref<!tpu.dma_semaphore, #tpu.memory_space<semaphore_mem>>)
    %dma_wait3A_193 = arith.constant 10 : i32
    %dma_wait3A_194 = arith.constant 0 : i32
    %dma_wait3A_195 = arith.constant 0 : i32
    %dma_wait3A_196 = tpu.memref_slice %arg2[%mul3A_2, %dma_wait3A_193, %dma_wait3A_194, %dma_wait3A_195] : memref<64x128x56x56xf32, #tpu.memory_space<hbm>> -> memref<2x2x56x56xf32, #tpu.memory_space<hbm>>
    %dma_wait3A_197 = arith.constant 10 : i32
    %dma_wait3A_198 = arith.constant 0 : i32
    %dma_wait3A_199 = arith.constant 0 : i32
    %dma_wait3A_200 = tpu.memref_slice %arg2[%mul3A_2, %dma_wait3A_197, %dma_wait3A_198, %dma_wait3A_199] : memref<64x128x56x56xf32, #tpu.memory_space<hbm>> -> memref<2x2x56x56xf32, #tpu.memory_space<hbm>>
    tpu.wait_dma2 semaphore(%arg9 : memref<!tpu.dma_semaphore, #tpu.memory_space<semaphore_mem>>) src(%dma_wait3A_200 : memref<2x2x56x56xf32, #tpu.memory_space<hbm>>) dst(%arg5 : memref<2x2x56x56xf32, #tpu.memory_space<vmem>>)
    %dma_start3A_201 = arith.constant 10 : i32
    %dma_start3A_202 = arith.constant 0 : i32
    %dma_start3A_203 = arith.constant 0 : i32
    %dma_start3A_204 = tpu.memref_slice %arg3[%mul3A_2, %dma_start3A_201, %dma_start3A_202, %dma_start3A_203] : memref<64x128x56x56xf32, #tpu.memory_space<hbm>> -> memref<2x2x56x56xf32, #tpu.memory_space<hbm>>
    %dma_start3A_205 = arith.constant 10 : i32
    %dma_start3A_206 = arith.constant 0 : i32
    %dma_start3A_207 = arith.constant 0 : i32
    %dma_start3A_208 = tpu.memref_slice %arg3[%mul3A_2, %dma_start3A_205, %dma_start3A_206, %dma_start3A_207] : memref<64x128x56x56xf32, #tpu.memory_space<hbm>> -> memref<2x2x56x56xf32, #tpu.memory_space<hbm>>
    tpu.enqueue_dma source(%arg5 : memref<2x2x56x56xf32, #tpu.memory_space<vmem>>) target(%dma_start3A_208 : memref<2x2x56x56xf32, #tpu.memory_space<hbm>>) target_semaphore(%arg13 : memref<!tpu.dma_semaphore, #tpu.memory_space<semaphore_mem>>)
    %dma_wait3A_209 = arith.constant 10 : i32
    %dma_wait3A_210 = arith.constant 0 : i32
    %dma_wait3A_211 = arith.constant 0 : i32
    %dma_wait3A_212 = tpu.memref_slice %arg3[%mul3A_2, %dma_wait3A_209, %dma_wait3A_210, %dma_wait3A_211] : memref<64x128x56x56xf32, #tpu.memory_space<hbm>> -> memref<2x2x56x56xf32, #tpu.memory_space<hbm>>
    %dma_wait3A_213 = arith.constant 10 : i32
    %dma_wait3A_214 = arith.constant 0 : i32
    %dma_wait3A_215 = arith.constant 0 : i32
    %dma_wait3A_216 = tpu.memref_slice %arg3[%mul3A_2, %dma_wait3A_213, %dma_wait3A_214, %dma_wait3A_215] : memref<64x128x56x56xf32, #tpu.memory_space<hbm>> -> memref<2x2x56x56xf32, #tpu.memory_space<hbm>>
    tpu.wait_dma2 semaphore(%arg13 : memref<!tpu.dma_semaphore, #tpu.memory_space<semaphore_mem>>) src(%arg5 : memref<2x2x56x56xf32, #tpu.memory_space<vmem>>) dst(%dma_wait3A_216 : memref<2x2x56x56xf32, #tpu.memory_space<hbm>>)
    %dma_start3A_217 = arith.constant 18 : i32
    %dma_start3A_218 = arith.constant 0 : i32
    %dma_start3A_219 = arith.constant 0 : i32
    %dma_start3A_220 = tpu.memref_slice %arg2[%mul3A_2, %dma_start3A_217, %dma_start3A_218, %dma_start3A_219] : memref<64x128x56x56xf32, #tpu.memory_space<hbm>> -> memref<2x2x56x56xf32, #tpu.memory_space<hbm>>
    %dma_start3A_221 = arith.constant 18 : i32
    %dma_start3A_222 = arith.constant 0 : i32
    %dma_start3A_223 = arith.constant 0 : i32
    %dma_start3A_224 = tpu.memref_slice %arg2[%mul3A_2, %dma_start3A_221, %dma_start3A_222, %dma_start3A_223] : memref<64x128x56x56xf32, #tpu.memory_space<hbm>> -> memref<2x2x56x56xf32, #tpu.memory_space<hbm>>
    tpu.enqueue_dma source(%dma_start3A_224 : memref<2x2x56x56xf32, #tpu.memory_space<hbm>>) target(%arg5 : memref<2x2x56x56xf32, #tpu.memory_space<vmem>>) target_semaphore(%arg9 : memref<!tpu.dma_semaphore, #tpu.memory_space<semaphore_mem>>)
    %dma_wait3A_225 = arith.constant 12 : i32
    %dma_wait3A_226 = arith.constant 0 : i32
    %dma_wait3A_227 = arith.constant 0 : i32
    %dma_wait3A_228 = tpu.memref_slice %arg2[%mul3A_2, %dma_wait3A_225, %dma_wait3A_226, %dma_wait3A_227] : memref<64x128x56x56xf32, #tpu.memory_space<hbm>> -> memref<2x2x56x56xf32, #tpu.memory_space<hbm>>
    %dma_wait3A_229 = arith.constant 12 : i32
    %dma_wait3A_230 = arith.constant 0 : i32
    %dma_wait3A_231 = arith.constant 0 : i32
    %dma_wait3A_232 = tpu.memref_slice %arg2[%mul3A_2, %dma_wait3A_229, %dma_wait3A_230, %dma_wait3A_231] : memref<64x128x56x56xf32, #tpu.memory_space<hbm>> -> memref<2x2x56x56xf32, #tpu.memory_space<hbm>>
    tpu.wait_dma2 semaphore(%arg10 : memref<!tpu.dma_semaphore, #tpu.memory_space<semaphore_mem>>) src(%dma_wait3A_232 : memref<2x2x56x56xf32, #tpu.memory_space<hbm>>) dst(%arg6 : memref<2x2x56x56xf32, #tpu.memory_space<vmem>>)
    %dma_start3A_233 = arith.constant 12 : i32
    %dma_start3A_234 = arith.constant 0 : i32
    %dma_start3A_235 = arith.constant 0 : i32
    %dma_start3A_236 = tpu.memref_slice %arg3[%mul3A_2, %dma_start3A_233, %dma_start3A_234, %dma_start3A_235] : memref<64x128x56x56xf32, #tpu.memory_space<hbm>> -> memref<2x2x56x56xf32, #tpu.memory_space<hbm>>
    %dma_start3A_237 = arith.constant 12 : i32
    %dma_start3A_238 = arith.constant 0 : i32
    %dma_start3A_239 = arith.constant 0 : i32
    %dma_start3A_240 = tpu.memref_slice %arg3[%mul3A_2, %dma_start3A_237, %dma_start3A_238, %dma_start3A_239] : memref<64x128x56x56xf32, #tpu.memory_space<hbm>> -> memref<2x2x56x56xf32, #tpu.memory_space<hbm>>
    tpu.enqueue_dma source(%arg6 : memref<2x2x56x56xf32, #tpu.memory_space<vmem>>) target(%dma_start3A_240 : memref<2x2x56x56xf32, #tpu.memory_space<hbm>>) target_semaphore(%arg14 : memref<!tpu.dma_semaphore, #tpu.memory_space<semaphore_mem>>)
    %dma_wait3A_241 = arith.constant 12 : i32
    %dma_wait3A_242 = arith.constant 0 : i32
    %dma_wait3A_243 = arith.constant 0 : i32
    %dma_wait3A_244 = tpu.memref_slice %arg3[%mul3A_2, %dma_wait3A_241, %dma_wait3A_242, %dma_wait3A_243] : memref<64x128x56x56xf32, #tpu.memory_space<hbm>> -> memref<2x2x56x56xf32, #tpu.memory_space<hbm>>
    %dma_wait3A_245 = arith.constant 12 : i32
    %dma_wait3A_246 = arith.constant 0 : i32
    %dma_wait3A_247 = arith.constant 0 : i32
    %dma_wait3A_248 = tpu.memref_slice %arg3[%mul3A_2, %dma_wait3A_245, %dma_wait3A_246, %dma_wait3A_247] : memref<64x128x56x56xf32, #tpu.memory_space<hbm>> -> memref<2x2x56x56xf32, #tpu.memory_space<hbm>>
    tpu.wait_dma2 semaphore(%arg14 : memref<!tpu.dma_semaphore, #tpu.memory_space<semaphore_mem>>) src(%arg6 : memref<2x2x56x56xf32, #tpu.memory_space<vmem>>) dst(%dma_wait3A_248 : memref<2x2x56x56xf32, #tpu.memory_space<hbm>>)
    %dma_start3A_249 = arith.constant 20 : i32
    %dma_start3A_250 = arith.constant 0 : i32
    %dma_start3A_251 = arith.constant 0 : i32
    %dma_start3A_252 = tpu.memref_slice %arg2[%mul3A_2, %dma_start3A_249, %dma_start3A_250, %dma_start3A_251] : memref<64x128x56x56xf32, #tpu.memory_space<hbm>> -> memref<2x2x56x56xf32, #tpu.memory_space<hbm>>
    %dma_start3A_253 = arith.constant 20 : i32
    %dma_start3A_254 = arith.constant 0 : i32
    %dma_start3A_255 = arith.constant 0 : i32
    %dma_start3A_256 = tpu.memref_slice %arg2[%mul3A_2, %dma_start3A_253, %dma_start3A_254, %dma_start3A_255] : memref<64x128x56x56xf32, #tpu.memory_space<hbm>> -> memref<2x2x56x56xf32, #tpu.memory_space<hbm>>
    tpu.enqueue_dma source(%dma_start3A_256 : memref<2x2x56x56xf32, #tpu.memory_space<hbm>>) target(%arg6 : memref<2x2x56x56xf32, #tpu.memory_space<vmem>>) target_semaphore(%arg10 : memref<!tpu.dma_semaphore, #tpu.memory_space<semaphore_mem>>)
    %dma_wait3A_257 = arith.constant 14 : i32
    %dma_wait3A_258 = arith.constant 0 : i32
    %dma_wait3A_259 = arith.constant 0 : i32
    %dma_wait3A_260 = tpu.memref_slice %arg2[%mul3A_2, %dma_wait3A_257, %dma_wait3A_258, %dma_wait3A_259] : memref<64x128x56x56xf32, #tpu.memory_space<hbm>> -> memref<2x2x56x56xf32, #tpu.memory_space<hbm>>
    %dma_wait3A_261 = arith.constant 14 : i32
    %dma_wait3A_262 = arith.constant 0 : i32
    %dma_wait3A_263 = arith.constant 0 : i32
    %dma_wait3A_264 = tpu.memref_slice %arg2[%mul3A_2, %dma_wait3A_261, %dma_wait3A_262, %dma_wait3A_263] : memref<64x128x56x56xf32, #tpu.memory_space<hbm>> -> memref<2x2x56x56xf32, #tpu.memory_space<hbm>>
    tpu.wait_dma2 semaphore(%arg11 : memref<!tpu.dma_semaphore, #tpu.memory_space<semaphore_mem>>) src(%dma_wait3A_264 : memref<2x2x56x56xf32, #tpu.memory_space<hbm>>) dst(%arg7 : memref<2x2x56x56xf32, #tpu.memory_space<vmem>>)
    %dma_start3A_265 = arith.constant 14 : i32
    %dma_start3A_266 = arith.constant 0 : i32
    %dma_start3A_267 = arith.constant 0 : i32
    %dma_start3A_268 = tpu.memref_slice %arg3[%mul3A_2, %dma_start3A_265, %dma_start3A_266, %dma_start3A_267] : memref<64x128x56x56xf32, #tpu.memory_space<hbm>> -> memref<2x2x56x56xf32, #tpu.memory_space<hbm>>
    %dma_start3A_269 = arith.constant 14 : i32
    %dma_start3A_270 = arith.constant 0 : i32
    %dma_start3A_271 = arith.constant 0 : i32
    %dma_start3A_272 = tpu.memref_slice %arg3[%mul3A_2, %dma_start3A_269, %dma_start3A_270, %dma_start3A_271] : memref<64x128x56x56xf32, #tpu.memory_space<hbm>> -> memref<2x2x56x56xf32, #tpu.memory_space<hbm>>
    tpu.enqueue_dma source(%arg7 : memref<2x2x56x56xf32, #tpu.memory_space<vmem>>) target(%dma_start3A_272 : memref<2x2x56x56xf32, #tpu.memory_space<hbm>>) target_semaphore(%arg15 : memref<!tpu.dma_semaphore, #tpu.memory_space<semaphore_mem>>)
    %dma_wait3A_273 = arith.constant 14 : i32
    %dma_wait3A_274 = arith.constant 0 : i32
    %dma_wait3A_275 = arith.constant 0 : i32
    %dma_wait3A_276 = tpu.memref_slice %arg3[%mul3A_2, %dma_wait3A_273, %dma_wait3A_274, %dma_wait3A_275] : memref<64x128x56x56xf32, #tpu.memory_space<hbm>> -> memref<2x2x56x56xf32, #tpu.memory_space<hbm>>
    %dma_wait3A_277 = arith.constant 14 : i32
    %dma_wait3A_278 = arith.constant 0 : i32
    %dma_wait3A_279 = arith.constant 0 : i32
    %dma_wait3A_280 = tpu.memref_slice %arg3[%mul3A_2, %dma_wait3A_277, %dma_wait3A_278, %dma_wait3A_279] : memref<64x128x56x56xf32, #tpu.memory_space<hbm>> -> memref<2x2x56x56xf32, #tpu.memory_space<hbm>>
    tpu.wait_dma2 semaphore(%arg15 : memref<!tpu.dma_semaphore, #tpu.memory_space<semaphore_mem>>) src(%arg7 : memref<2x2x56x56xf32, #tpu.memory_space<vmem>>) dst(%dma_wait3A_280 : memref<2x2x56x56xf32, #tpu.memory_space<hbm>>)
    %dma_start3A_281 = arith.constant 22 : i32
    %dma_start3A_282 = arith.constant 0 : i32
    %dma_start3A_283 = arith.constant 0 : i32
    %dma_start3A_284 = tpu.memref_slice %arg2[%mul3A_2, %dma_start3A_281, %dma_start3A_282, %dma_start3A_283] : memref<64x128x56x56xf32, #tpu.memory_space<hbm>> -> memref<2x2x56x56xf32, #tpu.memory_space<hbm>>
    %dma_start3A_285 = arith.constant 22 : i32
    %dma_start3A_286 = arith.constant 0 : i32
    %dma_start3A_287 = arith.constant 0 : i32
    %dma_start3A_288 = tpu.memref_slice %arg2[%mul3A_2, %dma_start3A_285, %dma_start3A_286, %dma_start3A_287] : memref<64x128x56x56xf32, #tpu.memory_space<hbm>> -> memref<2x2x56x56xf32, #tpu.memory_space<hbm>>
    tpu.enqueue_dma source(%dma_start3A_288 : memref<2x2x56x56xf32, #tpu.memory_space<hbm>>) target(%arg7 : memref<2x2x56x56xf32, #tpu.memory_space<vmem>>) target_semaphore(%arg11 : memref<!tpu.dma_semaphore, #tpu.memory_space<semaphore_mem>>)
    %dma_wait3A_289 = arith.constant 16 : i32
    %dma_wait3A_290 = arith.constant 0 : i32
    %dma_wait3A_291 = arith.constant 0 : i32
    %dma_wait3A_292 = tpu.memref_slice %arg2[%mul3A_2, %dma_wait3A_289, %dma_wait3A_290, %dma_wait3A_291] : memref<64x128x56x56xf32, #tpu.memory_space<hbm>> -> memref<2x2x56x56xf32, #tpu.memory_space<hbm>>
    %dma_wait3A_293 = arith.constant 16 : i32
    %dma_wait3A_294 = arith.constant 0 : i32
    %dma_wait3A_295 = arith.constant 0 : i32
    %dma_wait3A_296 = tpu.memref_slice %arg2[%mul3A_2, %dma_wait3A_293, %dma_wait3A_294, %dma_wait3A_295] : memref<64x128x56x56xf32, #tpu.memory_space<hbm>> -> memref<2x2x56x56xf32, #tpu.memory_space<hbm>>
    tpu.wait_dma2 semaphore(%arg8 : memref<!tpu.dma_semaphore, #tpu.memory_space<semaphore_mem>>) src(%dma_wait3A_296 : memref<2x2x56x56xf32, #tpu.memory_space<hbm>>) dst(%arg4 : memref<2x2x56x56xf32, #tpu.memory_space<vmem>>)
    %dma_start3A_297 = arith.constant 16 : i32
    %dma_start3A_298 = arith.constant 0 : i32
    %dma_start3A_299 = arith.constant 0 : i32
    %dma_start3A_300 = tpu.memref_slice %arg3[%mul3A_2, %dma_start3A_297, %dma_start3A_298, %dma_start3A_299] : memref<64x128x56x56xf32, #tpu.memory_space<hbm>> -> memref<2x2x56x56xf32, #tpu.memory_space<hbm>>
    %dma_start3A_301 = arith.constant 16 : i32
    %dma_start3A_302 = arith.constant 0 : i32
    %dma_start3A_303 = arith.constant 0 : i32
    %dma_start3A_304 = tpu.memref_slice %arg3[%mul3A_2, %dma_start3A_301, %dma_start3A_302, %dma_start3A_303] : memref<64x128x56x56xf32, #tpu.memory_space<hbm>> -> memref<2x2x56x56xf32, #tpu.memory_space<hbm>>
    tpu.enqueue_dma source(%arg4 : memref<2x2x56x56xf32, #tpu.memory_space<vmem>>) target(%dma_start3A_304 : memref<2x2x56x56xf32, #tpu.memory_space<hbm>>) target_semaphore(%arg12 : memref<!tpu.dma_semaphore, #tpu.memory_space<semaphore_mem>>)
    %dma_wait3A_305 = arith.constant 16 : i32
    %dma_wait3A_306 = arith.constant 0 : i32
    %dma_wait3A_307 = arith.constant 0 : i32
    %dma_wait3A_308 = tpu.memref_slice %arg3[%mul3A_2, %dma_wait3A_305, %dma_wait3A_306, %dma_wait3A_307] : memref<64x128x56x56xf32, #tpu.memory_space<hbm>> -> memref<2x2x56x56xf32, #tpu.memory_space<hbm>>
    %dma_wait3A_309 = arith.constant 16 : i32
    %dma_wait3A_310 = arith.constant 0 : i32
    %dma_wait3A_311 = arith.constant 0 : i32
    %dma_wait3A_312 = tpu.memref_slice %arg3[%mul3A_2, %dma_wait3A_309, %dma_wait3A_310, %dma_wait3A_311] : memref<64x128x56x56xf32, #tpu.memory_space<hbm>> -> memref<2x2x56x56xf32, #tpu.memory_space<hbm>>
    tpu.wait_dma2 semaphore(%arg12 : memref<!tpu.dma_semaphore, #tpu.memory_space<semaphore_mem>>) src(%arg4 : memref<2x2x56x56xf32, #tpu.memory_space<vmem>>) dst(%dma_wait3A_312 : memref<2x2x56x56xf32, #tpu.memory_space<hbm>>)
    %dma_start3A_313 = arith.constant 24 : i32
    %dma_start3A_314 = arith.constant 0 : i32
    %dma_start3A_315 = arith.constant 0 : i32
    %dma_start3A_316 = tpu.memref_slice %arg2[%mul3A_2, %dma_start3A_313, %dma_start3A_314, %dma_start3A_315] : memref<64x128x56x56xf32, #tpu.memory_space<hbm>> -> memref<2x2x56x56xf32, #tpu.memory_space<hbm>>
    %dma_start3A_317 = arith.constant 24 : i32
    %dma_start3A_318 = arith.constant 0 : i32
    %dma_start3A_319 = arith.constant 0 : i32
    %dma_start3A_320 = tpu.memref_slice %arg2[%mul3A_2, %dma_start3A_317, %dma_start3A_318, %dma_start3A_319] : memref<64x128x56x56xf32, #tpu.memory_space<hbm>> -> memref<2x2x56x56xf32, #tpu.memory_space<hbm>>
    tpu.enqueue_dma source(%dma_start3A_320 : memref<2x2x56x56xf32, #tpu.memory_space<hbm>>) target(%arg4 : memref<2x2x56x56xf32, #tpu.memory_space<vmem>>) target_semaphore(%arg8 : memref<!tpu.dma_semaphore, #tpu.memory_space<semaphore_mem>>)
    %dma_wait3A_321 = arith.constant 18 : i32
    %dma_wait3A_322 = arith.constant 0 : i32
    %dma_wait3A_323 = arith.constant 0 : i32
    %dma_wait3A_324 = tpu.memref_slice %arg2[%mul3A_2, %dma_wait3A_321, %dma_wait3A_322, %dma_wait3A_323] : memref<64x128x56x56xf32, #tpu.memory_space<hbm>> -> memref<2x2x56x56xf32, #tpu.memory_space<hbm>>
    %dma_wait3A_325 = arith.constant 18 : i32
    %dma_wait3A_326 = arith.constant 0 : i32
    %dma_wait3A_327 = arith.constant 0 : i32
    %dma_wait3A_328 = tpu.memref_slice %arg2[%mul3A_2, %dma_wait3A_325, %dma_wait3A_326, %dma_wait3A_327] : memref<64x128x56x56xf32, #tpu.memory_space<hbm>> -> memref<2x2x56x56xf32, #tpu.memory_space<hbm>>
    tpu.wait_dma2 semaphore(%arg9 : memref<!tpu.dma_semaphore, #tpu.memory_space<semaphore_mem>>) src(%dma_wait3A_328 : memref<2x2x56x56xf32, #tpu.memory_space<hbm>>) dst(%arg5 : memref<2x2x56x56xf32, #tpu.memory_space<vmem>>)
    %dma_start3A_329 = arith.constant 18 : i32
    %dma_start3A_330 = arith.constant 0 : i32
    %dma_start3A_331 = arith.constant 0 : i32
    %dma_start3A_332 = tpu.memref_slice %arg3[%mul3A_2, %dma_start3A_329, %dma_start3A_330, %dma_start3A_331] : memref<64x128x56x56xf32, #tpu.memory_space<hbm>> -> memref<2x2x56x56xf32, #tpu.memory_space<hbm>>
    %dma_start3A_333 = arith.constant 18 : i32
    %dma_start3A_334 = arith.constant 0 : i32
    %dma_start3A_335 = arith.constant 0 : i32
    %dma_start3A_336 = tpu.memref_slice %arg3[%mul3A_2, %dma_start3A_333, %dma_start3A_334, %dma_start3A_335] : memref<64x128x56x56xf32, #tpu.memory_space<hbm>> -> memref<2x2x56x56xf32, #tpu.memory_space<hbm>>
    tpu.enqueue_dma source(%arg5 : memref<2x2x56x56xf32, #tpu.memory_space<vmem>>) target(%dma_start3A_336 : memref<2x2x56x56xf32, #tpu.memory_space<hbm>>) target_semaphore(%arg13 : memref<!tpu.dma_semaphore, #tpu.memory_space<semaphore_mem>>)
    %dma_wait3A_337 = arith.constant 18 : i32
    %dma_wait3A_338 = arith.constant 0 : i32
    %dma_wait3A_339 = arith.constant 0 : i32
    %dma_wait3A_340 = tpu.memref_slice %arg3[%mul3A_2, %dma_wait3A_337, %dma_wait3A_338, %dma_wait3A_339] : memref<64x128x56x56xf32, #tpu.memory_space<hbm>> -> memref<2x2x56x56xf32, #tpu.memory_space<hbm>>
    %dma_wait3A_341 = arith.constant 18 : i32
    %dma_wait3A_342 = arith.constant 0 : i32
    %dma_wait3A_343 = arith.constant 0 : i32
    %dma_wait3A_344 = tpu.memref_slice %arg3[%mul3A_2, %dma_wait3A_341, %dma_wait3A_342, %dma_wait3A_343] : memref<64x128x56x56xf32, #tpu.memory_space<hbm>> -> memref<2x2x56x56xf32, #tpu.memory_space<hbm>>
    tpu.wait_dma2 semaphore(%arg13 : memref<!tpu.dma_semaphore, #tpu.memory_space<semaphore_mem>>) src(%arg5 : memref<2x2x56x56xf32, #tpu.memory_space<vmem>>) dst(%dma_wait3A_344 : memref<2x2x56x56xf32, #tpu.memory_space<hbm>>)
    %dma_start3A_345 = arith.constant 26 : i32
    %dma_start3A_346 = arith.constant 0 : i32
    %dma_start3A_347 = arith.constant 0 : i32
    %dma_start3A_348 = tpu.memref_slice %arg2[%mul3A_2, %dma_start3A_345, %dma_start3A_346, %dma_start3A_347] : memref<64x128x56x56xf32, #tpu.memory_space<hbm>> -> memref<2x2x56x56xf32, #tpu.memory_space<hbm>>
    %dma_start3A_349 = arith.constant 26 : i32
    %dma_start3A_350 = arith.constant 0 : i32
    %dma_start3A_351 = arith.constant 0 : i32
    %dma_start3A_352 = tpu.memref_slice %arg2[%mul3A_2, %dma_start3A_349, %dma_start3A_350, %dma_start3A_351] : memref<64x128x56x56xf32, #tpu.memory_space<hbm>> -> memref<2x2x56x56xf32, #tpu.memory_space<hbm>>
    tpu.enqueue_dma source(%dma_start3A_352 : memref<2x2x56x56xf32, #tpu.memory_space<hbm>>) target(%arg5 : memref<2x2x56x56xf32, #tpu.memory_space<vmem>>) target_semaphore(%arg9 : memref<!tpu.dma_semaphore, #tpu.memory_space<semaphore_mem>>)
    %dma_wait3A_353 = arith.constant 20 : i32
    %dma_wait3A_354 = arith.constant 0 : i32
    %dma_wait3A_355 = arith.constant 0 : i32
    %dma_wait3A_356 = tpu.memref_slice %arg2[%mul3A_2, %dma_wait3A_353, %dma_wait3A_354, %dma_wait3A_355] : memref<64x128x56x56xf32, #tpu.memory_space<hbm>> -> memref<2x2x56x56xf32, #tpu.memory_space<hbm>>
    %dma_wait3A_357 = arith.constant 20 : i32
    %dma_wait3A_358 = arith.constant 0 : i32
    %dma_wait3A_359 = arith.constant 0 : i32
    %dma_wait3A_360 = tpu.memref_slice %arg2[%mul3A_2, %dma_wait3A_357, %dma_wait3A_358, %dma_wait3A_359] : memref<64x128x56x56xf32, #tpu.memory_space<hbm>> -> memref<2x2x56x56xf32, #tpu.memory_space<hbm>>
    tpu.wait_dma2 semaphore(%arg10 : memref<!tpu.dma_semaphore, #tpu.memory_space<semaphore_mem>>) src(%dma_wait3A_360 : memref<2x2x56x56xf32, #tpu.memory_space<hbm>>) dst(%arg6 : memref<2x2x56x56xf32, #tpu.memory_space<vmem>>)
    %dma_start3A_361 = arith.constant 20 : i32
    %dma_start3A_362 = arith.constant 0 : i32
    %dma_start3A_363 = arith.constant 0 : i32
    %dma_start3A_364 = tpu.memref_slice %arg3[%mul3A_2, %dma_start3A_361, %dma_start3A_362, %dma_start3A_363] : memref<64x128x56x56xf32, #tpu.memory_space<hbm>> -> memref<2x2x56x56xf32, #tpu.memory_space<hbm>>
    %dma_start3A_365 = arith.constant 20 : i32
    %dma_start3A_366 = arith.constant 0 : i32
    %dma_start3A_367 = arith.constant 0 : i32
    %dma_start3A_368 = tpu.memref_slice %arg3[%mul3A_2, %dma_start3A_365, %dma_start3A_366, %dma_start3A_367] : memref<64x128x56x56xf32, #tpu.memory_space<hbm>> -> memref<2x2x56x56xf32, #tpu.memory_space<hbm>>
    tpu.enqueue_dma source(%arg6 : memref<2x2x56x56xf32, #tpu.memory_space<vmem>>) target(%dma_start3A_368 : memref<2x2x56x56xf32, #tpu.memory_space<hbm>>) target_semaphore(%arg14 : memref<!tpu.dma_semaphore, #tpu.memory_space<semaphore_mem>>)
    %dma_wait3A_369 = arith.constant 20 : i32
    %dma_wait3A_370 = arith.constant 0 : i32
    %dma_wait3A_371 = arith.constant 0 : i32
    %dma_wait3A_372 = tpu.memref_slice %arg3[%mul3A_2, %dma_wait3A_369, %dma_wait3A_370, %dma_wait3A_371] : memref<64x128x56x56xf32, #tpu.memory_space<hbm>> -> memref<2x2x56x56xf32, #tpu.memory_space<hbm>>
    %dma_wait3A_373 = arith.constant 20 : i32
    %dma_wait3A_374 = arith.constant 0 : i32
    %dma_wait3A_375 = arith.constant 0 : i32
    %dma_wait3A_376 = tpu.memref_slice %arg3[%mul3A_2, %dma_wait3A_373, %dma_wait3A_374, %dma_wait3A_375] : memref<64x128x56x56xf32, #tpu.memory_space<hbm>> -> memref<2x2x56x56xf32, #tpu.memory_space<hbm>>
    tpu.wait_dma2 semaphore(%arg14 : memref<!tpu.dma_semaphore, #tpu.memory_space<semaphore_mem>>) src(%arg6 : memref<2x2x56x56xf32, #tpu.memory_space<vmem>>) dst(%dma_wait3A_376 : memref<2x2x56x56xf32, #tpu.memory_space<hbm>>)
    %dma_start3A_377 = arith.constant 28 : i32
    %dma_start3A_378 = arith.constant 0 : i32
    %dma_start3A_379 = arith.constant 0 : i32
    %dma_start3A_380 = tpu.memref_slice %arg2[%mul3A_2, %dma_start3A_377, %dma_start3A_378, %dma_start3A_379] : memref<64x128x56x56xf32, #tpu.memory_space<hbm>> -> memref<2x2x56x56xf32, #tpu.memory_space<hbm>>
    %dma_start3A_381 = arith.constant 28 : i32
    %dma_start3A_382 = arith.constant 0 : i32
    %dma_start3A_383 = arith.constant 0 : i32
    %dma_start3A_384 = tpu.memref_slice %arg2[%mul3A_2, %dma_start3A_381, %dma_start3A_382, %dma_start3A_383] : memref<64x128x56x56xf32, #tpu.memory_space<hbm>> -> memref<2x2x56x56xf32, #tpu.memory_space<hbm>>
    tpu.enqueue_dma source(%dma_start3A_384 : memref<2x2x56x56xf32, #tpu.memory_space<hbm>>) target(%arg6 : memref<2x2x56x56xf32, #tpu.memory_space<vmem>>) target_semaphore(%arg10 : memref<!tpu.dma_semaphore, #tpu.memory_space<semaphore_mem>>)
    %dma_wait3A_385 = arith.constant 22 : i32
    %dma_wait3A_386 = arith.constant 0 : i32
    %dma_wait3A_387 = arith.constant 0 : i32
    %dma_wait3A_388 = tpu.memref_slice %arg2[%mul3A_2, %dma_wait3A_385, %dma_wait3A_386, %dma_wait3A_387] : memref<64x128x56x56xf32, #tpu.memory_space<hbm>> -> memref<2x2x56x56xf32, #tpu.memory_space<hbm>>
    %dma_wait3A_389 = arith.constant 22 : i32
    %dma_wait3A_390 = arith.constant 0 : i32
    %dma_wait3A_391 = arith.constant 0 : i32
    %dma_wait3A_392 = tpu.memref_slice %arg2[%mul3A_2, %dma_wait3A_389, %dma_wait3A_390, %dma_wait3A_391] : memref<64x128x56x56xf32, #tpu.memory_space<hbm>> -> memref<2x2x56x56xf32, #tpu.memory_space<hbm>>
    tpu.wait_dma2 semaphore(%arg11 : memref<!tpu.dma_semaphore, #tpu.memory_space<semaphore_mem>>) src(%dma_wait3A_392 : memref<2x2x56x56xf32, #tpu.memory_space<hbm>>) dst(%arg7 : memref<2x2x56x56xf32, #tpu.memory_space<vmem>>)
    %dma_start3A_393 = arith.constant 22 : i32
    %dma_start3A_394 = arith.constant 0 : i32
    %dma_start3A_395 = arith.constant 0 : i32
    %dma_start3A_396 = tpu.memref_slice %arg3[%mul3A_2, %dma_start3A_393, %dma_start3A_394, %dma_start3A_395] : memref<64x128x56x56xf32, #tpu.memory_space<hbm>> -> memref<2x2x56x56xf32, #tpu.memory_space<hbm>>
    %dma_start3A_397 = arith.constant 22 : i32
    %dma_start3A_398 = arith.constant 0 : i32
    %dma_start3A_399 = arith.constant 0 : i32
    %dma_start3A_400 = tpu.memref_slice %arg3[%mul3A_2, %dma_start3A_397, %dma_start3A_398, %dma_start3A_399] : memref<64x128x56x56xf32, #tpu.memory_space<hbm>> -> memref<2x2x56x56xf32, #tpu.memory_space<hbm>>
    tpu.enqueue_dma source(%arg7 : memref<2x2x56x56xf32, #tpu.memory_space<vmem>>) target(%dma_start3A_400 : memref<2x2x56x56xf32, #tpu.memory_space<hbm>>) target_semaphore(%arg15 : memref<!tpu.dma_semaphore, #tpu.memory_space<semaphore_mem>>)
    %dma_wait3A_401 = arith.constant 22 : i32
    %dma_wait3A_402 = arith.constant 0 : i32
    %dma_wait3A_403 = arith.constant 0 : i32
    %dma_wait3A_404 = tpu.memref_slice %arg3[%mul3A_2, %dma_wait3A_401, %dma_wait3A_402, %dma_wait3A_403] : memref<64x128x56x56xf32, #tpu.memory_space<hbm>> -> memref<2x2x56x56xf32, #tpu.memory_space<hbm>>
    %dma_wait3A_405 = arith.constant 22 : i32
    %dma_wait3A_406 = arith.constant 0 : i32
    %dma_wait3A_407 = arith.constant 0 : i32
    %dma_wait3A_408 = tpu.memref_slice %arg3[%mul3A_2, %dma_wait3A_405, %dma_wait3A_406, %dma_wait3A_407] : memref<64x128x56x56xf32, #tpu.memory_space<hbm>> -> memref<2x2x56x56xf32, #tpu.memory_space<hbm>>
    tpu.wait_dma2 semaphore(%arg15 : memref<!tpu.dma_semaphore, #tpu.memory_space<semaphore_mem>>) src(%arg7 : memref<2x2x56x56xf32, #tpu.memory_space<vmem>>) dst(%dma_wait3A_408 : memref<2x2x56x56xf32, #tpu.memory_space<hbm>>)
    %dma_start3A_409 = arith.constant 30 : i32
    %dma_start3A_410 = arith.constant 0 : i32
    %dma_start3A_411 = arith.constant 0 : i32
    %dma_start3A_412 = tpu.memref_slice %arg2[%mul3A_2, %dma_start3A_409, %dma_start3A_410, %dma_start3A_411] : memref<64x128x56x56xf32, #tpu.memory_space<hbm>> -> memref<2x2x56x56xf32, #tpu.memory_space<hbm>>
    %dma_start3A_413 = arith.constant 30 : i32
    %dma_start3A_414 = arith.constant 0 : i32
    %dma_start3A_415 = arith.constant 0 : i32
    %dma_start3A_416 = tpu.memref_slice %arg2[%mul3A_2, %dma_start3A_413, %dma_start3A_414, %dma_start3A_415] : memref<64x128x56x56xf32, #tpu.memory_space<hbm>> -> memref<2x2x56x56xf32, #tpu.memory_space<hbm>>
    tpu.enqueue_dma source(%dma_start3A_416 : memref<2x2x56x56xf32, #tpu.memory_space<hbm>>) target(%arg7 : memref<2x2x56x56xf32, #tpu.memory_space<vmem>>) target_semaphore(%arg11 : memref<!tpu.dma_semaphore, #tpu.memory_space<semaphore_mem>>)
    %dma_wait3A_417 = arith.constant 24 : i32
    %dma_wait3A_418 = arith.constant 0 : i32
    %dma_wait3A_419 = arith.constant 0 : i32
    %dma_wait3A_420 = tpu.memref_slice %arg2[%mul3A_2, %dma_wait3A_417, %dma_wait3A_418, %dma_wait3A_419] : memref<64x128x56x56xf32, #tpu.memory_space<hbm>> -> memref<2x2x56x56xf32, #tpu.memory_space<hbm>>
    %dma_wait3A_421 = arith.constant 24 : i32
    %dma_wait3A_422 = arith.constant 0 : i32
    %dma_wait3A_423 = arith.constant 0 : i32
    %dma_wait3A_424 = tpu.memref_slice %arg2[%mul3A_2, %dma_wait3A_421, %dma_wait3A_422, %dma_wait3A_423] : memref<64x128x56x56xf32, #tpu.memory_space<hbm>> -> memref<2x2x56x56xf32, #tpu.memory_space<hbm>>
    tpu.wait_dma2 semaphore(%arg8 : memref<!tpu.dma_semaphore, #tpu.memory_space<semaphore_mem>>) src(%dma_wait3A_424 : memref<2x2x56x56xf32, #tpu.memory_space<hbm>>) dst(%arg4 : memref<2x2x56x56xf32, #tpu.memory_space<vmem>>)
    %dma_start3A_425 = arith.constant 24 : i32
    %dma_start3A_426 = arith.constant 0 : i32
    %dma_start3A_427 = arith.constant 0 : i32
    %dma_start3A_428 = tpu.memref_slice %arg3[%mul3A_2, %dma_start3A_425, %dma_start3A_426, %dma_start3A_427] : memref<64x128x56x56xf32, #tpu.memory_space<hbm>> -> memref<2x2x56x56xf32, #tpu.memory_space<hbm>>
    %dma_start3A_429 = arith.constant 24 : i32
    %dma_start3A_430 = arith.constant 0 : i32
    %dma_start3A_431 = arith.constant 0 : i32
    %dma_start3A_432 = tpu.memref_slice %arg3[%mul3A_2, %dma_start3A_429, %dma_start3A_430, %dma_start3A_431] : memref<64x128x56x56xf32, #tpu.memory_space<hbm>> -> memref<2x2x56x56xf32, #tpu.memory_space<hbm>>
    tpu.enqueue_dma source(%arg4 : memref<2x2x56x56xf32, #tpu.memory_space<vmem>>) target(%dma_start3A_432 : memref<2x2x56x56xf32, #tpu.memory_space<hbm>>) target_semaphore(%arg12 : memref<!tpu.dma_semaphore, #tpu.memory_space<semaphore_mem>>)
    %dma_wait3A_433 = arith.constant 24 : i32
    %dma_wait3A_434 = arith.constant 0 : i32
    %dma_wait3A_435 = arith.constant 0 : i32
    %dma_wait3A_436 = tpu.memref_slice %arg3[%mul3A_2, %dma_wait3A_433, %dma_wait3A_434, %dma_wait3A_435] : memref<64x128x56x56xf32, #tpu.memory_space<hbm>> -> memref<2x2x56x56xf32, #tpu.memory_space<hbm>>
    %dma_wait3A_437 = arith.constant 24 : i32
    %dma_wait3A_438 = arith.constant 0 : i32
    %dma_wait3A_439 = arith.constant 0 : i32
    %dma_wait3A_440 = tpu.memref_slice %arg3[%mul3A_2, %dma_wait3A_437, %dma_wait3A_438, %dma_wait3A_439] : memref<64x128x56x56xf32, #tpu.memory_space<hbm>> -> memref<2x2x56x56xf32, #tpu.memory_space<hbm>>
    tpu.wait_dma2 semaphore(%arg12 : memref<!tpu.dma_semaphore, #tpu.memory_space<semaphore_mem>>) src(%arg4 : memref<2x2x56x56xf32, #tpu.memory_space<vmem>>) dst(%dma_wait3A_440 : memref<2x2x56x56xf32, #tpu.memory_space<hbm>>)
    %dma_start3A_441 = arith.constant 32 : i32
    %dma_start3A_442 = arith.constant 0 : i32
    %dma_start3A_443 = arith.constant 0 : i32
    %dma_start3A_444 = tpu.memref_slice %arg2[%mul3A_2, %dma_start3A_441, %dma_start3A_442, %dma_start3A_443] : memref<64x128x56x56xf32, #tpu.memory_space<hbm>> -> memref<2x2x56x56xf32, #tpu.memory_space<hbm>>
    %dma_start3A_445 = arith.constant 32 : i32
    %dma_start3A_446 = arith.constant 0 : i32
    %dma_start3A_447 = arith.constant 0 : i32
    %dma_start3A_448 = tpu.memref_slice %arg2[%mul3A_2, %dma_start3A_445, %dma_start3A_446, %dma_start3A_447] : memref<64x128x56x56xf32, #tpu.memory_space<hbm>> -> memref<2x2x56x56xf32, #tpu.memory_space<hbm>>
    tpu.enqueue_dma source(%dma_start3A_448 : memref<2x2x56x56xf32, #tpu.memory_space<hbm>>) target(%arg4 : memref<2x2x56x56xf32, #tpu.memory_space<vmem>>) target_semaphore(%arg8 : memref<!tpu.dma_semaphore, #tpu.memory_space<semaphore_mem>>)
    %dma_wait3A_449 = arith.constant 26 : i32
    %dma_wait3A_450 = arith.constant 0 : i32
    %dma_wait3A_451 = arith.constant 0 : i32
    %dma_wait3A_452 = tpu.memref_slice %arg2[%mul3A_2, %dma_wait3A_449, %dma_wait3A_450, %dma_wait3A_451] : memref<64x128x56x56xf32, #tpu.memory_space<hbm>> -> memref<2x2x56x56xf32, #tpu.memory_space<hbm>>
    %dma_wait3A_453 = arith.constant 26 : i32
    %dma_wait3A_454 = arith.constant 0 : i32
    %dma_wait3A_455 = arith.constant 0 : i32
    %dma_wait3A_456 = tpu.memref_slice %arg2[%mul3A_2, %dma_wait3A_453, %dma_wait3A_454, %dma_wait3A_455] : memref<64x128x56x56xf32, #tpu.memory_space<hbm>> -> memref<2x2x56x56xf32, #tpu.memory_space<hbm>>
    tpu.wait_dma2 semaphore(%arg9 : memref<!tpu.dma_semaphore, #tpu.memory_space<semaphore_mem>>) src(%dma_wait3A_456 : memref<2x2x56x56xf32, #tpu.memory_space<hbm>>) dst(%arg5 : memref<2x2x56x56xf32, #tpu.memory_space<vmem>>)
    %dma_start3A_457 = arith.constant 26 : i32
    %dma_start3A_458 = arith.constant 0 : i32
    %dma_start3A_459 = arith.constant 0 : i32
    %dma_start3A_460 = tpu.memref_slice %arg3[%mul3A_2, %dma_start3A_457, %dma_start3A_458, %dma_start3A_459] : memref<64x128x56x56xf32, #tpu.memory_space<hbm>> -> memref<2x2x56x56xf32, #tpu.memory_space<hbm>>
    %dma_start3A_461 = arith.constant 26 : i32
    %dma_start3A_462 = arith.constant 0 : i32
    %dma_start3A_463 = arith.constant 0 : i32
    %dma_start3A_464 = tpu.memref_slice %arg3[%mul3A_2, %dma_start3A_461, %dma_start3A_462, %dma_start3A_463] : memref<64x128x56x56xf32, #tpu.memory_space<hbm>> -> memref<2x2x56x56xf32, #tpu.memory_space<hbm>>
    tpu.enqueue_dma source(%arg5 : memref<2x2x56x56xf32, #tpu.memory_space<vmem>>) target(%dma_start3A_464 : memref<2x2x56x56xf32, #tpu.memory_space<hbm>>) target_semaphore(%arg13 : memref<!tpu.dma_semaphore, #tpu.memory_space<semaphore_mem>>)
    %dma_wait3A_465 = arith.constant 26 : i32
    %dma_wait3A_466 = arith.constant 0 : i32
    %dma_wait3A_467 = arith.constant 0 : i32
    %dma_wait3A_468 = tpu.memref_slice %arg3[%mul3A_2, %dma_wait3A_465, %dma_wait3A_466, %dma_wait3A_467] : memref<64x128x56x56xf32, #tpu.memory_space<hbm>> -> memref<2x2x56x56xf32, #tpu.memory_space<hbm>>
    %dma_wait3A_469 = arith.constant 26 : i32
    %dma_wait3A_470 = arith.constant 0 : i32
    %dma_wait3A_471 = arith.constant 0 : i32
    %dma_wait3A_472 = tpu.memref_slice %arg3[%mul3A_2, %dma_wait3A_469, %dma_wait3A_470, %dma_wait3A_471] : memref<64x128x56x56xf32, #tpu.memory_space<hbm>> -> memref<2x2x56x56xf32, #tpu.memory_space<hbm>>
    tpu.wait_dma2 semaphore(%arg13 : memref<!tpu.dma_semaphore, #tpu.memory_space<semaphore_mem>>) src(%arg5 : memref<2x2x56x56xf32, #tpu.memory_space<vmem>>) dst(%dma_wait3A_472 : memref<2x2x56x56xf32, #tpu.memory_space<hbm>>)
    %dma_start3A_473 = arith.constant 34 : i32
    %dma_start3A_474 = arith.constant 0 : i32
    %dma_start3A_475 = arith.constant 0 : i32
    %dma_start3A_476 = tpu.memref_slice %arg2[%mul3A_2, %dma_start3A_473, %dma_start3A_474, %dma_start3A_475] : memref<64x128x56x56xf32, #tpu.memory_space<hbm>> -> memref<2x2x56x56xf32, #tpu.memory_space<hbm>>
    %dma_start3A_477 = arith.constant 34 : i32
    %dma_start3A_478 = arith.constant 0 : i32
    %dma_start3A_479 = arith.constant 0 : i32
    %dma_start3A_480 = tpu.memref_slice %arg2[%mul3A_2, %dma_start3A_477, %dma_start3A_478, %dma_start3A_479] : memref<64x128x56x56xf32, #tpu.memory_space<hbm>> -> memref<2x2x56x56xf32, #tpu.memory_space<hbm>>
    tpu.enqueue_dma source(%dma_start3A_480 : memref<2x2x56x56xf32, #tpu.memory_space<hbm>>) target(%arg5 : memref<2x2x56x56xf32, #tpu.memory_space<vmem>>) target_semaphore(%arg9 : memref<!tpu.dma_semaphore, #tpu.memory_space<semaphore_mem>>)
    %dma_wait3A_481 = arith.constant 28 : i32
    %dma_wait3A_482 = arith.constant 0 : i32
    %dma_wait3A_483 = arith.constant 0 : i32
    %dma_wait3A_484 = tpu.memref_slice %arg2[%mul3A_2, %dma_wait3A_481, %dma_wait3A_482, %dma_wait3A_483] : memref<64x128x56x56xf32, #tpu.memory_space<hbm>> -> memref<2x2x56x56xf32, #tpu.memory_space<hbm>>
    %dma_wait3A_485 = arith.constant 28 : i32
    %dma_wait3A_486 = arith.constant 0 : i32
    %dma_wait3A_487 = arith.constant 0 : i32
    %dma_wait3A_488 = tpu.memref_slice %arg2[%mul3A_2, %dma_wait3A_485, %dma_wait3A_486, %dma_wait3A_487] : memref<64x128x56x56xf32, #tpu.memory_space<hbm>> -> memref<2x2x56x56xf32, #tpu.memory_space<hbm>>
    tpu.wait_dma2 semaphore(%arg10 : memref<!tpu.dma_semaphore, #tpu.memory_space<semaphore_mem>>) src(%dma_wait3A_488 : memref<2x2x56x56xf32, #tpu.memory_space<hbm>>) dst(%arg6 : memref<2x2x56x56xf32, #tpu.memory_space<vmem>>)
    %dma_start3A_489 = arith.constant 28 : i32
    %dma_start3A_490 = arith.constant 0 : i32
    %dma_start3A_491 = arith.constant 0 : i32
    %dma_start3A_492 = tpu.memref_slice %arg3[%mul3A_2, %dma_start3A_489, %dma_start3A_490, %dma_start3A_491] : memref<64x128x56x56xf32, #tpu.memory_space<hbm>> -> memref<2x2x56x56xf32, #tpu.memory_space<hbm>>
    %dma_start3A_493 = arith.constant 28 : i32
    %dma_start3A_494 = arith.constant 0 : i32
    %dma_start3A_495 = arith.constant 0 : i32
    %dma_start3A_496 = tpu.memref_slice %arg3[%mul3A_2, %dma_start3A_493, %dma_start3A_494, %dma_start3A_495] : memref<64x128x56x56xf32, #tpu.memory_space<hbm>> -> memref<2x2x56x56xf32, #tpu.memory_space<hbm>>
    tpu.enqueue_dma source(%arg6 : memref<2x2x56x56xf32, #tpu.memory_space<vmem>>) target(%dma_start3A_496 : memref<2x2x56x56xf32, #tpu.memory_space<hbm>>) target_semaphore(%arg14 : memref<!tpu.dma_semaphore, #tpu.memory_space<semaphore_mem>>)
    %dma_wait3A_497 = arith.constant 28 : i32
    %dma_wait3A_498 = arith.constant 0 : i32
    %dma_wait3A_499 = arith.constant 0 : i32
    %dma_wait3A_500 = tpu.memref_slice %arg3[%mul3A_2, %dma_wait3A_497, %dma_wait3A_498, %dma_wait3A_499] : memref<64x128x56x56xf32, #tpu.memory_space<hbm>> -> memref<2x2x56x56xf32, #tpu.memory_space<hbm>>
    %dma_wait3A_501 = arith.constant 28 : i32
    %dma_wait3A_502 = arith.constant 0 : i32
    %dma_wait3A_503 = arith.constant 0 : i32
    %dma_wait3A_504 = tpu.memref_slice %arg3[%mul3A_2, %dma_wait3A_501, %dma_wait3A_502, %dma_wait3A_503] : memref<64x128x56x56xf32, #tpu.memory_space<hbm>> -> memref<2x2x56x56xf32, #tpu.memory_space<hbm>>
    tpu.wait_dma2 semaphore(%arg14 : memref<!tpu.dma_semaphore, #tpu.memory_space<semaphore_mem>>) src(%arg6 : memref<2x2x56x56xf32, #tpu.memory_space<vmem>>) dst(%dma_wait3A_504 : memref<2x2x56x56xf32, #tpu.memory_space<hbm>>)
    %dma_start3A_505 = arith.constant 36 : i32
    %dma_start3A_506 = arith.constant 0 : i32
    %dma_start3A_507 = arith.constant 0 : i32
    %dma_start3A_508 = tpu.memref_slice %arg2[%mul3A_2, %dma_start3A_505, %dma_start3A_506, %dma_start3A_507] : memref<64x128x56x56xf32, #tpu.memory_space<hbm>> -> memref<2x2x56x56xf32, #tpu.memory_space<hbm>>
    %dma_start3A_509 = arith.constant 36 : i32
    %dma_start3A_510 = arith.constant 0 : i32
    %dma_start3A_511 = arith.constant 0 : i32
    %dma_start3A_512 = tpu.memref_slice %arg2[%mul3A_2, %dma_start3A_509, %dma_start3A_510, %dma_start3A_511] : memref<64x128x56x56xf32, #tpu.memory_space<hbm>> -> memref<2x2x56x56xf32, #tpu.memory_space<hbm>>
    tpu.enqueue_dma source(%dma_start3A_512 : memref<2x2x56x56xf32, #tpu.memory_space<hbm>>) target(%arg6 : memref<2x2x56x56xf32, #tpu.memory_space<vmem>>) target_semaphore(%arg10 : memref<!tpu.dma_semaphore, #tpu.memory_space<semaphore_mem>>)
    %dma_wait3A_513 = arith.constant 30 : i32
    %dma_wait3A_514 = arith.constant 0 : i32
    %dma_wait3A_515 = arith.constant 0 : i32
    %dma_wait3A_516 = tpu.memref_slice %arg2[%mul3A_2, %dma_wait3A_513, %dma_wait3A_514, %dma_wait3A_515] : memref<64x128x56x56xf32, #tpu.memory_space<hbm>> -> memref<2x2x56x56xf32, #tpu.memory_space<hbm>>
    %dma_wait3A_517 = arith.constant 30 : i32
    %dma_wait3A_518 = arith.constant 0 : i32
    %dma_wait3A_519 = arith.constant 0 : i32
    %dma_wait3A_520 = tpu.memref_slice %arg2[%mul3A_2, %dma_wait3A_517, %dma_wait3A_518, %dma_wait3A_519] : memref<64x128x56x56xf32, #tpu.memory_space<hbm>> -> memref<2x2x56x56xf32, #tpu.memory_space<hbm>>
    tpu.wait_dma2 semaphore(%arg11 : memref<!tpu.dma_semaphore, #tpu.memory_space<semaphore_mem>>) src(%dma_wait3A_520 : memref<2x2x56x56xf32, #tpu.memory_space<hbm>>) dst(%arg7 : memref<2x2x56x56xf32, #tpu.memory_space<vmem>>)
    %dma_start3A_521 = arith.constant 30 : i32
    %dma_start3A_522 = arith.constant 0 : i32
    %dma_start3A_523 = arith.constant 0 : i32
    %dma_start3A_524 = tpu.memref_slice %arg3[%mul3A_2, %dma_start3A_521, %dma_start3A_522, %dma_start3A_523] : memref<64x128x56x56xf32, #tpu.memory_space<hbm>> -> memref<2x2x56x56xf32, #tpu.memory_space<hbm>>
    %dma_start3A_525 = arith.constant 30 : i32
    %dma_start3A_526 = arith.constant 0 : i32
    %dma_start3A_527 = arith.constant 0 : i32
    %dma_start3A_528 = tpu.memref_slice %arg3[%mul3A_2, %dma_start3A_525, %dma_start3A_526, %dma_start3A_527] : memref<64x128x56x56xf32, #tpu.memory_space<hbm>> -> memref<2x2x56x56xf32, #tpu.memory_space<hbm>>
    tpu.enqueue_dma source(%arg7 : memref<2x2x56x56xf32, #tpu.memory_space<vmem>>) target(%dma_start3A_528 : memref<2x2x56x56xf32, #tpu.memory_space<hbm>>) target_semaphore(%arg15 : memref<!tpu.dma_semaphore, #tpu.memory_space<semaphore_mem>>)
    %dma_wait3A_529 = arith.constant 30 : i32
    %dma_wait3A_530 = arith.constant 0 : i32
    %dma_wait3A_531 = arith.constant 0 : i32
    %dma_wait3A_532 = tpu.memref_slice %arg3[%mul3A_2, %dma_wait3A_529, %dma_wait3A_530, %dma_wait3A_531] : memref<64x128x56x56xf32, #tpu.memory_space<hbm>> -> memref<2x2x56x56xf32, #tpu.memory_space<hbm>>
    %dma_wait3A_533 = arith.constant 30 : i32
    %dma_wait3A_534 = arith.constant 0 : i32
    %dma_wait3A_535 = arith.constant 0 : i32
    %dma_wait3A_536 = tpu.memref_slice %arg3[%mul3A_2, %dma_wait3A_533, %dma_wait3A_534, %dma_wait3A_535] : memref<64x128x56x56xf32, #tpu.memory_space<hbm>> -> memref<2x2x56x56xf32, #tpu.memory_space<hbm>>
    tpu.wait_dma2 semaphore(%arg15 : memref<!tpu.dma_semaphore, #tpu.memory_space<semaphore_mem>>) src(%arg7 : memref<2x2x56x56xf32, #tpu.memory_space<vmem>>) dst(%dma_wait3A_536 : memref<2x2x56x56xf32, #tpu.memory_space<hbm>>)
    %dma_start3A_537 = arith.constant 38 : i32
    %dma_start3A_538 = arith.constant 0 : i32
    %dma_start3A_539 = arith.constant 0 : i32
    %dma_start3A_540 = tpu.memref_slice %arg2[%mul3A_2, %dma_start3A_537, %dma_start3A_538, %dma_start3A_539] : memref<64x128x56x56xf32, #tpu.memory_space<hbm>> -> memref<2x2x56x56xf32, #tpu.memory_space<hbm>>
    %dma_start3A_541 = arith.constant 38 : i32
    %dma_start3A_542 = arith.constant 0 : i32
    %dma_start3A_543 = arith.constant 0 : i32
    %dma_start3A_544 = tpu.memref_slice %arg2[%mul3A_2, %dma_start3A_541, %dma_start3A_542, %dma_start3A_543] : memref<64x128x56x56xf32, #tpu.memory_space<hbm>> -> memref<2x2x56x56xf32, #tpu.memory_space<hbm>>
    tpu.enqueue_dma source(%dma_start3A_544 : memref<2x2x56x56xf32, #tpu.memory_space<hbm>>) target(%arg7 : memref<2x2x56x56xf32, #tpu.memory_space<vmem>>) target_semaphore(%arg11 : memref<!tpu.dma_semaphore, #tpu.memory_space<semaphore_mem>>)
    %dma_wait3A_545 = arith.constant 32 : i32
    %dma_wait3A_546 = arith.constant 0 : i32
    %dma_wait3A_547 = arith.constant 0 : i32
    %dma_wait3A_548 = tpu.memref_slice %arg2[%mul3A_2, %dma_wait3A_545, %dma_wait3A_546, %dma_wait3A_547] : memref<64x128x56x56xf32, #tpu.memory_space<hbm>> -> memref<2x2x56x56xf32, #tpu.memory_space<hbm>>
    %dma_wait3A_549 = arith.constant 32 : i32
    %dma_wait3A_550 = arith.constant 0 : i32
    %dma_wait3A_551 = arith.constant 0 : i32
    %dma_wait3A_552 = tpu.memref_slice %arg2[%mul3A_2, %dma_wait3A_549, %dma_wait3A_550, %dma_wait3A_551] : memref<64x128x56x56xf32, #tpu.memory_space<hbm>> -> memref<2x2x56x56xf32, #tpu.memory_space<hbm>>
    tpu.wait_dma2 semaphore(%arg8 : memref<!tpu.dma_semaphore, #tpu.memory_space<semaphore_mem>>) src(%dma_wait3A_552 : memref<2x2x56x56xf32, #tpu.memory_space<hbm>>) dst(%arg4 : memref<2x2x56x56xf32, #tpu.memory_space<vmem>>)
    %dma_start3A_553 = arith.constant 32 : i32
    %dma_start3A_554 = arith.constant 0 : i32
    %dma_start3A_555 = arith.constant 0 : i32
    %dma_start3A_556 = tpu.memref_slice %arg3[%mul3A_2, %dma_start3A_553, %dma_start3A_554, %dma_start3A_555] : memref<64x128x56x56xf32, #tpu.memory_space<hbm>> -> memref<2x2x56x56xf32, #tpu.memory_space<hbm>>
    %dma_start3A_557 = arith.constant 32 : i32
    %dma_start3A_558 = arith.constant 0 : i32
    %dma_start3A_559 = arith.constant 0 : i32
    %dma_start3A_560 = tpu.memref_slice %arg3[%mul3A_2, %dma_start3A_557, %dma_start3A_558, %dma_start3A_559] : memref<64x128x56x56xf32, #tpu.memory_space<hbm>> -> memref<2x2x56x56xf32, #tpu.memory_space<hbm>>
    tpu.enqueue_dma source(%arg4 : memref<2x2x56x56xf32, #tpu.memory_space<vmem>>) target(%dma_start3A_560 : memref<2x2x56x56xf32, #tpu.memory_space<hbm>>) target_semaphore(%arg12 : memref<!tpu.dma_semaphore, #tpu.memory_space<semaphore_mem>>)
    %dma_wait3A_561 = arith.constant 32 : i32
    %dma_wait3A_562 = arith.constant 0 : i32
    %dma_wait3A_563 = arith.constant 0 : i32
    %dma_wait3A_564 = tpu.memref_slice %arg3[%mul3A_2, %dma_wait3A_561, %dma_wait3A_562, %dma_wait3A_563] : memref<64x128x56x56xf32, #tpu.memory_space<hbm>> -> memref<2x2x56x56xf32, #tpu.memory_space<hbm>>
    %dma_wait3A_565 = arith.constant 32 : i32
    %dma_wait3A_566 = arith.constant 0 : i32
    %dma_wait3A_567 = arith.constant 0 : i32
    %dma_wait3A_568 = tpu.memref_slice %arg3[%mul3A_2, %dma_wait3A_565, %dma_wait3A_566, %dma_wait3A_567] : memref<64x128x56x56xf32, #tpu.memory_space<hbm>> -> memref<2x2x56x56xf32, #tpu.memory_space<hbm>>
    tpu.wait_dma2 semaphore(%arg12 : memref<!tpu.dma_semaphore, #tpu.memory_space<semaphore_mem>>) src(%arg4 : memref<2x2x56x56xf32, #tpu.memory_space<vmem>>) dst(%dma_wait3A_568 : memref<2x2x56x56xf32, #tpu.memory_space<hbm>>)
    %dma_start3A_569 = arith.constant 40 : i32
    %dma_start3A_570 = arith.constant 0 : i32
    %dma_start3A_571 = arith.constant 0 : i32
    %dma_start3A_572 = tpu.memref_slice %arg2[%mul3A_2, %dma_start3A_569, %dma_start3A_570, %dma_start3A_571] : memref<64x128x56x56xf32, #tpu.memory_space<hbm>> -> memref<2x2x56x56xf32, #tpu.memory_space<hbm>>
    %dma_start3A_573 = arith.constant 40 : i32
    %dma_start3A_574 = arith.constant 0 : i32
    %dma_start3A_575 = arith.constant 0 : i32
    %dma_start3A_576 = tpu.memref_slice %arg2[%mul3A_2, %dma_start3A_573, %dma_start3A_574, %dma_start3A_575] : memref<64x128x56x56xf32, #tpu.memory_space<hbm>> -> memref<2x2x56x56xf32, #tpu.memory_space<hbm>>
    tpu.enqueue_dma source(%dma_start3A_576 : memref<2x2x56x56xf32, #tpu.memory_space<hbm>>) target(%arg4 : memref<2x2x56x56xf32, #tpu.memory_space<vmem>>) target_semaphore(%arg8 : memref<!tpu.dma_semaphore, #tpu.memory_space<semaphore_mem>>)
    %dma_wait3A_577 = arith.constant 34 : i32
    %dma_wait3A_578 = arith.constant 0 : i32
    %dma_wait3A_579 = arith.constant 0 : i32
    %dma_wait3A_580 = tpu.memref_slice %arg2[%mul3A_2, %dma_wait3A_577, %dma_wait3A_578, %dma_wait3A_579] : memref<64x128x56x56xf32, #tpu.memory_space<hbm>> -> memref<2x2x56x56xf32, #tpu.memory_space<hbm>>
    %dma_wait3A_581 = arith.constant 34 : i32
    %dma_wait3A_582 = arith.constant 0 : i32
    %dma_wait3A_583 = arith.constant 0 : i32
    %dma_wait3A_584 = tpu.memref_slice %arg2[%mul3A_2, %dma_wait3A_581, %dma_wait3A_582, %dma_wait3A_583] : memref<64x128x56x56xf32, #tpu.memory_space<hbm>> -> memref<2x2x56x56xf32, #tpu.memory_space<hbm>>
    tpu.wait_dma2 semaphore(%arg9 : memref<!tpu.dma_semaphore, #tpu.memory_space<semaphore_mem>>) src(%dma_wait3A_584 : memref<2x2x56x56xf32, #tpu.memory_space<hbm>>) dst(%arg5 : memref<2x2x56x56xf32, #tpu.memory_space<vmem>>)
    %dma_start3A_585 = arith.constant 34 : i32
    %dma_start3A_586 = arith.constant 0 : i32
    %dma_start3A_587 = arith.constant 0 : i32
    %dma_start3A_588 = tpu.memref_slice %arg3[%mul3A_2, %dma_start3A_585, %dma_start3A_586, %dma_start3A_587] : memref<64x128x56x56xf32, #tpu.memory_space<hbm>> -> memref<2x2x56x56xf32, #tpu.memory_space<hbm>>
    %dma_start3A_589 = arith.constant 34 : i32
    %dma_start3A_590 = arith.constant 0 : i32
    %dma_start3A_591 = arith.constant 0 : i32
    %dma_start3A_592 = tpu.memref_slice %arg3[%mul3A_2, %dma_start3A_589, %dma_start3A_590, %dma_start3A_591] : memref<64x128x56x56xf32, #tpu.memory_space<hbm>> -> memref<2x2x56x56xf32, #tpu.memory_space<hbm>>
    tpu.enqueue_dma source(%arg5 : memref<2x2x56x56xf32, #tpu.memory_space<vmem>>) target(%dma_start3A_592 : memref<2x2x56x56xf32, #tpu.memory_space<hbm>>) target_semaphore(%arg13 : memref<!tpu.dma_semaphore, #tpu.memory_space<semaphore_mem>>)
    %dma_wait3A_593 = arith.constant 34 : i32
    %dma_wait3A_594 = arith.constant 0 : i32
    %dma_wait3A_595 = arith.constant 0 : i32
    %dma_wait3A_596 = tpu.memref_slice %arg3[%mul3A_2, %dma_wait3A_593, %dma_wait3A_594, %dma_wait3A_595] : memref<64x128x56x56xf32, #tpu.memory_space<hbm>> -> memref<2x2x56x56xf32, #tpu.memory_space<hbm>>
    %dma_wait3A_597 = arith.constant 34 : i32
    %dma_wait3A_598 = arith.constant 0 : i32
    %dma_wait3A_599 = arith.constant 0 : i32
    %dma_wait3A_600 = tpu.memref_slice %arg3[%mul3A_2, %dma_wait3A_597, %dma_wait3A_598, %dma_wait3A_599] : memref<64x128x56x56xf32, #tpu.memory_space<hbm>> -> memref<2x2x56x56xf32, #tpu.memory_space<hbm>>
    tpu.wait_dma2 semaphore(%arg13 : memref<!tpu.dma_semaphore, #tpu.memory_space<semaphore_mem>>) src(%arg5 : memref<2x2x56x56xf32, #tpu.memory_space<vmem>>) dst(%dma_wait3A_600 : memref<2x2x56x56xf32, #tpu.memory_space<hbm>>)
    %dma_start3A_601 = arith.constant 42 : i32
    %dma_start3A_602 = arith.constant 0 : i32
    %dma_start3A_603 = arith.constant 0 : i32
    %dma_start3A_604 = tpu.memref_slice %arg2[%mul3A_2, %dma_start3A_601, %dma_start3A_602, %dma_start3A_603] : memref<64x128x56x56xf32, #tpu.memory_space<hbm>> -> memref<2x2x56x56xf32, #tpu.memory_space<hbm>>
    %dma_start3A_605 = arith.constant 42 : i32
    %dma_start3A_606 = arith.constant 0 : i32
    %dma_start3A_607 = arith.constant 0 : i32
    %dma_start3A_608 = tpu.memref_slice %arg2[%mul3A_2, %dma_start3A_605, %dma_start3A_606, %dma_start3A_607] : memref<64x128x56x56xf32, #tpu.memory_space<hbm>> -> memref<2x2x56x56xf32, #tpu.memory_space<hbm>>
    tpu.enqueue_dma source(%dma_start3A_608 : memref<2x2x56x56xf32, #tpu.memory_space<hbm>>) target(%arg5 : memref<2x2x56x56xf32, #tpu.memory_space<vmem>>) target_semaphore(%arg9 : memref<!tpu.dma_semaphore, #tpu.memory_space<semaphore_mem>>)
    %dma_wait3A_609 = arith.constant 36 : i32
    %dma_wait3A_610 = arith.constant 0 : i32
    %dma_wait3A_611 = arith.constant 0 : i32
    %dma_wait3A_612 = tpu.memref_slice %arg2[%mul3A_2, %dma_wait3A_609, %dma_wait3A_610, %dma_wait3A_611] : memref<64x128x56x56xf32, #tpu.memory_space<hbm>> -> memref<2x2x56x56xf32, #tpu.memory_space<hbm>>
    %dma_wait3A_613 = arith.constant 36 : i32
    %dma_wait3A_614 = arith.constant 0 : i32
    %dma_wait3A_615 = arith.constant 0 : i32
    %dma_wait3A_616 = tpu.memref_slice %arg2[%mul3A_2, %dma_wait3A_613, %dma_wait3A_614, %dma_wait3A_615] : memref<64x128x56x56xf32, #tpu.memory_space<hbm>> -> memref<2x2x56x56xf32, #tpu.memory_space<hbm>>
    tpu.wait_dma2 semaphore(%arg10 : memref<!tpu.dma_semaphore, #tpu.memory_space<semaphore_mem>>) src(%dma_wait3A_616 : memref<2x2x56x56xf32, #tpu.memory_space<hbm>>) dst(%arg6 : memref<2x2x56x56xf32, #tpu.memory_space<vmem>>)
    %dma_start3A_617 = arith.constant 36 : i32
    %dma_start3A_618 = arith.constant 0 : i32
    %dma_start3A_619 = arith.constant 0 : i32
    %dma_start3A_620 = tpu.memref_slice %arg3[%mul3A_2, %dma_start3A_617, %dma_start3A_618, %dma_start3A_619] : memref<64x128x56x56xf32, #tpu.memory_space<hbm>> -> memref<2x2x56x56xf32, #tpu.memory_space<hbm>>
    %dma_start3A_621 = arith.constant 36 : i32
    %dma_start3A_622 = arith.constant 0 : i32
    %dma_start3A_623 = arith.constant 0 : i32
    %dma_start3A_624 = tpu.memref_slice %arg3[%mul3A_2, %dma_start3A_621, %dma_start3A_622, %dma_start3A_623] : memref<64x128x56x56xf32, #tpu.memory_space<hbm>> -> memref<2x2x56x56xf32, #tpu.memory_space<hbm>>
    tpu.enqueue_dma source(%arg6 : memref<2x2x56x56xf32, #tpu.memory_space<vmem>>) target(%dma_start3A_624 : memref<2x2x56x56xf32, #tpu.memory_space<hbm>>) target_semaphore(%arg14 : memref<!tpu.dma_semaphore, #tpu.memory_space<semaphore_mem>>)
    %dma_wait3A_625 = arith.constant 36 : i32
    %dma_wait3A_626 = arith.constant 0 : i32
    %dma_wait3A_627 = arith.constant 0 : i32
    %dma_wait3A_628 = tpu.memref_slice %arg3[%mul3A_2, %dma_wait3A_625, %dma_wait3A_626, %dma_wait3A_627] : memref<64x128x56x56xf32, #tpu.memory_space<hbm>> -> memref<2x2x56x56xf32, #tpu.memory_space<hbm>>
    %dma_wait3A_629 = arith.constant 36 : i32
    %dma_wait3A_630 = arith.constant 0 : i32
    %dma_wait3A_631 = arith.constant 0 : i32
    %dma_wait3A_632 = tpu.memref_slice %arg3[%mul3A_2, %dma_wait3A_629, %dma_wait3A_630, %dma_wait3A_631] : memref<64x128x56x56xf32, #tpu.memory_space<hbm>> -> memref<2x2x56x56xf32, #tpu.memory_space<hbm>>
    tpu.wait_dma2 semaphore(%arg14 : memref<!tpu.dma_semaphore, #tpu.memory_space<semaphore_mem>>) src(%arg6 : memref<2x2x56x56xf32, #tpu.memory_space<vmem>>) dst(%dma_wait3A_632 : memref<2x2x56x56xf32, #tpu.memory_space<hbm>>)
    %dma_start3A_633 = arith.constant 44 : i32
    %dma_start3A_634 = arith.constant 0 : i32
    %dma_start3A_635 = arith.constant 0 : i32
    %dma_start3A_636 = tpu.memref_slice %arg2[%mul3A_2, %dma_start3A_633, %dma_start3A_634, %dma_start3A_635] : memref<64x128x56x56xf32, #tpu.memory_space<hbm>> -> memref<2x2x56x56xf32, #tpu.memory_space<hbm>>
    %dma_start3A_637 = arith.constant 44 : i32
    %dma_start3A_638 = arith.constant 0 : i32
    %dma_start3A_639 = arith.constant 0 : i32
    %dma_start3A_640 = tpu.memref_slice %arg2[%mul3A_2, %dma_start3A_637, %dma_start3A_638, %dma_start3A_639] : memref<64x128x56x56xf32, #tpu.memory_space<hbm>> -> memref<2x2x56x56xf32, #tpu.memory_space<hbm>>
    tpu.enqueue_dma source(%dma_start3A_640 : memref<2x2x56x56xf32, #tpu.memory_space<hbm>>) target(%arg6 : memref<2x2x56x56xf32, #tpu.memory_space<vmem>>) target_semaphore(%arg10 : memref<!tpu.dma_semaphore, #tpu.memory_space<semaphore_mem>>)
    %dma_wait3A_641 = arith.constant 38 : i32
    %dma_wait3A_642 = arith.constant 0 : i32
    %dma_wait3A_643 = arith.constant 0 : i32
    %dma_wait3A_644 = tpu.memref_slice %arg2[%mul3A_2, %dma_wait3A_641, %dma_wait3A_642, %dma_wait3A_643] : memref<64x128x56x56xf32, #tpu.memory_space<hbm>> -> memref<2x2x56x56xf32, #tpu.memory_space<hbm>>
    %dma_wait3A_645 = arith.constant 38 : i32
    %dma_wait3A_646 = arith.constant 0 : i32
    %dma_wait3A_647 = arith.constant 0 : i32
    %dma_wait3A_648 = tpu.memref_slice %arg2[%mul3A_2, %dma_wait3A_645, %dma_wait3A_646, %dma_wait3A_647] : memref<64x128x56x56xf32, #tpu.memory_space<hbm>> -> memref<2x2x56x56xf32, #tpu.memory_space<hbm>>
    tpu.wait_dma2 semaphore(%arg11 : memref<!tpu.dma_semaphore, #tpu.memory_space<semaphore_mem>>) src(%dma_wait3A_648 : memref<2x2x56x56xf32, #tpu.memory_space<hbm>>) dst(%arg7 : memref<2x2x56x56xf32, #tpu.memory_space<vmem>>)
    %dma_start3A_649 = arith.constant 38 : i32
    %dma_start3A_650 = arith.constant 0 : i32
    %dma_start3A_651 = arith.constant 0 : i32
    %dma_start3A_652 = tpu.memref_slice %arg3[%mul3A_2, %dma_start3A_649, %dma_start3A_650, %dma_start3A_651] : memref<64x128x56x56xf32, #tpu.memory_space<hbm>> -> memref<2x2x56x56xf32, #tpu.memory_space<hbm>>
    %dma_start3A_653 = arith.constant 38 : i32
    %dma_start3A_654 = arith.constant 0 : i32
    %dma_start3A_655 = arith.constant 0 : i32
    %dma_start3A_656 = tpu.memref_slice %arg3[%mul3A_2, %dma_start3A_653, %dma_start3A_654, %dma_start3A_655] : memref<64x128x56x56xf32, #tpu.memory_space<hbm>> -> memref<2x2x56x56xf32, #tpu.memory_space<hbm>>
    tpu.enqueue_dma source(%arg7 : memref<2x2x56x56xf32, #tpu.memory_space<vmem>>) target(%dma_start3A_656 : memref<2x2x56x56xf32, #tpu.memory_space<hbm>>) target_semaphore(%arg15 : memref<!tpu.dma_semaphore, #tpu.memory_space<semaphore_mem>>)
    %dma_wait3A_657 = arith.constant 38 : i32
    %dma_wait3A_658 = arith.constant 0 : i32
    %dma_wait3A_659 = arith.constant 0 : i32
    %dma_wait3A_660 = tpu.memref_slice %arg3[%mul3A_2, %dma_wait3A_657, %dma_wait3A_658, %dma_wait3A_659] : memref<64x128x56x56xf32, #tpu.memory_space<hbm>> -> memref<2x2x56x56xf32, #tpu.memory_space<hbm>>
    %dma_wait3A_661 = arith.constant 38 : i32
    %dma_wait3A_662 = arith.constant 0 : i32
    %dma_wait3A_663 = arith.constant 0 : i32
    %dma_wait3A_664 = tpu.memref_slice %arg3[%mul3A_2, %dma_wait3A_661, %dma_wait3A_662, %dma_wait3A_663] : memref<64x128x56x56xf32, #tpu.memory_space<hbm>> -> memref<2x2x56x56xf32, #tpu.memory_space<hbm>>
    tpu.wait_dma2 semaphore(%arg15 : memref<!tpu.dma_semaphore, #tpu.memory_space<semaphore_mem>>) src(%arg7 : memref<2x2x56x56xf32, #tpu.memory_space<vmem>>) dst(%dma_wait3A_664 : memref<2x2x56x56xf32, #tpu.memory_space<hbm>>)
    %dma_start3A_665 = arith.constant 46 : i32
    %dma_start3A_666 = arith.constant 0 : i32
    %dma_start3A_667 = arith.constant 0 : i32
    %dma_start3A_668 = tpu.memref_slice %arg2[%mul3A_2, %dma_start3A_665, %dma_start3A_666, %dma_start3A_667] : memref<64x128x56x56xf32, #tpu.memory_space<hbm>> -> memref<2x2x56x56xf32, #tpu.memory_space<hbm>>
    %dma_start3A_669 = arith.constant 46 : i32
    %dma_start3A_670 = arith.constant 0 : i32
    %dma_start3A_671 = arith.constant 0 : i32
    %dma_start3A_672 = tpu.memref_slice %arg2[%mul3A_2, %dma_start3A_669, %dma_start3A_670, %dma_start3A_671] : memref<64x128x56x56xf32, #tpu.memory_space<hbm>> -> memref<2x2x56x56xf32, #tpu.memory_space<hbm>>
    tpu.enqueue_dma source(%dma_start3A_672 : memref<2x2x56x56xf32, #tpu.memory_space<hbm>>) target(%arg7 : memref<2x2x56x56xf32, #tpu.memory_space<vmem>>) target_semaphore(%arg11 : memref<!tpu.dma_semaphore, #tpu.memory_space<semaphore_mem>>)
    %dma_wait3A_673 = arith.constant 40 : i32
    %dma_wait3A_674 = arith.constant 0 : i32
    %dma_wait3A_675 = arith.constant 0 : i32
    %dma_wait3A_676 = tpu.memref_slice %arg2[%mul3A_2, %dma_wait3A_673, %dma_wait3A_674, %dma_wait3A_675] : memref<64x128x56x56xf32, #tpu.memory_space<hbm>> -> memref<2x2x56x56xf32, #tpu.memory_space<hbm>>
    %dma_wait3A_677 = arith.constant 40 : i32
    %dma_wait3A_678 = arith.constant 0 : i32
    %dma_wait3A_679 = arith.constant 0 : i32
    %dma_wait3A_680 = tpu.memref_slice %arg2[%mul3A_2, %dma_wait3A_677, %dma_wait3A_678, %dma_wait3A_679] : memref<64x128x56x56xf32, #tpu.memory_space<hbm>> -> memref<2x2x56x56xf32, #tpu.memory_space<hbm>>
    tpu.wait_dma2 semaphore(%arg8 : memref<!tpu.dma_semaphore, #tpu.memory_space<semaphore_mem>>) src(%dma_wait3A_680 : memref<2x2x56x56xf32, #tpu.memory_space<hbm>>) dst(%arg4 : memref<2x2x56x56xf32, #tpu.memory_space<vmem>>)
    %dma_start3A_681 = arith.constant 40 : i32
    %dma_start3A_682 = arith.constant 0 : i32
    %dma_start3A_683 = arith.constant 0 : i32
    %dma_start3A_684 = tpu.memref_slice %arg3[%mul3A_2, %dma_start3A_681, %dma_start3A_682, %dma_start3A_683] : memref<64x128x56x56xf32, #tpu.memory_space<hbm>> -> memref<2x2x56x56xf32, #tpu.memory_space<hbm>>
    %dma_start3A_685 = arith.constant 40 : i32
    %dma_start3A_686 = arith.constant 0 : i32
    %dma_start3A_687 = arith.constant 0 : i32
    %dma_start3A_688 = tpu.memref_slice %arg3[%mul3A_2, %dma_start3A_685, %dma_start3A_686, %dma_start3A_687] : memref<64x128x56x56xf32, #tpu.memory_space<hbm>> -> memref<2x2x56x56xf32, #tpu.memory_space<hbm>>
    tpu.enqueue_dma source(%arg4 : memref<2x2x56x56xf32, #tpu.memory_space<vmem>>) target(%dma_start3A_688 : memref<2x2x56x56xf32, #tpu.memory_space<hbm>>) target_semaphore(%arg12 : memref<!tpu.dma_semaphore, #tpu.memory_space<semaphore_mem>>)
    %dma_wait3A_689 = arith.constant 40 : i32
    %dma_wait3A_690 = arith.constant 0 : i32
    %dma_wait3A_691 = arith.constant 0 : i32
    %dma_wait3A_692 = tpu.memref_slice %arg3[%mul3A_2, %dma_wait3A_689, %dma_wait3A_690, %dma_wait3A_691] : memref<64x128x56x56xf32, #tpu.memory_space<hbm>> -> memref<2x2x56x56xf32, #tpu.memory_space<hbm>>
    %dma_wait3A_693 = arith.constant 40 : i32
    %dma_wait3A_694 = arith.constant 0 : i32
    %dma_wait3A_695 = arith.constant 0 : i32
    %dma_wait3A_696 = tpu.memref_slice %arg3[%mul3A_2, %dma_wait3A_693, %dma_wait3A_694, %dma_wait3A_695] : memref<64x128x56x56xf32, #tpu.memory_space<hbm>> -> memref<2x2x56x56xf32, #tpu.memory_space<hbm>>
    tpu.wait_dma2 semaphore(%arg12 : memref<!tpu.dma_semaphore, #tpu.memory_space<semaphore_mem>>) src(%arg4 : memref<2x2x56x56xf32, #tpu.memory_space<vmem>>) dst(%dma_wait3A_696 : memref<2x2x56x56xf32, #tpu.memory_space<hbm>>)
    %dma_start3A_697 = arith.constant 48 : i32
    %dma_start3A_698 = arith.constant 0 : i32
    %dma_start3A_699 = arith.constant 0 : i32
    %dma_start3A_700 = tpu.memref_slice %arg2[%mul3A_2, %dma_start3A_697, %dma_start3A_698, %dma_start3A_699] : memref<64x128x56x56xf32, #tpu.memory_space<hbm>> -> memref<2x2x56x56xf32, #tpu.memory_space<hbm>>
    %dma_start3A_701 = arith.constant 48 : i32
    %dma_start3A_702 = arith.constant 0 : i32
    %dma_start3A_703 = arith.constant 0 : i32
    %dma_start3A_704 = tpu.memref_slice %arg2[%mul3A_2, %dma_start3A_701, %dma_start3A_702, %dma_start3A_703] : memref<64x128x56x56xf32, #tpu.memory_space<hbm>> -> memref<2x2x56x56xf32, #tpu.memory_space<hbm>>
    tpu.enqueue_dma source(%dma_start3A_704 : memref<2x2x56x56xf32, #tpu.memory_space<hbm>>) target(%arg4 : memref<2x2x56x56xf32, #tpu.memory_space<vmem>>) target_semaphore(%arg8 : memref<!tpu.dma_semaphore, #tpu.memory_space<semaphore_mem>>)
    %dma_wait3A_705 = arith.constant 42 : i32
    %dma_wait3A_706 = arith.constant 0 : i32
    %dma_wait3A_707 = arith.constant 0 : i32
    %dma_wait3A_708 = tpu.memref_slice %arg2[%mul3A_2, %dma_wait3A_705, %dma_wait3A_706, %dma_wait3A_707] : memref<64x128x56x56xf32, #tpu.memory_space<hbm>> -> memref<2x2x56x56xf32, #tpu.memory_space<hbm>>
    %dma_wait3A_709 = arith.constant 42 : i32
    %dma_wait3A_710 = arith.constant 0 : i32
    %dma_wait3A_711 = arith.constant 0 : i32
    %dma_wait3A_712 = tpu.memref_slice %arg2[%mul3A_2, %dma_wait3A_709, %dma_wait3A_710, %dma_wait3A_711] : memref<64x128x56x56xf32, #tpu.memory_space<hbm>> -> memref<2x2x56x56xf32, #tpu.memory_space<hbm>>
    tpu.wait_dma2 semaphore(%arg9 : memref<!tpu.dma_semaphore, #tpu.memory_space<semaphore_mem>>) src(%dma_wait3A_712 : memref<2x2x56x56xf32, #tpu.memory_space<hbm>>) dst(%arg5 : memref<2x2x56x56xf32, #tpu.memory_space<vmem>>)
    %dma_start3A_713 = arith.constant 42 : i32
    %dma_start3A_714 = arith.constant 0 : i32
    %dma_start3A_715 = arith.constant 0 : i32
    %dma_start3A_716 = tpu.memref_slice %arg3[%mul3A_2, %dma_start3A_713, %dma_start3A_714, %dma_start3A_715] : memref<64x128x56x56xf32, #tpu.memory_space<hbm>> -> memref<2x2x56x56xf32, #tpu.memory_space<hbm>>
    %dma_start3A_717 = arith.constant 42 : i32
    %dma_start3A_718 = arith.constant 0 : i32
    %dma_start3A_719 = arith.constant 0 : i32
    %dma_start3A_720 = tpu.memref_slice %arg3[%mul3A_2, %dma_start3A_717, %dma_start3A_718, %dma_start3A_719] : memref<64x128x56x56xf32, #tpu.memory_space<hbm>> -> memref<2x2x56x56xf32, #tpu.memory_space<hbm>>
    tpu.enqueue_dma source(%arg5 : memref<2x2x56x56xf32, #tpu.memory_space<vmem>>) target(%dma_start3A_720 : memref<2x2x56x56xf32, #tpu.memory_space<hbm>>) target_semaphore(%arg13 : memref<!tpu.dma_semaphore, #tpu.memory_space<semaphore_mem>>)
    %dma_wait3A_721 = arith.constant 42 : i32
    %dma_wait3A_722 = arith.constant 0 : i32
    %dma_wait3A_723 = arith.constant 0 : i32
    %dma_wait3A_724 = tpu.memref_slice %arg3[%mul3A_2, %dma_wait3A_721, %dma_wait3A_722, %dma_wait3A_723] : memref<64x128x56x56xf32, #tpu.memory_space<hbm>> -> memref<2x2x56x56xf32, #tpu.memory_space<hbm>>
    %dma_wait3A_725 = arith.constant 42 : i32
    %dma_wait3A_726 = arith.constant 0 : i32
    %dma_wait3A_727 = arith.constant 0 : i32
    %dma_wait3A_728 = tpu.memref_slice %arg3[%mul3A_2, %dma_wait3A_725, %dma_wait3A_726, %dma_wait3A_727] : memref<64x128x56x56xf32, #tpu.memory_space<hbm>> -> memref<2x2x56x56xf32, #tpu.memory_space<hbm>>
    tpu.wait_dma2 semaphore(%arg13 : memref<!tpu.dma_semaphore, #tpu.memory_space<semaphore_mem>>) src(%arg5 : memref<2x2x56x56xf32, #tpu.memory_space<vmem>>) dst(%dma_wait3A_728 : memref<2x2x56x56xf32, #tpu.memory_space<hbm>>)
    %dma_start3A_729 = arith.constant 50 : i32
    %dma_start3A_730 = arith.constant 0 : i32
    %dma_start3A_731 = arith.constant 0 : i32
    %dma_start3A_732 = tpu.memref_slice %arg2[%mul3A_2, %dma_start3A_729, %dma_start3A_730, %dma_start3A_731] : memref<64x128x56x56xf32, #tpu.memory_space<hbm>> -> memref<2x2x56x56xf32, #tpu.memory_space<hbm>>
    %dma_start3A_733 = arith.constant 50 : i32
    %dma_start3A_734 = arith.constant 0 : i32
    %dma_start3A_735 = arith.constant 0 : i32
    %dma_start3A_736 = tpu.memref_slice %arg2[%mul3A_2, %dma_start3A_733, %dma_start3A_734, %dma_start3A_735] : memref<64x128x56x56xf32, #tpu.memory_space<hbm>> -> memref<2x2x56x56xf32, #tpu.memory_space<hbm>>
    tpu.enqueue_dma source(%dma_start3A_736 : memref<2x2x56x56xf32, #tpu.memory_space<hbm>>) target(%arg5 : memref<2x2x56x56xf32, #tpu.memory_space<vmem>>) target_semaphore(%arg9 : memref<!tpu.dma_semaphore, #tpu.memory_space<semaphore_mem>>)
    %dma_wait3A_737 = arith.constant 44 : i32
    %dma_wait3A_738 = arith.constant 0 : i32
    %dma_wait3A_739 = arith.constant 0 : i32
    %dma_wait3A_740 = tpu.memref_slice %arg2[%mul3A_2, %dma_wait3A_737, %dma_wait3A_738, %dma_wait3A_739] : memref<64x128x56x56xf32, #tpu.memory_space<hbm>> -> memref<2x2x56x56xf32, #tpu.memory_space<hbm>>
    %dma_wait3A_741 = arith.constant 44 : i32
    %dma_wait3A_742 = arith.constant 0 : i32
    %dma_wait3A_743 = arith.constant 0 : i32
    %dma_wait3A_744 = tpu.memref_slice %arg2[%mul3A_2, %dma_wait3A_741, %dma_wait3A_742, %dma_wait3A_743] : memref<64x128x56x56xf32, #tpu.memory_space<hbm>> -> memref<2x2x56x56xf32, #tpu.memory_space<hbm>>
    tpu.wait_dma2 semaphore(%arg10 : memref<!tpu.dma_semaphore, #tpu.memory_space<semaphore_mem>>) src(%dma_wait3A_744 : memref<2x2x56x56xf32, #tpu.memory_space<hbm>>) dst(%arg6 : memref<2x2x56x56xf32, #tpu.memory_space<vmem>>)
    %dma_start3A_745 = arith.constant 44 : i32
    %dma_start3A_746 = arith.constant 0 : i32
    %dma_start3A_747 = arith.constant 0 : i32
    %dma_start3A_748 = tpu.memref_slice %arg3[%mul3A_2, %dma_start3A_745, %dma_start3A_746, %dma_start3A_747] : memref<64x128x56x56xf32, #tpu.memory_space<hbm>> -> memref<2x2x56x56xf32, #tpu.memory_space<hbm>>
    %dma_start3A_749 = arith.constant 44 : i32
    %dma_start3A_750 = arith.constant 0 : i32
    %dma_start3A_751 = arith.constant 0 : i32
    %dma_start3A_752 = tpu.memref_slice %arg3[%mul3A_2, %dma_start3A_749, %dma_start3A_750, %dma_start3A_751] : memref<64x128x56x56xf32, #tpu.memory_space<hbm>> -> memref<2x2x56x56xf32, #tpu.memory_space<hbm>>
    tpu.enqueue_dma source(%arg6 : memref<2x2x56x56xf32, #tpu.memory_space<vmem>>) target(%dma_start3A_752 : memref<2x2x56x56xf32, #tpu.memory_space<hbm>>) target_semaphore(%arg14 : memref<!tpu.dma_semaphore, #tpu.memory_space<semaphore_mem>>)
    %dma_wait3A_753 = arith.constant 44 : i32
    %dma_wait3A_754 = arith.constant 0 : i32
    %dma_wait3A_755 = arith.constant 0 : i32
    %dma_wait3A_756 = tpu.memref_slice %arg3[%mul3A_2, %dma_wait3A_753, %dma_wait3A_754, %dma_wait3A_755] : memref<64x128x56x56xf32, #tpu.memory_space<hbm>> -> memref<2x2x56x56xf32, #tpu.memory_space<hbm>>
    %dma_wait3A_757 = arith.constant 44 : i32
    %dma_wait3A_758 = arith.constant 0 : i32
    %dma_wait3A_759 = arith.constant 0 : i32
    %dma_wait3A_760 = tpu.memref_slice %arg3[%mul3A_2, %dma_wait3A_757, %dma_wait3A_758, %dma_wait3A_759] : memref<64x128x56x56xf32, #tpu.memory_space<hbm>> -> memref<2x2x56x56xf32, #tpu.memory_space<hbm>>
    tpu.wait_dma2 semaphore(%arg14 : memref<!tpu.dma_semaphore, #tpu.memory_space<semaphore_mem>>) src(%arg6 : memref<2x2x56x56xf32, #tpu.memory_space<vmem>>) dst(%dma_wait3A_760 : memref<2x2x56x56xf32, #tpu.memory_space<hbm>>)
    %dma_start3A_761 = arith.constant 52 : i32
    %dma_start3A_762 = arith.constant 0 : i32
    %dma_start3A_763 = arith.constant 0 : i32
    %dma_start3A_764 = tpu.memref_slice %arg2[%mul3A_2, %dma_start3A_761, %dma_start3A_762, %dma_start3A_763] : memref<64x128x56x56xf32, #tpu.memory_space<hbm>> -> memref<2x2x56x56xf32, #tpu.memory_space<hbm>>
    %dma_start3A_765 = arith.constant 52 : i32
    %dma_start3A_766 = arith.constant 0 : i32
    %dma_start3A_767 = arith.constant 0 : i32
    %dma_start3A_768 = tpu.memref_slice %arg2[%mul3A_2, %dma_start3A_765, %dma_start3A_766, %dma_start3A_767] : memref<64x128x56x56xf32, #tpu.memory_space<hbm>> -> memref<2x2x56x56xf32, #tpu.memory_space<hbm>>
    tpu.enqueue_dma source(%dma_start3A_768 : memref<2x2x56x56xf32, #tpu.memory_space<hbm>>) target(%arg6 : memref<2x2x56x56xf32, #tpu.memory_space<vmem>>) target_semaphore(%arg10 : memref<!tpu.dma_semaphore, #tpu.memory_space<semaphore_mem>>)
    %dma_wait3A_769 = arith.constant 46 : i32
    %dma_wait3A_770 = arith.constant 0 : i32
    %dma_wait3A_771 = arith.constant 0 : i32
    %dma_wait3A_772 = tpu.memref_slice %arg2[%mul3A_2, %dma_wait3A_769, %dma_wait3A_770, %dma_wait3A_771] : memref<64x128x56x56xf32, #tpu.memory_space<hbm>> -> memref<2x2x56x56xf32, #tpu.memory_space<hbm>>
    %dma_wait3A_773 = arith.constant 46 : i32
    %dma_wait3A_774 = arith.constant 0 : i32
    %dma_wait3A_775 = arith.constant 0 : i32
    %dma_wait3A_776 = tpu.memref_slice %arg2[%mul3A_2, %dma_wait3A_773, %dma_wait3A_774, %dma_wait3A_775] : memref<64x128x56x56xf32, #tpu.memory_space<hbm>> -> memref<2x2x56x56xf32, #tpu.memory_space<hbm>>
    tpu.wait_dma2 semaphore(%arg11 : memref<!tpu.dma_semaphore, #tpu.memory_space<semaphore_mem>>) src(%dma_wait3A_776 : memref<2x2x56x56xf32, #tpu.memory_space<hbm>>) dst(%arg7 : memref<2x2x56x56xf32, #tpu.memory_space<vmem>>)
    %dma_start3A_777 = arith.constant 46 : i32
    %dma_start3A_778 = arith.constant 0 : i32
    %dma_start3A_779 = arith.constant 0 : i32
    %dma_start3A_780 = tpu.memref_slice %arg3[%mul3A_2, %dma_start3A_777, %dma_start3A_778, %dma_start3A_779] : memref<64x128x56x56xf32, #tpu.memory_space<hbm>> -> memref<2x2x56x56xf32, #tpu.memory_space<hbm>>
    %dma_start3A_781 = arith.constant 46 : i32
    %dma_start3A_782 = arith.constant 0 : i32
    %dma_start3A_783 = arith.constant 0 : i32
    %dma_start3A_784 = tpu.memref_slice %arg3[%mul3A_2, %dma_start3A_781, %dma_start3A_782, %dma_start3A_783] : memref<64x128x56x56xf32, #tpu.memory_space<hbm>> -> memref<2x2x56x56xf32, #tpu.memory_space<hbm>>
    tpu.enqueue_dma source(%arg7 : memref<2x2x56x56xf32, #tpu.memory_space<vmem>>) target(%dma_start3A_784 : memref<2x2x56x56xf32, #tpu.memory_space<hbm>>) target_semaphore(%arg15 : memref<!tpu.dma_semaphore, #tpu.memory_space<semaphore_mem>>)
    %dma_wait3A_785 = arith.constant 46 : i32
    %dma_wait3A_786 = arith.constant 0 : i32
    %dma_wait3A_787 = arith.constant 0 : i32
    %dma_wait3A_788 = tpu.memref_slice %arg3[%mul3A_2, %dma_wait3A_785, %dma_wait3A_786, %dma_wait3A_787] : memref<64x128x56x56xf32, #tpu.memory_space<hbm>> -> memref<2x2x56x56xf32, #tpu.memory_space<hbm>>
    %dma_wait3A_789 = arith.constant 46 : i32
    %dma_wait3A_790 = arith.constant 0 : i32
    %dma_wait3A_791 = arith.constant 0 : i32
    %dma_wait3A_792 = tpu.memref_slice %arg3[%mul3A_2, %dma_wait3A_789, %dma_wait3A_790, %dma_wait3A_791] : memref<64x128x56x56xf32, #tpu.memory_space<hbm>> -> memref<2x2x56x56xf32, #tpu.memory_space<hbm>>
    tpu.wait_dma2 semaphore(%arg15 : memref<!tpu.dma_semaphore, #tpu.memory_space<semaphore_mem>>) src(%arg7 : memref<2x2x56x56xf32, #tpu.memory_space<vmem>>) dst(%dma_wait3A_792 : memref<2x2x56x56xf32, #tpu.memory_space<hbm>>)
    %dma_start3A_793 = arith.constant 54 : i32
    %dma_start3A_794 = arith.constant 0 : i32
    %dma_start3A_795 = arith.constant 0 : i32
    %dma_start3A_796 = tpu.memref_slice %arg2[%mul3A_2, %dma_start3A_793, %dma_start3A_794, %dma_start3A_795] : memref<64x128x56x56xf32, #tpu.memory_space<hbm>> -> memref<2x2x56x56xf32, #tpu.memory_space<hbm>>
    %dma_start3A_797 = arith.constant 54 : i32
    %dma_start3A_798 = arith.constant 0 : i32
    %dma_start3A_799 = arith.constant 0 : i32
    %dma_start3A_800 = tpu.memref_slice %arg2[%mul3A_2, %dma_start3A_797, %dma_start3A_798, %dma_start3A_799] : memref<64x128x56x56xf32, #tpu.memory_space<hbm>> -> memref<2x2x56x56xf32, #tpu.memory_space<hbm>>
    tpu.enqueue_dma source(%dma_start3A_800 : memref<2x2x56x56xf32, #tpu.memory_space<hbm>>) target(%arg7 : memref<2x2x56x56xf32, #tpu.memory_space<vmem>>) target_semaphore(%arg11 : memref<!tpu.dma_semaphore, #tpu.memory_space<semaphore_mem>>)
    %dma_wait3A_801 = arith.constant 48 : i32
    %dma_wait3A_802 = arith.constant 0 : i32
    %dma_wait3A_803 = arith.constant 0 : i32
    %dma_wait3A_804 = tpu.memref_slice %arg2[%mul3A_2, %dma_wait3A_801, %dma_wait3A_802, %dma_wait3A_803] : memref<64x128x56x56xf32, #tpu.memory_space<hbm>> -> memref<2x2x56x56xf32, #tpu.memory_space<hbm>>
    %dma_wait3A_805 = arith.constant 48 : i32
    %dma_wait3A_806 = arith.constant 0 : i32
    %dma_wait3A_807 = arith.constant 0 : i32
    %dma_wait3A_808 = tpu.memref_slice %arg2[%mul3A_2, %dma_wait3A_805, %dma_wait3A_806, %dma_wait3A_807] : memref<64x128x56x56xf32, #tpu.memory_space<hbm>> -> memref<2x2x56x56xf32, #tpu.memory_space<hbm>>
    tpu.wait_dma2 semaphore(%arg8 : memref<!tpu.dma_semaphore, #tpu.memory_space<semaphore_mem>>) src(%dma_wait3A_808 : memref<2x2x56x56xf32, #tpu.memory_space<hbm>>) dst(%arg4 : memref<2x2x56x56xf32, #tpu.memory_space<vmem>>)
    %dma_start3A_809 = arith.constant 48 : i32
    %dma_start3A_810 = arith.constant 0 : i32
    %dma_start3A_811 = arith.constant 0 : i32
    %dma_start3A_812 = tpu.memref_slice %arg3[%mul3A_2, %dma_start3A_809, %dma_start3A_810, %dma_start3A_811] : memref<64x128x56x56xf32, #tpu.memory_space<hbm>> -> memref<2x2x56x56xf32, #tpu.memory_space<hbm>>
    %dma_start3A_813 = arith.constant 48 : i32
    %dma_start3A_814 = arith.constant 0 : i32
    %dma_start3A_815 = arith.constant 0 : i32
    %dma_start3A_816 = tpu.memref_slice %arg3[%mul3A_2, %dma_start3A_813, %dma_start3A_814, %dma_start3A_815] : memref<64x128x56x56xf32, #tpu.memory_space<hbm>> -> memref<2x2x56x56xf32, #tpu.memory_space<hbm>>
    tpu.enqueue_dma source(%arg4 : memref<2x2x56x56xf32, #tpu.memory_space<vmem>>) target(%dma_start3A_816 : memref<2x2x56x56xf32, #tpu.memory_space<hbm>>) target_semaphore(%arg12 : memref<!tpu.dma_semaphore, #tpu.memory_space<semaphore_mem>>)
    %dma_wait3A_817 = arith.constant 48 : i32
    %dma_wait3A_818 = arith.constant 0 : i32
    %dma_wait3A_819 = arith.constant 0 : i32
    %dma_wait3A_820 = tpu.memref_slice %arg3[%mul3A_2, %dma_wait3A_817, %dma_wait3A_818, %dma_wait3A_819] : memref<64x128x56x56xf32, #tpu.memory_space<hbm>> -> memref<2x2x56x56xf32, #tpu.memory_space<hbm>>
    %dma_wait3A_821 = arith.constant 48 : i32
    %dma_wait3A_822 = arith.constant 0 : i32
    %dma_wait3A_823 = arith.constant 0 : i32
    %dma_wait3A_824 = tpu.memref_slice %arg3[%mul3A_2, %dma_wait3A_821, %dma_wait3A_822, %dma_wait3A_823] : memref<64x128x56x56xf32, #tpu.memory_space<hbm>> -> memref<2x2x56x56xf32, #tpu.memory_space<hbm>>
    tpu.wait_dma2 semaphore(%arg12 : memref<!tpu.dma_semaphore, #tpu.memory_space<semaphore_mem>>) src(%arg4 : memref<2x2x56x56xf32, #tpu.memory_space<vmem>>) dst(%dma_wait3A_824 : memref<2x2x56x56xf32, #tpu.memory_space<hbm>>)
    %dma_start3A_825 = arith.constant 56 : i32
    %dma_start3A_826 = arith.constant 0 : i32
    %dma_start3A_827 = arith.constant 0 : i32
    %dma_start3A_828 = tpu.memref_slice %arg2[%mul3A_2, %dma_start3A_825, %dma_start3A_826, %dma_start3A_827] : memref<64x128x56x56xf32, #tpu.memory_space<hbm>> -> memref<2x2x56x56xf32, #tpu.memory_space<hbm>>
    %dma_start3A_829 = arith.constant 56 : i32
    %dma_start3A_830 = arith.constant 0 : i32
    %dma_start3A_831 = arith.constant 0 : i32
    %dma_start3A_832 = tpu.memref_slice %arg2[%mul3A_2, %dma_start3A_829, %dma_start3A_830, %dma_start3A_831] : memref<64x128x56x56xf32, #tpu.memory_space<hbm>> -> memref<2x2x56x56xf32, #tpu.memory_space<hbm>>
    tpu.enqueue_dma source(%dma_start3A_832 : memref<2x2x56x56xf32, #tpu.memory_space<hbm>>) target(%arg4 : memref<2x2x56x56xf32, #tpu.memory_space<vmem>>) target_semaphore(%arg8 : memref<!tpu.dma_semaphore, #tpu.memory_space<semaphore_mem>>)
    %dma_wait3A_833 = arith.constant 50 : i32
    %dma_wait3A_834 = arith.constant 0 : i32
    %dma_wait3A_835 = arith.constant 0 : i32
    %dma_wait3A_836 = tpu.memref_slice %arg2[%mul3A_2, %dma_wait3A_833, %dma_wait3A_834, %dma_wait3A_835] : memref<64x128x56x56xf32, #tpu.memory_space<hbm>> -> memref<2x2x56x56xf32, #tpu.memory_space<hbm>>
    %dma_wait3A_837 = arith.constant 50 : i32
    %dma_wait3A_838 = arith.constant 0 : i32
    %dma_wait3A_839 = arith.constant 0 : i32
    %dma_wait3A_840 = tpu.memref_slice %arg2[%mul3A_2, %dma_wait3A_837, %dma_wait3A_838, %dma_wait3A_839] : memref<64x128x56x56xf32, #tpu.memory_space<hbm>> -> memref<2x2x56x56xf32, #tpu.memory_space<hbm>>
    tpu.wait_dma2 semaphore(%arg9 : memref<!tpu.dma_semaphore, #tpu.memory_space<semaphore_mem>>) src(%dma_wait3A_840 : memref<2x2x56x56xf32, #tpu.memory_space<hbm>>) dst(%arg5 : memref<2x2x56x56xf32, #tpu.memory_space<vmem>>)
    %dma_start3A_841 = arith.constant 50 : i32
    %dma_start3A_842 = arith.constant 0 : i32
    %dma_start3A_843 = arith.constant 0 : i32
    %dma_start3A_844 = tpu.memref_slice %arg3[%mul3A_2, %dma_start3A_841, %dma_start3A_842, %dma_start3A_843] : memref<64x128x56x56xf32, #tpu.memory_space<hbm>> -> memref<2x2x56x56xf32, #tpu.memory_space<hbm>>
    %dma_start3A_845 = arith.constant 50 : i32
    %dma_start3A_846 = arith.constant 0 : i32
    %dma_start3A_847 = arith.constant 0 : i32
    %dma_start3A_848 = tpu.memref_slice %arg3[%mul3A_2, %dma_start3A_845, %dma_start3A_846, %dma_start3A_847] : memref<64x128x56x56xf32, #tpu.memory_space<hbm>> -> memref<2x2x56x56xf32, #tpu.memory_space<hbm>>
    tpu.enqueue_dma source(%arg5 : memref<2x2x56x56xf32, #tpu.memory_space<vmem>>) target(%dma_start3A_848 : memref<2x2x56x56xf32, #tpu.memory_space<hbm>>) target_semaphore(%arg13 : memref<!tpu.dma_semaphore, #tpu.memory_space<semaphore_mem>>)
    %dma_wait3A_849 = arith.constant 50 : i32
    %dma_wait3A_850 = arith.constant 0 : i32
    %dma_wait3A_851 = arith.constant 0 : i32
    %dma_wait3A_852 = tpu.memref_slice %arg3[%mul3A_2, %dma_wait3A_849, %dma_wait3A_850, %dma_wait3A_851] : memref<64x128x56x56xf32, #tpu.memory_space<hbm>> -> memref<2x2x56x56xf32, #tpu.memory_space<hbm>>
    %dma_wait3A_853 = arith.constant 50 : i32
    %dma_wait3A_854 = arith.constant 0 : i32
    %dma_wait3A_855 = arith.constant 0 : i32
    %dma_wait3A_856 = tpu.memref_slice %arg3[%mul3A_2, %dma_wait3A_853, %dma_wait3A_854, %dma_wait3A_855] : memref<64x128x56x56xf32, #tpu.memory_space<hbm>> -> memref<2x2x56x56xf32, #tpu.memory_space<hbm>>
    tpu.wait_dma2 semaphore(%arg13 : memref<!tpu.dma_semaphore, #tpu.memory_space<semaphore_mem>>) src(%arg5 : memref<2x2x56x56xf32, #tpu.memory_space<vmem>>) dst(%dma_wait3A_856 : memref<2x2x56x56xf32, #tpu.memory_space<hbm>>)
    %dma_start3A_857 = arith.constant 58 : i32
    %dma_start3A_858 = arith.constant 0 : i32
    %dma_start3A_859 = arith.constant 0 : i32
    %dma_start3A_860 = tpu.memref_slice %arg2[%mul3A_2, %dma_start3A_857, %dma_start3A_858, %dma_start3A_859] : memref<64x128x56x56xf32, #tpu.memory_space<hbm>> -> memref<2x2x56x56xf32, #tpu.memory_space<hbm>>
    %dma_start3A_861 = arith.constant 58 : i32
    %dma_start3A_862 = arith.constant 0 : i32
    %dma_start3A_863 = arith.constant 0 : i32
    %dma_start3A_864 = tpu.memref_slice %arg2[%mul3A_2, %dma_start3A_861, %dma_start3A_862, %dma_start3A_863] : memref<64x128x56x56xf32, #tpu.memory_space<hbm>> -> memref<2x2x56x56xf32, #tpu.memory_space<hbm>>
    tpu.enqueue_dma source(%dma_start3A_864 : memref<2x2x56x56xf32, #tpu.memory_space<hbm>>) target(%arg5 : memref<2x2x56x56xf32, #tpu.memory_space<vmem>>) target_semaphore(%arg9 : memref<!tpu.dma_semaphore, #tpu.memory_space<semaphore_mem>>)
    %dma_wait3A_865 = arith.constant 52 : i32
    %dma_wait3A_866 = arith.constant 0 : i32
    %dma_wait3A_867 = arith.constant 0 : i32
    %dma_wait3A_868 = tpu.memref_slice %arg2[%mul3A_2, %dma_wait3A_865, %dma_wait3A_866, %dma_wait3A_867] : memref<64x128x56x56xf32, #tpu.memory_space<hbm>> -> memref<2x2x56x56xf32, #tpu.memory_space<hbm>>
    %dma_wait3A_869 = arith.constant 52 : i32
    %dma_wait3A_870 = arith.constant 0 : i32
    %dma_wait3A_871 = arith.constant 0 : i32
    %dma_wait3A_872 = tpu.memref_slice %arg2[%mul3A_2, %dma_wait3A_869, %dma_wait3A_870, %dma_wait3A_871] : memref<64x128x56x56xf32, #tpu.memory_space<hbm>> -> memref<2x2x56x56xf32, #tpu.memory_space<hbm>>
    tpu.wait_dma2 semaphore(%arg10 : memref<!tpu.dma_semaphore, #tpu.memory_space<semaphore_mem>>) src(%dma_wait3A_872 : memref<2x2x56x56xf32, #tpu.memory_space<hbm>>) dst(%arg6 : memref<2x2x56x56xf32, #tpu.memory_space<vmem>>)
    %dma_start3A_873 = arith.constant 52 : i32
    %dma_start3A_874 = arith.constant 0 : i32
    %dma_start3A_875 = arith.constant 0 : i32
    %dma_start3A_876 = tpu.memref_slice %arg3[%mul3A_2, %dma_start3A_873, %dma_start3A_874, %dma_start3A_875] : memref<64x128x56x56xf32, #tpu.memory_space<hbm>> -> memref<2x2x56x56xf32, #tpu.memory_space<hbm>>
    %dma_start3A_877 = arith.constant 52 : i32
    %dma_start3A_878 = arith.constant 0 : i32
    %dma_start3A_879 = arith.constant 0 : i32
    %dma_start3A_880 = tpu.memref_slice %arg3[%mul3A_2, %dma_start3A_877, %dma_start3A_878, %dma_start3A_879] : memref<64x128x56x56xf32, #tpu.memory_space<hbm>> -> memref<2x2x56x56xf32, #tpu.memory_space<hbm>>
    tpu.enqueue_dma source(%arg6 : memref<2x2x56x56xf32, #tpu.memory_space<vmem>>) target(%dma_start3A_880 : memref<2x2x56x56xf32, #tpu.memory_space<hbm>>) target_semaphore(%arg14 : memref<!tpu.dma_semaphore, #tpu.memory_space<semaphore_mem>>)
    %dma_wait3A_881 = arith.constant 52 : i32
    %dma_wait3A_882 = arith.constant 0 : i32
    %dma_wait3A_883 = arith.constant 0 : i32
    %dma_wait3A_884 = tpu.memref_slice %arg3[%mul3A_2, %dma_wait3A_881, %dma_wait3A_882, %dma_wait3A_883] : memref<64x128x56x56xf32, #tpu.memory_space<hbm>> -> memref<2x2x56x56xf32, #tpu.memory_space<hbm>>
    %dma_wait3A_885 = arith.constant 52 : i32
    %dma_wait3A_886 = arith.constant 0 : i32
    %dma_wait3A_887 = arith.constant 0 : i32
    %dma_wait3A_888 = tpu.memref_slice %arg3[%mul3A_2, %dma_wait3A_885, %dma_wait3A_886, %dma_wait3A_887] : memref<64x128x56x56xf32, #tpu.memory_space<hbm>> -> memref<2x2x56x56xf32, #tpu.memory_space<hbm>>
    tpu.wait_dma2 semaphore(%arg14 : memref<!tpu.dma_semaphore, #tpu.memory_space<semaphore_mem>>) src(%arg6 : memref<2x2x56x56xf32, #tpu.memory_space<vmem>>) dst(%dma_wait3A_888 : memref<2x2x56x56xf32, #tpu.memory_space<hbm>>)
    %dma_start3A_889 = arith.constant 60 : i32
    %dma_start3A_890 = arith.constant 0 : i32
    %dma_start3A_891 = arith.constant 0 : i32
    %dma_start3A_892 = tpu.memref_slice %arg2[%mul3A_2, %dma_start3A_889, %dma_start3A_890, %dma_start3A_891] : memref<64x128x56x56xf32, #tpu.memory_space<hbm>> -> memref<2x2x56x56xf32, #tpu.memory_space<hbm>>
    %dma_start3A_893 = arith.constant 60 : i32
    %dma_start3A_894 = arith.constant 0 : i32
    %dma_start3A_895 = arith.constant 0 : i32
    %dma_start3A_896 = tpu.memref_slice %arg2[%mul3A_2, %dma_start3A_893, %dma_start3A_894, %dma_start3A_895] : memref<64x128x56x56xf32, #tpu.memory_space<hbm>> -> memref<2x2x56x56xf32, #tpu.memory_space<hbm>>
    tpu.enqueue_dma source(%dma_start3A_896 : memref<2x2x56x56xf32, #tpu.memory_space<hbm>>) target(%arg6 : memref<2x2x56x56xf32, #tpu.memory_space<vmem>>) target_semaphore(%arg10 : memref<!tpu.dma_semaphore, #tpu.memory_space<semaphore_mem>>)
    %dma_wait3A_897 = arith.constant 54 : i32
    %dma_wait3A_898 = arith.constant 0 : i32
    %dma_wait3A_899 = arith.constant 0 : i32
    %dma_wait3A_900 = tpu.memref_slice %arg2[%mul3A_2, %dma_wait3A_897, %dma_wait3A_898, %dma_wait3A_899] : memref<64x128x56x56xf32, #tpu.memory_space<hbm>> -> memref<2x2x56x56xf32, #tpu.memory_space<hbm>>
    %dma_wait3A_901 = arith.constant 54 : i32
    %dma_wait3A_902 = arith.constant 0 : i32
    %dma_wait3A_903 = arith.constant 0 : i32
    %dma_wait3A_904 = tpu.memref_slice %arg2[%mul3A_2, %dma_wait3A_901, %dma_wait3A_902, %dma_wait3A_903] : memref<64x128x56x56xf32, #tpu.memory_space<hbm>> -> memref<2x2x56x56xf32, #tpu.memory_space<hbm>>
    tpu.wait_dma2 semaphore(%arg11 : memref<!tpu.dma_semaphore, #tpu.memory_space<semaphore_mem>>) src(%dma_wait3A_904 : memref<2x2x56x56xf32, #tpu.memory_space<hbm>>) dst(%arg7 : memref<2x2x56x56xf32, #tpu.memory_space<vmem>>)
    %dma_start3A_905 = arith.constant 54 : i32
    %dma_start3A_906 = arith.constant 0 : i32
    %dma_start3A_907 = arith.constant 0 : i32
    %dma_start3A_908 = tpu.memref_slice %arg3[%mul3A_2, %dma_start3A_905, %dma_start3A_906, %dma_start3A_907] : memref<64x128x56x56xf32, #tpu.memory_space<hbm>> -> memref<2x2x56x56xf32, #tpu.memory_space<hbm>>
    %dma_start3A_909 = arith.constant 54 : i32
    %dma_start3A_910 = arith.constant 0 : i32
    %dma_start3A_911 = arith.constant 0 : i32
    %dma_start3A_912 = tpu.memref_slice %arg3[%mul3A_2, %dma_start3A_909, %dma_start3A_910, %dma_start3A_911] : memref<64x128x56x56xf32, #tpu.memory_space<hbm>> -> memref<2x2x56x56xf32, #tpu.memory_space<hbm>>
    tpu.enqueue_dma source(%arg7 : memref<2x2x56x56xf32, #tpu.memory_space<vmem>>) target(%dma_start3A_912 : memref<2x2x56x56xf32, #tpu.memory_space<hbm>>) target_semaphore(%arg15 : memref<!tpu.dma_semaphore, #tpu.memory_space<semaphore_mem>>)
    %dma_wait3A_913 = arith.constant 54 : i32
    %dma_wait3A_914 = arith.constant 0 : i32
    %dma_wait3A_915 = arith.constant 0 : i32
    %dma_wait3A_916 = tpu.memref_slice %arg3[%mul3A_2, %dma_wait3A_913, %dma_wait3A_914, %dma_wait3A_915] : memref<64x128x56x56xf32, #tpu.memory_space<hbm>> -> memref<2x2x56x56xf32, #tpu.memory_space<hbm>>
    %dma_wait3A_917 = arith.constant 54 : i32
    %dma_wait3A_918 = arith.constant 0 : i32
    %dma_wait3A_919 = arith.constant 0 : i32
    %dma_wait3A_920 = tpu.memref_slice %arg3[%mul3A_2, %dma_wait3A_917, %dma_wait3A_918, %dma_wait3A_919] : memref<64x128x56x56xf32, #tpu.memory_space<hbm>> -> memref<2x2x56x56xf32, #tpu.memory_space<hbm>>
    tpu.wait_dma2 semaphore(%arg15 : memref<!tpu.dma_semaphore, #tpu.memory_space<semaphore_mem>>) src(%arg7 : memref<2x2x56x56xf32, #tpu.memory_space<vmem>>) dst(%dma_wait3A_920 : memref<2x2x56x56xf32, #tpu.memory_space<hbm>>)
    %dma_start3A_921 = arith.constant 62 : i32
    %dma_start3A_922 = arith.constant 0 : i32
    %dma_start3A_923 = arith.constant 0 : i32
    %dma_start3A_924 = tpu.memref_slice %arg2[%mul3A_2, %dma_start3A_921, %dma_start3A_922, %dma_start3A_923] : memref<64x128x56x56xf32, #tpu.memory_space<hbm>> -> memref<2x2x56x56xf32, #tpu.memory_space<hbm>>
    %dma_start3A_925 = arith.constant 62 : i32
    %dma_start3A_926 = arith.constant 0 : i32
    %dma_start3A_927 = arith.constant 0 : i32
    %dma_start3A_928 = tpu.memref_slice %arg2[%mul3A_2, %dma_start3A_925, %dma_start3A_926, %dma_start3A_927] : memref<64x128x56x56xf32, #tpu.memory_space<hbm>> -> memref<2x2x56x56xf32, #tpu.memory_space<hbm>>
    tpu.enqueue_dma source(%dma_start3A_928 : memref<2x2x56x56xf32, #tpu.memory_space<hbm>>) target(%arg7 : memref<2x2x56x56xf32, #tpu.memory_space<vmem>>) target_semaphore(%arg11 : memref<!tpu.dma_semaphore, #tpu.memory_space<semaphore_mem>>)
    %dma_wait3A_929 = arith.constant 56 : i32
    %dma_wait3A_930 = arith.constant 0 : i32
    %dma_wait3A_931 = arith.constant 0 : i32
    %dma_wait3A_932 = tpu.memref_slice %arg2[%mul3A_2, %dma_wait3A_929, %dma_wait3A_930, %dma_wait3A_931] : memref<64x128x56x56xf32, #tpu.memory_space<hbm>> -> memref<2x2x56x56xf32, #tpu.memory_space<hbm>>
    %dma_wait3A_933 = arith.constant 56 : i32
    %dma_wait3A_934 = arith.constant 0 : i32
    %dma_wait3A_935 = arith.constant 0 : i32
    %dma_wait3A_936 = tpu.memref_slice %arg2[%mul3A_2, %dma_wait3A_933, %dma_wait3A_934, %dma_wait3A_935] : memref<64x128x56x56xf32, #tpu.memory_space<hbm>> -> memref<2x2x56x56xf32, #tpu.memory_space<hbm>>
    tpu.wait_dma2 semaphore(%arg8 : memref<!tpu.dma_semaphore, #tpu.memory_space<semaphore_mem>>) src(%dma_wait3A_936 : memref<2x2x56x56xf32, #tpu.memory_space<hbm>>) dst(%arg4 : memref<2x2x56x56xf32, #tpu.memory_space<vmem>>)
    %dma_start3A_937 = arith.constant 56 : i32
    %dma_start3A_938 = arith.constant 0 : i32
    %dma_start3A_939 = arith.constant 0 : i32
    %dma_start3A_940 = tpu.memref_slice %arg3[%mul3A_2, %dma_start3A_937, %dma_start3A_938, %dma_start3A_939] : memref<64x128x56x56xf32, #tpu.memory_space<hbm>> -> memref<2x2x56x56xf32, #tpu.memory_space<hbm>>
    %dma_start3A_941 = arith.constant 56 : i32
    %dma_start3A_942 = arith.constant 0 : i32
    %dma_start3A_943 = arith.constant 0 : i32
    %dma_start3A_944 = tpu.memref_slice %arg3[%mul3A_2, %dma_start3A_941, %dma_start3A_942, %dma_start3A_943] : memref<64x128x56x56xf32, #tpu.memory_space<hbm>> -> memref<2x2x56x56xf32, #tpu.memory_space<hbm>>
    tpu.enqueue_dma source(%arg4 : memref<2x2x56x56xf32, #tpu.memory_space<vmem>>) target(%dma_start3A_944 : memref<2x2x56x56xf32, #tpu.memory_space<hbm>>) target_semaphore(%arg12 : memref<!tpu.dma_semaphore, #tpu.memory_space<semaphore_mem>>)
    %dma_wait3A_945 = arith.constant 56 : i32
    %dma_wait3A_946 = arith.constant 0 : i32
    %dma_wait3A_947 = arith.constant 0 : i32
    %dma_wait3A_948 = tpu.memref_slice %arg3[%mul3A_2, %dma_wait3A_945, %dma_wait3A_946, %dma_wait3A_947] : memref<64x128x56x56xf32, #tpu.memory_space<hbm>> -> memref<2x2x56x56xf32, #tpu.memory_space<hbm>>
    %dma_wait3A_949 = arith.constant 56 : i32
    %dma_wait3A_950 = arith.constant 0 : i32
    %dma_wait3A_951 = arith.constant 0 : i32
    %dma_wait3A_952 = tpu.memref_slice %arg3[%mul3A_2, %dma_wait3A_949, %dma_wait3A_950, %dma_wait3A_951] : memref<64x128x56x56xf32, #tpu.memory_space<hbm>> -> memref<2x2x56x56xf32, #tpu.memory_space<hbm>>
    tpu.wait_dma2 semaphore(%arg12 : memref<!tpu.dma_semaphore, #tpu.memory_space<semaphore_mem>>) src(%arg4 : memref<2x2x56x56xf32, #tpu.memory_space<vmem>>) dst(%dma_wait3A_952 : memref<2x2x56x56xf32, #tpu.memory_space<hbm>>)
    %dma_start3A_953 = arith.constant 64 : i32
    %dma_start3A_954 = arith.constant 0 : i32
    %dma_start3A_955 = arith.constant 0 : i32
    %dma_start3A_956 = tpu.memref_slice %arg2[%mul3A_2, %dma_start3A_953, %dma_start3A_954, %dma_start3A_955] : memref<64x128x56x56xf32, #tpu.memory_space<hbm>> -> memref<2x2x56x56xf32, #tpu.memory_space<hbm>>
    %dma_start3A_957 = arith.constant 64 : i32
    %dma_start3A_958 = arith.constant 0 : i32
    %dma_start3A_959 = arith.constant 0 : i32
    %dma_start3A_960 = tpu.memref_slice %arg2[%mul3A_2, %dma_start3A_957, %dma_start3A_958, %dma_start3A_959] : memref<64x128x56x56xf32, #tpu.memory_space<hbm>> -> memref<2x2x56x56xf32, #tpu.memory_space<hbm>>
    tpu.enqueue_dma source(%dma_start3A_960 : memref<2x2x56x56xf32, #tpu.memory_space<hbm>>) target(%arg4 : memref<2x2x56x56xf32, #tpu.memory_space<vmem>>) target_semaphore(%arg8 : memref<!tpu.dma_semaphore, #tpu.memory_space<semaphore_mem>>)
    %dma_wait3A_961 = arith.constant 58 : i32
    %dma_wait3A_962 = arith.constant 0 : i32
    %dma_wait3A_963 = arith.constant 0 : i32
    %dma_wait3A_964 = tpu.memref_slice %arg2[%mul3A_2, %dma_wait3A_961, %dma_wait3A_962, %dma_wait3A_963] : memref<64x128x56x56xf32, #tpu.memory_space<hbm>> -> memref<2x2x56x56xf32, #tpu.memory_space<hbm>>
    %dma_wait3A_965 = arith.constant 58 : i32
    %dma_wait3A_966 = arith.constant 0 : i32
    %dma_wait3A_967 = arith.constant 0 : i32
    %dma_wait3A_968 = tpu.memref_slice %arg2[%mul3A_2, %dma_wait3A_965, %dma_wait3A_966, %dma_wait3A_967] : memref<64x128x56x56xf32, #tpu.memory_space<hbm>> -> memref<2x2x56x56xf32, #tpu.memory_space<hbm>>
    tpu.wait_dma2 semaphore(%arg9 : memref<!tpu.dma_semaphore, #tpu.memory_space<semaphore_mem>>) src(%dma_wait3A_968 : memref<2x2x56x56xf32, #tpu.memory_space<hbm>>) dst(%arg5 : memref<2x2x56x56xf32, #tpu.memory_space<vmem>>)
    %dma_start3A_969 = arith.constant 58 : i32
    %dma_start3A_970 = arith.constant 0 : i32
    %dma_start3A_971 = arith.constant 0 : i32
    %dma_start3A_972 = tpu.memref_slice %arg3[%mul3A_2, %dma_start3A_969, %dma_start3A_970, %dma_start3A_971] : memref<64x128x56x56xf32, #tpu.memory_space<hbm>> -> memref<2x2x56x56xf32, #tpu.memory_space<hbm>>
    %dma_start3A_973 = arith.constant 58 : i32
    %dma_start3A_974 = arith.constant 0 : i32
    %dma_start3A_975 = arith.constant 0 : i32
    %dma_start3A_976 = tpu.memref_slice %arg3[%mul3A_2, %dma_start3A_973, %dma_start3A_974, %dma_start3A_975] : memref<64x128x56x56xf32, #tpu.memory_space<hbm>> -> memref<2x2x56x56xf32, #tpu.memory_space<hbm>>
    tpu.enqueue_dma source(%arg5 : memref<2x2x56x56xf32, #tpu.memory_space<vmem>>) target(%dma_start3A_976 : memref<2x2x56x56xf32, #tpu.memory_space<hbm>>) target_semaphore(%arg13 : memref<!tpu.dma_semaphore, #tpu.memory_space<semaphore_mem>>)
    %dma_wait3A_977 = arith.constant 58 : i32
    %dma_wait3A_978 = arith.constant 0 : i32
    %dma_wait3A_979 = arith.constant 0 : i32
    %dma_wait3A_980 = tpu.memref_slice %arg3[%mul3A_2, %dma_wait3A_977, %dma_wait3A_978, %dma_wait3A_979] : memref<64x128x56x56xf32, #tpu.memory_space<hbm>> -> memref<2x2x56x56xf32, #tpu.memory_space<hbm>>
    %dma_wait3A_981 = arith.constant 58 : i32
    %dma_wait3A_982 = arith.constant 0 : i32
    %dma_wait3A_983 = arith.constant 0 : i32
    %dma_wait3A_984 = tpu.memref_slice %arg3[%mul3A_2, %dma_wait3A_981, %dma_wait3A_982, %dma_wait3A_983] : memref<64x128x56x56xf32, #tpu.memory_space<hbm>> -> memref<2x2x56x56xf32, #tpu.memory_space<hbm>>
    tpu.wait_dma2 semaphore(%arg13 : memref<!tpu.dma_semaphore, #tpu.memory_space<semaphore_mem>>) src(%arg5 : memref<2x2x56x56xf32, #tpu.memory_space<vmem>>) dst(%dma_wait3A_984 : memref<2x2x56x56xf32, #tpu.memory_space<hbm>>)
    %dma_start3A_985 = arith.constant 66 : i32
    %dma_start3A_986 = arith.constant 0 : i32
    %dma_start3A_987 = arith.constant 0 : i32
    %dma_start3A_988 = tpu.memref_slice %arg2[%mul3A_2, %dma_start3A_985, %dma_start3A_986, %dma_start3A_987] : memref<64x128x56x56xf32, #tpu.memory_space<hbm>> -> memref<2x2x56x56xf32, #tpu.memory_space<hbm>>
    %dma_start3A_989 = arith.constant 66 : i32
    %dma_start3A_990 = arith.constant 0 : i32
    %dma_start3A_991 = arith.constant 0 : i32
    %dma_start3A_992 = tpu.memref_slice %arg2[%mul3A_2, %dma_start3A_989, %dma_start3A_990, %dma_start3A_991] : memref<64x128x56x56xf32, #tpu.memory_space<hbm>> -> memref<2x2x56x56xf32, #tpu.memory_space<hbm>>
    tpu.enqueue_dma source(%dma_start3A_992 : memref<2x2x56x56xf32, #tpu.memory_space<hbm>>) target(%arg5 : memref<2x2x56x56xf32, #tpu.memory_space<vmem>>) target_semaphore(%arg9 : memref<!tpu.dma_semaphore, #tpu.memory_space<semaphore_mem>>)
    %dma_wait3A_993 = arith.constant 60 : i32
    %dma_wait3A_994 = arith.constant 0 : i32
    %dma_wait3A_995 = arith.constant 0 : i32
    %dma_wait3A_996 = tpu.memref_slice %arg2[%mul3A_2, %dma_wait3A_993, %dma_wait3A_994, %dma_wait3A_995] : memref<64x128x56x56xf32, #tpu.memory_space<hbm>> -> memref<2x2x56x56xf32, #tpu.memory_space<hbm>>
    %dma_wait3A_997 = arith.constant 60 : i32
    %dma_wait3A_998 = arith.constant 0 : i32
    %dma_wait3A_999 = arith.constant 0 : i32
    %dma_wait3A_1000 = tpu.memref_slice %arg2[%mul3A_2, %dma_wait3A_997, %dma_wait3A_998, %dma_wait3A_999] : memref<64x128x56x56xf32, #tpu.memory_space<hbm>> -> memref<2x2x56x56xf32, #tpu.memory_space<hbm>>
    tpu.wait_dma2 semaphore(%arg10 : memref<!tpu.dma_semaphore, #tpu.memory_space<semaphore_mem>>) src(%dma_wait3A_1000 : memref<2x2x56x56xf32, #tpu.memory_space<hbm>>) dst(%arg6 : memref<2x2x56x56xf32, #tpu.memory_space<vmem>>)
    %dma_start3A_1001 = arith.constant 60 : i32
    %dma_start3A_1002 = arith.constant 0 : i32
    %dma_start3A_1003 = arith.constant 0 : i32
    %dma_start3A_1004 = tpu.memref_slice %arg3[%mul3A_2, %dma_start3A_1001, %dma_start3A_1002, %dma_start3A_1003] : memref<64x128x56x56xf32, #tpu.memory_space<hbm>> -> memref<2x2x56x56xf32, #tpu.memory_space<hbm>>
    %dma_start3A_1005 = arith.constant 60 : i32
    %dma_start3A_1006 = arith.constant 0 : i32
    %dma_start3A_1007 = arith.constant 0 : i32
    %dma_start3A_1008 = tpu.memref_slice %arg3[%mul3A_2, %dma_start3A_1005, %dma_start3A_1006, %dma_start3A_1007] : memref<64x128x56x56xf32, #tpu.memory_space<hbm>> -> memref<2x2x56x56xf32, #tpu.memory_space<hbm>>
    tpu.enqueue_dma source(%arg6 : memref<2x2x56x56xf32, #tpu.memory_space<vmem>>) target(%dma_start3A_1008 : memref<2x2x56x56xf32, #tpu.memory_space<hbm>>) target_semaphore(%arg14 : memref<!tpu.dma_semaphore, #tpu.memory_space<semaphore_mem>>)
    %dma_wait3A_1009 = arith.constant 60 : i32
    %dma_wait3A_1010 = arith.constant 0 : i32
    %dma_wait3A_1011 = arith.constant 0 : i32
    %dma_wait3A_1012 = tpu.memref_slice %arg3[%mul3A_2, %dma_wait3A_1009, %dma_wait3A_1010, %dma_wait3A_1011] : memref<64x128x56x56xf32, #tpu.memory_space<hbm>> -> memref<2x2x56x56xf32, #tpu.memory_space<hbm>>
    %dma_wait3A_1013 = arith.constant 60 : i32
    %dma_wait3A_1014 = arith.constant 0 : i32
    %dma_wait3A_1015 = arith.constant 0 : i32
    %dma_wait3A_1016 = tpu.memref_slice %arg3[%mul3A_2, %dma_wait3A_1013, %dma_wait3A_1014, %dma_wait3A_1015] : memref<64x128x56x56xf32, #tpu.memory_space<hbm>> -> memref<2x2x56x56xf32, #tpu.memory_space<hbm>>
    tpu.wait_dma2 semaphore(%arg14 : memref<!tpu.dma_semaphore, #tpu.memory_space<semaphore_mem>>) src(%arg6 : memref<2x2x56x56xf32, #tpu.memory_space<vmem>>) dst(%dma_wait3A_1016 : memref<2x2x56x56xf32, #tpu.memory_space<hbm>>)
    %dma_start3A_1017 = arith.constant 68 : i32
    %dma_start3A_1018 = arith.constant 0 : i32
    %dma_start3A_1019 = arith.constant 0 : i32
    %dma_start3A_1020 = tpu.memref_slice %arg2[%mul3A_2, %dma_start3A_1017, %dma_start3A_1018, %dma_start3A_1019] : memref<64x128x56x56xf32, #tpu.memory_space<hbm>> -> memref<2x2x56x56xf32, #tpu.memory_space<hbm>>
    %dma_start3A_1021 = arith.constant 68 : i32
    %dma_start3A_1022 = arith.constant 0 : i32
    %dma_start3A_1023 = arith.constant 0 : i32
    %dma_start3A_1024 = tpu.memref_slice %arg2[%mul3A_2, %dma_start3A_1021, %dma_start3A_1022, %dma_start3A_1023] : memref<64x128x56x56xf32, #tpu.memory_space<hbm>> -> memref<2x2x56x56xf32, #tpu.memory_space<hbm>>
    tpu.enqueue_dma source(%dma_start3A_1024 : memref<2x2x56x56xf32, #tpu.memory_space<hbm>>) target(%arg6 : memref<2x2x56x56xf32, #tpu.memory_space<vmem>>) target_semaphore(%arg10 : memref<!tpu.dma_semaphore, #tpu.memory_space<semaphore_mem>>)
    %dma_wait3A_1025 = arith.constant 62 : i32
    %dma_wait3A_1026 = arith.constant 0 : i32
    %dma_wait3A_1027 = arith.constant 0 : i32
    %dma_wait3A_1028 = tpu.memref_slice %arg2[%mul3A_2, %dma_wait3A_1025, %dma_wait3A_1026, %dma_wait3A_1027] : memref<64x128x56x56xf32, #tpu.memory_space<hbm>> -> memref<2x2x56x56xf32, #tpu.memory_space<hbm>>
    %dma_wait3A_1029 = arith.constant 62 : i32
    %dma_wait3A_1030 = arith.constant 0 : i32
    %dma_wait3A_1031 = arith.constant 0 : i32
    %dma_wait3A_1032 = tpu.memref_slice %arg2[%mul3A_2, %dma_wait3A_1029, %dma_wait3A_1030, %dma_wait3A_1031] : memref<64x128x56x56xf32, #tpu.memory_space<hbm>> -> memref<2x2x56x56xf32, #tpu.memory_space<hbm>>
    tpu.wait_dma2 semaphore(%arg11 : memref<!tpu.dma_semaphore, #tpu.memory_space<semaphore_mem>>) src(%dma_wait3A_1032 : memref<2x2x56x56xf32, #tpu.memory_space<hbm>>) dst(%arg7 : memref<2x2x56x56xf32, #tpu.memory_space<vmem>>)
    %dma_start3A_1033 = arith.constant 62 : i32
    %dma_start3A_1034 = arith.constant 0 : i32
    %dma_start3A_1035 = arith.constant 0 : i32
    %dma_start3A_1036 = tpu.memref_slice %arg3[%mul3A_2, %dma_start3A_1033, %dma_start3A_1034, %dma_start3A_1035] : memref<64x128x56x56xf32, #tpu.memory_space<hbm>> -> memref<2x2x56x56xf32, #tpu.memory_space<hbm>>
    %dma_start3A_1037 = arith.constant 62 : i32
    %dma_start3A_1038 = arith.constant 0 : i32
    %dma_start3A_1039 = arith.constant 0 : i32
    %dma_start3A_1040 = tpu.memref_slice %arg3[%mul3A_2, %dma_start3A_1037, %dma_start3A_1038, %dma_start3A_1039] : memref<64x128x56x56xf32, #tpu.memory_space<hbm>> -> memref<2x2x56x56xf32, #tpu.memory_space<hbm>>
    tpu.enqueue_dma source(%arg7 : memref<2x2x56x56xf32, #tpu.memory_space<vmem>>) target(%dma_start3A_1040 : memref<2x2x56x56xf32, #tpu.memory_space<hbm>>) target_semaphore(%arg15 : memref<!tpu.dma_semaphore, #tpu.memory_space<semaphore_mem>>)
    %dma_wait3A_1041 = arith.constant 62 : i32
    %dma_wait3A_1042 = arith.constant 0 : i32
    %dma_wait3A_1043 = arith.constant 0 : i32
    %dma_wait3A_1044 = tpu.memref_slice %arg3[%mul3A_2, %dma_wait3A_1041, %dma_wait3A_1042, %dma_wait3A_1043] : memref<64x128x56x56xf32, #tpu.memory_space<hbm>> -> memref<2x2x56x56xf32, #tpu.memory_space<hbm>>
    %dma_wait3A_1045 = arith.constant 62 : i32
    %dma_wait3A_1046 = arith.constant 0 : i32
    %dma_wait3A_1047 = arith.constant 0 : i32
    %dma_wait3A_1048 = tpu.memref_slice %arg3[%mul3A_2, %dma_wait3A_1045, %dma_wait3A_1046, %dma_wait3A_1047] : memref<64x128x56x56xf32, #tpu.memory_space<hbm>> -> memref<2x2x56x56xf32, #tpu.memory_space<hbm>>
    tpu.wait_dma2 semaphore(%arg15 : memref<!tpu.dma_semaphore, #tpu.memory_space<semaphore_mem>>) src(%arg7 : memref<2x2x56x56xf32, #tpu.memory_space<vmem>>) dst(%dma_wait3A_1048 : memref<2x2x56x56xf32, #tpu.memory_space<hbm>>)
    %dma_start3A_1049 = arith.constant 70 : i32
    %dma_start3A_1050 = arith.constant 0 : i32
    %dma_start3A_1051 = arith.constant 0 : i32
    %dma_start3A_1052 = tpu.memref_slice %arg2[%mul3A_2, %dma_start3A_1049, %dma_start3A_1050, %dma_start3A_1051] : memref<64x128x56x56xf32, #tpu.memory_space<hbm>> -> memref<2x2x56x56xf32, #tpu.memory_space<hbm>>
    %dma_start3A_1053 = arith.constant 70 : i32
    %dma_start3A_1054 = arith.constant 0 : i32
    %dma_start3A_1055 = arith.constant 0 : i32
    %dma_start3A_1056 = tpu.memref_slice %arg2[%mul3A_2, %dma_start3A_1053, %dma_start3A_1054, %dma_start3A_1055] : memref<64x128x56x56xf32, #tpu.memory_space<hbm>> -> memref<2x2x56x56xf32, #tpu.memory_space<hbm>>
    tpu.enqueue_dma source(%dma_start3A_1056 : memref<2x2x56x56xf32, #tpu.memory_space<hbm>>) target(%arg7 : memref<2x2x56x56xf32, #tpu.memory_space<vmem>>) target_semaphore(%arg11 : memref<!tpu.dma_semaphore, #tpu.memory_space<semaphore_mem>>)
    %dma_wait3A_1057 = arith.constant 64 : i32
    %dma_wait3A_1058 = arith.constant 0 : i32
    %dma_wait3A_1059 = arith.constant 0 : i32
    %dma_wait3A_1060 = tpu.memref_slice %arg2[%mul3A_2, %dma_wait3A_1057, %dma_wait3A_1058, %dma_wait3A_1059] : memref<64x128x56x56xf32, #tpu.memory_space<hbm>> -> memref<2x2x56x56xf32, #tpu.memory_space<hbm>>
    %dma_wait3A_1061 = arith.constant 64 : i32
    %dma_wait3A_1062 = arith.constant 0 : i32
    %dma_wait3A_1063 = arith.constant 0 : i32
    %dma_wait3A_1064 = tpu.memref_slice %arg2[%mul3A_2, %dma_wait3A_1061, %dma_wait3A_1062, %dma_wait3A_1063] : memref<64x128x56x56xf32, #tpu.memory_space<hbm>> -> memref<2x2x56x56xf32, #tpu.memory_space<hbm>>
    tpu.wait_dma2 semaphore(%arg8 : memref<!tpu.dma_semaphore, #tpu.memory_space<semaphore_mem>>) src(%dma_wait3A_1064 : memref<2x2x56x56xf32, #tpu.memory_space<hbm>>) dst(%arg4 : memref<2x2x56x56xf32, #tpu.memory_space<vmem>>)
    %dma_start3A_1065 = arith.constant 64 : i32
    %dma_start3A_1066 = arith.constant 0 : i32
    %dma_start3A_1067 = arith.constant 0 : i32
    %dma_start3A_1068 = tpu.memref_slice %arg3[%mul3A_2, %dma_start3A_1065, %dma_start3A_1066, %dma_start3A_1067] : memref<64x128x56x56xf32, #tpu.memory_space<hbm>> -> memref<2x2x56x56xf32, #tpu.memory_space<hbm>>
    %dma_start3A_1069 = arith.constant 64 : i32
    %dma_start3A_1070 = arith.constant 0 : i32
    %dma_start3A_1071 = arith.constant 0 : i32
    %dma_start3A_1072 = tpu.memref_slice %arg3[%mul3A_2, %dma_start3A_1069, %dma_start3A_1070, %dma_start3A_1071] : memref<64x128x56x56xf32, #tpu.memory_space<hbm>> -> memref<2x2x56x56xf32, #tpu.memory_space<hbm>>
    tpu.enqueue_dma source(%arg4 : memref<2x2x56x56xf32, #tpu.memory_space<vmem>>) target(%dma_start3A_1072 : memref<2x2x56x56xf32, #tpu.memory_space<hbm>>) target_semaphore(%arg12 : memref<!tpu.dma_semaphore, #tpu.memory_space<semaphore_mem>>)
    %dma_wait3A_1073 = arith.constant 64 : i32
    %dma_wait3A_1074 = arith.constant 0 : i32
    %dma_wait3A_1075 = arith.constant 0 : i32
    %dma_wait3A_1076 = tpu.memref_slice %arg3[%mul3A_2, %dma_wait3A_1073, %dma_wait3A_1074, %dma_wait3A_1075] : memref<64x128x56x56xf32, #tpu.memory_space<hbm>> -> memref<2x2x56x56xf32, #tpu.memory_space<hbm>>
    %dma_wait3A_1077 = arith.constant 64 : i32
    %dma_wait3A_1078 = arith.constant 0 : i32
    %dma_wait3A_1079 = arith.constant 0 : i32
    %dma_wait3A_1080 = tpu.memref_slice %arg3[%mul3A_2, %dma_wait3A_1077, %dma_wait3A_1078, %dma_wait3A_1079] : memref<64x128x56x56xf32, #tpu.memory_space<hbm>> -> memref<2x2x56x56xf32, #tpu.memory_space<hbm>>
    tpu.wait_dma2 semaphore(%arg12 : memref<!tpu.dma_semaphore, #tpu.memory_space<semaphore_mem>>) src(%arg4 : memref<2x2x56x56xf32, #tpu.memory_space<vmem>>) dst(%dma_wait3A_1080 : memref<2x2x56x56xf32, #tpu.memory_space<hbm>>)
    %dma_start3A_1081 = arith.constant 72 : i32
    %dma_start3A_1082 = arith.constant 0 : i32
    %dma_start3A_1083 = arith.constant 0 : i32
    %dma_start3A_1084 = tpu.memref_slice %arg2[%mul3A_2, %dma_start3A_1081, %dma_start3A_1082, %dma_start3A_1083] : memref<64x128x56x56xf32, #tpu.memory_space<hbm>> -> memref<2x2x56x56xf32, #tpu.memory_space<hbm>>
    %dma_start3A_1085 = arith.constant 72 : i32
    %dma_start3A_1086 = arith.constant 0 : i32
    %dma_start3A_1087 = arith.constant 0 : i32
    %dma_start3A_1088 = tpu.memref_slice %arg2[%mul3A_2, %dma_start3A_1085, %dma_start3A_1086, %dma_start3A_1087] : memref<64x128x56x56xf32, #tpu.memory_space<hbm>> -> memref<2x2x56x56xf32, #tpu.memory_space<hbm>>
    tpu.enqueue_dma source(%dma_start3A_1088 : memref<2x2x56x56xf32, #tpu.memory_space<hbm>>) target(%arg4 : memref<2x2x56x56xf32, #tpu.memory_space<vmem>>) target_semaphore(%arg8 : memref<!tpu.dma_semaphore, #tpu.memory_space<semaphore_mem>>)
    %dma_wait3A_1089 = arith.constant 66 : i32
    %dma_wait3A_1090 = arith.constant 0 : i32
    %dma_wait3A_1091 = arith.constant 0 : i32
    %dma_wait3A_1092 = tpu.memref_slice %arg2[%mul3A_2, %dma_wait3A_1089, %dma_wait3A_1090, %dma_wait3A_1091] : memref<64x128x56x56xf32, #tpu.memory_space<hbm>> -> memref<2x2x56x56xf32, #tpu.memory_space<hbm>>
    %dma_wait3A_1093 = arith.constant 66 : i32
    %dma_wait3A_1094 = arith.constant 0 : i32
    %dma_wait3A_1095 = arith.constant 0 : i32
    %dma_wait3A_1096 = tpu.memref_slice %arg2[%mul3A_2, %dma_wait3A_1093, %dma_wait3A_1094, %dma_wait3A_1095] : memref<64x128x56x56xf32, #tpu.memory_space<hbm>> -> memref<2x2x56x56xf32, #tpu.memory_space<hbm>>
    tpu.wait_dma2 semaphore(%arg9 : memref<!tpu.dma_semaphore, #tpu.memory_space<semaphore_mem>>) src(%dma_wait3A_1096 : memref<2x2x56x56xf32, #tpu.memory_space<hbm>>) dst(%arg5 : memref<2x2x56x56xf32, #tpu.memory_space<vmem>>)
    %dma_start3A_1097 = arith.constant 66 : i32
    %dma_start3A_1098 = arith.constant 0 : i32
    %dma_start3A_1099 = arith.constant 0 : i32
    %dma_start3A_1100 = tpu.memref_slice %arg3[%mul3A_2, %dma_start3A_1097, %dma_start3A_1098, %dma_start3A_1099] : memref<64x128x56x56xf32, #tpu.memory_space<hbm>> -> memref<2x2x56x56xf32, #tpu.memory_space<hbm>>
    %dma_start3A_1101 = arith.constant 66 : i32
    %dma_start3A_1102 = arith.constant 0 : i32
    %dma_start3A_1103 = arith.constant 0 : i32
    %dma_start3A_1104 = tpu.memref_slice %arg3[%mul3A_2, %dma_start3A_1101, %dma_start3A_1102, %dma_start3A_1103] : memref<64x128x56x56xf32, #tpu.memory_space<hbm>> -> memref<2x2x56x56xf32, #tpu.memory_space<hbm>>
    tpu.enqueue_dma source(%arg5 : memref<2x2x56x56xf32, #tpu.memory_space<vmem>>) target(%dma_start3A_1104 : memref<2x2x56x56xf32, #tpu.memory_space<hbm>>) target_semaphore(%arg13 : memref<!tpu.dma_semaphore, #tpu.memory_space<semaphore_mem>>)
    %dma_wait3A_1105 = arith.constant 66 : i32
    %dma_wait3A_1106 = arith.constant 0 : i32
    %dma_wait3A_1107 = arith.constant 0 : i32
    %dma_wait3A_1108 = tpu.memref_slice %arg3[%mul3A_2, %dma_wait3A_1105, %dma_wait3A_1106, %dma_wait3A_1107] : memref<64x128x56x56xf32, #tpu.memory_space<hbm>> -> memref<2x2x56x56xf32, #tpu.memory_space<hbm>>
    %dma_wait3A_1109 = arith.constant 66 : i32
    %dma_wait3A_1110 = arith.constant 0 : i32
    %dma_wait3A_1111 = arith.constant 0 : i32
    %dma_wait3A_1112 = tpu.memref_slice %arg3[%mul3A_2, %dma_wait3A_1109, %dma_wait3A_1110, %dma_wait3A_1111] : memref<64x128x56x56xf32, #tpu.memory_space<hbm>> -> memref<2x2x56x56xf32, #tpu.memory_space<hbm>>
    tpu.wait_dma2 semaphore(%arg13 : memref<!tpu.dma_semaphore, #tpu.memory_space<semaphore_mem>>) src(%arg5 : memref<2x2x56x56xf32, #tpu.memory_space<vmem>>) dst(%dma_wait3A_1112 : memref<2x2x56x56xf32, #tpu.memory_space<hbm>>)
    %dma_start3A_1113 = arith.constant 74 : i32
    %dma_start3A_1114 = arith.constant 0 : i32
    %dma_start3A_1115 = arith.constant 0 : i32
    %dma_start3A_1116 = tpu.memref_slice %arg2[%mul3A_2, %dma_start3A_1113, %dma_start3A_1114, %dma_start3A_1115] : memref<64x128x56x56xf32, #tpu.memory_space<hbm>> -> memref<2x2x56x56xf32, #tpu.memory_space<hbm>>
    %dma_start3A_1117 = arith.constant 74 : i32
    %dma_start3A_1118 = arith.constant 0 : i32
    %dma_start3A_1119 = arith.constant 0 : i32
    %dma_start3A_1120 = tpu.memref_slice %arg2[%mul3A_2, %dma_start3A_1117, %dma_start3A_1118, %dma_start3A_1119] : memref<64x128x56x56xf32, #tpu.memory_space<hbm>> -> memref<2x2x56x56xf32, #tpu.memory_space<hbm>>
    tpu.enqueue_dma source(%dma_start3A_1120 : memref<2x2x56x56xf32, #tpu.memory_space<hbm>>) target(%arg5 : memref<2x2x56x56xf32, #tpu.memory_space<vmem>>) target_semaphore(%arg9 : memref<!tpu.dma_semaphore, #tpu.memory_space<semaphore_mem>>)
    %dma_wait3A_1121 = arith.constant 68 : i32
    %dma_wait3A_1122 = arith.constant 0 : i32
    %dma_wait3A_1123 = arith.constant 0 : i32
    %dma_wait3A_1124 = tpu.memref_slice %arg2[%mul3A_2, %dma_wait3A_1121, %dma_wait3A_1122, %dma_wait3A_1123] : memref<64x128x56x56xf32, #tpu.memory_space<hbm>> -> memref<2x2x56x56xf32, #tpu.memory_space<hbm>>
    %dma_wait3A_1125 = arith.constant 68 : i32
    %dma_wait3A_1126 = arith.constant 0 : i32
    %dma_wait3A_1127 = arith.constant 0 : i32
    %dma_wait3A_1128 = tpu.memref_slice %arg2[%mul3A_2, %dma_wait3A_1125, %dma_wait3A_1126, %dma_wait3A_1127] : memref<64x128x56x56xf32, #tpu.memory_space<hbm>> -> memref<2x2x56x56xf32, #tpu.memory_space<hbm>>
    tpu.wait_dma2 semaphore(%arg10 : memref<!tpu.dma_semaphore, #tpu.memory_space<semaphore_mem>>) src(%dma_wait3A_1128 : memref<2x2x56x56xf32, #tpu.memory_space<hbm>>) dst(%arg6 : memref<2x2x56x56xf32, #tpu.memory_space<vmem>>)
    %dma_start3A_1129 = arith.constant 68 : i32
    %dma_start3A_1130 = arith.constant 0 : i32
    %dma_start3A_1131 = arith.constant 0 : i32
    %dma_start3A_1132 = tpu.memref_slice %arg3[%mul3A_2, %dma_start3A_1129, %dma_start3A_1130, %dma_start3A_1131] : memref<64x128x56x56xf32, #tpu.memory_space<hbm>> -> memref<2x2x56x56xf32, #tpu.memory_space<hbm>>
    %dma_start3A_1133 = arith.constant 68 : i32
    %dma_start3A_1134 = arith.constant 0 : i32
    %dma_start3A_1135 = arith.constant 0 : i32
    %dma_start3A_1136 = tpu.memref_slice %arg3[%mul3A_2, %dma_start3A_1133, %dma_start3A_1134, %dma_start3A_1135] : memref<64x128x56x56xf32, #tpu.memory_space<hbm>> -> memref<2x2x56x56xf32, #tpu.memory_space<hbm>>
    tpu.enqueue_dma source(%arg6 : memref<2x2x56x56xf32, #tpu.memory_space<vmem>>) target(%dma_start3A_1136 : memref<2x2x56x56xf32, #tpu.memory_space<hbm>>) target_semaphore(%arg14 : memref<!tpu.dma_semaphore, #tpu.memory_space<semaphore_mem>>)
    %dma_wait3A_1137 = arith.constant 68 : i32
    %dma_wait3A_1138 = arith.constant 0 : i32
    %dma_wait3A_1139 = arith.constant 0 : i32
    %dma_wait3A_1140 = tpu.memref_slice %arg3[%mul3A_2, %dma_wait3A_1137, %dma_wait3A_1138, %dma_wait3A_1139] : memref<64x128x56x56xf32, #tpu.memory_space<hbm>> -> memref<2x2x56x56xf32, #tpu.memory_space<hbm>>
    %dma_wait3A_1141 = arith.constant 68 : i32
    %dma_wait3A_1142 = arith.constant 0 : i32
    %dma_wait3A_1143 = arith.constant 0 : i32
    %dma_wait3A_1144 = tpu.memref_slice %arg3[%mul3A_2, %dma_wait3A_1141, %dma_wait3A_1142, %dma_wait3A_1143] : memref<64x128x56x56xf32, #tpu.memory_space<hbm>> -> memref<2x2x56x56xf32, #tpu.memory_space<hbm>>
    tpu.wait_dma2 semaphore(%arg14 : memref<!tpu.dma_semaphore, #tpu.memory_space<semaphore_mem>>) src(%arg6 : memref<2x2x56x56xf32, #tpu.memory_space<vmem>>) dst(%dma_wait3A_1144 : memref<2x2x56x56xf32, #tpu.memory_space<hbm>>)
    %dma_start3A_1145 = arith.constant 76 : i32
    %dma_start3A_1146 = arith.constant 0 : i32
    %dma_start3A_1147 = arith.constant 0 : i32
    %dma_start3A_1148 = tpu.memref_slice %arg2[%mul3A_2, %dma_start3A_1145, %dma_start3A_1146, %dma_start3A_1147] : memref<64x128x56x56xf32, #tpu.memory_space<hbm>> -> memref<2x2x56x56xf32, #tpu.memory_space<hbm>>
    %dma_start3A_1149 = arith.constant 76 : i32
    %dma_start3A_1150 = arith.constant 0 : i32
    %dma_start3A_1151 = arith.constant 0 : i32
    %dma_start3A_1152 = tpu.memref_slice %arg2[%mul3A_2, %dma_start3A_1149, %dma_start3A_1150, %dma_start3A_1151] : memref<64x128x56x56xf32, #tpu.memory_space<hbm>> -> memref<2x2x56x56xf32, #tpu.memory_space<hbm>>
    tpu.enqueue_dma source(%dma_start3A_1152 : memref<2x2x56x56xf32, #tpu.memory_space<hbm>>) target(%arg6 : memref<2x2x56x56xf32, #tpu.memory_space<vmem>>) target_semaphore(%arg10 : memref<!tpu.dma_semaphore, #tpu.memory_space<semaphore_mem>>)
    %dma_wait3A_1153 = arith.constant 70 : i32
    %dma_wait3A_1154 = arith.constant 0 : i32
    %dma_wait3A_1155 = arith.constant 0 : i32
    %dma_wait3A_1156 = tpu.memref_slice %arg2[%mul3A_2, %dma_wait3A_1153, %dma_wait3A_1154, %dma_wait3A_1155] : memref<64x128x56x56xf32, #tpu.memory_space<hbm>> -> memref<2x2x56x56xf32, #tpu.memory_space<hbm>>
    %dma_wait3A_1157 = arith.constant 70 : i32
    %dma_wait3A_1158 = arith.constant 0 : i32
    %dma_wait3A_1159 = arith.constant 0 : i32
    %dma_wait3A_1160 = tpu.memref_slice %arg2[%mul3A_2, %dma_wait3A_1157, %dma_wait3A_1158, %dma_wait3A_1159] : memref<64x128x56x56xf32, #tpu.memory_space<hbm>> -> memref<2x2x56x56xf32, #tpu.memory_space<hbm>>
    tpu.wait_dma2 semaphore(%arg11 : memref<!tpu.dma_semaphore, #tpu.memory_space<semaphore_mem>>) src(%dma_wait3A_1160 : memref<2x2x56x56xf32, #tpu.memory_space<hbm>>) dst(%arg7 : memref<2x2x56x56xf32, #tpu.memory_space<vmem>>)
    %dma_start3A_1161 = arith.constant 70 : i32
    %dma_start3A_1162 = arith.constant 0 : i32
    %dma_start3A_1163 = arith.constant 0 : i32
    %dma_start3A_1164 = tpu.memref_slice %arg3[%mul3A_2, %dma_start3A_1161, %dma_start3A_1162, %dma_start3A_1163] : memref<64x128x56x56xf32, #tpu.memory_space<hbm>> -> memref<2x2x56x56xf32, #tpu.memory_space<hbm>>
    %dma_start3A_1165 = arith.constant 70 : i32
    %dma_start3A_1166 = arith.constant 0 : i32
    %dma_start3A_1167 = arith.constant 0 : i32
    %dma_start3A_1168 = tpu.memref_slice %arg3[%mul3A_2, %dma_start3A_1165, %dma_start3A_1166, %dma_start3A_1167] : memref<64x128x56x56xf32, #tpu.memory_space<hbm>> -> memref<2x2x56x56xf32, #tpu.memory_space<hbm>>
    tpu.enqueue_dma source(%arg7 : memref<2x2x56x56xf32, #tpu.memory_space<vmem>>) target(%dma_start3A_1168 : memref<2x2x56x56xf32, #tpu.memory_space<hbm>>) target_semaphore(%arg15 : memref<!tpu.dma_semaphore, #tpu.memory_space<semaphore_mem>>)
    %dma_wait3A_1169 = arith.constant 70 : i32
    %dma_wait3A_1170 = arith.constant 0 : i32
    %dma_wait3A_1171 = arith.constant 0 : i32
    %dma_wait3A_1172 = tpu.memref_slice %arg3[%mul3A_2, %dma_wait3A_1169, %dma_wait3A_1170, %dma_wait3A_1171] : memref<64x128x56x56xf32, #tpu.memory_space<hbm>> -> memref<2x2x56x56xf32, #tpu.memory_space<hbm>>
    %dma_wait3A_1173 = arith.constant 70 : i32
    %dma_wait3A_1174 = arith.constant 0 : i32
    %dma_wait3A_1175 = arith.constant 0 : i32
    %dma_wait3A_1176 = tpu.memref_slice %arg3[%mul3A_2, %dma_wait3A_1173, %dma_wait3A_1174, %dma_wait3A_1175] : memref<64x128x56x56xf32, #tpu.memory_space<hbm>> -> memref<2x2x56x56xf32, #tpu.memory_space<hbm>>
    tpu.wait_dma2 semaphore(%arg15 : memref<!tpu.dma_semaphore, #tpu.memory_space<semaphore_mem>>) src(%arg7 : memref<2x2x56x56xf32, #tpu.memory_space<vmem>>) dst(%dma_wait3A_1176 : memref<2x2x56x56xf32, #tpu.memory_space<hbm>>)
    %dma_start3A_1177 = arith.constant 78 : i32
    %dma_start3A_1178 = arith.constant 0 : i32
    %dma_start3A_1179 = arith.constant 0 : i32
    %dma_start3A_1180 = tpu.memref_slice %arg2[%mul3A_2, %dma_start3A_1177, %dma_start3A_1178, %dma_start3A_1179] : memref<64x128x56x56xf32, #tpu.memory_space<hbm>> -> memref<2x2x56x56xf32, #tpu.memory_space<hbm>>
    %dma_start3A_1181 = arith.constant 78 : i32
    %dma_start3A_1182 = arith.constant 0 : i32
    %dma_start3A_1183 = arith.constant 0 : i32
    %dma_start3A_1184 = tpu.memref_slice %arg2[%mul3A_2, %dma_start3A_1181, %dma_start3A_1182, %dma_start3A_1183] : memref<64x128x56x56xf32, #tpu.memory_space<hbm>> -> memref<2x2x56x56xf32, #tpu.memory_space<hbm>>
    tpu.enqueue_dma source(%dma_start3A_1184 : memref<2x2x56x56xf32, #tpu.memory_space<hbm>>) target(%arg7 : memref<2x2x56x56xf32, #tpu.memory_space<vmem>>) target_semaphore(%arg11 : memref<!tpu.dma_semaphore, #tpu.memory_space<semaphore_mem>>)
    %dma_wait3A_1185 = arith.constant 72 : i32
    %dma_wait3A_1186 = arith.constant 0 : i32
    %dma_wait3A_1187 = arith.constant 0 : i32
    %dma_wait3A_1188 = tpu.memref_slice %arg2[%mul3A_2, %dma_wait3A_1185, %dma_wait3A_1186, %dma_wait3A_1187] : memref<64x128x56x56xf32, #tpu.memory_space<hbm>> -> memref<2x2x56x56xf32, #tpu.memory_space<hbm>>
    %dma_wait3A_1189 = arith.constant 72 : i32
    %dma_wait3A_1190 = arith.constant 0 : i32
    %dma_wait3A_1191 = arith.constant 0 : i32
    %dma_wait3A_1192 = tpu.memref_slice %arg2[%mul3A_2, %dma_wait3A_1189, %dma_wait3A_1190, %dma_wait3A_1191] : memref<64x128x56x56xf32, #tpu.memory_space<hbm>> -> memref<2x2x56x56xf32, #tpu.memory_space<hbm>>
    tpu.wait_dma2 semaphore(%arg8 : memref<!tpu.dma_semaphore, #tpu.memory_space<semaphore_mem>>) src(%dma_wait3A_1192 : memref<2x2x56x56xf32, #tpu.memory_space<hbm>>) dst(%arg4 : memref<2x2x56x56xf32, #tpu.memory_space<vmem>>)
    %dma_start3A_1193 = arith.constant 72 : i32
    %dma_start3A_1194 = arith.constant 0 : i32
    %dma_start3A_1195 = arith.constant 0 : i32
    %dma_start3A_1196 = tpu.memref_slice %arg3[%mul3A_2, %dma_start3A_1193, %dma_start3A_1194, %dma_start3A_1195] : memref<64x128x56x56xf32, #tpu.memory_space<hbm>> -> memref<2x2x56x56xf32, #tpu.memory_space<hbm>>
    %dma_start3A_1197 = arith.constant 72 : i32
    %dma_start3A_1198 = arith.constant 0 : i32
    %dma_start3A_1199 = arith.constant 0 : i32
    %dma_start3A_1200 = tpu.memref_slice %arg3[%mul3A_2, %dma_start3A_1197, %dma_start3A_1198, %dma_start3A_1199] : memref<64x128x56x56xf32, #tpu.memory_space<hbm>> -> memref<2x2x56x56xf32, #tpu.memory_space<hbm>>
    tpu.enqueue_dma source(%arg4 : memref<2x2x56x56xf32, #tpu.memory_space<vmem>>) target(%dma_start3A_1200 : memref<2x2x56x56xf32, #tpu.memory_space<hbm>>) target_semaphore(%arg12 : memref<!tpu.dma_semaphore, #tpu.memory_space<semaphore_mem>>)
    %dma_wait3A_1201 = arith.constant 72 : i32
    %dma_wait3A_1202 = arith.constant 0 : i32
    %dma_wait3A_1203 = arith.constant 0 : i32
    %dma_wait3A_1204 = tpu.memref_slice %arg3[%mul3A_2, %dma_wait3A_1201, %dma_wait3A_1202, %dma_wait3A_1203] : memref<64x128x56x56xf32, #tpu.memory_space<hbm>> -> memref<2x2x56x56xf32, #tpu.memory_space<hbm>>
    %dma_wait3A_1205 = arith.constant 72 : i32
    %dma_wait3A_1206 = arith.constant 0 : i32
    %dma_wait3A_1207 = arith.constant 0 : i32
    %dma_wait3A_1208 = tpu.memref_slice %arg3[%mul3A_2, %dma_wait3A_1205, %dma_wait3A_1206, %dma_wait3A_1207] : memref<64x128x56x56xf32, #tpu.memory_space<hbm>> -> memref<2x2x56x56xf32, #tpu.memory_space<hbm>>
    tpu.wait_dma2 semaphore(%arg12 : memref<!tpu.dma_semaphore, #tpu.memory_space<semaphore_mem>>) src(%arg4 : memref<2x2x56x56xf32, #tpu.memory_space<vmem>>) dst(%dma_wait3A_1208 : memref<2x2x56x56xf32, #tpu.memory_space<hbm>>)
    %dma_start3A_1209 = arith.constant 80 : i32
    %dma_start3A_1210 = arith.constant 0 : i32
    %dma_start3A_1211 = arith.constant 0 : i32
    %dma_start3A_1212 = tpu.memref_slice %arg2[%mul3A_2, %dma_start3A_1209, %dma_start3A_1210, %dma_start3A_1211] : memref<64x128x56x56xf32, #tpu.memory_space<hbm>> -> memref<2x2x56x56xf32, #tpu.memory_space<hbm>>
    %dma_start3A_1213 = arith.constant 80 : i32
    %dma_start3A_1214 = arith.constant 0 : i32
    %dma_start3A_1215 = arith.constant 0 : i32
    %dma_start3A_1216 = tpu.memref_slice %arg2[%mul3A_2, %dma_start3A_1213, %dma_start3A_1214, %dma_start3A_1215] : memref<64x128x56x56xf32, #tpu.memory_space<hbm>> -> memref<2x2x56x56xf32, #tpu.memory_space<hbm>>
    tpu.enqueue_dma source(%dma_start3A_1216 : memref<2x2x56x56xf32, #tpu.memory_space<hbm>>) target(%arg4 : memref<2x2x56x56xf32, #tpu.memory_space<vmem>>) target_semaphore(%arg8 : memref<!tpu.dma_semaphore, #tpu.memory_space<semaphore_mem>>)
    %dma_wait3A_1217 = arith.constant 74 : i32
    %dma_wait3A_1218 = arith.constant 0 : i32
    %dma_wait3A_1219 = arith.constant 0 : i32
    %dma_wait3A_1220 = tpu.memref_slice %arg2[%mul3A_2, %dma_wait3A_1217, %dma_wait3A_1218, %dma_wait3A_1219] : memref<64x128x56x56xf32, #tpu.memory_space<hbm>> -> memref<2x2x56x56xf32, #tpu.memory_space<hbm>>
    %dma_wait3A_1221 = arith.constant 74 : i32
    %dma_wait3A_1222 = arith.constant 0 : i32
    %dma_wait3A_1223 = arith.constant 0 : i32
    %dma_wait3A_1224 = tpu.memref_slice %arg2[%mul3A_2, %dma_wait3A_1221, %dma_wait3A_1222, %dma_wait3A_1223] : memref<64x128x56x56xf32, #tpu.memory_space<hbm>> -> memref<2x2x56x56xf32, #tpu.memory_space<hbm>>
    tpu.wait_dma2 semaphore(%arg9 : memref<!tpu.dma_semaphore, #tpu.memory_space<semaphore_mem>>) src(%dma_wait3A_1224 : memref<2x2x56x56xf32, #tpu.memory_space<hbm>>) dst(%arg5 : memref<2x2x56x56xf32, #tpu.memory_space<vmem>>)
    %dma_start3A_1225 = arith.constant 74 : i32
    %dma_start3A_1226 = arith.constant 0 : i32
    %dma_start3A_1227 = arith.constant 0 : i32
    %dma_start3A_1228 = tpu.memref_slice %arg3[%mul3A_2, %dma_start3A_1225, %dma_start3A_1226, %dma_start3A_1227] : memref<64x128x56x56xf32, #tpu.memory_space<hbm>> -> memref<2x2x56x56xf32, #tpu.memory_space<hbm>>
    %dma_start3A_1229 = arith.constant 74 : i32
    %dma_start3A_1230 = arith.constant 0 : i32
    %dma_start3A_1231 = arith.constant 0 : i32
    %dma_start3A_1232 = tpu.memref_slice %arg3[%mul3A_2, %dma_start3A_1229, %dma_start3A_1230, %dma_start3A_1231] : memref<64x128x56x56xf32, #tpu.memory_space<hbm>> -> memref<2x2x56x56xf32, #tpu.memory_space<hbm>>
    tpu.enqueue_dma source(%arg5 : memref<2x2x56x56xf32, #tpu.memory_space<vmem>>) target(%dma_start3A_1232 : memref<2x2x56x56xf32, #tpu.memory_space<hbm>>) target_semaphore(%arg13 : memref<!tpu.dma_semaphore, #tpu.memory_space<semaphore_mem>>)
    %dma_wait3A_1233 = arith.constant 74 : i32
    %dma_wait3A_1234 = arith.constant 0 : i32
    %dma_wait3A_1235 = arith.constant 0 : i32
    %dma_wait3A_1236 = tpu.memref_slice %arg3[%mul3A_2, %dma_wait3A_1233, %dma_wait3A_1234, %dma_wait3A_1235] : memref<64x128x56x56xf32, #tpu.memory_space<hbm>> -> memref<2x2x56x56xf32, #tpu.memory_space<hbm>>
    %dma_wait3A_1237 = arith.constant 74 : i32
    %dma_wait3A_1238 = arith.constant 0 : i32
    %dma_wait3A_1239 = arith.constant 0 : i32
    %dma_wait3A_1240 = tpu.memref_slice %arg3[%mul3A_2, %dma_wait3A_1237, %dma_wait3A_1238, %dma_wait3A_1239] : memref<64x128x56x56xf32, #tpu.memory_space<hbm>> -> memref<2x2x56x56xf32, #tpu.memory_space<hbm>>
    tpu.wait_dma2 semaphore(%arg13 : memref<!tpu.dma_semaphore, #tpu.memory_space<semaphore_mem>>) src(%arg5 : memref<2x2x56x56xf32, #tpu.memory_space<vmem>>) dst(%dma_wait3A_1240 : memref<2x2x56x56xf32, #tpu.memory_space<hbm>>)
    %dma_start3A_1241 = arith.constant 82 : i32
    %dma_start3A_1242 = arith.constant 0 : i32
    %dma_start3A_1243 = arith.constant 0 : i32
    %dma_start3A_1244 = tpu.memref_slice %arg2[%mul3A_2, %dma_start3A_1241, %dma_start3A_1242, %dma_start3A_1243] : memref<64x128x56x56xf32, #tpu.memory_space<hbm>> -> memref<2x2x56x56xf32, #tpu.memory_space<hbm>>
    %dma_start3A_1245 = arith.constant 82 : i32
    %dma_start3A_1246 = arith.constant 0 : i32
    %dma_start3A_1247 = arith.constant 0 : i32
    %dma_start3A_1248 = tpu.memref_slice %arg2[%mul3A_2, %dma_start3A_1245, %dma_start3A_1246, %dma_start3A_1247] : memref<64x128x56x56xf32, #tpu.memory_space<hbm>> -> memref<2x2x56x56xf32, #tpu.memory_space<hbm>>
    tpu.enqueue_dma source(%dma_start3A_1248 : memref<2x2x56x56xf32, #tpu.memory_space<hbm>>) target(%arg5 : memref<2x2x56x56xf32, #tpu.memory_space<vmem>>) target_semaphore(%arg9 : memref<!tpu.dma_semaphore, #tpu.memory_space<semaphore_mem>>)
    %dma_wait3A_1249 = arith.constant 76 : i32
    %dma_wait3A_1250 = arith.constant 0 : i32
    %dma_wait3A_1251 = arith.constant 0 : i32
    %dma_wait3A_1252 = tpu.memref_slice %arg2[%mul3A_2, %dma_wait3A_1249, %dma_wait3A_1250, %dma_wait3A_1251] : memref<64x128x56x56xf32, #tpu.memory_space<hbm>> -> memref<2x2x56x56xf32, #tpu.memory_space<hbm>>
    %dma_wait3A_1253 = arith.constant 76 : i32
    %dma_wait3A_1254 = arith.constant 0 : i32
    %dma_wait3A_1255 = arith.constant 0 : i32
    %dma_wait3A_1256 = tpu.memref_slice %arg2[%mul3A_2, %dma_wait3A_1253, %dma_wait3A_1254, %dma_wait3A_1255] : memref<64x128x56x56xf32, #tpu.memory_space<hbm>> -> memref<2x2x56x56xf32, #tpu.memory_space<hbm>>
    tpu.wait_dma2 semaphore(%arg10 : memref<!tpu.dma_semaphore, #tpu.memory_space<semaphore_mem>>) src(%dma_wait3A_1256 : memref<2x2x56x56xf32, #tpu.memory_space<hbm>>) dst(%arg6 : memref<2x2x56x56xf32, #tpu.memory_space<vmem>>)
    %dma_start3A_1257 = arith.constant 76 : i32
    %dma_start3A_1258 = arith.constant 0 : i32
    %dma_start3A_1259 = arith.constant 0 : i32
    %dma_start3A_1260 = tpu.memref_slice %arg3[%mul3A_2, %dma_start3A_1257, %dma_start3A_1258, %dma_start3A_1259] : memref<64x128x56x56xf32, #tpu.memory_space<hbm>> -> memref<2x2x56x56xf32, #tpu.memory_space<hbm>>
    %dma_start3A_1261 = arith.constant 76 : i32
    %dma_start3A_1262 = arith.constant 0 : i32
    %dma_start3A_1263 = arith.constant 0 : i32
    %dma_start3A_1264 = tpu.memref_slice %arg3[%mul3A_2, %dma_start3A_1261, %dma_start3A_1262, %dma_start3A_1263] : memref<64x128x56x56xf32, #tpu.memory_space<hbm>> -> memref<2x2x56x56xf32, #tpu.memory_space<hbm>>
    tpu.enqueue_dma source(%arg6 : memref<2x2x56x56xf32, #tpu.memory_space<vmem>>) target(%dma_start3A_1264 : memref<2x2x56x56xf32, #tpu.memory_space<hbm>>) target_semaphore(%arg14 : memref<!tpu.dma_semaphore, #tpu.memory_space<semaphore_mem>>)
    %dma_wait3A_1265 = arith.constant 76 : i32
    %dma_wait3A_1266 = arith.constant 0 : i32
    %dma_wait3A_1267 = arith.constant 0 : i32
    %dma_wait3A_1268 = tpu.memref_slice %arg3[%mul3A_2, %dma_wait3A_1265, %dma_wait3A_1266, %dma_wait3A_1267] : memref<64x128x56x56xf32, #tpu.memory_space<hbm>> -> memref<2x2x56x56xf32, #tpu.memory_space<hbm>>
    %dma_wait3A_1269 = arith.constant 76 : i32
    %dma_wait3A_1270 = arith.constant 0 : i32
    %dma_wait3A_1271 = arith.constant 0 : i32
    %dma_wait3A_1272 = tpu.memref_slice %arg3[%mul3A_2, %dma_wait3A_1269, %dma_wait3A_1270, %dma_wait3A_1271] : memref<64x128x56x56xf32, #tpu.memory_space<hbm>> -> memref<2x2x56x56xf32, #tpu.memory_space<hbm>>
    tpu.wait_dma2 semaphore(%arg14 : memref<!tpu.dma_semaphore, #tpu.memory_space<semaphore_mem>>) src(%arg6 : memref<2x2x56x56xf32, #tpu.memory_space<vmem>>) dst(%dma_wait3A_1272 : memref<2x2x56x56xf32, #tpu.memory_space<hbm>>)
    %dma_start3A_1273 = arith.constant 84 : i32
    %dma_start3A_1274 = arith.constant 0 : i32
    %dma_start3A_1275 = arith.constant 0 : i32
    %dma_start3A_1276 = tpu.memref_slice %arg2[%mul3A_2, %dma_start3A_1273, %dma_start3A_1274, %dma_start3A_1275] : memref<64x128x56x56xf32, #tpu.memory_space<hbm>> -> memref<2x2x56x56xf32, #tpu.memory_space<hbm>>
    %dma_start3A_1277 = arith.constant 84 : i32
    %dma_start3A_1278 = arith.constant 0 : i32
    %dma_start3A_1279 = arith.constant 0 : i32
    %dma_start3A_1280 = tpu.memref_slice %arg2[%mul3A_2, %dma_start3A_1277, %dma_start3A_1278, %dma_start3A_1279] : memref<64x128x56x56xf32, #tpu.memory_space<hbm>> -> memref<2x2x56x56xf32, #tpu.memory_space<hbm>>
    tpu.enqueue_dma source(%dma_start3A_1280 : memref<2x2x56x56xf32, #tpu.memory_space<hbm>>) target(%arg6 : memref<2x2x56x56xf32, #tpu.memory_space<vmem>>) target_semaphore(%arg10 : memref<!tpu.dma_semaphore, #tpu.memory_space<semaphore_mem>>)
    %dma_wait3A_1281 = arith.constant 78 : i32
    %dma_wait3A_1282 = arith.constant 0 : i32
    %dma_wait3A_1283 = arith.constant 0 : i32
    %dma_wait3A_1284 = tpu.memref_slice %arg2[%mul3A_2, %dma_wait3A_1281, %dma_wait3A_1282, %dma_wait3A_1283] : memref<64x128x56x56xf32, #tpu.memory_space<hbm>> -> memref<2x2x56x56xf32, #tpu.memory_space<hbm>>
    %dma_wait3A_1285 = arith.constant 78 : i32
    %dma_wait3A_1286 = arith.constant 0 : i32
    %dma_wait3A_1287 = arith.constant 0 : i32
    %dma_wait3A_1288 = tpu.memref_slice %arg2[%mul3A_2, %dma_wait3A_1285, %dma_wait3A_1286, %dma_wait3A_1287] : memref<64x128x56x56xf32, #tpu.memory_space<hbm>> -> memref<2x2x56x56xf32, #tpu.memory_space<hbm>>
    tpu.wait_dma2 semaphore(%arg11 : memref<!tpu.dma_semaphore, #tpu.memory_space<semaphore_mem>>) src(%dma_wait3A_1288 : memref<2x2x56x56xf32, #tpu.memory_space<hbm>>) dst(%arg7 : memref<2x2x56x56xf32, #tpu.memory_space<vmem>>)
    %dma_start3A_1289 = arith.constant 78 : i32
    %dma_start3A_1290 = arith.constant 0 : i32
    %dma_start3A_1291 = arith.constant 0 : i32
    %dma_start3A_1292 = tpu.memref_slice %arg3[%mul3A_2, %dma_start3A_1289, %dma_start3A_1290, %dma_start3A_1291] : memref<64x128x56x56xf32, #tpu.memory_space<hbm>> -> memref<2x2x56x56xf32, #tpu.memory_space<hbm>>
    %dma_start3A_1293 = arith.constant 78 : i32
    %dma_start3A_1294 = arith.constant 0 : i32
    %dma_start3A_1295 = arith.constant 0 : i32
    %dma_start3A_1296 = tpu.memref_slice %arg3[%mul3A_2, %dma_start3A_1293, %dma_start3A_1294, %dma_start3A_1295] : memref<64x128x56x56xf32, #tpu.memory_space<hbm>> -> memref<2x2x56x56xf32, #tpu.memory_space<hbm>>
    tpu.enqueue_dma source(%arg7 : memref<2x2x56x56xf32, #tpu.memory_space<vmem>>) target(%dma_start3A_1296 : memref<2x2x56x56xf32, #tpu.memory_space<hbm>>) target_semaphore(%arg15 : memref<!tpu.dma_semaphore, #tpu.memory_space<semaphore_mem>>)
    %dma_wait3A_1297 = arith.constant 78 : i32
    %dma_wait3A_1298 = arith.constant 0 : i32
    %dma_wait3A_1299 = arith.constant 0 : i32
    %dma_wait3A_1300 = tpu.memref_slice %arg3[%mul3A_2, %dma_wait3A_1297, %dma_wait3A_1298, %dma_wait3A_1299] : memref<64x128x56x56xf32, #tpu.memory_space<hbm>> -> memref<2x2x56x56xf32, #tpu.memory_space<hbm>>
    %dma_wait3A_1301 = arith.constant 78 : i32
    %dma_wait3A_1302 = arith.constant 0 : i32
    %dma_wait3A_1303 = arith.constant 0 : i32
    %dma_wait3A_1304 = tpu.memref_slice %arg3[%mul3A_2, %dma_wait3A_1301, %dma_wait3A_1302, %dma_wait3A_1303] : memref<64x128x56x56xf32, #tpu.memory_space<hbm>> -> memref<2x2x56x56xf32, #tpu.memory_space<hbm>>
    tpu.wait_dma2 semaphore(%arg15 : memref<!tpu.dma_semaphore, #tpu.memory_space<semaphore_mem>>) src(%arg7 : memref<2x2x56x56xf32, #tpu.memory_space<vmem>>) dst(%dma_wait3A_1304 : memref<2x2x56x56xf32, #tpu.memory_space<hbm>>)
    %dma_start3A_1305 = arith.constant 86 : i32
    %dma_start3A_1306 = arith.constant 0 : i32
    %dma_start3A_1307 = arith.constant 0 : i32
    %dma_start3A_1308 = tpu.memref_slice %arg2[%mul3A_2, %dma_start3A_1305, %dma_start3A_1306, %dma_start3A_1307] : memref<64x128x56x56xf32, #tpu.memory_space<hbm>> -> memref<2x2x56x56xf32, #tpu.memory_space<hbm>>
    %dma_start3A_1309 = arith.constant 86 : i32
    %dma_start3A_1310 = arith.constant 0 : i32
    %dma_start3A_1311 = arith.constant 0 : i32
    %dma_start3A_1312 = tpu.memref_slice %arg2[%mul3A_2, %dma_start3A_1309, %dma_start3A_1310, %dma_start3A_1311] : memref<64x128x56x56xf32, #tpu.memory_space<hbm>> -> memref<2x2x56x56xf32, #tpu.memory_space<hbm>>
    tpu.enqueue_dma source(%dma_start3A_1312 : memref<2x2x56x56xf32, #tpu.memory_space<hbm>>) target(%arg7 : memref<2x2x56x56xf32, #tpu.memory_space<vmem>>) target_semaphore(%arg11 : memref<!tpu.dma_semaphore, #tpu.memory_space<semaphore_mem>>)
    %dma_wait3A_1313 = arith.constant 80 : i32
    %dma_wait3A_1314 = arith.constant 0 : i32
    %dma_wait3A_1315 = arith.constant 0 : i32
    %dma_wait3A_1316 = tpu.memref_slice %arg2[%mul3A_2, %dma_wait3A_1313, %dma_wait3A_1314, %dma_wait3A_1315] : memref<64x128x56x56xf32, #tpu.memory_space<hbm>> -> memref<2x2x56x56xf32, #tpu.memory_space<hbm>>
    %dma_wait3A_1317 = arith.constant 80 : i32
    %dma_wait3A_1318 = arith.constant 0 : i32
    %dma_wait3A_1319 = arith.constant 0 : i32
    %dma_wait3A_1320 = tpu.memref_slice %arg2[%mul3A_2, %dma_wait3A_1317, %dma_wait3A_1318, %dma_wait3A_1319] : memref<64x128x56x56xf32, #tpu.memory_space<hbm>> -> memref<2x2x56x56xf32, #tpu.memory_space<hbm>>
    tpu.wait_dma2 semaphore(%arg8 : memref<!tpu.dma_semaphore, #tpu.memory_space<semaphore_mem>>) src(%dma_wait3A_1320 : memref<2x2x56x56xf32, #tpu.memory_space<hbm>>) dst(%arg4 : memref<2x2x56x56xf32, #tpu.memory_space<vmem>>)
    %dma_start3A_1321 = arith.constant 80 : i32
    %dma_start3A_1322 = arith.constant 0 : i32
    %dma_start3A_1323 = arith.constant 0 : i32
    %dma_start3A_1324 = tpu.memref_slice %arg3[%mul3A_2, %dma_start3A_1321, %dma_start3A_1322, %dma_start3A_1323] : memref<64x128x56x56xf32, #tpu.memory_space<hbm>> -> memref<2x2x56x56xf32, #tpu.memory_space<hbm>>
    %dma_start3A_1325 = arith.constant 80 : i32
    %dma_start3A_1326 = arith.constant 0 : i32
    %dma_start3A_1327 = arith.constant 0 : i32
    %dma_start3A_1328 = tpu.memref_slice %arg3[%mul3A_2, %dma_start3A_1325, %dma_start3A_1326, %dma_start3A_1327] : memref<64x128x56x56xf32, #tpu.memory_space<hbm>> -> memref<2x2x56x56xf32, #tpu.memory_space<hbm>>
    tpu.enqueue_dma source(%arg4 : memref<2x2x56x56xf32, #tpu.memory_space<vmem>>) target(%dma_start3A_1328 : memref<2x2x56x56xf32, #tpu.memory_space<hbm>>) target_semaphore(%arg12 : memref<!tpu.dma_semaphore, #tpu.memory_space<semaphore_mem>>)
    %dma_wait3A_1329 = arith.constant 80 : i32
    %dma_wait3A_1330 = arith.constant 0 : i32
    %dma_wait3A_1331 = arith.constant 0 : i32
    %dma_wait3A_1332 = tpu.memref_slice %arg3[%mul3A_2, %dma_wait3A_1329, %dma_wait3A_1330, %dma_wait3A_1331] : memref<64x128x56x56xf32, #tpu.memory_space<hbm>> -> memref<2x2x56x56xf32, #tpu.memory_space<hbm>>
    %dma_wait3A_1333 = arith.constant 80 : i32
    %dma_wait3A_1334 = arith.constant 0 : i32
    %dma_wait3A_1335 = arith.constant 0 : i32
    %dma_wait3A_1336 = tpu.memref_slice %arg3[%mul3A_2, %dma_wait3A_1333, %dma_wait3A_1334, %dma_wait3A_1335] : memref<64x128x56x56xf32, #tpu.memory_space<hbm>> -> memref<2x2x56x56xf32, #tpu.memory_space<hbm>>
    tpu.wait_dma2 semaphore(%arg12 : memref<!tpu.dma_semaphore, #tpu.memory_space<semaphore_mem>>) src(%arg4 : memref<2x2x56x56xf32, #tpu.memory_space<vmem>>) dst(%dma_wait3A_1336 : memref<2x2x56x56xf32, #tpu.memory_space<hbm>>)
    %dma_start3A_1337 = arith.constant 88 : i32
    %dma_start3A_1338 = arith.constant 0 : i32
    %dma_start3A_1339 = arith.constant 0 : i32
    %dma_start3A_1340 = tpu.memref_slice %arg2[%mul3A_2, %dma_start3A_1337, %dma_start3A_1338, %dma_start3A_1339] : memref<64x128x56x56xf32, #tpu.memory_space<hbm>> -> memref<2x2x56x56xf32, #tpu.memory_space<hbm>>
    %dma_start3A_1341 = arith.constant 88 : i32
    %dma_start3A_1342 = arith.constant 0 : i32
    %dma_start3A_1343 = arith.constant 0 : i32
    %dma_start3A_1344 = tpu.memref_slice %arg2[%mul3A_2, %dma_start3A_1341, %dma_start3A_1342, %dma_start3A_1343] : memref<64x128x56x56xf32, #tpu.memory_space<hbm>> -> memref<2x2x56x56xf32, #tpu.memory_space<hbm>>
    tpu.enqueue_dma source(%dma_start3A_1344 : memref<2x2x56x56xf32, #tpu.memory_space<hbm>>) target(%arg4 : memref<2x2x56x56xf32, #tpu.memory_space<vmem>>) target_semaphore(%arg8 : memref<!tpu.dma_semaphore, #tpu.memory_space<semaphore_mem>>)
    %dma_wait3A_1345 = arith.constant 82 : i32
    %dma_wait3A_1346 = arith.constant 0 : i32
    %dma_wait3A_1347 = arith.constant 0 : i32
    %dma_wait3A_1348 = tpu.memref_slice %arg2[%mul3A_2, %dma_wait3A_1345, %dma_wait3A_1346, %dma_wait3A_1347] : memref<64x128x56x56xf32, #tpu.memory_space<hbm>> -> memref<2x2x56x56xf32, #tpu.memory_space<hbm>>
    %dma_wait3A_1349 = arith.constant 82 : i32
    %dma_wait3A_1350 = arith.constant 0 : i32
    %dma_wait3A_1351 = arith.constant 0 : i32
    %dma_wait3A_1352 = tpu.memref_slice %arg2[%mul3A_2, %dma_wait3A_1349, %dma_wait3A_1350, %dma_wait3A_1351] : memref<64x128x56x56xf32, #tpu.memory_space<hbm>> -> memref<2x2x56x56xf32, #tpu.memory_space<hbm>>
    tpu.wait_dma2 semaphore(%arg9 : memref<!tpu.dma_semaphore, #tpu.memory_space<semaphore_mem>>) src(%dma_wait3A_1352 : memref<2x2x56x56xf32, #tpu.memory_space<hbm>>) dst(%arg5 : memref<2x2x56x56xf32, #tpu.memory_space<vmem>>)
    %dma_start3A_1353 = arith.constant 82 : i32
    %dma_start3A_1354 = arith.constant 0 : i32
    %dma_start3A_1355 = arith.constant 0 : i32
    %dma_start3A_1356 = tpu.memref_slice %arg3[%mul3A_2, %dma_start3A_1353, %dma_start3A_1354, %dma_start3A_1355] : memref<64x128x56x56xf32, #tpu.memory_space<hbm>> -> memref<2x2x56x56xf32, #tpu.memory_space<hbm>>
    %dma_start3A_1357 = arith.constant 82 : i32
    %dma_start3A_1358 = arith.constant 0 : i32
    %dma_start3A_1359 = arith.constant 0 : i32
    %dma_start3A_1360 = tpu.memref_slice %arg3[%mul3A_2, %dma_start3A_1357, %dma_start3A_1358, %dma_start3A_1359] : memref<64x128x56x56xf32, #tpu.memory_space<hbm>> -> memref<2x2x56x56xf32, #tpu.memory_space<hbm>>
    tpu.enqueue_dma source(%arg5 : memref<2x2x56x56xf32, #tpu.memory_space<vmem>>) target(%dma_start3A_1360 : memref<2x2x56x56xf32, #tpu.memory_space<hbm>>) target_semaphore(%arg13 : memref<!tpu.dma_semaphore, #tpu.memory_space<semaphore_mem>>)
    %dma_wait3A_1361 = arith.constant 82 : i32
    %dma_wait3A_1362 = arith.constant 0 : i32
    %dma_wait3A_1363 = arith.constant 0 : i32
    %dma_wait3A_1364 = tpu.memref_slice %arg3[%mul3A_2, %dma_wait3A_1361, %dma_wait3A_1362, %dma_wait3A_1363] : memref<64x128x56x56xf32, #tpu.memory_space<hbm>> -> memref<2x2x56x56xf32, #tpu.memory_space<hbm>>
    %dma_wait3A_1365 = arith.constant 82 : i32
    %dma_wait3A_1366 = arith.constant 0 : i32
    %dma_wait3A_1367 = arith.constant 0 : i32
    %dma_wait3A_1368 = tpu.memref_slice %arg3[%mul3A_2, %dma_wait3A_1365, %dma_wait3A_1366, %dma_wait3A_1367] : memref<64x128x56x56xf32, #tpu.memory_space<hbm>> -> memref<2x2x56x56xf32, #tpu.memory_space<hbm>>
    tpu.wait_dma2 semaphore(%arg13 : memref<!tpu.dma_semaphore, #tpu.memory_space<semaphore_mem>>) src(%arg5 : memref<2x2x56x56xf32, #tpu.memory_space<vmem>>) dst(%dma_wait3A_1368 : memref<2x2x56x56xf32, #tpu.memory_space<hbm>>)
    %dma_start3A_1369 = arith.constant 90 : i32
    %dma_start3A_1370 = arith.constant 0 : i32
    %dma_start3A_1371 = arith.constant 0 : i32
    %dma_start3A_1372 = tpu.memref_slice %arg2[%mul3A_2, %dma_start3A_1369, %dma_start3A_1370, %dma_start3A_1371] : memref<64x128x56x56xf32, #tpu.memory_space<hbm>> -> memref<2x2x56x56xf32, #tpu.memory_space<hbm>>
    %dma_start3A_1373 = arith.constant 90 : i32
    %dma_start3A_1374 = arith.constant 0 : i32
    %dma_start3A_1375 = arith.constant 0 : i32
    %dma_start3A_1376 = tpu.memref_slice %arg2[%mul3A_2, %dma_start3A_1373, %dma_start3A_1374, %dma_start3A_1375] : memref<64x128x56x56xf32, #tpu.memory_space<hbm>> -> memref<2x2x56x56xf32, #tpu.memory_space<hbm>>
    tpu.enqueue_dma source(%dma_start3A_1376 : memref<2x2x56x56xf32, #tpu.memory_space<hbm>>) target(%arg5 : memref<2x2x56x56xf32, #tpu.memory_space<vmem>>) target_semaphore(%arg9 : memref<!tpu.dma_semaphore, #tpu.memory_space<semaphore_mem>>)
    %dma_wait3A_1377 = arith.constant 84 : i32
    %dma_wait3A_1378 = arith.constant 0 : i32
    %dma_wait3A_1379 = arith.constant 0 : i32
    %dma_wait3A_1380 = tpu.memref_slice %arg2[%mul3A_2, %dma_wait3A_1377, %dma_wait3A_1378, %dma_wait3A_1379] : memref<64x128x56x56xf32, #tpu.memory_space<hbm>> -> memref<2x2x56x56xf32, #tpu.memory_space<hbm>>
    %dma_wait3A_1381 = arith.constant 84 : i32
    %dma_wait3A_1382 = arith.constant 0 : i32
    %dma_wait3A_1383 = arith.constant 0 : i32
    %dma_wait3A_1384 = tpu.memref_slice %arg2[%mul3A_2, %dma_wait3A_1381, %dma_wait3A_1382, %dma_wait3A_1383] : memref<64x128x56x56xf32, #tpu.memory_space<hbm>> -> memref<2x2x56x56xf32, #tpu.memory_space<hbm>>
    tpu.wait_dma2 semaphore(%arg10 : memref<!tpu.dma_semaphore, #tpu.memory_space<semaphore_mem>>) src(%dma_wait3A_1384 : memref<2x2x56x56xf32, #tpu.memory_space<hbm>>) dst(%arg6 : memref<2x2x56x56xf32, #tpu.memory_space<vmem>>)
    %dma_start3A_1385 = arith.constant 84 : i32
    %dma_start3A_1386 = arith.constant 0 : i32
    %dma_start3A_1387 = arith.constant 0 : i32
    %dma_start3A_1388 = tpu.memref_slice %arg3[%mul3A_2, %dma_start3A_1385, %dma_start3A_1386, %dma_start3A_1387] : memref<64x128x56x56xf32, #tpu.memory_space<hbm>> -> memref<2x2x56x56xf32, #tpu.memory_space<hbm>>
    %dma_start3A_1389 = arith.constant 84 : i32
    %dma_start3A_1390 = arith.constant 0 : i32
    %dma_start3A_1391 = arith.constant 0 : i32
    %dma_start3A_1392 = tpu.memref_slice %arg3[%mul3A_2, %dma_start3A_1389, %dma_start3A_1390, %dma_start3A_1391] : memref<64x128x56x56xf32, #tpu.memory_space<hbm>> -> memref<2x2x56x56xf32, #tpu.memory_space<hbm>>
    tpu.enqueue_dma source(%arg6 : memref<2x2x56x56xf32, #tpu.memory_space<vmem>>) target(%dma_start3A_1392 : memref<2x2x56x56xf32, #tpu.memory_space<hbm>>) target_semaphore(%arg14 : memref<!tpu.dma_semaphore, #tpu.memory_space<semaphore_mem>>)
    %dma_wait3A_1393 = arith.constant 84 : i32
    %dma_wait3A_1394 = arith.constant 0 : i32
    %dma_wait3A_1395 = arith.constant 0 : i32
    %dma_wait3A_1396 = tpu.memref_slice %arg3[%mul3A_2, %dma_wait3A_1393, %dma_wait3A_1394, %dma_wait3A_1395] : memref<64x128x56x56xf32, #tpu.memory_space<hbm>> -> memref<2x2x56x56xf32, #tpu.memory_space<hbm>>
    %dma_wait3A_1397 = arith.constant 84 : i32
    %dma_wait3A_1398 = arith.constant 0 : i32
    %dma_wait3A_1399 = arith.constant 0 : i32
    %dma_wait3A_1400 = tpu.memref_slice %arg3[%mul3A_2, %dma_wait3A_1397, %dma_wait3A_1398, %dma_wait3A_1399] : memref<64x128x56x56xf32, #tpu.memory_space<hbm>> -> memref<2x2x56x56xf32, #tpu.memory_space<hbm>>
    tpu.wait_dma2 semaphore(%arg14 : memref<!tpu.dma_semaphore, #tpu.memory_space<semaphore_mem>>) src(%arg6 : memref<2x2x56x56xf32, #tpu.memory_space<vmem>>) dst(%dma_wait3A_1400 : memref<2x2x56x56xf32, #tpu.memory_space<hbm>>)
    %dma_start3A_1401 = arith.constant 92 : i32
    %dma_start3A_1402 = arith.constant 0 : i32
    %dma_start3A_1403 = arith.constant 0 : i32
    %dma_start3A_1404 = tpu.memref_slice %arg2[%mul3A_2, %dma_start3A_1401, %dma_start3A_1402, %dma_start3A_1403] : memref<64x128x56x56xf32, #tpu.memory_space<hbm>> -> memref<2x2x56x56xf32, #tpu.memory_space<hbm>>
    %dma_start3A_1405 = arith.constant 92 : i32
    %dma_start3A_1406 = arith.constant 0 : i32
    %dma_start3A_1407 = arith.constant 0 : i32
    %dma_start3A_1408 = tpu.memref_slice %arg2[%mul3A_2, %dma_start3A_1405, %dma_start3A_1406, %dma_start3A_1407] : memref<64x128x56x56xf32, #tpu.memory_space<hbm>> -> memref<2x2x56x56xf32, #tpu.memory_space<hbm>>
    tpu.enqueue_dma source(%dma_start3A_1408 : memref<2x2x56x56xf32, #tpu.memory_space<hbm>>) target(%arg6 : memref<2x2x56x56xf32, #tpu.memory_space<vmem>>) target_semaphore(%arg10 : memref<!tpu.dma_semaphore, #tpu.memory_space<semaphore_mem>>)
    %dma_wait3A_1409 = arith.constant 86 : i32
    %dma_wait3A_1410 = arith.constant 0 : i32
    %dma_wait3A_1411 = arith.constant 0 : i32
    %dma_wait3A_1412 = tpu.memref_slice %arg2[%mul3A_2, %dma_wait3A_1409, %dma_wait3A_1410, %dma_wait3A_1411] : memref<64x128x56x56xf32, #tpu.memory_space<hbm>> -> memref<2x2x56x56xf32, #tpu.memory_space<hbm>>
    %dma_wait3A_1413 = arith.constant 86 : i32
    %dma_wait3A_1414 = arith.constant 0 : i32
    %dma_wait3A_1415 = arith.constant 0 : i32
    %dma_wait3A_1416 = tpu.memref_slice %arg2[%mul3A_2, %dma_wait3A_1413, %dma_wait3A_1414, %dma_wait3A_1415] : memref<64x128x56x56xf32, #tpu.memory_space<hbm>> -> memref<2x2x56x56xf32, #tpu.memory_space<hbm>>
    tpu.wait_dma2 semaphore(%arg11 : memref<!tpu.dma_semaphore, #tpu.memory_space<semaphore_mem>>) src(%dma_wait3A_1416 : memref<2x2x56x56xf32, #tpu.memory_space<hbm>>) dst(%arg7 : memref<2x2x56x56xf32, #tpu.memory_space<vmem>>)
    %dma_start3A_1417 = arith.constant 86 : i32
    %dma_start3A_1418 = arith.constant 0 : i32
    %dma_start3A_1419 = arith.constant 0 : i32
    %dma_start3A_1420 = tpu.memref_slice %arg3[%mul3A_2, %dma_start3A_1417, %dma_start3A_1418, %dma_start3A_1419] : memref<64x128x56x56xf32, #tpu.memory_space<hbm>> -> memref<2x2x56x56xf32, #tpu.memory_space<hbm>>
    %dma_start3A_1421 = arith.constant 86 : i32
    %dma_start3A_1422 = arith.constant 0 : i32
    %dma_start3A_1423 = arith.constant 0 : i32
    %dma_start3A_1424 = tpu.memref_slice %arg3[%mul3A_2, %dma_start3A_1421, %dma_start3A_1422, %dma_start3A_1423] : memref<64x128x56x56xf32, #tpu.memory_space<hbm>> -> memref<2x2x56x56xf32, #tpu.memory_space<hbm>>
    tpu.enqueue_dma source(%arg7 : memref<2x2x56x56xf32, #tpu.memory_space<vmem>>) target(%dma_start3A_1424 : memref<2x2x56x56xf32, #tpu.memory_space<hbm>>) target_semaphore(%arg15 : memref<!tpu.dma_semaphore, #tpu.memory_space<semaphore_mem>>)
    %dma_wait3A_1425 = arith.constant 86 : i32
    %dma_wait3A_1426 = arith.constant 0 : i32
    %dma_wait3A_1427 = arith.constant 0 : i32
    %dma_wait3A_1428 = tpu.memref_slice %arg3[%mul3A_2, %dma_wait3A_1425, %dma_wait3A_1426, %dma_wait3A_1427] : memref<64x128x56x56xf32, #tpu.memory_space<hbm>> -> memref<2x2x56x56xf32, #tpu.memory_space<hbm>>
    %dma_wait3A_1429 = arith.constant 86 : i32
    %dma_wait3A_1430 = arith.constant 0 : i32
    %dma_wait3A_1431 = arith.constant 0 : i32
    %dma_wait3A_1432 = tpu.memref_slice %arg3[%mul3A_2, %dma_wait3A_1429, %dma_wait3A_1430, %dma_wait3A_1431] : memref<64x128x56x56xf32, #tpu.memory_space<hbm>> -> memref<2x2x56x56xf32, #tpu.memory_space<hbm>>
    tpu.wait_dma2 semaphore(%arg15 : memref<!tpu.dma_semaphore, #tpu.memory_space<semaphore_mem>>) src(%arg7 : memref<2x2x56x56xf32, #tpu.memory_space<vmem>>) dst(%dma_wait3A_1432 : memref<2x2x56x56xf32, #tpu.memory_space<hbm>>)
    %dma_start3A_1433 = arith.constant 94 : i32
    %dma_start3A_1434 = arith.constant 0 : i32
    %dma_start3A_1435 = arith.constant 0 : i32
    %dma_start3A_1436 = tpu.memref_slice %arg2[%mul3A_2, %dma_start3A_1433, %dma_start3A_1434, %dma_start3A_1435] : memref<64x128x56x56xf32, #tpu.memory_space<hbm>> -> memref<2x2x56x56xf32, #tpu.memory_space<hbm>>
    %dma_start3A_1437 = arith.constant 94 : i32
    %dma_start3A_1438 = arith.constant 0 : i32
    %dma_start3A_1439 = arith.constant 0 : i32
    %dma_start3A_1440 = tpu.memref_slice %arg2[%mul3A_2, %dma_start3A_1437, %dma_start3A_1438, %dma_start3A_1439] : memref<64x128x56x56xf32, #tpu.memory_space<hbm>> -> memref<2x2x56x56xf32, #tpu.memory_space<hbm>>
    tpu.enqueue_dma source(%dma_start3A_1440 : memref<2x2x56x56xf32, #tpu.memory_space<hbm>>) target(%arg7 : memref<2x2x56x56xf32, #tpu.memory_space<vmem>>) target_semaphore(%arg11 : memref<!tpu.dma_semaphore, #tpu.memory_space<semaphore_mem>>)
    %dma_wait3A_1441 = arith.constant 88 : i32
    %dma_wait3A_1442 = arith.constant 0 : i32
    %dma_wait3A_1443 = arith.constant 0 : i32
    %dma_wait3A_1444 = tpu.memref_slice %arg2[%mul3A_2, %dma_wait3A_1441, %dma_wait3A_1442, %dma_wait3A_1443] : memref<64x128x56x56xf32, #tpu.memory_space<hbm>> -> memref<2x2x56x56xf32, #tpu.memory_space<hbm>>
    %dma_wait3A_1445 = arith.constant 88 : i32
    %dma_wait3A_1446 = arith.constant 0 : i32
    %dma_wait3A_1447 = arith.constant 0 : i32
    %dma_wait3A_1448 = tpu.memref_slice %arg2[%mul3A_2, %dma_wait3A_1445, %dma_wait3A_1446, %dma_wait3A_1447] : memref<64x128x56x56xf32, #tpu.memory_space<hbm>> -> memref<2x2x56x56xf32, #tpu.memory_space<hbm>>
    tpu.wait_dma2 semaphore(%arg8 : memref<!tpu.dma_semaphore, #tpu.memory_space<semaphore_mem>>) src(%dma_wait3A_1448 : memref<2x2x56x56xf32, #tpu.memory_space<hbm>>) dst(%arg4 : memref<2x2x56x56xf32, #tpu.memory_space<vmem>>)
    %dma_start3A_1449 = arith.constant 88 : i32
    %dma_start3A_1450 = arith.constant 0 : i32
    %dma_start3A_1451 = arith.constant 0 : i32
    %dma_start3A_1452 = tpu.memref_slice %arg3[%mul3A_2, %dma_start3A_1449, %dma_start3A_1450, %dma_start3A_1451] : memref<64x128x56x56xf32, #tpu.memory_space<hbm>> -> memref<2x2x56x56xf32, #tpu.memory_space<hbm>>
    %dma_start3A_1453 = arith.constant 88 : i32
    %dma_start3A_1454 = arith.constant 0 : i32
    %dma_start3A_1455 = arith.constant 0 : i32
    %dma_start3A_1456 = tpu.memref_slice %arg3[%mul3A_2, %dma_start3A_1453, %dma_start3A_1454, %dma_start3A_1455] : memref<64x128x56x56xf32, #tpu.memory_space<hbm>> -> memref<2x2x56x56xf32, #tpu.memory_space<hbm>>
    tpu.enqueue_dma source(%arg4 : memref<2x2x56x56xf32, #tpu.memory_space<vmem>>) target(%dma_start3A_1456 : memref<2x2x56x56xf32, #tpu.memory_space<hbm>>) target_semaphore(%arg12 : memref<!tpu.dma_semaphore, #tpu.memory_space<semaphore_mem>>)
    %dma_wait3A_1457 = arith.constant 88 : i32
    %dma_wait3A_1458 = arith.constant 0 : i32
    %dma_wait3A_1459 = arith.constant 0 : i32
    %dma_wait3A_1460 = tpu.memref_slice %arg3[%mul3A_2, %dma_wait3A_1457, %dma_wait3A_1458, %dma_wait3A_1459] : memref<64x128x56x56xf32, #tpu.memory_space<hbm>> -> memref<2x2x56x56xf32, #tpu.memory_space<hbm>>
    %dma_wait3A_1461 = arith.constant 88 : i32
    %dma_wait3A_1462 = arith.constant 0 : i32
    %dma_wait3A_1463 = arith.constant 0 : i32
    %dma_wait3A_1464 = tpu.memref_slice %arg3[%mul3A_2, %dma_wait3A_1461, %dma_wait3A_1462, %dma_wait3A_1463] : memref<64x128x56x56xf32, #tpu.memory_space<hbm>> -> memref<2x2x56x56xf32, #tpu.memory_space<hbm>>
    tpu.wait_dma2 semaphore(%arg12 : memref<!tpu.dma_semaphore, #tpu.memory_space<semaphore_mem>>) src(%arg4 : memref<2x2x56x56xf32, #tpu.memory_space<vmem>>) dst(%dma_wait3A_1464 : memref<2x2x56x56xf32, #tpu.memory_space<hbm>>)
    %dma_start3A_1465 = arith.constant 96 : i32
    %dma_start3A_1466 = arith.constant 0 : i32
    %dma_start3A_1467 = arith.constant 0 : i32
    %dma_start3A_1468 = tpu.memref_slice %arg2[%mul3A_2, %dma_start3A_1465, %dma_start3A_1466, %dma_start3A_1467] : memref<64x128x56x56xf32, #tpu.memory_space<hbm>> -> memref<2x2x56x56xf32, #tpu.memory_space<hbm>>
    %dma_start3A_1469 = arith.constant 96 : i32
    %dma_start3A_1470 = arith.constant 0 : i32
    %dma_start3A_1471 = arith.constant 0 : i32
    %dma_start3A_1472 = tpu.memref_slice %arg2[%mul3A_2, %dma_start3A_1469, %dma_start3A_1470, %dma_start3A_1471] : memref<64x128x56x56xf32, #tpu.memory_space<hbm>> -> memref<2x2x56x56xf32, #tpu.memory_space<hbm>>
    tpu.enqueue_dma source(%dma_start3A_1472 : memref<2x2x56x56xf32, #tpu.memory_space<hbm>>) target(%arg4 : memref<2x2x56x56xf32, #tpu.memory_space<vmem>>) target_semaphore(%arg8 : memref<!tpu.dma_semaphore, #tpu.memory_space<semaphore_mem>>)
    %dma_wait3A_1473 = arith.constant 90 : i32
    %dma_wait3A_1474 = arith.constant 0 : i32
    %dma_wait3A_1475 = arith.constant 0 : i32
    %dma_wait3A_1476 = tpu.memref_slice %arg2[%mul3A_2, %dma_wait3A_1473, %dma_wait3A_1474, %dma_wait3A_1475] : memref<64x128x56x56xf32, #tpu.memory_space<hbm>> -> memref<2x2x56x56xf32, #tpu.memory_space<hbm>>
    %dma_wait3A_1477 = arith.constant 90 : i32
    %dma_wait3A_1478 = arith.constant 0 : i32
    %dma_wait3A_1479 = arith.constant 0 : i32
    %dma_wait3A_1480 = tpu.memref_slice %arg2[%mul3A_2, %dma_wait3A_1477, %dma_wait3A_1478, %dma_wait3A_1479] : memref<64x128x56x56xf32, #tpu.memory_space<hbm>> -> memref<2x2x56x56xf32, #tpu.memory_space<hbm>>
    tpu.wait_dma2 semaphore(%arg9 : memref<!tpu.dma_semaphore, #tpu.memory_space<semaphore_mem>>) src(%dma_wait3A_1480 : memref<2x2x56x56xf32, #tpu.memory_space<hbm>>) dst(%arg5 : memref<2x2x56x56xf32, #tpu.memory_space<vmem>>)
    %dma_start3A_1481 = arith.constant 90 : i32
    %dma_start3A_1482 = arith.constant 0 : i32
    %dma_start3A_1483 = arith.constant 0 : i32
    %dma_start3A_1484 = tpu.memref_slice %arg3[%mul3A_2, %dma_start3A_1481, %dma_start3A_1482, %dma_start3A_1483] : memref<64x128x56x56xf32, #tpu.memory_space<hbm>> -> memref<2x2x56x56xf32, #tpu.memory_space<hbm>>
    %dma_start3A_1485 = arith.constant 90 : i32
    %dma_start3A_1486 = arith.constant 0 : i32
    %dma_start3A_1487 = arith.constant 0 : i32
    %dma_start3A_1488 = tpu.memref_slice %arg3[%mul3A_2, %dma_start3A_1485, %dma_start3A_1486, %dma_start3A_1487] : memref<64x128x56x56xf32, #tpu.memory_space<hbm>> -> memref<2x2x56x56xf32, #tpu.memory_space<hbm>>
    tpu.enqueue_dma source(%arg5 : memref<2x2x56x56xf32, #tpu.memory_space<vmem>>) target(%dma_start3A_1488 : memref<2x2x56x56xf32, #tpu.memory_space<hbm>>) target_semaphore(%arg13 : memref<!tpu.dma_semaphore, #tpu.memory_space<semaphore_mem>>)
    %dma_wait3A_1489 = arith.constant 90 : i32
    %dma_wait3A_1490 = arith.constant 0 : i32
    %dma_wait3A_1491 = arith.constant 0 : i32
    %dma_wait3A_1492 = tpu.memref_slice %arg3[%mul3A_2, %dma_wait3A_1489, %dma_wait3A_1490, %dma_wait3A_1491] : memref<64x128x56x56xf32, #tpu.memory_space<hbm>> -> memref<2x2x56x56xf32, #tpu.memory_space<hbm>>
    %dma_wait3A_1493 = arith.constant 90 : i32
    %dma_wait3A_1494 = arith.constant 0 : i32
    %dma_wait3A_1495 = arith.constant 0 : i32
    %dma_wait3A_1496 = tpu.memref_slice %arg3[%mul3A_2, %dma_wait3A_1493, %dma_wait3A_1494, %dma_wait3A_1495] : memref<64x128x56x56xf32, #tpu.memory_space<hbm>> -> memref<2x2x56x56xf32, #tpu.memory_space<hbm>>
    tpu.wait_dma2 semaphore(%arg13 : memref<!tpu.dma_semaphore, #tpu.memory_space<semaphore_mem>>) src(%arg5 : memref<2x2x56x56xf32, #tpu.memory_space<vmem>>) dst(%dma_wait3A_1496 : memref<2x2x56x56xf32, #tpu.memory_space<hbm>>)
    %dma_start3A_1497 = arith.constant 98 : i32
    %dma_start3A_1498 = arith.constant 0 : i32
    %dma_start3A_1499 = arith.constant 0 : i32
    %dma_start3A_1500 = tpu.memref_slice %arg2[%mul3A_2, %dma_start3A_1497, %dma_start3A_1498, %dma_start3A_1499] : memref<64x128x56x56xf32, #tpu.memory_space<hbm>> -> memref<2x2x56x56xf32, #tpu.memory_space<hbm>>
    %dma_start3A_1501 = arith.constant 98 : i32
    %dma_start3A_1502 = arith.constant 0 : i32
    %dma_start3A_1503 = arith.constant 0 : i32
    %dma_start3A_1504 = tpu.memref_slice %arg2[%mul3A_2, %dma_start3A_1501, %dma_start3A_1502, %dma_start3A_1503] : memref<64x128x56x56xf32, #tpu.memory_space<hbm>> -> memref<2x2x56x56xf32, #tpu.memory_space<hbm>>
    tpu.enqueue_dma source(%dma_start3A_1504 : memref<2x2x56x56xf32, #tpu.memory_space<hbm>>) target(%arg5 : memref<2x2x56x56xf32, #tpu.memory_space<vmem>>) target_semaphore(%arg9 : memref<!tpu.dma_semaphore, #tpu.memory_space<semaphore_mem>>)
    %dma_wait3A_1505 = arith.constant 92 : i32
    %dma_wait3A_1506 = arith.constant 0 : i32
    %dma_wait3A_1507 = arith.constant 0 : i32
    %dma_wait3A_1508 = tpu.memref_slice %arg2[%mul3A_2, %dma_wait3A_1505, %dma_wait3A_1506, %dma_wait3A_1507] : memref<64x128x56x56xf32, #tpu.memory_space<hbm>> -> memref<2x2x56x56xf32, #tpu.memory_space<hbm>>
    %dma_wait3A_1509 = arith.constant 92 : i32
    %dma_wait3A_1510 = arith.constant 0 : i32
    %dma_wait3A_1511 = arith.constant 0 : i32
    %dma_wait3A_1512 = tpu.memref_slice %arg2[%mul3A_2, %dma_wait3A_1509, %dma_wait3A_1510, %dma_wait3A_1511] : memref<64x128x56x56xf32, #tpu.memory_space<hbm>> -> memref<2x2x56x56xf32, #tpu.memory_space<hbm>>
    tpu.wait_dma2 semaphore(%arg10 : memref<!tpu.dma_semaphore, #tpu.memory_space<semaphore_mem>>) src(%dma_wait3A_1512 : memref<2x2x56x56xf32, #tpu.memory_space<hbm>>) dst(%arg6 : memref<2x2x56x56xf32, #tpu.memory_space<vmem>>)
    %dma_start3A_1513 = arith.constant 92 : i32
    %dma_start3A_1514 = arith.constant 0 : i32
    %dma_start3A_1515 = arith.constant 0 : i32
    %dma_start3A_1516 = tpu.memref_slice %arg3[%mul3A_2, %dma_start3A_1513, %dma_start3A_1514, %dma_start3A_1515] : memref<64x128x56x56xf32, #tpu.memory_space<hbm>> -> memref<2x2x56x56xf32, #tpu.memory_space<hbm>>
    %dma_start3A_1517 = arith.constant 92 : i32
    %dma_start3A_1518 = arith.constant 0 : i32
    %dma_start3A_1519 = arith.constant 0 : i32
    %dma_start3A_1520 = tpu.memref_slice %arg3[%mul3A_2, %dma_start3A_1517, %dma_start3A_1518, %dma_start3A_1519] : memref<64x128x56x56xf32, #tpu.memory_space<hbm>> -> memref<2x2x56x56xf32, #tpu.memory_space<hbm>>
    tpu.enqueue_dma source(%arg6 : memref<2x2x56x56xf32, #tpu.memory_space<vmem>>) target(%dma_start3A_1520 : memref<2x2x56x56xf32, #tpu.memory_space<hbm>>) target_semaphore(%arg14 : memref<!tpu.dma_semaphore, #tpu.memory_space<semaphore_mem>>)
    %dma_wait3A_1521 = arith.constant 92 : i32
    %dma_wait3A_1522 = arith.constant 0 : i32
    %dma_wait3A_1523 = arith.constant 0 : i32
    %dma_wait3A_1524 = tpu.memref_slice %arg3[%mul3A_2, %dma_wait3A_1521, %dma_wait3A_1522, %dma_wait3A_1523] : memref<64x128x56x56xf32, #tpu.memory_space<hbm>> -> memref<2x2x56x56xf32, #tpu.memory_space<hbm>>
    %dma_wait3A_1525 = arith.constant 92 : i32
    %dma_wait3A_1526 = arith.constant 0 : i32
    %dma_wait3A_1527 = arith.constant 0 : i32
    %dma_wait3A_1528 = tpu.memref_slice %arg3[%mul3A_2, %dma_wait3A_1525, %dma_wait3A_1526, %dma_wait3A_1527] : memref<64x128x56x56xf32, #tpu.memory_space<hbm>> -> memref<2x2x56x56xf32, #tpu.memory_space<hbm>>
    tpu.wait_dma2 semaphore(%arg14 : memref<!tpu.dma_semaphore, #tpu.memory_space<semaphore_mem>>) src(%arg6 : memref<2x2x56x56xf32, #tpu.memory_space<vmem>>) dst(%dma_wait3A_1528 : memref<2x2x56x56xf32, #tpu.memory_space<hbm>>)
    %dma_start3A_1529 = arith.constant 100 : i32
    %dma_start3A_1530 = arith.constant 0 : i32
    %dma_start3A_1531 = arith.constant 0 : i32
    %dma_start3A_1532 = tpu.memref_slice %arg2[%mul3A_2, %dma_start3A_1529, %dma_start3A_1530, %dma_start3A_1531] : memref<64x128x56x56xf32, #tpu.memory_space<hbm>> -> memref<2x2x56x56xf32, #tpu.memory_space<hbm>>
    %dma_start3A_1533 = arith.constant 100 : i32
    %dma_start3A_1534 = arith.constant 0 : i32
    %dma_start3A_1535 = arith.constant 0 : i32
    %dma_start3A_1536 = tpu.memref_slice %arg2[%mul3A_2, %dma_start3A_1533, %dma_start3A_1534, %dma_start3A_1535] : memref<64x128x56x56xf32, #tpu.memory_space<hbm>> -> memref<2x2x56x56xf32, #tpu.memory_space<hbm>>
    tpu.enqueue_dma source(%dma_start3A_1536 : memref<2x2x56x56xf32, #tpu.memory_space<hbm>>) target(%arg6 : memref<2x2x56x56xf32, #tpu.memory_space<vmem>>) target_semaphore(%arg10 : memref<!tpu.dma_semaphore, #tpu.memory_space<semaphore_mem>>)
    %dma_wait3A_1537 = arith.constant 94 : i32
    %dma_wait3A_1538 = arith.constant 0 : i32
    %dma_wait3A_1539 = arith.constant 0 : i32
    %dma_wait3A_1540 = tpu.memref_slice %arg2[%mul3A_2, %dma_wait3A_1537, %dma_wait3A_1538, %dma_wait3A_1539] : memref<64x128x56x56xf32, #tpu.memory_space<hbm>> -> memref<2x2x56x56xf32, #tpu.memory_space<hbm>>
    %dma_wait3A_1541 = arith.constant 94 : i32
    %dma_wait3A_1542 = arith.constant 0 : i32
    %dma_wait3A_1543 = arith.constant 0 : i32
    %dma_wait3A_1544 = tpu.memref_slice %arg2[%mul3A_2, %dma_wait3A_1541, %dma_wait3A_1542, %dma_wait3A_1543] : memref<64x128x56x56xf32, #tpu.memory_space<hbm>> -> memref<2x2x56x56xf32, #tpu.memory_space<hbm>>
    tpu.wait_dma2 semaphore(%arg11 : memref<!tpu.dma_semaphore, #tpu.memory_space<semaphore_mem>>) src(%dma_wait3A_1544 : memref<2x2x56x56xf32, #tpu.memory_space<hbm>>) dst(%arg7 : memref<2x2x56x56xf32, #tpu.memory_space<vmem>>)
    %dma_start3A_1545 = arith.constant 94 : i32
    %dma_start3A_1546 = arith.constant 0 : i32
    %dma_start3A_1547 = arith.constant 0 : i32
    %dma_start3A_1548 = tpu.memref_slice %arg3[%mul3A_2, %dma_start3A_1545, %dma_start3A_1546, %dma_start3A_1547] : memref<64x128x56x56xf32, #tpu.memory_space<hbm>> -> memref<2x2x56x56xf32, #tpu.memory_space<hbm>>
    %dma_start3A_1549 = arith.constant 94 : i32
    %dma_start3A_1550 = arith.constant 0 : i32
    %dma_start3A_1551 = arith.constant 0 : i32
    %dma_start3A_1552 = tpu.memref_slice %arg3[%mul3A_2, %dma_start3A_1549, %dma_start3A_1550, %dma_start3A_1551] : memref<64x128x56x56xf32, #tpu.memory_space<hbm>> -> memref<2x2x56x56xf32, #tpu.memory_space<hbm>>
    tpu.enqueue_dma source(%arg7 : memref<2x2x56x56xf32, #tpu.memory_space<vmem>>) target(%dma_start3A_1552 : memref<2x2x56x56xf32, #tpu.memory_space<hbm>>) target_semaphore(%arg15 : memref<!tpu.dma_semaphore, #tpu.memory_space<semaphore_mem>>)
    %dma_wait3A_1553 = arith.constant 94 : i32
    %dma_wait3A_1554 = arith.constant 0 : i32
    %dma_wait3A_1555 = arith.constant 0 : i32
    %dma_wait3A_1556 = tpu.memref_slice %arg3[%mul3A_2, %dma_wait3A_1553, %dma_wait3A_1554, %dma_wait3A_1555] : memref<64x128x56x56xf32, #tpu.memory_space<hbm>> -> memref<2x2x56x56xf32, #tpu.memory_space<hbm>>
    %dma_wait3A_1557 = arith.constant 94 : i32
    %dma_wait3A_1558 = arith.constant 0 : i32
    %dma_wait3A_1559 = arith.constant 0 : i32
    %dma_wait3A_1560 = tpu.memref_slice %arg3[%mul3A_2, %dma_wait3A_1557, %dma_wait3A_1558, %dma_wait3A_1559] : memref<64x128x56x56xf32, #tpu.memory_space<hbm>> -> memref<2x2x56x56xf32, #tpu.memory_space<hbm>>
    tpu.wait_dma2 semaphore(%arg15 : memref<!tpu.dma_semaphore, #tpu.memory_space<semaphore_mem>>) src(%arg7 : memref<2x2x56x56xf32, #tpu.memory_space<vmem>>) dst(%dma_wait3A_1560 : memref<2x2x56x56xf32, #tpu.memory_space<hbm>>)
    %dma_start3A_1561 = arith.constant 102 : i32
    %dma_start3A_1562 = arith.constant 0 : i32
    %dma_start3A_1563 = arith.constant 0 : i32
    %dma_start3A_1564 = tpu.memref_slice %arg2[%mul3A_2, %dma_start3A_1561, %dma_start3A_1562, %dma_start3A_1563] : memref<64x128x56x56xf32, #tpu.memory_space<hbm>> -> memref<2x2x56x56xf32, #tpu.memory_space<hbm>>
    %dma_start3A_1565 = arith.constant 102 : i32
    %dma_start3A_1566 = arith.constant 0 : i32
    %dma_start3A_1567 = arith.constant 0 : i32
    %dma_start3A_1568 = tpu.memref_slice %arg2[%mul3A_2, %dma_start3A_1565, %dma_start3A_1566, %dma_start3A_1567] : memref<64x128x56x56xf32, #tpu.memory_space<hbm>> -> memref<2x2x56x56xf32, #tpu.memory_space<hbm>>
    tpu.enqueue_dma source(%dma_start3A_1568 : memref<2x2x56x56xf32, #tpu.memory_space<hbm>>) target(%arg7 : memref<2x2x56x56xf32, #tpu.memory_space<vmem>>) target_semaphore(%arg11 : memref<!tpu.dma_semaphore, #tpu.memory_space<semaphore_mem>>)
    %dma_wait3A_1569 = arith.constant 96 : i32
    %dma_wait3A_1570 = arith.constant 0 : i32
    %dma_wait3A_1571 = arith.constant 0 : i32
    %dma_wait3A_1572 = tpu.memref_slice %arg2[%mul3A_2, %dma_wait3A_1569, %dma_wait3A_1570, %dma_wait3A_1571] : memref<64x128x56x56xf32, #tpu.memory_space<hbm>> -> memref<2x2x56x56xf32, #tpu.memory_space<hbm>>
    %dma_wait3A_1573 = arith.constant 96 : i32
    %dma_wait3A_1574 = arith.constant 0 : i32
    %dma_wait3A_1575 = arith.constant 0 : i32
    %dma_wait3A_1576 = tpu.memref_slice %arg2[%mul3A_2, %dma_wait3A_1573, %dma_wait3A_1574, %dma_wait3A_1575] : memref<64x128x56x56xf32, #tpu.memory_space<hbm>> -> memref<2x2x56x56xf32, #tpu.memory_space<hbm>>
    tpu.wait_dma2 semaphore(%arg8 : memref<!tpu.dma_semaphore, #tpu.memory_space<semaphore_mem>>) src(%dma_wait3A_1576 : memref<2x2x56x56xf32, #tpu.memory_space<hbm>>) dst(%arg4 : memref<2x2x56x56xf32, #tpu.memory_space<vmem>>)
    %dma_start3A_1577 = arith.constant 96 : i32
    %dma_start3A_1578 = arith.constant 0 : i32
    %dma_start3A_1579 = arith.constant 0 : i32
    %dma_start3A_1580 = tpu.memref_slice %arg3[%mul3A_2, %dma_start3A_1577, %dma_start3A_1578, %dma_start3A_1579] : memref<64x128x56x56xf32, #tpu.memory_space<hbm>> -> memref<2x2x56x56xf32, #tpu.memory_space<hbm>>
    %dma_start3A_1581 = arith.constant 96 : i32
    %dma_start3A_1582 = arith.constant 0 : i32
    %dma_start3A_1583 = arith.constant 0 : i32
    %dma_start3A_1584 = tpu.memref_slice %arg3[%mul3A_2, %dma_start3A_1581, %dma_start3A_1582, %dma_start3A_1583] : memref<64x128x56x56xf32, #tpu.memory_space<hbm>> -> memref<2x2x56x56xf32, #tpu.memory_space<hbm>>
    tpu.enqueue_dma source(%arg4 : memref<2x2x56x56xf32, #tpu.memory_space<vmem>>) target(%dma_start3A_1584 : memref<2x2x56x56xf32, #tpu.memory_space<hbm>>) target_semaphore(%arg12 : memref<!tpu.dma_semaphore, #tpu.memory_space<semaphore_mem>>)
    %dma_wait3A_1585 = arith.constant 96 : i32
    %dma_wait3A_1586 = arith.constant 0 : i32
    %dma_wait3A_1587 = arith.constant 0 : i32
    %dma_wait3A_1588 = tpu.memref_slice %arg3[%mul3A_2, %dma_wait3A_1585, %dma_wait3A_1586, %dma_wait3A_1587] : memref<64x128x56x56xf32, #tpu.memory_space<hbm>> -> memref<2x2x56x56xf32, #tpu.memory_space<hbm>>
    %dma_wait3A_1589 = arith.constant 96 : i32
    %dma_wait3A_1590 = arith.constant 0 : i32
    %dma_wait3A_1591 = arith.constant 0 : i32
    %dma_wait3A_1592 = tpu.memref_slice %arg3[%mul3A_2, %dma_wait3A_1589, %dma_wait3A_1590, %dma_wait3A_1591] : memref<64x128x56x56xf32, #tpu.memory_space<hbm>> -> memref<2x2x56x56xf32, #tpu.memory_space<hbm>>
    tpu.wait_dma2 semaphore(%arg12 : memref<!tpu.dma_semaphore, #tpu.memory_space<semaphore_mem>>) src(%arg4 : memref<2x2x56x56xf32, #tpu.memory_space<vmem>>) dst(%dma_wait3A_1592 : memref<2x2x56x56xf32, #tpu.memory_space<hbm>>)
    %dma_start3A_1593 = arith.constant 104 : i32
    %dma_start3A_1594 = arith.constant 0 : i32
    %dma_start3A_1595 = arith.constant 0 : i32
    %dma_start3A_1596 = tpu.memref_slice %arg2[%mul3A_2, %dma_start3A_1593, %dma_start3A_1594, %dma_start3A_1595] : memref<64x128x56x56xf32, #tpu.memory_space<hbm>> -> memref<2x2x56x56xf32, #tpu.memory_space<hbm>>
    %dma_start3A_1597 = arith.constant 104 : i32
    %dma_start3A_1598 = arith.constant 0 : i32
    %dma_start3A_1599 = arith.constant 0 : i32
    %dma_start3A_1600 = tpu.memref_slice %arg2[%mul3A_2, %dma_start3A_1597, %dma_start3A_1598, %dma_start3A_1599] : memref<64x128x56x56xf32, #tpu.memory_space<hbm>> -> memref<2x2x56x56xf32, #tpu.memory_space<hbm>>
    tpu.enqueue_dma source(%dma_start3A_1600 : memref<2x2x56x56xf32, #tpu.memory_space<hbm>>) target(%arg4 : memref<2x2x56x56xf32, #tpu.memory_space<vmem>>) target_semaphore(%arg8 : memref<!tpu.dma_semaphore, #tpu.memory_space<semaphore_mem>>)
    %dma_wait3A_1601 = arith.constant 98 : i32
    %dma_wait3A_1602 = arith.constant 0 : i32
    %dma_wait3A_1603 = arith.constant 0 : i32
    %dma_wait3A_1604 = tpu.memref_slice %arg2[%mul3A_2, %dma_wait3A_1601, %dma_wait3A_1602, %dma_wait3A_1603] : memref<64x128x56x56xf32, #tpu.memory_space<hbm>> -> memref<2x2x56x56xf32, #tpu.memory_space<hbm>>
    %dma_wait3A_1605 = arith.constant 98 : i32
    %dma_wait3A_1606 = arith.constant 0 : i32
    %dma_wait3A_1607 = arith.constant 0 : i32
    %dma_wait3A_1608 = tpu.memref_slice %arg2[%mul3A_2, %dma_wait3A_1605, %dma_wait3A_1606, %dma_wait3A_1607] : memref<64x128x56x56xf32, #tpu.memory_space<hbm>> -> memref<2x2x56x56xf32, #tpu.memory_space<hbm>>
    tpu.wait_dma2 semaphore(%arg9 : memref<!tpu.dma_semaphore, #tpu.memory_space<semaphore_mem>>) src(%dma_wait3A_1608 : memref<2x2x56x56xf32, #tpu.memory_space<hbm>>) dst(%arg5 : memref<2x2x56x56xf32, #tpu.memory_space<vmem>>)
    %dma_start3A_1609 = arith.constant 98 : i32
    %dma_start3A_1610 = arith.constant 0 : i32
    %dma_start3A_1611 = arith.constant 0 : i32
    %dma_start3A_1612 = tpu.memref_slice %arg3[%mul3A_2, %dma_start3A_1609, %dma_start3A_1610, %dma_start3A_1611] : memref<64x128x56x56xf32, #tpu.memory_space<hbm>> -> memref<2x2x56x56xf32, #tpu.memory_space<hbm>>
    %dma_start3A_1613 = arith.constant 98 : i32
    %dma_start3A_1614 = arith.constant 0 : i32
    %dma_start3A_1615 = arith.constant 0 : i32
    %dma_start3A_1616 = tpu.memref_slice %arg3[%mul3A_2, %dma_start3A_1613, %dma_start3A_1614, %dma_start3A_1615] : memref<64x128x56x56xf32, #tpu.memory_space<hbm>> -> memref<2x2x56x56xf32, #tpu.memory_space<hbm>>
    tpu.enqueue_dma source(%arg5 : memref<2x2x56x56xf32, #tpu.memory_space<vmem>>) target(%dma_start3A_1616 : memref<2x2x56x56xf32, #tpu.memory_space<hbm>>) target_semaphore(%arg13 : memref<!tpu.dma_semaphore, #tpu.memory_space<semaphore_mem>>)
    %dma_wait3A_1617 = arith.constant 98 : i32
    %dma_wait3A_1618 = arith.constant 0 : i32
    %dma_wait3A_1619 = arith.constant 0 : i32
    %dma_wait3A_1620 = tpu.memref_slice %arg3[%mul3A_2, %dma_wait3A_1617, %dma_wait3A_1618, %dma_wait3A_1619] : memref<64x128x56x56xf32, #tpu.memory_space<hbm>> -> memref<2x2x56x56xf32, #tpu.memory_space<hbm>>
    %dma_wait3A_1621 = arith.constant 98 : i32
    %dma_wait3A_1622 = arith.constant 0 : i32
    %dma_wait3A_1623 = arith.constant 0 : i32
    %dma_wait3A_1624 = tpu.memref_slice %arg3[%mul3A_2, %dma_wait3A_1621, %dma_wait3A_1622, %dma_wait3A_1623] : memref<64x128x56x56xf32, #tpu.memory_space<hbm>> -> memref<2x2x56x56xf32, #tpu.memory_space<hbm>>
    tpu.wait_dma2 semaphore(%arg13 : memref<!tpu.dma_semaphore, #tpu.memory_space<semaphore_mem>>) src(%arg5 : memref<2x2x56x56xf32, #tpu.memory_space<vmem>>) dst(%dma_wait3A_1624 : memref<2x2x56x56xf32, #tpu.memory_space<hbm>>)
    %dma_start3A_1625 = arith.constant 106 : i32
    %dma_start3A_1626 = arith.constant 0 : i32
    %dma_start3A_1627 = arith.constant 0 : i32
    %dma_start3A_1628 = tpu.memref_slice %arg2[%mul3A_2, %dma_start3A_1625, %dma_start3A_1626, %dma_start3A_1627] : memref<64x128x56x56xf32, #tpu.memory_space<hbm>> -> memref<2x2x56x56xf32, #tpu.memory_space<hbm>>
    %dma_start3A_1629 = arith.constant 106 : i32
    %dma_start3A_1630 = arith.constant 0 : i32
    %dma_start3A_1631 = arith.constant 0 : i32
    %dma_start3A_1632 = tpu.memref_slice %arg2[%mul3A_2, %dma_start3A_1629, %dma_start3A_1630, %dma_start3A_1631] : memref<64x128x56x56xf32, #tpu.memory_space<hbm>> -> memref<2x2x56x56xf32, #tpu.memory_space<hbm>>
    tpu.enqueue_dma source(%dma_start3A_1632 : memref<2x2x56x56xf32, #tpu.memory_space<hbm>>) target(%arg5 : memref<2x2x56x56xf32, #tpu.memory_space<vmem>>) target_semaphore(%arg9 : memref<!tpu.dma_semaphore, #tpu.memory_space<semaphore_mem>>)
    %dma_wait3A_1633 = arith.constant 100 : i32
    %dma_wait3A_1634 = arith.constant 0 : i32
    %dma_wait3A_1635 = arith.constant 0 : i32
    %dma_wait3A_1636 = tpu.memref_slice %arg2[%mul3A_2, %dma_wait3A_1633, %dma_wait3A_1634, %dma_wait3A_1635] : memref<64x128x56x56xf32, #tpu.memory_space<hbm>> -> memref<2x2x56x56xf32, #tpu.memory_space<hbm>>
    %dma_wait3A_1637 = arith.constant 100 : i32
    %dma_wait3A_1638 = arith.constant 0 : i32
    %dma_wait3A_1639 = arith.constant 0 : i32
    %dma_wait3A_1640 = tpu.memref_slice %arg2[%mul3A_2, %dma_wait3A_1637, %dma_wait3A_1638, %dma_wait3A_1639] : memref<64x128x56x56xf32, #tpu.memory_space<hbm>> -> memref<2x2x56x56xf32, #tpu.memory_space<hbm>>
    tpu.wait_dma2 semaphore(%arg10 : memref<!tpu.dma_semaphore, #tpu.memory_space<semaphore_mem>>) src(%dma_wait3A_1640 : memref<2x2x56x56xf32, #tpu.memory_space<hbm>>) dst(%arg6 : memref<2x2x56x56xf32, #tpu.memory_space<vmem>>)
    %dma_start3A_1641 = arith.constant 100 : i32
    %dma_start3A_1642 = arith.constant 0 : i32
    %dma_start3A_1643 = arith.constant 0 : i32
    %dma_start3A_1644 = tpu.memref_slice %arg3[%mul3A_2, %dma_start3A_1641, %dma_start3A_1642, %dma_start3A_1643] : memref<64x128x56x56xf32, #tpu.memory_space<hbm>> -> memref<2x2x56x56xf32, #tpu.memory_space<hbm>>
    %dma_start3A_1645 = arith.constant 100 : i32
    %dma_start3A_1646 = arith.constant 0 : i32
    %dma_start3A_1647 = arith.constant 0 : i32
    %dma_start3A_1648 = tpu.memref_slice %arg3[%mul3A_2, %dma_start3A_1645, %dma_start3A_1646, %dma_start3A_1647] : memref<64x128x56x56xf32, #tpu.memory_space<hbm>> -> memref<2x2x56x56xf32, #tpu.memory_space<hbm>>
    tpu.enqueue_dma source(%arg6 : memref<2x2x56x56xf32, #tpu.memory_space<vmem>>) target(%dma_start3A_1648 : memref<2x2x56x56xf32, #tpu.memory_space<hbm>>) target_semaphore(%arg14 : memref<!tpu.dma_semaphore, #tpu.memory_space<semaphore_mem>>)
    %dma_wait3A_1649 = arith.constant 100 : i32
    %dma_wait3A_1650 = arith.constant 0 : i32
    %dma_wait3A_1651 = arith.constant 0 : i32
    %dma_wait3A_1652 = tpu.memref_slice %arg3[%mul3A_2, %dma_wait3A_1649, %dma_wait3A_1650, %dma_wait3A_1651] : memref<64x128x56x56xf32, #tpu.memory_space<hbm>> -> memref<2x2x56x56xf32, #tpu.memory_space<hbm>>
    %dma_wait3A_1653 = arith.constant 100 : i32
    %dma_wait3A_1654 = arith.constant 0 : i32
    %dma_wait3A_1655 = arith.constant 0 : i32
    %dma_wait3A_1656 = tpu.memref_slice %arg3[%mul3A_2, %dma_wait3A_1653, %dma_wait3A_1654, %dma_wait3A_1655] : memref<64x128x56x56xf32, #tpu.memory_space<hbm>> -> memref<2x2x56x56xf32, #tpu.memory_space<hbm>>
    tpu.wait_dma2 semaphore(%arg14 : memref<!tpu.dma_semaphore, #tpu.memory_space<semaphore_mem>>) src(%arg6 : memref<2x2x56x56xf32, #tpu.memory_space<vmem>>) dst(%dma_wait3A_1656 : memref<2x2x56x56xf32, #tpu.memory_space<hbm>>)
    %dma_start3A_1657 = arith.constant 108 : i32
    %dma_start3A_1658 = arith.constant 0 : i32
    %dma_start3A_1659 = arith.constant 0 : i32
    %dma_start3A_1660 = tpu.memref_slice %arg2[%mul3A_2, %dma_start3A_1657, %dma_start3A_1658, %dma_start3A_1659] : memref<64x128x56x56xf32, #tpu.memory_space<hbm>> -> memref<2x2x56x56xf32, #tpu.memory_space<hbm>>
    %dma_start3A_1661 = arith.constant 108 : i32
    %dma_start3A_1662 = arith.constant 0 : i32
    %dma_start3A_1663 = arith.constant 0 : i32
    %dma_start3A_1664 = tpu.memref_slice %arg2[%mul3A_2, %dma_start3A_1661, %dma_start3A_1662, %dma_start3A_1663] : memref<64x128x56x56xf32, #tpu.memory_space<hbm>> -> memref<2x2x56x56xf32, #tpu.memory_space<hbm>>
    tpu.enqueue_dma source(%dma_start3A_1664 : memref<2x2x56x56xf32, #tpu.memory_space<hbm>>) target(%arg6 : memref<2x2x56x56xf32, #tpu.memory_space<vmem>>) target_semaphore(%arg10 : memref<!tpu.dma_semaphore, #tpu.memory_space<semaphore_mem>>)
    %dma_wait3A_1665 = arith.constant 102 : i32
    %dma_wait3A_1666 = arith.constant 0 : i32
    %dma_wait3A_1667 = arith.constant 0 : i32
    %dma_wait3A_1668 = tpu.memref_slice %arg2[%mul3A_2, %dma_wait3A_1665, %dma_wait3A_1666, %dma_wait3A_1667] : memref<64x128x56x56xf32, #tpu.memory_space<hbm>> -> memref<2x2x56x56xf32, #tpu.memory_space<hbm>>
    %dma_wait3A_1669 = arith.constant 102 : i32
    %dma_wait3A_1670 = arith.constant 0 : i32
    %dma_wait3A_1671 = arith.constant 0 : i32
    %dma_wait3A_1672 = tpu.memref_slice %arg2[%mul3A_2, %dma_wait3A_1669, %dma_wait3A_1670, %dma_wait3A_1671] : memref<64x128x56x56xf32, #tpu.memory_space<hbm>> -> memref<2x2x56x56xf32, #tpu.memory_space<hbm>>
    tpu.wait_dma2 semaphore(%arg11 : memref<!tpu.dma_semaphore, #tpu.memory_space<semaphore_mem>>) src(%dma_wait3A_1672 : memref<2x2x56x56xf32, #tpu.memory_space<hbm>>) dst(%arg7 : memref<2x2x56x56xf32, #tpu.memory_space<vmem>>)
    %dma_start3A_1673 = arith.constant 102 : i32
    %dma_start3A_1674 = arith.constant 0 : i32
    %dma_start3A_1675 = arith.constant 0 : i32
    %dma_start3A_1676 = tpu.memref_slice %arg3[%mul3A_2, %dma_start3A_1673, %dma_start3A_1674, %dma_start3A_1675] : memref<64x128x56x56xf32, #tpu.memory_space<hbm>> -> memref<2x2x56x56xf32, #tpu.memory_space<hbm>>
    %dma_start3A_1677 = arith.constant 102 : i32
    %dma_start3A_1678 = arith.constant 0 : i32
    %dma_start3A_1679 = arith.constant 0 : i32
    %dma_start3A_1680 = tpu.memref_slice %arg3[%mul3A_2, %dma_start3A_1677, %dma_start3A_1678, %dma_start3A_1679] : memref<64x128x56x56xf32, #tpu.memory_space<hbm>> -> memref<2x2x56x56xf32, #tpu.memory_space<hbm>>
    tpu.enqueue_dma source(%arg7 : memref<2x2x56x56xf32, #tpu.memory_space<vmem>>) target(%dma_start3A_1680 : memref<2x2x56x56xf32, #tpu.memory_space<hbm>>) target_semaphore(%arg15 : memref<!tpu.dma_semaphore, #tpu.memory_space<semaphore_mem>>)
    %dma_wait3A_1681 = arith.constant 102 : i32
    %dma_wait3A_1682 = arith.constant 0 : i32
    %dma_wait3A_1683 = arith.constant 0 : i32
    %dma_wait3A_1684 = tpu.memref_slice %arg3[%mul3A_2, %dma_wait3A_1681, %dma_wait3A_1682, %dma_wait3A_1683] : memref<64x128x56x56xf32, #tpu.memory_space<hbm>> -> memref<2x2x56x56xf32, #tpu.memory_space<hbm>>
    %dma_wait3A_1685 = arith.constant 102 : i32
    %dma_wait3A_1686 = arith.constant 0 : i32
    %dma_wait3A_1687 = arith.constant 0 : i32
    %dma_wait3A_1688 = tpu.memref_slice %arg3[%mul3A_2, %dma_wait3A_1685, %dma_wait3A_1686, %dma_wait3A_1687] : memref<64x128x56x56xf32, #tpu.memory_space<hbm>> -> memref<2x2x56x56xf32, #tpu.memory_space<hbm>>
    tpu.wait_dma2 semaphore(%arg15 : memref<!tpu.dma_semaphore, #tpu.memory_space<semaphore_mem>>) src(%arg7 : memref<2x2x56x56xf32, #tpu.memory_space<vmem>>) dst(%dma_wait3A_1688 : memref<2x2x56x56xf32, #tpu.memory_space<hbm>>)
    %dma_start3A_1689 = arith.constant 110 : i32
    %dma_start3A_1690 = arith.constant 0 : i32
    %dma_start3A_1691 = arith.constant 0 : i32
    %dma_start3A_1692 = tpu.memref_slice %arg2[%mul3A_2, %dma_start3A_1689, %dma_start3A_1690, %dma_start3A_1691] : memref<64x128x56x56xf32, #tpu.memory_space<hbm>> -> memref<2x2x56x56xf32, #tpu.memory_space<hbm>>
    %dma_start3A_1693 = arith.constant 110 : i32
    %dma_start3A_1694 = arith.constant 0 : i32
    %dma_start3A_1695 = arith.constant 0 : i32
    %dma_start3A_1696 = tpu.memref_slice %arg2[%mul3A_2, %dma_start3A_1693, %dma_start3A_1694, %dma_start3A_1695] : memref<64x128x56x56xf32, #tpu.memory_space<hbm>> -> memref<2x2x56x56xf32, #tpu.memory_space<hbm>>
    tpu.enqueue_dma source(%dma_start3A_1696 : memref<2x2x56x56xf32, #tpu.memory_space<hbm>>) target(%arg7 : memref<2x2x56x56xf32, #tpu.memory_space<vmem>>) target_semaphore(%arg11 : memref<!tpu.dma_semaphore, #tpu.memory_space<semaphore_mem>>)
    %dma_wait3A_1697 = arith.constant 104 : i32
    %dma_wait3A_1698 = arith.constant 0 : i32
    %dma_wait3A_1699 = arith.constant 0 : i32
    %dma_wait3A_1700 = tpu.memref_slice %arg2[%mul3A_2, %dma_wait3A_1697, %dma_wait3A_1698, %dma_wait3A_1699] : memref<64x128x56x56xf32, #tpu.memory_space<hbm>> -> memref<2x2x56x56xf32, #tpu.memory_space<hbm>>
    %dma_wait3A_1701 = arith.constant 104 : i32
    %dma_wait3A_1702 = arith.constant 0 : i32
    %dma_wait3A_1703 = arith.constant 0 : i32
    %dma_wait3A_1704 = tpu.memref_slice %arg2[%mul3A_2, %dma_wait3A_1701, %dma_wait3A_1702, %dma_wait3A_1703] : memref<64x128x56x56xf32, #tpu.memory_space<hbm>> -> memref<2x2x56x56xf32, #tpu.memory_space<hbm>>
    tpu.wait_dma2 semaphore(%arg8 : memref<!tpu.dma_semaphore, #tpu.memory_space<semaphore_mem>>) src(%dma_wait3A_1704 : memref<2x2x56x56xf32, #tpu.memory_space<hbm>>) dst(%arg4 : memref<2x2x56x56xf32, #tpu.memory_space<vmem>>)
    %dma_start3A_1705 = arith.constant 104 : i32
    %dma_start3A_1706 = arith.constant 0 : i32
    %dma_start3A_1707 = arith.constant 0 : i32
    %dma_start3A_1708 = tpu.memref_slice %arg3[%mul3A_2, %dma_start3A_1705, %dma_start3A_1706, %dma_start3A_1707] : memref<64x128x56x56xf32, #tpu.memory_space<hbm>> -> memref<2x2x56x56xf32, #tpu.memory_space<hbm>>
    %dma_start3A_1709 = arith.constant 104 : i32
    %dma_start3A_1710 = arith.constant 0 : i32
    %dma_start3A_1711 = arith.constant 0 : i32
    %dma_start3A_1712 = tpu.memref_slice %arg3[%mul3A_2, %dma_start3A_1709, %dma_start3A_1710, %dma_start3A_1711] : memref<64x128x56x56xf32, #tpu.memory_space<hbm>> -> memref<2x2x56x56xf32, #tpu.memory_space<hbm>>
    tpu.enqueue_dma source(%arg4 : memref<2x2x56x56xf32, #tpu.memory_space<vmem>>) target(%dma_start3A_1712 : memref<2x2x56x56xf32, #tpu.memory_space<hbm>>) target_semaphore(%arg12 : memref<!tpu.dma_semaphore, #tpu.memory_space<semaphore_mem>>)
    %dma_wait3A_1713 = arith.constant 104 : i32
    %dma_wait3A_1714 = arith.constant 0 : i32
    %dma_wait3A_1715 = arith.constant 0 : i32
    %dma_wait3A_1716 = tpu.memref_slice %arg3[%mul3A_2, %dma_wait3A_1713, %dma_wait3A_1714, %dma_wait3A_1715] : memref<64x128x56x56xf32, #tpu.memory_space<hbm>> -> memref<2x2x56x56xf32, #tpu.memory_space<hbm>>
    %dma_wait3A_1717 = arith.constant 104 : i32
    %dma_wait3A_1718 = arith.constant 0 : i32
    %dma_wait3A_1719 = arith.constant 0 : i32
    %dma_wait3A_1720 = tpu.memref_slice %arg3[%mul3A_2, %dma_wait3A_1717, %dma_wait3A_1718, %dma_wait3A_1719] : memref<64x128x56x56xf32, #tpu.memory_space<hbm>> -> memref<2x2x56x56xf32, #tpu.memory_space<hbm>>
    tpu.wait_dma2 semaphore(%arg12 : memref<!tpu.dma_semaphore, #tpu.memory_space<semaphore_mem>>) src(%arg4 : memref<2x2x56x56xf32, #tpu.memory_space<vmem>>) dst(%dma_wait3A_1720 : memref<2x2x56x56xf32, #tpu.memory_space<hbm>>)
    %dma_start3A_1721 = arith.constant 112 : i32
    %dma_start3A_1722 = arith.constant 0 : i32
    %dma_start3A_1723 = arith.constant 0 : i32
    %dma_start3A_1724 = tpu.memref_slice %arg2[%mul3A_2, %dma_start3A_1721, %dma_start3A_1722, %dma_start3A_1723] : memref<64x128x56x56xf32, #tpu.memory_space<hbm>> -> memref<2x2x56x56xf32, #tpu.memory_space<hbm>>
    %dma_start3A_1725 = arith.constant 112 : i32
    %dma_start3A_1726 = arith.constant 0 : i32
    %dma_start3A_1727 = arith.constant 0 : i32
    %dma_start3A_1728 = tpu.memref_slice %arg2[%mul3A_2, %dma_start3A_1725, %dma_start3A_1726, %dma_start3A_1727] : memref<64x128x56x56xf32, #tpu.memory_space<hbm>> -> memref<2x2x56x56xf32, #tpu.memory_space<hbm>>
    tpu.enqueue_dma source(%dma_start3A_1728 : memref<2x2x56x56xf32, #tpu.memory_space<hbm>>) target(%arg4 : memref<2x2x56x56xf32, #tpu.memory_space<vmem>>) target_semaphore(%arg8 : memref<!tpu.dma_semaphore, #tpu.memory_space<semaphore_mem>>)
    %dma_wait3A_1729 = arith.constant 106 : i32
    %dma_wait3A_1730 = arith.constant 0 : i32
    %dma_wait3A_1731 = arith.constant 0 : i32
    %dma_wait3A_1732 = tpu.memref_slice %arg2[%mul3A_2, %dma_wait3A_1729, %dma_wait3A_1730, %dma_wait3A_1731] : memref<64x128x56x56xf32, #tpu.memory_space<hbm>> -> memref<2x2x56x56xf32, #tpu.memory_space<hbm>>
    %dma_wait3A_1733 = arith.constant 106 : i32
    %dma_wait3A_1734 = arith.constant 0 : i32
    %dma_wait3A_1735 = arith.constant 0 : i32
    %dma_wait3A_1736 = tpu.memref_slice %arg2[%mul3A_2, %dma_wait3A_1733, %dma_wait3A_1734, %dma_wait3A_1735] : memref<64x128x56x56xf32, #tpu.memory_space<hbm>> -> memref<2x2x56x56xf32, #tpu.memory_space<hbm>>
    tpu.wait_dma2 semaphore(%arg9 : memref<!tpu.dma_semaphore, #tpu.memory_space<semaphore_mem>>) src(%dma_wait3A_1736 : memref<2x2x56x56xf32, #tpu.memory_space<hbm>>) dst(%arg5 : memref<2x2x56x56xf32, #tpu.memory_space<vmem>>)
    %dma_start3A_1737 = arith.constant 106 : i32
    %dma_start3A_1738 = arith.constant 0 : i32
    %dma_start3A_1739 = arith.constant 0 : i32
    %dma_start3A_1740 = tpu.memref_slice %arg3[%mul3A_2, %dma_start3A_1737, %dma_start3A_1738, %dma_start3A_1739] : memref<64x128x56x56xf32, #tpu.memory_space<hbm>> -> memref<2x2x56x56xf32, #tpu.memory_space<hbm>>
    %dma_start3A_1741 = arith.constant 106 : i32
    %dma_start3A_1742 = arith.constant 0 : i32
    %dma_start3A_1743 = arith.constant 0 : i32
    %dma_start3A_1744 = tpu.memref_slice %arg3[%mul3A_2, %dma_start3A_1741, %dma_start3A_1742, %dma_start3A_1743] : memref<64x128x56x56xf32, #tpu.memory_space<hbm>> -> memref<2x2x56x56xf32, #tpu.memory_space<hbm>>
    tpu.enqueue_dma source(%arg5 : memref<2x2x56x56xf32, #tpu.memory_space<vmem>>) target(%dma_start3A_1744 : memref<2x2x56x56xf32, #tpu.memory_space<hbm>>) target_semaphore(%arg13 : memref<!tpu.dma_semaphore, #tpu.memory_space<semaphore_mem>>)
    %dma_wait3A_1745 = arith.constant 106 : i32
    %dma_wait3A_1746 = arith.constant 0 : i32
    %dma_wait3A_1747 = arith.constant 0 : i32
    %dma_wait3A_1748 = tpu.memref_slice %arg3[%mul3A_2, %dma_wait3A_1745, %dma_wait3A_1746, %dma_wait3A_1747] : memref<64x128x56x56xf32, #tpu.memory_space<hbm>> -> memref<2x2x56x56xf32, #tpu.memory_space<hbm>>
    %dma_wait3A_1749 = arith.constant 106 : i32
    %dma_wait3A_1750 = arith.constant 0 : i32
    %dma_wait3A_1751 = arith.constant 0 : i32
    %dma_wait3A_1752 = tpu.memref_slice %arg3[%mul3A_2, %dma_wait3A_1749, %dma_wait3A_1750, %dma_wait3A_1751] : memref<64x128x56x56xf32, #tpu.memory_space<hbm>> -> memref<2x2x56x56xf32, #tpu.memory_space<hbm>>
    tpu.wait_dma2 semaphore(%arg13 : memref<!tpu.dma_semaphore, #tpu.memory_space<semaphore_mem>>) src(%arg5 : memref<2x2x56x56xf32, #tpu.memory_space<vmem>>) dst(%dma_wait3A_1752 : memref<2x2x56x56xf32, #tpu.memory_space<hbm>>)
    %dma_start3A_1753 = arith.constant 114 : i32
    %dma_start3A_1754 = arith.constant 0 : i32
    %dma_start3A_1755 = arith.constant 0 : i32
    %dma_start3A_1756 = tpu.memref_slice %arg2[%mul3A_2, %dma_start3A_1753, %dma_start3A_1754, %dma_start3A_1755] : memref<64x128x56x56xf32, #tpu.memory_space<hbm>> -> memref<2x2x56x56xf32, #tpu.memory_space<hbm>>
    %dma_start3A_1757 = arith.constant 114 : i32
    %dma_start3A_1758 = arith.constant 0 : i32
    %dma_start3A_1759 = arith.constant 0 : i32
    %dma_start3A_1760 = tpu.memref_slice %arg2[%mul3A_2, %dma_start3A_1757, %dma_start3A_1758, %dma_start3A_1759] : memref<64x128x56x56xf32, #tpu.memory_space<hbm>> -> memref<2x2x56x56xf32, #tpu.memory_space<hbm>>
    tpu.enqueue_dma source(%dma_start3A_1760 : memref<2x2x56x56xf32, #tpu.memory_space<hbm>>) target(%arg5 : memref<2x2x56x56xf32, #tpu.memory_space<vmem>>) target_semaphore(%arg9 : memref<!tpu.dma_semaphore, #tpu.memory_space<semaphore_mem>>)
    %dma_wait3A_1761 = arith.constant 108 : i32
    %dma_wait3A_1762 = arith.constant 0 : i32
    %dma_wait3A_1763 = arith.constant 0 : i32
    %dma_wait3A_1764 = tpu.memref_slice %arg2[%mul3A_2, %dma_wait3A_1761, %dma_wait3A_1762, %dma_wait3A_1763] : memref<64x128x56x56xf32, #tpu.memory_space<hbm>> -> memref<2x2x56x56xf32, #tpu.memory_space<hbm>>
    %dma_wait3A_1765 = arith.constant 108 : i32
    %dma_wait3A_1766 = arith.constant 0 : i32
    %dma_wait3A_1767 = arith.constant 0 : i32
    %dma_wait3A_1768 = tpu.memref_slice %arg2[%mul3A_2, %dma_wait3A_1765, %dma_wait3A_1766, %dma_wait3A_1767] : memref<64x128x56x56xf32, #tpu.memory_space<hbm>> -> memref<2x2x56x56xf32, #tpu.memory_space<hbm>>
    tpu.wait_dma2 semaphore(%arg10 : memref<!tpu.dma_semaphore, #tpu.memory_space<semaphore_mem>>) src(%dma_wait3A_1768 : memref<2x2x56x56xf32, #tpu.memory_space<hbm>>) dst(%arg6 : memref<2x2x56x56xf32, #tpu.memory_space<vmem>>)
    %dma_start3A_1769 = arith.constant 108 : i32
    %dma_start3A_1770 = arith.constant 0 : i32
    %dma_start3A_1771 = arith.constant 0 : i32
    %dma_start3A_1772 = tpu.memref_slice %arg3[%mul3A_2, %dma_start3A_1769, %dma_start3A_1770, %dma_start3A_1771] : memref<64x128x56x56xf32, #tpu.memory_space<hbm>> -> memref<2x2x56x56xf32, #tpu.memory_space<hbm>>
    %dma_start3A_1773 = arith.constant 108 : i32
    %dma_start3A_1774 = arith.constant 0 : i32
    %dma_start3A_1775 = arith.constant 0 : i32
    %dma_start3A_1776 = tpu.memref_slice %arg3[%mul3A_2, %dma_start3A_1773, %dma_start3A_1774, %dma_start3A_1775] : memref<64x128x56x56xf32, #tpu.memory_space<hbm>> -> memref<2x2x56x56xf32, #tpu.memory_space<hbm>>
    tpu.enqueue_dma source(%arg6 : memref<2x2x56x56xf32, #tpu.memory_space<vmem>>) target(%dma_start3A_1776 : memref<2x2x56x56xf32, #tpu.memory_space<hbm>>) target_semaphore(%arg14 : memref<!tpu.dma_semaphore, #tpu.memory_space<semaphore_mem>>)
    %dma_wait3A_1777 = arith.constant 108 : i32
    %dma_wait3A_1778 = arith.constant 0 : i32
    %dma_wait3A_1779 = arith.constant 0 : i32
    %dma_wait3A_1780 = tpu.memref_slice %arg3[%mul3A_2, %dma_wait3A_1777, %dma_wait3A_1778, %dma_wait3A_1779] : memref<64x128x56x56xf32, #tpu.memory_space<hbm>> -> memref<2x2x56x56xf32, #tpu.memory_space<hbm>>
    %dma_wait3A_1781 = arith.constant 108 : i32
    %dma_wait3A_1782 = arith.constant 0 : i32
    %dma_wait3A_1783 = arith.constant 0 : i32
    %dma_wait3A_1784 = tpu.memref_slice %arg3[%mul3A_2, %dma_wait3A_1781, %dma_wait3A_1782, %dma_wait3A_1783] : memref<64x128x56x56xf32, #tpu.memory_space<hbm>> -> memref<2x2x56x56xf32, #tpu.memory_space<hbm>>
    tpu.wait_dma2 semaphore(%arg14 : memref<!tpu.dma_semaphore, #tpu.memory_space<semaphore_mem>>) src(%arg6 : memref<2x2x56x56xf32, #tpu.memory_space<vmem>>) dst(%dma_wait3A_1784 : memref<2x2x56x56xf32, #tpu.memory_space<hbm>>)
    %dma_start3A_1785 = arith.constant 116 : i32
    %dma_start3A_1786 = arith.constant 0 : i32
    %dma_start3A_1787 = arith.constant 0 : i32
    %dma_start3A_1788 = tpu.memref_slice %arg2[%mul3A_2, %dma_start3A_1785, %dma_start3A_1786, %dma_start3A_1787] : memref<64x128x56x56xf32, #tpu.memory_space<hbm>> -> memref<2x2x56x56xf32, #tpu.memory_space<hbm>>
    %dma_start3A_1789 = arith.constant 116 : i32
    %dma_start3A_1790 = arith.constant 0 : i32
    %dma_start3A_1791 = arith.constant 0 : i32
    %dma_start3A_1792 = tpu.memref_slice %arg2[%mul3A_2, %dma_start3A_1789, %dma_start3A_1790, %dma_start3A_1791] : memref<64x128x56x56xf32, #tpu.memory_space<hbm>> -> memref<2x2x56x56xf32, #tpu.memory_space<hbm>>
    tpu.enqueue_dma source(%dma_start3A_1792 : memref<2x2x56x56xf32, #tpu.memory_space<hbm>>) target(%arg6 : memref<2x2x56x56xf32, #tpu.memory_space<vmem>>) target_semaphore(%arg10 : memref<!tpu.dma_semaphore, #tpu.memory_space<semaphore_mem>>)
    %dma_wait3A_1793 = arith.constant 110 : i32
    %dma_wait3A_1794 = arith.constant 0 : i32
    %dma_wait3A_1795 = arith.constant 0 : i32
    %dma_wait3A_1796 = tpu.memref_slice %arg2[%mul3A_2, %dma_wait3A_1793, %dma_wait3A_1794, %dma_wait3A_1795] : memref<64x128x56x56xf32, #tpu.memory_space<hbm>> -> memref<2x2x56x56xf32, #tpu.memory_space<hbm>>
    %dma_wait3A_1797 = arith.constant 110 : i32
    %dma_wait3A_1798 = arith.constant 0 : i32
    %dma_wait3A_1799 = arith.constant 0 : i32
    %dma_wait3A_1800 = tpu.memref_slice %arg2[%mul3A_2, %dma_wait3A_1797, %dma_wait3A_1798, %dma_wait3A_1799] : memref<64x128x56x56xf32, #tpu.memory_space<hbm>> -> memref<2x2x56x56xf32, #tpu.memory_space<hbm>>
    tpu.wait_dma2 semaphore(%arg11 : memref<!tpu.dma_semaphore, #tpu.memory_space<semaphore_mem>>) src(%dma_wait3A_1800 : memref<2x2x56x56xf32, #tpu.memory_space<hbm>>) dst(%arg7 : memref<2x2x56x56xf32, #tpu.memory_space<vmem>>)
    %dma_start3A_1801 = arith.constant 110 : i32
    %dma_start3A_1802 = arith.constant 0 : i32
    %dma_start3A_1803 = arith.constant 0 : i32
    %dma_start3A_1804 = tpu.memref_slice %arg3[%mul3A_2, %dma_start3A_1801, %dma_start3A_1802, %dma_start3A_1803] : memref<64x128x56x56xf32, #tpu.memory_space<hbm>> -> memref<2x2x56x56xf32, #tpu.memory_space<hbm>>
    %dma_start3A_1805 = arith.constant 110 : i32
    %dma_start3A_1806 = arith.constant 0 : i32
    %dma_start3A_1807 = arith.constant 0 : i32
    %dma_start3A_1808 = tpu.memref_slice %arg3[%mul3A_2, %dma_start3A_1805, %dma_start3A_1806, %dma_start3A_1807] : memref<64x128x56x56xf32, #tpu.memory_space<hbm>> -> memref<2x2x56x56xf32, #tpu.memory_space<hbm>>
    tpu.enqueue_dma source(%arg7 : memref<2x2x56x56xf32, #tpu.memory_space<vmem>>) target(%dma_start3A_1808 : memref<2x2x56x56xf32, #tpu.memory_space<hbm>>) target_semaphore(%arg15 : memref<!tpu.dma_semaphore, #tpu.memory_space<semaphore_mem>>)
    %dma_wait3A_1809 = arith.constant 110 : i32
    %dma_wait3A_1810 = arith.constant 0 : i32
    %dma_wait3A_1811 = arith.constant 0 : i32
    %dma_wait3A_1812 = tpu.memref_slice %arg3[%mul3A_2, %dma_wait3A_1809, %dma_wait3A_1810, %dma_wait3A_1811] : memref<64x128x56x56xf32, #tpu.memory_space<hbm>> -> memref<2x2x56x56xf32, #tpu.memory_space<hbm>>
    %dma_wait3A_1813 = arith.constant 110 : i32
    %dma_wait3A_1814 = arith.constant 0 : i32
    %dma_wait3A_1815 = arith.constant 0 : i32
    %dma_wait3A_1816 = tpu.memref_slice %arg3[%mul3A_2, %dma_wait3A_1813, %dma_wait3A_1814, %dma_wait3A_1815] : memref<64x128x56x56xf32, #tpu.memory_space<hbm>> -> memref<2x2x56x56xf32, #tpu.memory_space<hbm>>
    tpu.wait_dma2 semaphore(%arg15 : memref<!tpu.dma_semaphore, #tpu.memory_space<semaphore_mem>>) src(%arg7 : memref<2x2x56x56xf32, #tpu.memory_space<vmem>>) dst(%dma_wait3A_1816 : memref<2x2x56x56xf32, #tpu.memory_space<hbm>>)
    %dma_start3A_1817 = arith.constant 118 : i32
    %dma_start3A_1818 = arith.constant 0 : i32
    %dma_start3A_1819 = arith.constant 0 : i32
    %dma_start3A_1820 = tpu.memref_slice %arg2[%mul3A_2, %dma_start3A_1817, %dma_start3A_1818, %dma_start3A_1819] : memref<64x128x56x56xf32, #tpu.memory_space<hbm>> -> memref<2x2x56x56xf32, #tpu.memory_space<hbm>>
    %dma_start3A_1821 = arith.constant 118 : i32
    %dma_start3A_1822 = arith.constant 0 : i32
    %dma_start3A_1823 = arith.constant 0 : i32
    %dma_start3A_1824 = tpu.memref_slice %arg2[%mul3A_2, %dma_start3A_1821, %dma_start3A_1822, %dma_start3A_1823] : memref<64x128x56x56xf32, #tpu.memory_space<hbm>> -> memref<2x2x56x56xf32, #tpu.memory_space<hbm>>
    tpu.enqueue_dma source(%dma_start3A_1824 : memref<2x2x56x56xf32, #tpu.memory_space<hbm>>) target(%arg7 : memref<2x2x56x56xf32, #tpu.memory_space<vmem>>) target_semaphore(%arg11 : memref<!tpu.dma_semaphore, #tpu.memory_space<semaphore_mem>>)
    %dma_wait3A_1825 = arith.constant 112 : i32
    %dma_wait3A_1826 = arith.constant 0 : i32
    %dma_wait3A_1827 = arith.constant 0 : i32
    %dma_wait3A_1828 = tpu.memref_slice %arg2[%mul3A_2, %dma_wait3A_1825, %dma_wait3A_1826, %dma_wait3A_1827] : memref<64x128x56x56xf32, #tpu.memory_space<hbm>> -> memref<2x2x56x56xf32, #tpu.memory_space<hbm>>
    %dma_wait3A_1829 = arith.constant 112 : i32
    %dma_wait3A_1830 = arith.constant 0 : i32
    %dma_wait3A_1831 = arith.constant 0 : i32
    %dma_wait3A_1832 = tpu.memref_slice %arg2[%mul3A_2, %dma_wait3A_1829, %dma_wait3A_1830, %dma_wait3A_1831] : memref<64x128x56x56xf32, #tpu.memory_space<hbm>> -> memref<2x2x56x56xf32, #tpu.memory_space<hbm>>
    tpu.wait_dma2 semaphore(%arg8 : memref<!tpu.dma_semaphore, #tpu.memory_space<semaphore_mem>>) src(%dma_wait3A_1832 : memref<2x2x56x56xf32, #tpu.memory_space<hbm>>) dst(%arg4 : memref<2x2x56x56xf32, #tpu.memory_space<vmem>>)
    %dma_start3A_1833 = arith.constant 112 : i32
    %dma_start3A_1834 = arith.constant 0 : i32
    %dma_start3A_1835 = arith.constant 0 : i32
    %dma_start3A_1836 = tpu.memref_slice %arg3[%mul3A_2, %dma_start3A_1833, %dma_start3A_1834, %dma_start3A_1835] : memref<64x128x56x56xf32, #tpu.memory_space<hbm>> -> memref<2x2x56x56xf32, #tpu.memory_space<hbm>>
    %dma_start3A_1837 = arith.constant 112 : i32
    %dma_start3A_1838 = arith.constant 0 : i32
    %dma_start3A_1839 = arith.constant 0 : i32
    %dma_start3A_1840 = tpu.memref_slice %arg3[%mul3A_2, %dma_start3A_1837, %dma_start3A_1838, %dma_start3A_1839] : memref<64x128x56x56xf32, #tpu.memory_space<hbm>> -> memref<2x2x56x56xf32, #tpu.memory_space<hbm>>
    tpu.enqueue_dma source(%arg4 : memref<2x2x56x56xf32, #tpu.memory_space<vmem>>) target(%dma_start3A_1840 : memref<2x2x56x56xf32, #tpu.memory_space<hbm>>) target_semaphore(%arg12 : memref<!tpu.dma_semaphore, #tpu.memory_space<semaphore_mem>>)
    %dma_wait3A_1841 = arith.constant 112 : i32
    %dma_wait3A_1842 = arith.constant 0 : i32
    %dma_wait3A_1843 = arith.constant 0 : i32
    %dma_wait3A_1844 = tpu.memref_slice %arg3[%mul3A_2, %dma_wait3A_1841, %dma_wait3A_1842, %dma_wait3A_1843] : memref<64x128x56x56xf32, #tpu.memory_space<hbm>> -> memref<2x2x56x56xf32, #tpu.memory_space<hbm>>
    %dma_wait3A_1845 = arith.constant 112 : i32
    %dma_wait3A_1846 = arith.constant 0 : i32
    %dma_wait3A_1847 = arith.constant 0 : i32
    %dma_wait3A_1848 = tpu.memref_slice %arg3[%mul3A_2, %dma_wait3A_1845, %dma_wait3A_1846, %dma_wait3A_1847] : memref<64x128x56x56xf32, #tpu.memory_space<hbm>> -> memref<2x2x56x56xf32, #tpu.memory_space<hbm>>
    tpu.wait_dma2 semaphore(%arg12 : memref<!tpu.dma_semaphore, #tpu.memory_space<semaphore_mem>>) src(%arg4 : memref<2x2x56x56xf32, #tpu.memory_space<vmem>>) dst(%dma_wait3A_1848 : memref<2x2x56x56xf32, #tpu.memory_space<hbm>>)
    %dma_start3A_1849 = arith.constant 120 : i32
    %dma_start3A_1850 = arith.constant 0 : i32
    %dma_start3A_1851 = arith.constant 0 : i32
    %dma_start3A_1852 = tpu.memref_slice %arg2[%mul3A_2, %dma_start3A_1849, %dma_start3A_1850, %dma_start3A_1851] : memref<64x128x56x56xf32, #tpu.memory_space<hbm>> -> memref<2x2x56x56xf32, #tpu.memory_space<hbm>>
    %dma_start3A_1853 = arith.constant 120 : i32
    %dma_start3A_1854 = arith.constant 0 : i32
    %dma_start3A_1855 = arith.constant 0 : i32
    %dma_start3A_1856 = tpu.memref_slice %arg2[%mul3A_2, %dma_start3A_1853, %dma_start3A_1854, %dma_start3A_1855] : memref<64x128x56x56xf32, #tpu.memory_space<hbm>> -> memref<2x2x56x56xf32, #tpu.memory_space<hbm>>
    tpu.enqueue_dma source(%dma_start3A_1856 : memref<2x2x56x56xf32, #tpu.memory_space<hbm>>) target(%arg4 : memref<2x2x56x56xf32, #tpu.memory_space<vmem>>) target_semaphore(%arg8 : memref<!tpu.dma_semaphore, #tpu.memory_space<semaphore_mem>>)
    %dma_wait3A_1857 = arith.constant 114 : i32
    %dma_wait3A_1858 = arith.constant 0 : i32
    %dma_wait3A_1859 = arith.constant 0 : i32
    %dma_wait3A_1860 = tpu.memref_slice %arg2[%mul3A_2, %dma_wait3A_1857, %dma_wait3A_1858, %dma_wait3A_1859] : memref<64x128x56x56xf32, #tpu.memory_space<hbm>> -> memref<2x2x56x56xf32, #tpu.memory_space<hbm>>
    %dma_wait3A_1861 = arith.constant 114 : i32
    %dma_wait3A_1862 = arith.constant 0 : i32
    %dma_wait3A_1863 = arith.constant 0 : i32
    %dma_wait3A_1864 = tpu.memref_slice %arg2[%mul3A_2, %dma_wait3A_1861, %dma_wait3A_1862, %dma_wait3A_1863] : memref<64x128x56x56xf32, #tpu.memory_space<hbm>> -> memref<2x2x56x56xf32, #tpu.memory_space<hbm>>
    tpu.wait_dma2 semaphore(%arg9 : memref<!tpu.dma_semaphore, #tpu.memory_space<semaphore_mem>>) src(%dma_wait3A_1864 : memref<2x2x56x56xf32, #tpu.memory_space<hbm>>) dst(%arg5 : memref<2x2x56x56xf32, #tpu.memory_space<vmem>>)
    %dma_start3A_1865 = arith.constant 114 : i32
    %dma_start3A_1866 = arith.constant 0 : i32
    %dma_start3A_1867 = arith.constant 0 : i32
    %dma_start3A_1868 = tpu.memref_slice %arg3[%mul3A_2, %dma_start3A_1865, %dma_start3A_1866, %dma_start3A_1867] : memref<64x128x56x56xf32, #tpu.memory_space<hbm>> -> memref<2x2x56x56xf32, #tpu.memory_space<hbm>>
    %dma_start3A_1869 = arith.constant 114 : i32
    %dma_start3A_1870 = arith.constant 0 : i32
    %dma_start3A_1871 = arith.constant 0 : i32
    %dma_start3A_1872 = tpu.memref_slice %arg3[%mul3A_2, %dma_start3A_1869, %dma_start3A_1870, %dma_start3A_1871] : memref<64x128x56x56xf32, #tpu.memory_space<hbm>> -> memref<2x2x56x56xf32, #tpu.memory_space<hbm>>
    tpu.enqueue_dma source(%arg5 : memref<2x2x56x56xf32, #tpu.memory_space<vmem>>) target(%dma_start3A_1872 : memref<2x2x56x56xf32, #tpu.memory_space<hbm>>) target_semaphore(%arg13 : memref<!tpu.dma_semaphore, #tpu.memory_space<semaphore_mem>>)
    %dma_wait3A_1873 = arith.constant 114 : i32
    %dma_wait3A_1874 = arith.constant 0 : i32
    %dma_wait3A_1875 = arith.constant 0 : i32
    %dma_wait3A_1876 = tpu.memref_slice %arg3[%mul3A_2, %dma_wait3A_1873, %dma_wait3A_1874, %dma_wait3A_1875] : memref<64x128x56x56xf32, #tpu.memory_space<hbm>> -> memref<2x2x56x56xf32, #tpu.memory_space<hbm>>
    %dma_wait3A_1877 = arith.constant 114 : i32
    %dma_wait3A_1878 = arith.constant 0 : i32
    %dma_wait3A_1879 = arith.constant 0 : i32
    %dma_wait3A_1880 = tpu.memref_slice %arg3[%mul3A_2, %dma_wait3A_1877, %dma_wait3A_1878, %dma_wait3A_1879] : memref<64x128x56x56xf32, #tpu.memory_space<hbm>> -> memref<2x2x56x56xf32, #tpu.memory_space<hbm>>
    tpu.wait_dma2 semaphore(%arg13 : memref<!tpu.dma_semaphore, #tpu.memory_space<semaphore_mem>>) src(%arg5 : memref<2x2x56x56xf32, #tpu.memory_space<vmem>>) dst(%dma_wait3A_1880 : memref<2x2x56x56xf32, #tpu.memory_space<hbm>>)
    %dma_start3A_1881 = arith.constant 122 : i32
    %dma_start3A_1882 = arith.constant 0 : i32
    %dma_start3A_1883 = arith.constant 0 : i32
    %dma_start3A_1884 = tpu.memref_slice %arg2[%mul3A_2, %dma_start3A_1881, %dma_start3A_1882, %dma_start3A_1883] : memref<64x128x56x56xf32, #tpu.memory_space<hbm>> -> memref<2x2x56x56xf32, #tpu.memory_space<hbm>>
    %dma_start3A_1885 = arith.constant 122 : i32
    %dma_start3A_1886 = arith.constant 0 : i32
    %dma_start3A_1887 = arith.constant 0 : i32
    %dma_start3A_1888 = tpu.memref_slice %arg2[%mul3A_2, %dma_start3A_1885, %dma_start3A_1886, %dma_start3A_1887] : memref<64x128x56x56xf32, #tpu.memory_space<hbm>> -> memref<2x2x56x56xf32, #tpu.memory_space<hbm>>
    tpu.enqueue_dma source(%dma_start3A_1888 : memref<2x2x56x56xf32, #tpu.memory_space<hbm>>) target(%arg5 : memref<2x2x56x56xf32, #tpu.memory_space<vmem>>) target_semaphore(%arg9 : memref<!tpu.dma_semaphore, #tpu.memory_space<semaphore_mem>>)
    %dma_wait3A_1889 = arith.constant 116 : i32
    %dma_wait3A_1890 = arith.constant 0 : i32
    %dma_wait3A_1891 = arith.constant 0 : i32
    %dma_wait3A_1892 = tpu.memref_slice %arg2[%mul3A_2, %dma_wait3A_1889, %dma_wait3A_1890, %dma_wait3A_1891] : memref<64x128x56x56xf32, #tpu.memory_space<hbm>> -> memref<2x2x56x56xf32, #tpu.memory_space<hbm>>
    %dma_wait3A_1893 = arith.constant 116 : i32
    %dma_wait3A_1894 = arith.constant 0 : i32
    %dma_wait3A_1895 = arith.constant 0 : i32
    %dma_wait3A_1896 = tpu.memref_slice %arg2[%mul3A_2, %dma_wait3A_1893, %dma_wait3A_1894, %dma_wait3A_1895] : memref<64x128x56x56xf32, #tpu.memory_space<hbm>> -> memref<2x2x56x56xf32, #tpu.memory_space<hbm>>
    tpu.wait_dma2 semaphore(%arg10 : memref<!tpu.dma_semaphore, #tpu.memory_space<semaphore_mem>>) src(%dma_wait3A_1896 : memref<2x2x56x56xf32, #tpu.memory_space<hbm>>) dst(%arg6 : memref<2x2x56x56xf32, #tpu.memory_space<vmem>>)
    %dma_start3A_1897 = arith.constant 116 : i32
    %dma_start3A_1898 = arith.constant 0 : i32
    %dma_start3A_1899 = arith.constant 0 : i32
    %dma_start3A_1900 = tpu.memref_slice %arg3[%mul3A_2, %dma_start3A_1897, %dma_start3A_1898, %dma_start3A_1899] : memref<64x128x56x56xf32, #tpu.memory_space<hbm>> -> memref<2x2x56x56xf32, #tpu.memory_space<hbm>>
    %dma_start3A_1901 = arith.constant 116 : i32
    %dma_start3A_1902 = arith.constant 0 : i32
    %dma_start3A_1903 = arith.constant 0 : i32
    %dma_start3A_1904 = tpu.memref_slice %arg3[%mul3A_2, %dma_start3A_1901, %dma_start3A_1902, %dma_start3A_1903] : memref<64x128x56x56xf32, #tpu.memory_space<hbm>> -> memref<2x2x56x56xf32, #tpu.memory_space<hbm>>
    tpu.enqueue_dma source(%arg6 : memref<2x2x56x56xf32, #tpu.memory_space<vmem>>) target(%dma_start3A_1904 : memref<2x2x56x56xf32, #tpu.memory_space<hbm>>) target_semaphore(%arg14 : memref<!tpu.dma_semaphore, #tpu.memory_space<semaphore_mem>>)
    %dma_wait3A_1905 = arith.constant 116 : i32
    %dma_wait3A_1906 = arith.constant 0 : i32
    %dma_wait3A_1907 = arith.constant 0 : i32
    %dma_wait3A_1908 = tpu.memref_slice %arg3[%mul3A_2, %dma_wait3A_1905, %dma_wait3A_1906, %dma_wait3A_1907] : memref<64x128x56x56xf32, #tpu.memory_space<hbm>> -> memref<2x2x56x56xf32, #tpu.memory_space<hbm>>
    %dma_wait3A_1909 = arith.constant 116 : i32
    %dma_wait3A_1910 = arith.constant 0 : i32
    %dma_wait3A_1911 = arith.constant 0 : i32
    %dma_wait3A_1912 = tpu.memref_slice %arg3[%mul3A_2, %dma_wait3A_1909, %dma_wait3A_1910, %dma_wait3A_1911] : memref<64x128x56x56xf32, #tpu.memory_space<hbm>> -> memref<2x2x56x56xf32, #tpu.memory_space<hbm>>
    tpu.wait_dma2 semaphore(%arg14 : memref<!tpu.dma_semaphore, #tpu.memory_space<semaphore_mem>>) src(%arg6 : memref<2x2x56x56xf32, #tpu.memory_space<vmem>>) dst(%dma_wait3A_1912 : memref<2x2x56x56xf32, #tpu.memory_space<hbm>>)
    %dma_start3A_1913 = arith.constant 124 : i32
    %dma_start3A_1914 = arith.constant 0 : i32
    %dma_start3A_1915 = arith.constant 0 : i32
    %dma_start3A_1916 = tpu.memref_slice %arg2[%mul3A_2, %dma_start3A_1913, %dma_start3A_1914, %dma_start3A_1915] : memref<64x128x56x56xf32, #tpu.memory_space<hbm>> -> memref<2x2x56x56xf32, #tpu.memory_space<hbm>>
    %dma_start3A_1917 = arith.constant 124 : i32
    %dma_start3A_1918 = arith.constant 0 : i32
    %dma_start3A_1919 = arith.constant 0 : i32
    %dma_start3A_1920 = tpu.memref_slice %arg2[%mul3A_2, %dma_start3A_1917, %dma_start3A_1918, %dma_start3A_1919] : memref<64x128x56x56xf32, #tpu.memory_space<hbm>> -> memref<2x2x56x56xf32, #tpu.memory_space<hbm>>
    tpu.enqueue_dma source(%dma_start3A_1920 : memref<2x2x56x56xf32, #tpu.memory_space<hbm>>) target(%arg6 : memref<2x2x56x56xf32, #tpu.memory_space<vmem>>) target_semaphore(%arg10 : memref<!tpu.dma_semaphore, #tpu.memory_space<semaphore_mem>>)
    %dma_wait3A_1921 = arith.constant 118 : i32
    %dma_wait3A_1922 = arith.constant 0 : i32
    %dma_wait3A_1923 = arith.constant 0 : i32
    %dma_wait3A_1924 = tpu.memref_slice %arg2[%mul3A_2, %dma_wait3A_1921, %dma_wait3A_1922, %dma_wait3A_1923] : memref<64x128x56x56xf32, #tpu.memory_space<hbm>> -> memref<2x2x56x56xf32, #tpu.memory_space<hbm>>
    %dma_wait3A_1925 = arith.constant 118 : i32
    %dma_wait3A_1926 = arith.constant 0 : i32
    %dma_wait3A_1927 = arith.constant 0 : i32
    %dma_wait3A_1928 = tpu.memref_slice %arg2[%mul3A_2, %dma_wait3A_1925, %dma_wait3A_1926, %dma_wait3A_1927] : memref<64x128x56x56xf32, #tpu.memory_space<hbm>> -> memref<2x2x56x56xf32, #tpu.memory_space<hbm>>
    tpu.wait_dma2 semaphore(%arg11 : memref<!tpu.dma_semaphore, #tpu.memory_space<semaphore_mem>>) src(%dma_wait3A_1928 : memref<2x2x56x56xf32, #tpu.memory_space<hbm>>) dst(%arg7 : memref<2x2x56x56xf32, #tpu.memory_space<vmem>>)
    %dma_start3A_1929 = arith.constant 118 : i32
    %dma_start3A_1930 = arith.constant 0 : i32
    %dma_start3A_1931 = arith.constant 0 : i32
    %dma_start3A_1932 = tpu.memref_slice %arg3[%mul3A_2, %dma_start3A_1929, %dma_start3A_1930, %dma_start3A_1931] : memref<64x128x56x56xf32, #tpu.memory_space<hbm>> -> memref<2x2x56x56xf32, #tpu.memory_space<hbm>>
    %dma_start3A_1933 = arith.constant 118 : i32
    %dma_start3A_1934 = arith.constant 0 : i32
    %dma_start3A_1935 = arith.constant 0 : i32
    %dma_start3A_1936 = tpu.memref_slice %arg3[%mul3A_2, %dma_start3A_1933, %dma_start3A_1934, %dma_start3A_1935] : memref<64x128x56x56xf32, #tpu.memory_space<hbm>> -> memref<2x2x56x56xf32, #tpu.memory_space<hbm>>
    tpu.enqueue_dma source(%arg7 : memref<2x2x56x56xf32, #tpu.memory_space<vmem>>) target(%dma_start3A_1936 : memref<2x2x56x56xf32, #tpu.memory_space<hbm>>) target_semaphore(%arg15 : memref<!tpu.dma_semaphore, #tpu.memory_space<semaphore_mem>>)
    %dma_wait3A_1937 = arith.constant 118 : i32
    %dma_wait3A_1938 = arith.constant 0 : i32
    %dma_wait3A_1939 = arith.constant 0 : i32
    %dma_wait3A_1940 = tpu.memref_slice %arg3[%mul3A_2, %dma_wait3A_1937, %dma_wait3A_1938, %dma_wait3A_1939] : memref<64x128x56x56xf32, #tpu.memory_space<hbm>> -> memref<2x2x56x56xf32, #tpu.memory_space<hbm>>
    %dma_wait3A_1941 = arith.constant 118 : i32
    %dma_wait3A_1942 = arith.constant 0 : i32
    %dma_wait3A_1943 = arith.constant 0 : i32
    %dma_wait3A_1944 = tpu.memref_slice %arg3[%mul3A_2, %dma_wait3A_1941, %dma_wait3A_1942, %dma_wait3A_1943] : memref<64x128x56x56xf32, #tpu.memory_space<hbm>> -> memref<2x2x56x56xf32, #tpu.memory_space<hbm>>
    tpu.wait_dma2 semaphore(%arg15 : memref<!tpu.dma_semaphore, #tpu.memory_space<semaphore_mem>>) src(%arg7 : memref<2x2x56x56xf32, #tpu.memory_space<vmem>>) dst(%dma_wait3A_1944 : memref<2x2x56x56xf32, #tpu.memory_space<hbm>>)
    %dma_start3A_1945 = arith.constant 126 : i32
    %dma_start3A_1946 = arith.constant 0 : i32
    %dma_start3A_1947 = arith.constant 0 : i32
    %dma_start3A_1948 = tpu.memref_slice %arg2[%mul3A_2, %dma_start3A_1945, %dma_start3A_1946, %dma_start3A_1947] : memref<64x128x56x56xf32, #tpu.memory_space<hbm>> -> memref<2x2x56x56xf32, #tpu.memory_space<hbm>>
    %dma_start3A_1949 = arith.constant 126 : i32
    %dma_start3A_1950 = arith.constant 0 : i32
    %dma_start3A_1951 = arith.constant 0 : i32
    %dma_start3A_1952 = tpu.memref_slice %arg2[%mul3A_2, %dma_start3A_1949, %dma_start3A_1950, %dma_start3A_1951] : memref<64x128x56x56xf32, #tpu.memory_space<hbm>> -> memref<2x2x56x56xf32, #tpu.memory_space<hbm>>
    tpu.enqueue_dma source(%dma_start3A_1952 : memref<2x2x56x56xf32, #tpu.memory_space<hbm>>) target(%arg7 : memref<2x2x56x56xf32, #tpu.memory_space<vmem>>) target_semaphore(%arg11 : memref<!tpu.dma_semaphore, #tpu.memory_space<semaphore_mem>>)
    %dma_wait3A_1953 = arith.constant 120 : i32
    %dma_wait3A_1954 = arith.constant 0 : i32
    %dma_wait3A_1955 = arith.constant 0 : i32
    %dma_wait3A_1956 = tpu.memref_slice %arg2[%mul3A_2, %dma_wait3A_1953, %dma_wait3A_1954, %dma_wait3A_1955] : memref<64x128x56x56xf32, #tpu.memory_space<hbm>> -> memref<2x2x56x56xf32, #tpu.memory_space<hbm>>
    %dma_wait3A_1957 = arith.constant 120 : i32
    %dma_wait3A_1958 = arith.constant 0 : i32
    %dma_wait3A_1959 = arith.constant 0 : i32
    %dma_wait3A_1960 = tpu.memref_slice %arg2[%mul3A_2, %dma_wait3A_1957, %dma_wait3A_1958, %dma_wait3A_1959] : memref<64x128x56x56xf32, #tpu.memory_space<hbm>> -> memref<2x2x56x56xf32, #tpu.memory_space<hbm>>
    tpu.wait_dma2 semaphore(%arg8 : memref<!tpu.dma_semaphore, #tpu.memory_space<semaphore_mem>>) src(%dma_wait3A_1960 : memref<2x2x56x56xf32, #tpu.memory_space<hbm>>) dst(%arg4 : memref<2x2x56x56xf32, #tpu.memory_space<vmem>>)
    %dma_start3A_1961 = arith.constant 120 : i32
    %dma_start3A_1962 = arith.constant 0 : i32
    %dma_start3A_1963 = arith.constant 0 : i32
    %dma_start3A_1964 = tpu.memref_slice %arg3[%mul3A_2, %dma_start3A_1961, %dma_start3A_1962, %dma_start3A_1963] : memref<64x128x56x56xf32, #tpu.memory_space<hbm>> -> memref<2x2x56x56xf32, #tpu.memory_space<hbm>>
    %dma_start3A_1965 = arith.constant 120 : i32
    %dma_start3A_1966 = arith.constant 0 : i32
    %dma_start3A_1967 = arith.constant 0 : i32
    %dma_start3A_1968 = tpu.memref_slice %arg3[%mul3A_2, %dma_start3A_1965, %dma_start3A_1966, %dma_start3A_1967] : memref<64x128x56x56xf32, #tpu.memory_space<hbm>> -> memref<2x2x56x56xf32, #tpu.memory_space<hbm>>
    tpu.enqueue_dma source(%arg4 : memref<2x2x56x56xf32, #tpu.memory_space<vmem>>) target(%dma_start3A_1968 : memref<2x2x56x56xf32, #tpu.memory_space<hbm>>) target_semaphore(%arg12 : memref<!tpu.dma_semaphore, #tpu.memory_space<semaphore_mem>>)
    %dma_wait3A_1969 = arith.constant 122 : i32
    %dma_wait3A_1970 = arith.constant 0 : i32
    %dma_wait3A_1971 = arith.constant 0 : i32
    %dma_wait3A_1972 = tpu.memref_slice %arg2[%mul3A_2, %dma_wait3A_1969, %dma_wait3A_1970, %dma_wait3A_1971] : memref<64x128x56x56xf32, #tpu.memory_space<hbm>> -> memref<2x2x56x56xf32, #tpu.memory_space<hbm>>
    %dma_wait3A_1973 = arith.constant 122 : i32
    %dma_wait3A_1974 = arith.constant 0 : i32
    %dma_wait3A_1975 = arith.constant 0 : i32
    %dma_wait3A_1976 = tpu.memref_slice %arg2[%mul3A_2, %dma_wait3A_1973, %dma_wait3A_1974, %dma_wait3A_1975] : memref<64x128x56x56xf32, #tpu.memory_space<hbm>> -> memref<2x2x56x56xf32, #tpu.memory_space<hbm>>
    tpu.wait_dma2 semaphore(%arg9 : memref<!tpu.dma_semaphore, #tpu.memory_space<semaphore_mem>>) src(%dma_wait3A_1976 : memref<2x2x56x56xf32, #tpu.memory_space<hbm>>) dst(%arg5 : memref<2x2x56x56xf32, #tpu.memory_space<vmem>>)
    %dma_start3A_1977 = arith.constant 122 : i32
    %dma_start3A_1978 = arith.constant 0 : i32
    %dma_start3A_1979 = arith.constant 0 : i32
    %dma_start3A_1980 = tpu.memref_slice %arg3[%mul3A_2, %dma_start3A_1977, %dma_start3A_1978, %dma_start3A_1979] : memref<64x128x56x56xf32, #tpu.memory_space<hbm>> -> memref<2x2x56x56xf32, #tpu.memory_space<hbm>>
    %dma_start3A_1981 = arith.constant 122 : i32
    %dma_start3A_1982 = arith.constant 0 : i32
    %dma_start3A_1983 = arith.constant 0 : i32
    %dma_start3A_1984 = tpu.memref_slice %arg3[%mul3A_2, %dma_start3A_1981, %dma_start3A_1982, %dma_start3A_1983] : memref<64x128x56x56xf32, #tpu.memory_space<hbm>> -> memref<2x2x56x56xf32, #tpu.memory_space<hbm>>
    tpu.enqueue_dma source(%arg5 : memref<2x2x56x56xf32, #tpu.memory_space<vmem>>) target(%dma_start3A_1984 : memref<2x2x56x56xf32, #tpu.memory_space<hbm>>) target_semaphore(%arg13 : memref<!tpu.dma_semaphore, #tpu.memory_space<semaphore_mem>>)
    %dma_wait3A_1985 = arith.constant 124 : i32
    %dma_wait3A_1986 = arith.constant 0 : i32
    %dma_wait3A_1987 = arith.constant 0 : i32
    %dma_wait3A_1988 = tpu.memref_slice %arg2[%mul3A_2, %dma_wait3A_1985, %dma_wait3A_1986, %dma_wait3A_1987] : memref<64x128x56x56xf32, #tpu.memory_space<hbm>> -> memref<2x2x56x56xf32, #tpu.memory_space<hbm>>
    %dma_wait3A_1989 = arith.constant 124 : i32
    %dma_wait3A_1990 = arith.constant 0 : i32
    %dma_wait3A_1991 = arith.constant 0 : i32
    %dma_wait3A_1992 = tpu.memref_slice %arg2[%mul3A_2, %dma_wait3A_1989, %dma_wait3A_1990, %dma_wait3A_1991] : memref<64x128x56x56xf32, #tpu.memory_space<hbm>> -> memref<2x2x56x56xf32, #tpu.memory_space<hbm>>
    tpu.wait_dma2 semaphore(%arg10 : memref<!tpu.dma_semaphore, #tpu.memory_space<semaphore_mem>>) src(%dma_wait3A_1992 : memref<2x2x56x56xf32, #tpu.memory_space<hbm>>) dst(%arg6 : memref<2x2x56x56xf32, #tpu.memory_space<vmem>>)
    %dma_start3A_1993 = arith.constant 124 : i32
    %dma_start3A_1994 = arith.constant 0 : i32
    %dma_start3A_1995 = arith.constant 0 : i32
    %dma_start3A_1996 = tpu.memref_slice %arg3[%mul3A_2, %dma_start3A_1993, %dma_start3A_1994, %dma_start3A_1995] : memref<64x128x56x56xf32, #tpu.memory_space<hbm>> -> memref<2x2x56x56xf32, #tpu.memory_space<hbm>>
    %dma_start3A_1997 = arith.constant 124 : i32
    %dma_start3A_1998 = arith.constant 0 : i32
    %dma_start3A_1999 = arith.constant 0 : i32
    %dma_start3A_2000 = tpu.memref_slice %arg3[%mul3A_2, %dma_start3A_1997, %dma_start3A_1998, %dma_start3A_1999] : memref<64x128x56x56xf32, #tpu.memory_space<hbm>> -> memref<2x2x56x56xf32, #tpu.memory_space<hbm>>
    tpu.enqueue_dma source(%arg6 : memref<2x2x56x56xf32, #tpu.memory_space<vmem>>) target(%dma_start3A_2000 : memref<2x2x56x56xf32, #tpu.memory_space<hbm>>) target_semaphore(%arg14 : memref<!tpu.dma_semaphore, #tpu.memory_space<semaphore_mem>>)
    %dma_wait3A_2001 = arith.constant 126 : i32
    %dma_wait3A_2002 = arith.constant 0 : i32
    %dma_wait3A_2003 = arith.constant 0 : i32
    %dma_wait3A_2004 = tpu.memref_slice %arg2[%mul3A_2, %dma_wait3A_2001, %dma_wait3A_2002, %dma_wait3A_2003] : memref<64x128x56x56xf32, #tpu.memory_space<hbm>> -> memref<2x2x56x56xf32, #tpu.memory_space<hbm>>
    %dma_wait3A_2005 = arith.constant 126 : i32
    %dma_wait3A_2006 = arith.constant 0 : i32
    %dma_wait3A_2007 = arith.constant 0 : i32
    %dma_wait3A_2008 = tpu.memref_slice %arg2[%mul3A_2, %dma_wait3A_2005, %dma_wait3A_2006, %dma_wait3A_2007] : memref<64x128x56x56xf32, #tpu.memory_space<hbm>> -> memref<2x2x56x56xf32, #tpu.memory_space<hbm>>
    tpu.wait_dma2 semaphore(%arg11 : memref<!tpu.dma_semaphore, #tpu.memory_space<semaphore_mem>>) src(%dma_wait3A_2008 : memref<2x2x56x56xf32, #tpu.memory_space<hbm>>) dst(%arg7 : memref<2x2x56x56xf32, #tpu.memory_space<vmem>>)
    %dma_start3A_2009 = arith.constant 126 : i32
    %dma_start3A_2010 = arith.constant 0 : i32
    %dma_start3A_2011 = arith.constant 0 : i32
    %dma_start3A_2012 = tpu.memref_slice %arg3[%mul3A_2, %dma_start3A_2009, %dma_start3A_2010, %dma_start3A_2011] : memref<64x128x56x56xf32, #tpu.memory_space<hbm>> -> memref<2x2x56x56xf32, #tpu.memory_space<hbm>>
    %dma_start3A_2013 = arith.constant 126 : i32
    %dma_start3A_2014 = arith.constant 0 : i32
    %dma_start3A_2015 = arith.constant 0 : i32
    %dma_start3A_2016 = tpu.memref_slice %arg3[%mul3A_2, %dma_start3A_2013, %dma_start3A_2014, %dma_start3A_2015] : memref<64x128x56x56xf32, #tpu.memory_space<hbm>> -> memref<2x2x56x56xf32, #tpu.memory_space<hbm>>
    tpu.enqueue_dma source(%arg7 : memref<2x2x56x56xf32, #tpu.memory_space<vmem>>) target(%dma_start3A_2016 : memref<2x2x56x56xf32, #tpu.memory_space<hbm>>) target_semaphore(%arg15 : memref<!tpu.dma_semaphore, #tpu.memory_space<semaphore_mem>>)
    %dma_wait3A_2017 = arith.constant 120 : i32
    %dma_wait3A_2018 = arith.constant 0 : i32
    %dma_wait3A_2019 = arith.constant 0 : i32
    %dma_wait3A_2020 = tpu.memref_slice %arg3[%mul3A_2, %dma_wait3A_2017, %dma_wait3A_2018, %dma_wait3A_2019] : memref<64x128x56x56xf32, #tpu.memory_space<hbm>> -> memref<2x2x56x56xf32, #tpu.memory_space<hbm>>
    %dma_wait3A_2021 = arith.constant 120 : i32
    %dma_wait3A_2022 = arith.constant 0 : i32
    %dma_wait3A_2023 = arith.constant 0 : i32
    %dma_wait3A_2024 = tpu.memref_slice %arg3[%mul3A_2, %dma_wait3A_2021, %dma_wait3A_2022, %dma_wait3A_2023] : memref<64x128x56x56xf32, #tpu.memory_space<hbm>> -> memref<2x2x56x56xf32, #tpu.memory_space<hbm>>
    tpu.wait_dma2 semaphore(%arg12 : memref<!tpu.dma_semaphore, #tpu.memory_space<semaphore_mem>>) src(%arg4 : memref<2x2x56x56xf32, #tpu.memory_space<vmem>>) dst(%dma_wait3A_2024 : memref<2x2x56x56xf32, #tpu.memory_space<hbm>>)
    %dma_wait3A_2025 = arith.constant 122 : i32
    %dma_wait3A_2026 = arith.constant 0 : i32
    %dma_wait3A_2027 = arith.constant 0 : i32
    %dma_wait3A_2028 = tpu.memref_slice %arg3[%mul3A_2, %dma_wait3A_2025, %dma_wait3A_2026, %dma_wait3A_2027] : memref<64x128x56x56xf32, #tpu.memory_space<hbm>> -> memref<2x2x56x56xf32, #tpu.memory_space<hbm>>
    %dma_wait3A_2029 = arith.constant 122 : i32
    %dma_wait3A_2030 = arith.constant 0 : i32
    %dma_wait3A_2031 = arith.constant 0 : i32
    %dma_wait3A_2032 = tpu.memref_slice %arg3[%mul3A_2, %dma_wait3A_2029, %dma_wait3A_2030, %dma_wait3A_2031] : memref<64x128x56x56xf32, #tpu.memory_space<hbm>> -> memref<2x2x56x56xf32, #tpu.memory_space<hbm>>
    tpu.wait_dma2 semaphore(%arg13 : memref<!tpu.dma_semaphore, #tpu.memory_space<semaphore_mem>>) src(%arg5 : memref<2x2x56x56xf32, #tpu.memory_space<vmem>>) dst(%dma_wait3A_2032 : memref<2x2x56x56xf32, #tpu.memory_space<hbm>>)
    %dma_wait3A_2033 = arith.constant 124 : i32
    %dma_wait3A_2034 = arith.constant 0 : i32
    %dma_wait3A_2035 = arith.constant 0 : i32
    %dma_wait3A_2036 = tpu.memref_slice %arg3[%mul3A_2, %dma_wait3A_2033, %dma_wait3A_2034, %dma_wait3A_2035] : memref<64x128x56x56xf32, #tpu.memory_space<hbm>> -> memref<2x2x56x56xf32, #tpu.memory_space<hbm>>
    %dma_wait3A_2037 = arith.constant 124 : i32
    %dma_wait3A_2038 = arith.constant 0 : i32
    %dma_wait3A_2039 = arith.constant 0 : i32
    %dma_wait3A_2040 = tpu.memref_slice %arg3[%mul3A_2, %dma_wait3A_2037, %dma_wait3A_2038, %dma_wait3A_2039] : memref<64x128x56x56xf32, #tpu.memory_space<hbm>> -> memref<2x2x56x56xf32, #tpu.memory_space<hbm>>
    tpu.wait_dma2 semaphore(%arg14 : memref<!tpu.dma_semaphore, #tpu.memory_space<semaphore_mem>>) src(%arg6 : memref<2x2x56x56xf32, #tpu.memory_space<vmem>>) dst(%dma_wait3A_2040 : memref<2x2x56x56xf32, #tpu.memory_space<hbm>>)
    %dma_wait3A_2041 = arith.constant 126 : i32
    %dma_wait3A_2042 = arith.constant 0 : i32
    %dma_wait3A_2043 = arith.constant 0 : i32
    %dma_wait3A_2044 = tpu.memref_slice %arg3[%mul3A_2, %dma_wait3A_2041, %dma_wait3A_2042, %dma_wait3A_2043] : memref<64x128x56x56xf32, #tpu.memory_space<hbm>> -> memref<2x2x56x56xf32, #tpu.memory_space<hbm>>
    %dma_wait3A_2045 = arith.constant 126 : i32
    %dma_wait3A_2046 = arith.constant 0 : i32
    %dma_wait3A_2047 = arith.constant 0 : i32
    %dma_wait3A_2048 = tpu.memref_slice %arg3[%mul3A_2, %dma_wait3A_2045, %dma_wait3A_2046, %dma_wait3A_2047] : memref<64x128x56x56xf32, #tpu.memory_space<hbm>> -> memref<2x2x56x56xf32, #tpu.memory_space<hbm>>
    tpu.wait_dma2 semaphore(%arg15 : memref<!tpu.dma_semaphore, #tpu.memory_space<semaphore_mem>>) src(%arg7 : memref<2x2x56x56xf32, #tpu.memory_space<vmem>>) dst(%dma_wait3A_2048 : memref<2x2x56x56xf32, #tpu.memory_space<hbm>>)
    return
  }
}

</mosaic_0001>

<sc_bundles>
// kernel: kernel.3.cloned.1.call-start
scs
__scs_entry_jumppad:
0x0: {  	(pc) =	sbr.rel $0x88, $3  }
0x1: {  	(tag) =	ssettag $0x0;
	lr =	simm.s32 $0x1  }
0x2: {  	[smem:$0x3FA0] =	sst lr;
	_ =	strace $0xD0000000  }
0x3: {  	_ = 	snop  }
0x4: {  	_ = 	snop  }
0x5: {  	_ = 	snop  }
0x6: {  	_ = 	snop  }
0x7: {  	_ = 	snop  }
__scs_overlays_trampoline_lowered:
0x8: {  	[smem:$0x3FAF] =	sst s0  }
0x9: {  	[smem:$0x3FB0] =	sst s1  }
0xa: {  	[smem:$0x3FB1] =	sst s2  }
0xb: {  	[smem:$0x3FB2] =	sst s3  }
0xc: {  	[smem:$0x3FB3] =	sst s4  }
0xd: {  	[smem:$0x3FB4] =	sst s5  }
0xe: {  	[smem:$0x3FB5] =	sst s6  }
0xf: {  	[smem:$0x3FB6] =	sst s7  }
0x10: {  	[smem:$0x3FB7] =	sst s8  }
0x11: {  	[smem:$0x3FB8] =	sst s9;
	s0 =	simm.s32 @!p0 $0x0  }
0x12: {  	s1 =	sld [smem:$0x3F9E];
	s0 =	simm.s32 @p0 $0x1  }
0x13: {  	[smem:$0x3FB9] =	sst s0;
	s0 =	simm.s32 @!p1 $0x0  }
0x14: {  	s2 =	sld [smem:$0x3F9D];
	s0 =	simm.s32 @p1 $0x1  }
0x15: {  	[smem:$0x3FBA] =	sst s0;
	s0 =	simm.s32 @!p2 $0x0  }
0x16: {  	s3 =	sld [smem:$0x3FDB];
	s0 =	simm.s32 @p2 $0x1  }
0x17: {  	s4 =	simm.s32 $0x1BF5;
	[smem:$0x3FBC] =	sst s0  }
0x18: {  	s0 =	sld [smem:$0x3F9F];
	_ =	swait.ge [sflag:s4], $0x0  }
0x19: {  	s7 =	sld [smem:$0x3FA0]  }
0x1a: {  	s8 =	sadd.s32 $0xFFFFE003, lr  }
0x1b: {  	s9 =	sadd.s32 $0xFFFFFEF7, lr;
	s5 =	simm.s32 $0xFFFFFFFF;
	p2 =	slt.u32 s8, $0xFFFFF086  }
0x1c: {  	p1 =	slt.u32 s9, $0xF7A;
	s5 =	simm.s32 @!p2 $0x0  }
0x1d: {  	s5 =	simm.s32 @p1 $0x1;
	p0 =	seq.s32 s7, s2  }
0x1e: {  	s7 =	smul.u32 @!p0 $0xF7A, s2;
	p2 =	seq.s32 @!p0 s5, $0x0  }
0x1f: {  	s9 =	smul.u32 $0xF7A, s1;
	s8 =	simm.s32 @!p0 $0x1BF5;
	p2 =	por !p2, p0  }
0x20: {  	[sflag:s8] =	ssyncset.s32 @!p0 $0xFFFFF086;
	s6 =	sadd.s32 @!p0 s3, s7;
	s7 =	simm.s32 @!p0 $0x108  }
0x21: {  	s3 =	sadd.s32 s3, s9;
	s6 =	sadd.s32 @!p0 $0x88, s6;
	s7 =	simm.s32 @p2 $0x1082  }
0x22: {  	[simem:s7], [sflag:s8] =	dma.local @!p0 [hbm:s6], $0xF7A  }
0x23: {  	s9 =	sor.u32 $0xD0000000, s2;
	s6 =	simm.s32 $0x108;
	_ =	swait.ge @!p0 [sflag:s8], $0x0  }
0x24: {  	s3 =	sadd.s32 $0x88, s3;
	s6 =	simm.s32 @!p1 $0x1082;
	[sflag:s4] =	ssyncset.s32 $0xFFFFF086  }
0x25: {  	[simem:s6], [sflag:s4] =	dma.local [hbm:s3], $0xF7A  }
0x26: {  	[smem:$0x3FA0] =	sst s1;
	(tag) =	ssettag s2;
	_ =	strace s9  }
0x27: {  	s1 =	sld [smem:$0x3FB0]  }
0x28: {  	s2 =	sld [smem:$0x3FB1]  }
0x29: {  	s4 =	sld [smem:$0x3FB3]  }
0x2a: {  	p0 =	seq.s32 s5, $0x0;
	s5 =	sld [smem:$0x3FB4]  }
0x2b: {  	s6 =	sld [smem:$0x3FB5]  }
0x2c: {  	s7 =	sld [smem:$0x3FB6]  }
0x2d: {  	s3 =	simm.s32 $0x108;
	s8 =	sld [smem:$0x3FB7]  }
0x2e: {  	s3 =	simm.s32 @!p0 $0x1082;
	s9 =	sld [smem:$0x3FB8]  }
0x2f: {  	lr =	sadd.s32 s0, s3;
	s0 =	sld [smem:$0x3FAF]  }
0x30: {  	s3 =	sld [smem:$0x3FB2]  }
0x31: {  	[smem:$0x3FBB] =	sst s10  }
0x32: {  	s10 =	sld [smem:$0x3FB9];
	_ =	sdelay $0x3  }
0x33: {  	p0 =	seq.s32 s10, $0x1;
	s10 =	sld [smem:$0x3FBB];
	_ =	sdelay $0x3  }
0x34: {  	[smem:$0x3FBB] =	sst s10  }
0x35: {  	s10 =	sld [smem:$0x3FBA];
	_ =	sdelay $0x3  }
0x36: {  	p1 =	seq.s32 s10, $0x1;
	s10 =	sld [smem:$0x3FBB];
	_ =	sdelay $0x3  }
0x37: {  	[smem:$0x3FBB] =	sst s10  }
0x38: {  	s10 =	sld [smem:$0x3FBC]  }
0x39: {  	_ = 	snop;
	(pc) =	sbr.ind lr, $3  }
0x3a: {  	_ = 	snop  }
0x3b: {  	_ = 	snop  }
0x3c: {  	p2 =	seq.s32 s10, $0x1;
	s10 =	sld [smem:$0x3FBB]  }
0x3d: {  	_ =	shalt  }
0x3e: {  	_ =	shalt  }
0x3f: {  	_ =	shalt  }
0x40: {  	_ =	shalt  }
0x41: {  	_ =	shalt  }
0x42: {  	_ =	shalt  }
0x43: {  	_ =	shalt  }
0x44: {  	_ =	shalt  }
0x45: {  	_ =	shalt  }
0x46: {  	_ =	shalt  }
0x47: {  	_ =	shalt  }
0x48: {  	_ =	shalt  }
0x49: {  	_ =	shalt  }
0x4a: {  	_ =	shalt  }
0x4b: {  	_ =	shalt  }
0x4c: {  	_ =	shalt  }
0x4d: {  	_ =	shalt  }
0x4e: {  	_ =	shalt  }
0x4f: {  	_ =	shalt  }
0x50: {  	_ =	shalt  }
0x51: {  	_ =	shalt  }
0x52: {  	_ =	shalt  }
0x53: {  	_ =	shalt  }
0x54: {  	_ =	shalt  }
0x55: {  	_ =	shalt  }
0x56: {  	_ =	shalt  }
0x57: {  	_ =	shalt  }
0x58: {  	_ =	shalt  }
0x59: {  	_ =	shalt  }
0x5a: {  	_ =	shalt  }
0x5b: {  	_ =	shalt  }
0x5c: {  	_ =	shalt  }
0x5d: {  	_ =	shalt  }
0x5e: {  	_ =	shalt  }
0x5f: {  	_ =	shalt  }
0x60: {  	_ =	shalt  }
0x61: {  	_ =	shalt  }
0x62: {  	_ =	shalt  }
0x63: {  	_ =	shalt  }
0x64: {  	_ =	shalt  }
0x65: {  	_ =	shalt  }
0x66: {  	_ =	shalt  }
0x67: {  	_ =	shalt  }
0x68: {  	_ =	shalt  }
0x69: {  	_ =	shalt  }
0x6a: {  	_ =	shalt  }
0x6b: {  	_ =	shalt  }
0x6c: {  	_ =	shalt  }
0x6d: {  	_ =	shalt  }
0x6e: {  	_ =	shalt  }
0x6f: {  	_ =	shalt  }
0x70: {  	_ =	shalt  }
0x71: {  	_ =	shalt  }
0x72: {  	_ =	shalt  }
0x73: {  	_ =	shalt  }
0x74: {  	_ =	shalt  }
0x75: {  	_ =	shalt  }
0x76: {  	_ =	shalt  }
0x77: {  	_ =	shalt  }
0x78: {  	_ =	shalt  }
0x79: {  	_ =	shalt  }
0x7a: {  	_ =	shalt  }
0x7b: {  	_ =	shalt  }
0x7c: {  	_ =	shalt  }
0x7d: {  	_ =	shalt  }
0x7e: {  	_ =	shalt  }
0x7f: {  	_ =	shalt  }
0x80: {  	_ =	shalt  }
0x81: {  	_ =	shalt  }
0x82: {  	_ =	shalt  }
0x83: {  	_ =	shalt  }
0x84: {  	_ =	shalt  }
0x85: {  	_ =	shalt  }
0x86: {  	_ =	shalt  }
0x87: {  	_ =	shalt  }
.Lfunc_end0:
.L_simem_size_0:
called_computation_lowered:
.L_overlay_start_0:
0x88: {  	s2 =	sld [smem:$0x3FD9]  }
0x89: {  	s3 =	sld [smem:$0x3FFE];
	_ =	sdelay $0x1  }
0x8a: {  	s1 =	srdreg.scid  }
0x8b: {  	s0 =	sand.u32 $0x1, s1  }
0x8c: {  	s16 =	sshll.u32 s0, $0xA;
	s2 =	sadd.s32 s3, s2  }
0x8d: {  	s2 =	sadd.s32 s2, s16  }
0x8e: {  	[smem:$0x3FC7] =	sst s2  }
0x8f: {  	_ = 	snop  }
0x90: {  	(tm) =	ssettm $0x1  }
0x91: {  	s17 =	sld [smem:$0x3FFB];
	_ =	sdelay $0x3  }
0x92: {  	_ =	strace s17  }
0x93: {  	s2 =	sld [smem:$0x3FFC];
	_ =	sdelay $0x3  }
0x94: {  	_ =	strace s2  }
0x95: {  	s2 =	sld [smem:$0x3FFD];
	_ =	sdelay $0x3  }
0x96: {  	_ =	strace s2  }
0x97: {  	_ =	strace $0x8FFFFFFF  }
0x98: {  	s18 =	sld [smem:$0x3FDB];
	_ =	sdelay $0x1  }
0x99: {  	s19 =	simm.s32 $_scs_section_size  }
0x9a: {  	s4 =	simm.s32 $_size__tile_overlayer_lowered;
	s5 =	simm.s32 $_tile_overlayer_lowered  }
0x9b: {  	s22 =	simm.s32 $0x1BFF;
	s21 =	sshll.u32 s5, $0x1;
	s2 =	sadd.s32 s19, s18  }
0x9c: {  	s6 =	simm.s32 $0x0;
	s20 =	sshll.u32 s4, $0x1;
	s4 =	sadd.s32 s21, s2  }
0x9d: {  	[timem:s6], [sflag:s22] =	dma.local [hbm:s4], s20  }
0x9e: {  	_ =	swait.ge [sflag:s22], s20  }
0x9f: {  	s3 =	ssub.s32 $0x0, s20;
	[sflag:s22] =	ssyncset.done $0x0  }
0xa0: {  	[sflag:s22] =	ssyncadd.s32 s3;
	_ =	sdelay $0x1  }
0xa1: {  	s23 =	simm.s32 $0x1B8B  }
0xa2: {  	_ =	swait.ge [sflag:s23], $0x1  }
0xa3: {  	[sflag:s23] =	ssyncset.done $0x0  }
0xa4: {  	s25 =	simm.s32 $0x1B8E;
	s24 =	sld [smem:$0x3FFE];
	[sflag:s23] =	ssyncadd.s32 $0xFFFFFFFF  }
0xa5: {  	s26 =	simm.s32 $execute0_lowered;
	[smem:$0x3FD2] =	sst s25  }
0xa6: {  	s4 =	sshll.u32 s26, $0x1;
	_ =	strace $0x80000046;
	[dreg:$0x1] =	wrdreg $0xFFFFFFFF  }
0xa7: {  	s28 =	simm.s32 $_size_execute0_lowered;
	s2 =	sadd.s32 s2, s4;
	[dreg:$0x0] =	wrdreg $0x0  }
0xa8: {  	s4 =	sshll.u32 s28, $0x1;
	[dreg:$0x2] =	wrdreg s2  }
0xa9: {  	[dreg:$0x3] =	wrdreg s4  }
0xaa: {  	[dreg:$0x4] =	wrdreg $0xC0  }
0xab: {  	_ =	task [dreg:s6], $0x5FFFF  }
0xac: {  	[dreg:$0x1] =	wrdreg $0xFFFFFFFF  }
0xad: {  	[dreg:$0x0] =	wrdreg $0x60  }
0xae: {  	[dreg:$0x2] =	wrdreg s24  }
0xaf: {  	[dreg:$0x3] =	wrdreg $0x9  }
0xb0: {  	_ =	task.clear_ibuf [dreg:s6], $0x4FFFF;
	_ =	strace $0x90000046  }
0xb1: {  	s29 =	simm.s32 $0x9;
	_ =	strace $0x80000048  }
0xb2: {  	_ =	swait.ge [sflag:s29], $0x1  }
0xb3: {  	[sflag:s29] =	ssyncadd.s32 $0xFFFFFFFF  }
0xb4: {  	_ =	strace $0x90000048  }
0xb5: {  	_ =	sfence  }
0xb6: {  	s30 =	sld [smem:$0x0];
	_ =	sdelay $0x2  }
0xb7: {  	s31 =	sshll.u32 s1, $0xD;
	s1 =	sshrl.u32 s1, $0x2  }
0xb8: {  	s3 =	sand.u32 $0x4000, s31;
	s1 =	sadd.s32 s1, s30  }
0xb9: {  	s0 =	sor.u32 s3, s0;
	s1 =	sshll.u32 s1, $0x11  }
0xba: {  	s0 =	sor.u32 s1, s0  }
0xbb: {  	s0 =	sadd.s32 $0x8F2B, s0  }
0xbc: {  	[sflag:s0] =	ssyncadd.remote.s32 $0x1  }
0xbd: {  	_ =	sfence.sel $0xFFFF  }
0xbe: {  	[dreg:$0x0] =	wrdreg $0xFFFFFFFF;
	(pc) =	sbr.abs _section_cstart, $3  }
0xbf: {  	[dreg:$0x1] =	wrdreg $0xFFFFFFFF  }
0xc0: {  	_ =	task.clear_ibuf [dreg:s6], $0x2FFFF;
	_ =	strace $0x9FFFFFFF  }
0xc1: {  	(tm) =	ssettm $0x7FFFFFFF  }
tec
execute0_lowered:
.L_overlay_start_1:
0x0: {  	(tag) =	ssettag $0x1  }
0x1: {  	s0 =	srdreg.scid  }
0x2: {  	s1 =	stileid.u32;
	s5 =	sand.u32 $0x1, s0  }
0x3: {  	s8 =	sshll.u32 s1, $0x2;
	s9 =	sshll.u32 s5, $0x1  }
0x4: {  	s0 =	sor.u32 s9, s8  }
0x5: {  	s0 =	smul.u32 $0xE0000, s0  }
0x6: {  	s4 =	rddreg [dreg:$0x0];
	s2 =	simm.s32 $0x0  }
0x7: {  	[smem:$0x7FF] =	sst s2;
	s1 =	sadd.s32 $0x400, s4;
	s3 =	sshrl.u32 s0, $0x3  }
0x8: {  	s4 =	sadd.s32 $0x700400, s4;
	_ =	strace $0x80000047;
	s0 =	sadd.s32 s1, s3  }
0x9: {  	s6 =	sor.u32 $0x700, s3;
	s13 =	sadd.s32 s4, s3;
	[dreg:$0x2] =	wrdreg s0  }
0xa: {  	s7 =	sor.u32 $0xE00, s3;
	s10 =	sadd.s32 s1, s6;
	[dreg:$0x6] =	wrdreg s13  }
0xb: {  	s8 =	sor.u32 $0x1500, s3;
	s11 =	sadd.s32 s1, s7;
	[dreg:$0x3] =	wrdreg s10  }
0xc: {  	s9 =	sor.u32 $0x1C00, s3;
	s12 =	sadd.s32 s1, s8;
	[dreg:$0x4] =	wrdreg s11  }
0xd: {  	s14 =	sadd.s32 s1, s9;
	[dreg:$0x5] =	wrdreg s12  }
0xe: {  	s16 =	sor.u32 $0x2300, s3;
	s15 =	sadd.s32 s4, s6;
	[dreg:$0x7] =	wrdreg s14  }
0xf: {  	s17 =	sadd.s32 s1, s16;
	[dreg:$0x8] =	wrdreg s15  }
0x10: {  	s19 =	sor.u32 $0x2A00, s3;
	s18 =	sadd.s32 s4, s7;
	[dreg:$0x9] =	wrdreg s17  }
0x11: {  	s20 =	sadd.s32 s1, s19;
	[dreg:$0xa] =	wrdreg s18  }
0x12: {  	s22 =	sor.u32 $0x3100, s3;
	s21 =	sadd.s32 s4, s8;
	[dreg:$0xb] =	wrdreg s20  }
0x13: {  	s23 =	sadd.s32 s1, s22;
	[dreg:$0xc] =	wrdreg s21  }
0x14: {  	s25 =	sor.u32 $0x3800, s3;
	s24 =	sadd.s32 s4, s9;
	[dreg:$0xd] =	wrdreg s23  }
0x15: {  	s26 =	sadd.s32 s1, s25;
	[dreg:$0xe] =	wrdreg s24  }
0x16: {  	s6 =	sadd.s32 s4, s16;
	[dreg:$0xf] =	wrdreg s26  }
0x17: {  	[dreg:$0x10] =	wrdreg s6  }
0x18: {  	s13 =	sor.u32 $0x4600, s3;
	s12 =	sadd.s32 s4, s19;
	s0 =	rddreg [dreg:$0x2]  }
0x19: {  	s14 =	sadd.s32 s1, s13;
	[dreg:$0x12] =	wrdreg s12  }
0x1a: {  	s16 =	sor.u32 $0x4D00, s3;
	s15 =	sadd.s32 s4, s22;
	[dreg:$0x13] =	wrdreg s14  }
0x1b: {  	s17 =	sadd.s32 s1, s16;
	[dreg:$0x14] =	wrdreg s15  }
0x1c: {  	s18 =	sadd.s32 s4, s25;
	[dreg:$0x15] =	wrdreg s17  }
0x1d: {  	s24 =	sadd.s32 s4, s13;
	[dreg:$0x16] =	wrdreg s18  }
0x1e: {  	s10 =	sor.u32 $0x3F00, s3;
	s8 =	sadd.s32 s4, s16;
	[dreg:$0x1a] =	wrdreg s24  }
0x1f: {  	s19 =	sor.u32 $0x5400, s3;
	s11 =	sadd.s32 s1, s10;
	[dreg:$0x1c] =	wrdreg s8  }
0x20: {  	s20 =	sadd.s32 s1, s19;
	[dreg:$0x11] =	wrdreg s11  }
0x21: {  	s22 =	sor.u32 $0x5B00, s3;
	s21 =	sadd.s32 s4, s10;
	[dreg:$0x17] =	wrdreg s20  }
0x22: {  	s25 =	sor.u32 $0x6200, s3;
	s23 =	sadd.s32 s1, s22;
	[dreg:$0x18] =	wrdreg s21  }
0x23: {  	s26 =	sadd.s32 s1, s25;
	[dreg:$0x19] =	wrdreg s23  }
0x24: {  	s13 =	sor.u32 $0x7000, s3;
	s12 =	sadd.s32 s4, s19;
	[dreg:$0x1b] =	wrdreg s26  }
0x25: {  	s14 =	sadd.s32 s1, s13;
	[dreg:$0x1e] =	wrdreg s12  }
0x26: {  	s16 =	sor.u32 $0x7700, s3;
	s15 =	sadd.s32 s4, s22;
	[dreg:$0x1f] =	wrdreg s14  }
0x27: {  	s17 =	sadd.s32 s1, s16;
	[smem:$0x7AB] =	sst s15  }
0x28: {  	s18 =	sadd.s32 s4, s25;
	[smem:$0x7AC] =	sst s17  }
0x29: {  	s24 =	sadd.s32 s4, s13;
	[smem:$0x7AD] =	sst s18  }
0x2a: {  	s10 =	sor.u32 $0x6900, s3;
	s6 =	sadd.s32 s4, s16;
	[smem:$0x7B1] =	sst s24  }
0x2b: {  	s19 =	sor.u32 $0x7E00, s3;
	s11 =	sadd.s32 s1, s10;
	[smem:$0x7B3] =	sst s6  }
0x2c: {  	s20 =	sadd.s32 s1, s19;
	[dreg:$0x1d] =	wrdreg s11  }
0x2d: {  	s22 =	sadd.s32 $0x8500, s3;
	s21 =	sadd.s32 s4, s10;
	[smem:$0x7AE] =	sst s20  }
0x2e: {  	s25 =	sadd.s32 $0x8C00, s3;
	s23 =	sadd.s32 s1, s22;
	[smem:$0x7AF] =	sst s21  }
0x2f: {  	s26 =	sadd.s32 s1, s25;
	[smem:$0x7B0] =	sst s23  }
0x30: {  	s13 =	sadd.s32 $0x9A00, s3;
	s12 =	sadd.s32 s4, s19;
	[smem:$0x7B2] =	sst s26  }
0x31: {  	s14 =	sadd.s32 s1, s13;
	[smem:$0x7B5] =	sst s12  }
0x32: {  	s16 =	sadd.s32 $0xA100, s3;
	s15 =	sadd.s32 s4, s22;
	[smem:$0x7B6] =	sst s14  }
0x33: {  	s17 =	sadd.s32 s1, s16;
	[smem:$0x7B7] =	sst s15  }
0x34: {  	s18 =	sadd.s32 s4, s25;
	[smem:$0x7B8] =	sst s17  }
0x35: {  	s24 =	sadd.s32 s4, s13;
	[smem:$0x7B9] =	sst s18  }
0x36: {  	s10 =	sadd.s32 $0x9300, s3;
	s8 =	sadd.s32 s4, s16;
	[smem:$0x7BD] =	sst s24  }
0x37: {  	s19 =	sadd.s32 $0xA800, s3;
	s11 =	sadd.s32 s1, s10;
	[smem:$0x7BF] =	sst s8  }
0x38: {  	s20 =	sadd.s32 s1, s19;
	[smem:$0x7B4] =	sst s11  }
0x39: {  	s22 =	sadd.s32 $0xAF00, s3;
	s21 =	sadd.s32 s4, s10;
	[smem:$0x7BA] =	sst s20  }
0x3a: {  	s25 =	sadd.s32 $0xB600, s3;
	s23 =	sadd.s32 s1, s22;
	[smem:$0x7BB] =	sst s21  }
0x3b: {  	s26 =	sadd.s32 s1, s25;
	[smem:$0x7BC] =	sst s23  }
0x3c: {  	s13 =	sadd.s32 $0xC400, s3;
	s12 =	sadd.s32 s4, s19;
	[smem:$0x7BE] =	sst s26  }
0x3d: {  	s14 =	sadd.s32 s1, s13;
	[smem:$0x7C1] =	sst s12  }
0x3e: {  	s16 =	sadd.s32 $0xCB00, s3;
	s15 =	sadd.s32 s4, s22;
	[smem:$0x7C2] =	sst s14  }
0x3f: {  	s17 =	sadd.s32 s1, s16;
	[smem:$0x7C3] =	sst s15  }
0x40: {  	s18 =	sadd.s32 s4, s25;
	[smem:$0x7C4] =	sst s17  }
0x41: {  	s24 =	sadd.s32 s4, s13;
	[smem:$0x7C5] =	sst s18  }
0x42: {  	s10 =	sadd.s32 $0xBD00, s3;
	s6 =	sadd.s32 s4, s16;
	[smem:$0x7C9] =	sst s24  }
0x43: {  	s19 =	sadd.s32 $0xD200, s3;
	s11 =	sadd.s32 s1, s10;
	[smem:$0x7CB] =	sst s6  }
0x44: {  	s20 =	sadd.s32 s1, s19;
	[smem:$0x7C0] =	sst s11  }
0x45: {  	s22 =	sadd.s32 $0xD900, s3;
	s21 =	sadd.s32 s4, s10;
	[smem:$0x7C6] =	sst s20  }
0x46: {  	s25 =	sadd.s32 $0xE000, s3;
	s23 =	sadd.s32 s1, s22;
	[smem:$0x7C7] =	sst s21  }
0x47: {  	s26 =	sadd.s32 s1, s25;
	[smem:$0x7C8] =	sst s23  }
0x48: {  	s13 =	sadd.s32 $0xEE00, s3;
	s12 =	sadd.s32 s4, s19;
	[smem:$0x7CA] =	sst s26  }
0x49: {  	s14 =	sadd.s32 s1, s13;
	[smem:$0x7CD] =	sst s12  }
0x4a: {  	s16 =	sadd.s32 $0xF500, s3;
	s15 =	sadd.s32 s4, s22;
	[smem:$0x7CE] =	sst s14  }
0x4b: {  	s17 =	sadd.s32 s1, s16;
	[smem:$0x7CF] =	sst s15  }
0x4c: {  	s18 =	sadd.s32 s4, s25;
	[smem:$0x7D0] =	sst s17  }
0x4d: {  	s24 =	sadd.s32 s4, s13;
	[smem:$0x7D1] =	sst s18  }
0x4e: {  	s10 =	sadd.s32 $0xE700, s3;
	s8 =	sadd.s32 s4, s16;
	[smem:$0x7D5] =	sst s24  }
0x4f: {  	s19 =	sadd.s32 $0xFC00, s3;
	s11 =	sadd.s32 s1, s10;
	[smem:$0x7D7] =	sst s8  }
0x50: {  	s20 =	sadd.s32 s1, s19;
	[smem:$0x7CC] =	sst s11  }
0x51: {  	s22 =	sadd.s32 $0x10300, s3;
	s21 =	sadd.s32 s4, s10;
	[smem:$0x7D2] =	sst s20  }
0x52: {  	s25 =	sadd.s32 $0x10A00, s3;
	s23 =	sadd.s32 s1, s22;
	[smem:$0x7D3] =	sst s21  }
0x53: {  	s26 =	sadd.s32 s1, s25;
	[smem:$0x7D4] =	sst s23  }
0x54: {  	s13 =	sadd.s32 $0x11800, s3;
	s12 =	sadd.s32 s4, s19;
	[smem:$0x7D6] =	sst s26  }
0x55: {  	s14 =	sadd.s32 s1, s13;
	[smem:$0x7D9] =	sst s12  }
0x56: {  	s16 =	sadd.s32 $0x11F00, s3;
	s15 =	sadd.s32 s4, s22;
	[smem:$0x7DA] =	sst s14  }
0x57: {  	s17 =	sadd.s32 s1, s16;
	[smem:$0x7DB] =	sst s15  }
0x58: {  	s18 =	sadd.s32 s4, s25;
	[smem:$0x7DC] =	sst s17  }
0x59: {  	s24 =	sadd.s32 s4, s13;
	[smem:$0x7DD] =	sst s18  }
0x5a: {  	s10 =	sadd.s32 $0x11100, s3;
	s6 =	sadd.s32 s4, s16;
	[smem:$0x7E1] =	sst s24  }
0x5b: {  	s19 =	sadd.s32 $0x12600, s3;
	s11 =	sadd.s32 s1, s10;
	[smem:$0x7E3] =	sst s6  }
0x5c: {  	s20 =	sadd.s32 s1, s19;
	[smem:$0x7D8] =	sst s11  }
0x5d: {  	s22 =	sadd.s32 $0x12D00, s3;
	s21 =	sadd.s32 s4, s10;
	[smem:$0x7DE] =	sst s20  }
0x5e: {  	s25 =	sadd.s32 $0x13400, s3;
	s23 =	sadd.s32 s1, s22;
	[smem:$0x7DF] =	sst s21  }
0x5f: {  	s26 =	sadd.s32 s1, s25;
	[smem:$0x7E0] =	sst s23  }
0x60: {  	s13 =	sadd.s32 $0x14200, s3;
	s12 =	sadd.s32 s4, s19;
	[smem:$0x7E2] =	sst s26  }
0x61: {  	p0 =	por $0x0, $0x0;
	s14 =	sadd.s32 s1, s13;
	[smem:$0x7E5] =	sst s12  }
0x62: {  	s16 =	sadd.s32 $0x14900, s3;
	s15 =	sadd.s32 s4, s22;
	[smem:$0x7E6] =	sst s14  }
0x63: {  	s5 =	ssub.s32 $0x2, s5;
	s17 =	sadd.s32 s1, s16;
	[smem:$0x7E7] =	sst s15  }
0x64: {  	s7 =	simm.s32 $0x5;
	s18 =	sadd.s32 s4, s25;
	[smem:$0x7E8] =	sst s17  }
0x65: {  	s10 =	sadd.s32 $0x13B00, s3;
	s24 =	sadd.s32 s4, s13;
	[smem:$0x7E9] =	sst s18  }
0x66: {  	s19 =	sadd.s32 $0x15000, s3;
	s11 =	sadd.s32 s1, s10;
	[smem:$0x7ED] =	sst s24  }
0x67: {  	s8 =	simm.s32 $0x8;
	s20 =	sadd.s32 s1, s19;
	[smem:$0x7E4] =	sst s11  }
0x68: {  	s22 =	sadd.s32 $0x15700, s3;
	s21 =	sadd.s32 s4, s10;
	[smem:$0x7EA] =	sst s20  }
0x69: {  	s25 =	sadd.s32 $0x15E00, s3;
	s23 =	sadd.s32 s1, s22;
	[smem:$0x7EB] =	sst s21  }
0x6a: {  	s6 =	simm.s32 $0xE0000;
	s26 =	sadd.s32 s1, s25;
	[smem:$0x7EC] =	sst s23  }
0x6b: {  	s10 =	sadd.s32 s4, s16;
	s13 =	sadd.s32 s4, s19;
	[smem:$0x7EE] =	sst s26  }
0x6c: {  	s14 =	sadd.s32 $0x16C00, s3;
	s16 =	sadd.s32 s4, s22;
	[smem:$0x7EF] =	sst s10  }
0x6d: {  	s17 =	sadd.s32 $0x17300, s3;
	s19 =	sadd.s32 s4, s25;
	[smem:$0x7F1] =	sst s13  }
0x6e: {  	s11 =	sadd.s32 $0x16500, s3;
	s15 =	sadd.s32 s1, s14;
	[smem:$0x7F3] =	sst s16  }
0x6f: {  	s18 =	sadd.s32 s1, s17;
	s20 =	sadd.s32 $0x17A00, s3;
	[smem:$0x7F5] =	sst s19  }
0x70: {  	s23 =	sadd.s32 $0x18100, s3;
	s25 =	sadd.s32 s4, s14;
	s26 =	sadd.s32 $0x18800, s3  }
0x71: {  	s10 =	sshrl.u32 s5, $0x1;
	s13 =	sadd.s32 $0x18F00, s3;
	s16 =	sadd.s32 $0x19600, s3  }
0x72: {  	s19 =	sadd.s32 $0x1A400, s3;
	s12 =	sadd.s32 s1, s11;
	[smem:$0x7F2] =	sst s15  }
0x73: {  	[smem:$0x7F4] =	sst s18;
	s21 =	sadd.s32 s1, s20;
	s22 =	sadd.s32 s4, s11  }
0x74: {  	s24 =	sadd.s32 s1, s23;
	[smem:$0x7F9] =	sst s25;
	s11 =	sadd.s32 s1, s26  }
0x75: {  	s10 =	ssub.s32 s5, s10;
	s14 =	sadd.s32 s1, s13;
	[smem:$0x7F0] =	sst s12  }
0x76: {  	s15 =	sadd.s32 s4, s20;
	s31 =	sadd.s32 s1, s16;
	[smem:$0x7F6] =	sst s21  }
0x77: {  	s30 =	sadd.s32 s4, s23;
	s28 =	sadd.s32 s4, s26;
	[smem:$0x7F7] =	sst s22  }
0x78: {  	s26 =	sadd.s32 s1, s19;
	s20 =	sadd.s32 $0x1AB00, s3;
	[smem:$0x7F8] =	sst s24  }
0x79: {  	s25 =	sadd.s32 s4, s13;
	s13 =	sadd.s32 s4, s19;
	[smem:$0x7FA] =	sst s11  }
0x7a: {  	s19 =	simm.s32 $0x4;
	s12 =	sadd.s32 s4, s17;
	[smem:$0x7FC] =	sst s14  }
0x7b: {  	[smem:$0x7FD] =	sst s15;
	s17 =	sadd.s32 $0x19D00, s3;
	s24 =	sadd.s32 s1, s20  }
0x7c: {  	s22 =	sadd.s32 $0x1B200, s3;
	s21 =	sadd.s32 s4, s16;
	s3 =	sadd.s32 $0x1B900, s3  }
0x7d: {  	s9 =	sadd.s32 s4, s20;
	s23 =	smax.u32 s10, $0x1;
	s16 =	simm.s32 $0x7000  }
0x7e: {  	s14 =	simm.s32 $0xE000;
	s10 =	simm.s32 $0x15000;
	p1 =	sne.s32 s23, $0x1  }
.Ltmp0:
0x7f: {  	s20 =	simm.s32 $0x3;
	s11 =	simm.s32 $0x7;
	(pc) =	sbr.rel @!p1 .LBB2_3-.Ltmp0, $4  }
0x80: {  	[smem:$0x7FB] =	sst s12;
	s29 =	sadd.s32 s1, s17;
	s18 =	sadd.s32 s1, s22  }
0x81: {  	s17 =	sadd.s32 s4, s17;
	s15 =	sadd.s32 s1, s3;
	s5 =	sadd.s32 s4, s22  }
0x82: {  	s3 =	sadd.s32 s4, s3;
	s4 =	simm.s32 $0x3800;
	s22 =	simm.s32 $0x1  }
0x83: {  	s1 =	sadd.s32 $0xFFFFFFFF, s23;
	s23 =	simm.s32 $0x2;
	s12 =	simm.s32 $0x6  }
0x84: {  	[smem:$0x7AA] =	sst s1  }
0x85: {  	[tilespmem:s2], [sflag:$0x1] =	stream.strided.gather [hbm4b:s0+s4], $0x7000, s6, s4, $0x38;
	[tilespmem:$0x1C000] =	vst v63  }
0x86: {  	s1 =	rddreg [dreg:$0x3]  }
0x87: {  	[tilespmem:s16], [sflag:$0x2] =	stream.strided.gather [hbm4b:s1+s4], $0x7000, s6, s4, $0x38;
	[tilespmem:$0x1C000] =	vst v63  }
0x88: {  	s0 =	rddreg [dreg:$0x4]  }
0x89: {  	[tilespmem:s14], [sflag:$0x3] =	stream.strided.gather [hbm4b:s0+s4], $0x7000, s6, s4, $0x38;
	[tilespmem:$0x1C000] =	vst v63  }
0x8a: {  	s1 =	rddreg [dreg:$0x5]  }
0x8b: {  	[tilespmem:s10], [sflag:$0x4] =	stream.strided.gather [hbm4b:s1+s4], $0x7000, s6, s4, $0x38;
	[tilespmem:$0x1C000] =	vst v63  }
0x8c: {  	_ =	swait.ge [sflag:s22], $0x7000  }
0x8d: {  	[sflag:s22] =	ssyncset.done $0x0  }
0x8e: {  	s1 =	rddreg [dreg:$0x6];
	[sflag:s22] =	ssyncadd.s32 $0xFFFF9000  }
0x8f: {  	[hbm4b:s1+s4] =	stream.strided.scatter [tilespmem:s2], [sflag:$0x5], $0x7000, s6, s4, $0x38;
	[tilespmem:$0x1C000] =	vst v63  }
0x90: {  	_ =	swait.ge [sflag:s7], $0x7000  }
0x91: {  	[sflag:s7] =	ssyncset.done $0x0  }
0x92: {  	s1 =	rddreg [dreg:$0x7];
	[sflag:s7] =	ssyncadd.s32 $0xFFFF9000  }
0x93: {  	[tilespmem:s2], [sflag:$0x1] =	stream.strided.gather [hbm4b:s1+s4], $0x7000, s6, s4, $0x38;
	[tilespmem:$0x1C000] =	vst v63  }
0x94: {  	_ =	swait.ge [sflag:s23], $0x7000  }
0x95: {  	[sflag:s23] =	ssyncset.done $0x0  }
0x96: {  	s1 =	rddreg [dreg:$0x8];
	[sflag:s23] =	ssyncadd.s32 $0xFFFF9000  }
0x97: {  	[hbm4b:s1+s4] =	stream.strided.scatter [tilespmem:s16], [sflag:$0x6], $0x7000, s6, s4, $0x38;
	[tilespmem:$0x1C000] =	vst v63  }
0x98: {  	_ =	swait.ge [sflag:s12], $0x7000  }
0x99: {  	[sflag:s12] =	ssyncset.done $0x0  }
0x9a: {  	s1 =	rddreg [dreg:$0x9];
	[sflag:s12] =	ssyncadd.s32 $0xFFFF9000  }
0x9b: {  	[tilespmem:s16], [sflag:$0x2] =	stream.strided.gather [hbm4b:s1+s4], $0x7000, s6, s4, $0x38;
	[tilespmem:$0x1C000] =	vst v63  }
0x9c: {  	_ =	swait.ge [sflag:s20], $0x7000  }
0x9d: {  	[sflag:s20] =	ssyncset.done $0x0  }
0x9e: {  	s1 =	rddreg [dreg:$0xa];
	[sflag:s20] =	ssyncadd.s32 $0xFFFF9000  }
0x9f: {  	[hbm4b:s1+s4] =	stream.strided.scatter [tilespmem:s14], [sflag:$0x7], $0x7000, s6, s4, $0x38;
	[tilespmem:$0x1C000] =	vst v63  }
0xa0: {  	_ =	swait.ge [sflag:s11], $0x7000  }
0xa1: {  	[sflag:s11] =	ssyncset.done $0x0  }
0xa2: {  	s1 =	rddreg [dreg:$0xb];
	[sflag:s11] =	ssyncadd.s32 $0xFFFF9000  }
0xa3: {  	[tilespmem:s14], [sflag:$0x3] =	stream.strided.gather [hbm4b:s1+s4], $0x7000, s6, s4, $0x38;
	[tilespmem:$0x1C000] =	vst v63  }
0xa4: {  	_ =	swait.ge [sflag:s19], $0x7000  }
0xa5: {  	[sflag:s19] =	ssyncset.done $0x0  }
0xa6: {  	s1 =	rddreg [dreg:$0xc];
	[sflag:s19] =	ssyncadd.s32 $0xFFFF9000  }
0xa7: {  	[hbm4b:s1+s4] =	stream.strided.scatter [tilespmem:s10], [sflag:$0x8], $0x7000, s6, s4, $0x38;
	[tilespmem:$0x1C000] =	vst v63  }
0xa8: {  	_ =	swait.ge [sflag:s8], $0x7000  }
0xa9: {  	[sflag:s8] =	ssyncset.done $0x0  }
0xaa: {  	s1 =	rddreg [dreg:$0xd];
	[sflag:s8] =	ssyncadd.s32 $0xFFFF9000  }
0xab: {  	[tilespmem:s10], [sflag:$0x4] =	stream.strided.gather [hbm4b:s1+s4], $0x7000, s6, s4, $0x38;
	[tilespmem:$0x1C000] =	vst v63  }
0xac: {  	_ =	swait.ge [sflag:s22], $0x7000  }
0xad: {  	[sflag:s22] =	ssyncset.done $0x0  }
0xae: {  	s1 =	rddreg [dreg:$0xe];
	[sflag:s22] =	ssyncadd.s32 $0xFFFF9000  }
0xaf: {  	[hbm4b:s1+s4] =	stream.strided.scatter [tilespmem:s2], [sflag:$0x5], $0x7000, s6, s4, $0x38;
	[tilespmem:$0x1C000] =	vst v63  }
0xb0: {  	_ =	swait.ge [sflag:s7], $0x7000  }
0xb1: {  	[sflag:s7] =	ssyncset.done $0x0  }
0xb2: {  	s1 =	rddreg [dreg:$0xf];
	[sflag:s7] =	ssyncadd.s32 $0xFFFF9000  }
0xb3: {  	[tilespmem:s2], [sflag:$0x1] =	stream.strided.gather [hbm4b:s1+s4], $0x7000, s6, s4, $0x38;
	[tilespmem:$0x1C000] =	vst v63  }
0xb4: {  	_ =	swait.ge [sflag:s23], $0x7000  }
0xb5: {  	[sflag:s23] =	ssyncset.done $0x0  }
0xb6: {  	s1 =	rddreg [dreg:$0x10];
	[sflag:s23] =	ssyncadd.s32 $0xFFFF9000  }
0xb7: {  	[hbm4b:s1+s4] =	stream.strided.scatter [tilespmem:s16], [sflag:$0x6], $0x7000, s6, s4, $0x38;
	[tilespmem:$0x1C000] =	vst v63  }
0xb8: {  	_ =	swait.ge [sflag:s12], $0x7000  }
0xb9: {  	[sflag:s12] =	ssyncset.done $0x0  }
0xba: {  	s1 =	rddreg [dreg:$0x11];
	[sflag:s12] =	ssyncadd.s32 $0xFFFF9000  }
0xbb: {  	[tilespmem:s16], [sflag:$0x2] =	stream.strided.gather [hbm4b:s1+s4], $0x7000, s6, s4, $0x38;
	[tilespmem:$0x1C000] =	vst v63  }
0xbc: {  	_ =	swait.ge [sflag:s20], $0x7000  }
0xbd: {  	[sflag:s20] =	ssyncset.done $0x0  }
0xbe: {  	s1 =	rddreg [dreg:$0x12];
	[sflag:s20] =	ssyncadd.s32 $0xFFFF9000  }
0xbf: {  	[hbm4b:s1+s4] =	stream.strided.scatter [tilespmem:s14], [sflag:$0x7], $0x7000, s6, s4, $0x38;
	[tilespmem:$0x1C000] =	vst v63  }
0xc0: {  	_ =	swait.ge [sflag:s11], $0x7000  }
0xc1: {  	[sflag:s11] =	ssyncset.done $0x0  }
0xc2: {  	s1 =	rddreg [dreg:$0x13];
	[sflag:s11] =	ssyncadd.s32 $0xFFFF9000  }
0xc3: {  	[tilespmem:s14], [sflag:$0x3] =	stream.strided.gather [hbm4b:s1+s4], $0x7000, s6, s4, $0x38;
	[tilespmem:$0x1C000] =	vst v63  }
0xc4: {  	_ =	swait.ge [sflag:s19], $0x7000  }
0xc5: {  	[sflag:s19] =	ssyncset.done $0x0  }
0xc6: {  	s1 =	rddreg [dreg:$0x14];
	[sflag:s19] =	ssyncadd.s32 $0xFFFF9000  }
0xc7: {  	[hbm4b:s1+s4] =	stream.strided.scatter [tilespmem:s10], [sflag:$0x8], $0x7000, s6, s4, $0x38;
	[tilespmem:$0x1C000] =	vst v63  }
0xc8: {  	_ =	swait.ge [sflag:s8], $0x7000  }
0xc9: {  	[sflag:s8] =	ssyncset.done $0x0  }
0xca: {  	s1 =	rddreg [dreg:$0x15];
	[sflag:s8] =	ssyncadd.s32 $0xFFFF9000  }
0xcb: {  	[tilespmem:s10], [sflag:$0x4] =	stream.strided.gather [hbm4b:s1+s4], $0x7000, s6, s4, $0x38;
	[tilespmem:$0x1C000] =	vst v63  }
0xcc: {  	_ =	swait.ge [sflag:s22], $0x7000  }
0xcd: {  	[sflag:s22] =	ssyncset.done $0x0  }
0xce: {  	s1 =	rddreg [dreg:$0x16];
	[sflag:s22] =	ssyncadd.s32 $0xFFFF9000  }
0xcf: {  	[hbm4b:s1+s4] =	stream.strided.scatter [tilespmem:s2], [sflag:$0x5], $0x7000, s6, s4, $0x38;
	[tilespmem:$0x1C000] =	vst v63  }
0xd0: {  	_ =	swait.ge [sflag:s7], $0x7000  }
0xd1: {  	[sflag:s7] =	ssyncset.done $0x0  }
0xd2: {  	s1 =	rddreg [dreg:$0x17];
	[sflag:s7] =	ssyncadd.s32 $0xFFFF9000  }
0xd3: {  	[tilespmem:s2], [sflag:$0x1] =	stream.strided.gather [hbm4b:s1+s4], $0x7000, s6, s4, $0x38;
	[tilespmem:$0x1C000] =	vst v63  }
0xd4: {  	_ =	swait.ge [sflag:s23], $0x7000  }
0xd5: {  	[sflag:s23] =	ssyncset.done $0x0  }
0xd6: {  	s1 =	rddreg [dreg:$0x18];
	[sflag:s23] =	ssyncadd.s32 $0xFFFF9000  }
0xd7: {  	[hbm4b:s1+s4] =	stream.strided.scatter [tilespmem:s16], [sflag:$0x6], $0x7000, s6, s4, $0x38;
	[tilespmem:$0x1C000] =	vst v63  }
0xd8: {  	_ =	swait.ge [sflag:s12], $0x7000  }
0xd9: {  	[sflag:s12] =	ssyncset.done $0x0  }
0xda: {  	s1 =	rddreg [dreg:$0x19];
	[sflag:s12] =	ssyncadd.s32 $0xFFFF9000  }
0xdb: {  	[tilespmem:s16], [sflag:$0x2] =	stream.strided.gather [hbm4b:s1+s4], $0x7000, s6, s4, $0x38;
	[tilespmem:$0x1C000] =	vst v63  }
0xdc: {  	_ =	swait.ge [sflag:s20], $0x7000  }
0xdd: {  	[sflag:s20] =	ssyncset.done $0x0  }
0xde: {  	s1 =	rddreg [dreg:$0x1a];
	[sflag:s20] =	ssyncadd.s32 $0xFFFF9000  }
0xdf: {  	[hbm4b:s1+s4] =	stream.strided.scatter [tilespmem:s14], [sflag:$0x7], $0x7000, s6, s4, $0x38;
	[tilespmem:$0x1C000] =	vst v63  }
0xe0: {  	_ =	swait.ge [sflag:s11], $0x7000  }
0xe1: {  	[sflag:s11] =	ssyncset.done $0x0  }
0xe2: {  	s1 =	rddreg [dreg:$0x1b];
	[sflag:s11] =	ssyncadd.s32 $0xFFFF9000  }
0xe3: {  	[tilespmem:s14], [sflag:$0x3] =	stream.strided.gather [hbm4b:s1+s4], $0x7000, s6, s4, $0x38;
	[tilespmem:$0x1C000] =	vst v63  }
0xe4: {  	_ =	swait.ge [sflag:s19], $0x7000  }
0xe5: {  	[sflag:s19] =	ssyncset.done $0x0  }
0xe6: {  	s1 =	rddreg [dreg:$0x1c];
	[sflag:s19] =	ssyncadd.s32 $0xFFFF9000  }
0xe7: {  	[hbm4b:s1+s4] =	stream.strided.scatter [tilespmem:s10], [sflag:$0x8], $0x7000, s6, s4, $0x38;
	[tilespmem:$0x1C000] =	vst v63  }
0xe8: {  	_ =	swait.ge [sflag:s8], $0x7000  }
0xe9: {  	[sflag:s8] =	ssyncset.done $0x0  }
0xea: {  	s1 =	rddreg [dreg:$0x1d];
	[sflag:s8] =	ssyncadd.s32 $0xFFFF9000  }
0xeb: {  	[tilespmem:s10], [sflag:$0x4] =	stream.strided.gather [hbm4b:s1+s4], $0x7000, s6, s4, $0x38;
	[tilespmem:$0x1C000] =	vst v63  }
0xec: {  	_ =	swait.ge [sflag:s22], $0x7000  }
0xed: {  	[sflag:s22] =	ssyncset.done $0x0  }
0xee: {  	s1 =	rddreg [dreg:$0x1e];
	[sflag:s22] =	ssyncadd.s32 $0xFFFF9000  }
0xef: {  	[hbm4b:s1+s4] =	stream.strided.scatter [tilespmem:s2], [sflag:$0x5], $0x7000, s6, s4, $0x38;
	[tilespmem:$0x1C000] =	vst v63  }
0xf0: {  	_ =	swait.ge [sflag:s7], $0x7000  }
0xf1: {  	[sflag:s7] =	ssyncset.done $0x0  }
0xf2: {  	s1 =	rddreg [dreg:$0x1f];
	[sflag:s7] =	ssyncadd.s32 $0xFFFF9000  }
0xf3: {  	[tilespmem:s2], [sflag:$0x1] =	stream.strided.gather [hbm4b:s1+s4], $0x7000, s6, s4, $0x38;
	[tilespmem:$0x1C000] =	vst v63  }
0xf4: {  	_ =	swait.ge [sflag:s23], $0x7000  }
0xf5: {  	s1 =	sld [smem:$0x7AB]  }
0xf6: {  	[sflag:s23] =	ssyncset.done $0x0  }
0xf7: {  	[sflag:s23] =	ssyncadd.s32 $0xFFFF9000  }
0xf8: {  	[hbm4b:s1+s4] =	stream.strided.scatter [tilespmem:s16], [sflag:$0x6], $0x7000, s6, s4, $0x38;
	[tilespmem:$0x1C000] =	vst v63  }
0xf9: {  	_ =	swait.ge [sflag:s12], $0x7000  }
0xfa: {  	s1 =	sld [smem:$0x7AC]  }
0xfb: {  	[sflag:s12] =	ssyncset.done $0x0  }
0xfc: {  	[sflag:s12] =	ssyncadd.s32 $0xFFFF9000  }
0xfd: {  	[tilespmem:s16], [sflag:$0x2] =	stream.strided.gather [hbm4b:s1+s4], $0x7000, s6, s4, $0x38;
	[tilespmem:$0x1C000] =	vst v63  }
0xfe: {  	_ =	swait.ge [sflag:s20], $0x7000  }
0xff: {  	s1 =	sld [smem:$0x7AD]  }
0x100: {  	[sflag:s20] =	ssyncset.done $0x0  }
0x101: {  	[sflag:s20] =	ssyncadd.s32 $0xFFFF9000  }
0x102: {  	[hbm4b:s1+s4] =	stream.strided.scatter [tilespmem:s14], [sflag:$0x7], $0x7000, s6, s4, $0x38;
	[tilespmem:$0x1C000] =	vst v63  }
0x103: {  	_ =	swait.ge [sflag:s11], $0x7000  }
0x104: {  	s1 =	sld [smem:$0x7AE]  }
0x105: {  	[sflag:s11] =	ssyncset.done $0x0  }
0x106: {  	[sflag:s11] =	ssyncadd.s32 $0xFFFF9000  }
0x107: {  	[tilespmem:s14], [sflag:$0x3] =	stream.strided.gather [hbm4b:s1+s4], $0x7000, s6, s4, $0x38;
	[tilespmem:$0x1C000] =	vst v63  }
0x108: {  	_ =	swait.ge [sflag:s19], $0x7000  }
0x109: {  	s1 =	sld [smem:$0x7AF]  }
0x10a: {  	[sflag:s19] =	ssyncset.done $0x0  }
0x10b: {  	[sflag:s19] =	ssyncadd.s32 $0xFFFF9000  }
0x10c: {  	[hbm4b:s1+s4] =	stream.strided.scatter [tilespmem:s10], [sflag:$0x8], $0x7000, s6, s4, $0x38;
	[tilespmem:$0x1C000] =	vst v63  }
0x10d: {  	_ =	swait.ge [sflag:s8], $0x7000  }
0x10e: {  	s1 =	sld [smem:$0x7B0]  }
0x10f: {  	[sflag:s8] =	ssyncset.done $0x0  }
0x110: {  	[sflag:s8] =	ssyncadd.s32 $0xFFFF9000  }
0x111: {  	[tilespmem:s10], [sflag:$0x4] =	stream.strided.gather [hbm4b:s1+s4], $0x7000, s6, s4, $0x38;
	[tilespmem:$0x1C000] =	vst v63  }
0x112: {  	_ =	swait.ge [sflag:s22], $0x7000  }
0x113: {  	s1 =	sld [smem:$0x7B1]  }
0x114: {  	[sflag:s22] =	ssyncset.done $0x0  }
0x115: {  	[sflag:s22] =	ssyncadd.s32 $0xFFFF9000  }
0x116: {  	[hbm4b:s1+s4] =	stream.strided.scatter [tilespmem:s2], [sflag:$0x5], $0x7000, s6, s4, $0x38;
	[tilespmem:$0x1C000] =	vst v63  }
0x117: {  	_ =	swait.ge [sflag:s7], $0x7000  }
0x118: {  	s1 =	sld [smem:$0x7B2]  }
0x119: {  	[sflag:s7] =	ssyncset.done $0x0  }
0x11a: {  	[sflag:s7] =	ssyncadd.s32 $0xFFFF9000  }
0x11b: {  	[tilespmem:s2], [sflag:$0x1] =	stream.strided.gather [hbm4b:s1+s4], $0x7000, s6, s4, $0x38;
	[tilespmem:$0x1C000] =	vst v63  }
0x11c: {  	_ =	swait.ge [sflag:s23], $0x7000  }
0x11d: {  	s1 =	sld [smem:$0x7B3]  }
0x11e: {  	[sflag:s23] =	ssyncset.done $0x0  }
0x11f: {  	[sflag:s23] =	ssyncadd.s32 $0xFFFF9000  }
0x120: {  	[hbm4b:s1+s4] =	stream.strided.scatter [tilespmem:s16], [sflag:$0x6], $0x7000, s6, s4, $0x38;
	[tilespmem:$0x1C000] =	vst v63  }
0x121: {  	_ =	swait.ge [sflag:s12], $0x7000  }
0x122: {  	s1 =	sld [smem:$0x7B4]  }
0x123: {  	[sflag:s12] =	ssyncset.done $0x0  }
0x124: {  	[sflag:s12] =	ssyncadd.s32 $0xFFFF9000  }
0x125: {  	[tilespmem:s16], [sflag:$0x2] =	stream.strided.gather [hbm4b:s1+s4], $0x7000, s6, s4, $0x38;
	[tilespmem:$0x1C000] =	vst v63  }
0x126: {  	_ =	swait.ge [sflag:s20], $0x7000  }
0x127: {  	s1 =	sld [smem:$0x7B5]  }
0x128: {  	[sflag:s20] =	ssyncset.done $0x0  }
0x129: {  	[sflag:s20] =	ssyncadd.s32 $0xFFFF9000  }
0x12a: {  	[hbm4b:s1+s4] =	stream.strided.scatter [tilespmem:s14], [sflag:$0x7], $0x7000, s6, s4, $0x38;
	[tilespmem:$0x1C000] =	vst v63  }
0x12b: {  	_ =	swait.ge [sflag:s11], $0x7000  }
0x12c: {  	s1 =	sld [smem:$0x7B6]  }
0x12d: {  	[sflag:s11] =	ssyncset.done $0x0  }
0x12e: {  	[sflag:s11] =	ssyncadd.s32 $0xFFFF9000  }
0x12f: {  	[tilespmem:s14], [sflag:$0x3] =	stream.strided.gather [hbm4b:s1+s4], $0x7000, s6, s4, $0x38;
	[tilespmem:$0x1C000] =	vst v63  }
0x130: {  	_ =	swait.ge [sflag:s19], $0x7000  }
0x131: {  	s1 =	sld [smem:$0x7B7]  }
0x132: {  	[sflag:s19] =	ssyncset.done $0x0  }
0x133: {  	[sflag:s19] =	ssyncadd.s32 $0xFFFF9000  }
0x134: {  	[hbm4b:s1+s4] =	stream.strided.scatter [tilespmem:s10], [sflag:$0x8], $0x7000, s6, s4, $0x38;
	[tilespmem:$0x1C000] =	vst v63  }
0x135: {  	_ =	swait.ge [sflag:s8], $0x7000  }
0x136: {  	s1 =	sld [smem:$0x7B8]  }
0x137: {  	[sflag:s8] =	ssyncset.done $0x0  }
0x138: {  	[sflag:s8] =	ssyncadd.s32 $0xFFFF9000  }
0x139: {  	[tilespmem:s10], [sflag:$0x4] =	stream.strided.gather [hbm4b:s1+s4], $0x7000, s6, s4, $0x38;
	[tilespmem:$0x1C000] =	vst v63  }
0x13a: {  	_ =	swait.ge [sflag:s22], $0x7000  }
0x13b: {  	s1 =	sld [smem:$0x7B9]  }
0x13c: {  	[sflag:s22] =	ssyncset.done $0x0  }
0x13d: {  	[sflag:s22] =	ssyncadd.s32 $0xFFFF9000  }
0x13e: {  	[hbm4b:s1+s4] =	stream.strided.scatter [tilespmem:s2], [sflag:$0x5], $0x7000, s6, s4, $0x38;
	[tilespmem:$0x1C000] =	vst v63  }
0x13f: {  	_ =	swait.ge [sflag:s7], $0x7000  }
0x140: {  	s1 =	sld [smem:$0x7BA]  }
0x141: {  	[sflag:s7] =	ssyncset.done $0x0  }
0x142: {  	[sflag:s7] =	ssyncadd.s32 $0xFFFF9000  }
0x143: {  	[tilespmem:s2], [sflag:$0x1] =	stream.strided.gather [hbm4b:s1+s4], $0x7000, s6, s4, $0x38;
	[tilespmem:$0x1C000] =	vst v63  }
0x144: {  	_ =	swait.ge [sflag:s23], $0x7000  }
0x145: {  	s1 =	sld [smem:$0x7BB]  }
0x146: {  	[sflag:s23] =	ssyncset.done $0x0  }
0x147: {  	[sflag:s23] =	ssyncadd.s32 $0xFFFF9000  }
0x148: {  	[hbm4b:s1+s4] =	stream.strided.scatter [tilespmem:s16], [sflag:$0x6], $0x7000, s6, s4, $0x38;
	[tilespmem:$0x1C000] =	vst v63  }
0x149: {  	_ =	swait.ge [sflag:s12], $0x7000  }
0x14a: {  	s1 =	sld [smem:$0x7BC]  }
0x14b: {  	[sflag:s12] =	ssyncset.done $0x0  }
0x14c: {  	[sflag:s12] =	ssyncadd.s32 $0xFFFF9000  }
0x14d: {  	[tilespmem:s16], [sflag:$0x2] =	stream.strided.gather [hbm4b:s1+s4], $0x7000, s6, s4, $0x38;
	[tilespmem:$0x1C000] =	vst v63  }
0x14e: {  	_ =	swait.ge [sflag:s20], $0x7000  }
0x14f: {  	s1 =	sld [smem:$0x7BD]  }
0x150: {  	[sflag:s20] =	ssyncset.done $0x0  }
0x151: {  	[sflag:s20] =	ssyncadd.s32 $0xFFFF9000  }
0x152: {  	[hbm4b:s1+s4] =	stream.strided.scatter [tilespmem:s14], [sflag:$0x7], $0x7000, s6, s4, $0x38;
	[tilespmem:$0x1C000] =	vst v63  }
0x153: {  	_ =	swait.ge [sflag:s11], $0x7000  }
0x154: {  	s1 =	sld [smem:$0x7BE]  }
0x155: {  	[sflag:s11] =	ssyncset.done $0x0  }
0x156: {  	[sflag:s11] =	ssyncadd.s32 $0xFFFF9000  }
0x157: {  	[tilespmem:s14], [sflag:$0x3] =	stream.strided.gather [hbm4b:s1+s4], $0x7000, s6, s4, $0x38;
	[tilespmem:$0x1C000] =	vst v63  }
0x158: {  	_ =	swait.ge [sflag:s19], $0x7000  }
0x159: {  	s1 =	sld [smem:$0x7BF]  }
0x15a: {  	[sflag:s19] =	ssyncset.done $0x0  }
0x15b: {  	[sflag:s19] =	ssyncadd.s32 $0xFFFF9000  }
0x15c: {  	[hbm4b:s1+s4] =	stream.strided.scatter [tilespmem:s10], [sflag:$0x8], $0x7000, s6, s4, $0x38;
	[tilespmem:$0x1C000] =	vst v63  }
0x15d: {  	_ =	swait.ge [sflag:s8], $0x7000  }
0x15e: {  	s1 =	sld [smem:$0x7C0]  }
0x15f: {  	[sflag:s8] =	ssyncset.done $0x0  }
0x160: {  	[sflag:s8] =	ssyncadd.s32 $0xFFFF9000  }
0x161: {  	[tilespmem:s10], [sflag:$0x4] =	stream.strided.gather [hbm4b:s1+s4], $0x7000, s6, s4, $0x38;
	[tilespmem:$0x1C000] =	vst v63  }
0x162: {  	_ =	swait.ge [sflag:s22], $0x7000  }
0x163: {  	s1 =	sld [smem:$0x7C1]  }
0x164: {  	[sflag:s22] =	ssyncset.done $0x0  }
0x165: {  	[sflag:s22] =	ssyncadd.s32 $0xFFFF9000  }
0x166: {  	[hbm4b:s1+s4] =	stream.strided.scatter [tilespmem:s2], [sflag:$0x5], $0x7000, s6, s4, $0x38;
	[tilespmem:$0x1C000] =	vst v63  }
0x167: {  	_ =	swait.ge [sflag:s7], $0x7000  }
0x168: {  	s1 =	sld [smem:$0x7C2]  }
0x169: {  	[sflag:s7] =	ssyncset.done $0x0  }
0x16a: {  	[sflag:s7] =	ssyncadd.s32 $0xFFFF9000  }
0x16b: {  	[tilespmem:s2], [sflag:$0x1] =	stream.strided.gather [hbm4b:s1+s4], $0x7000, s6, s4, $0x38;
	[tilespmem:$0x1C000] =	vst v63  }
0x16c: {  	_ =	swait.ge [sflag:s23], $0x7000  }
0x16d: {  	s1 =	sld [smem:$0x7C3]  }
0x16e: {  	[sflag:s23] =	ssyncset.done $0x0  }
0x16f: {  	[sflag:s23] =	ssyncadd.s32 $0xFFFF9000  }
0x170: {  	[hbm4b:s1+s4] =	stream.strided.scatter [tilespmem:s16], [sflag:$0x6], $0x7000, s6, s4, $0x38;
	[tilespmem:$0x1C000] =	vst v63  }
0x171: {  	_ =	swait.ge [sflag:s12], $0x7000  }
0x172: {  	s1 =	sld [smem:$0x7C4]  }
0x173: {  	[sflag:s12] =	ssyncset.done $0x0  }
0x174: {  	[sflag:s12] =	ssyncadd.s32 $0xFFFF9000  }
0x175: {  	[tilespmem:s16], [sflag:$0x2] =	stream.strided.gather [hbm4b:s1+s4], $0x7000, s6, s4, $0x38;
	[tilespmem:$0x1C000] =	vst v63  }
0x176: {  	_ =	swait.ge [sflag:s20], $0x7000  }
0x177: {  	s1 =	sld [smem:$0x7C5]  }
0x178: {  	[sflag:s20] =	ssyncset.done $0x0  }
0x179: {  	[sflag:s20] =	ssyncadd.s32 $0xFFFF9000  }
0x17a: {  	[hbm4b:s1+s4] =	stream.strided.scatter [tilespmem:s14], [sflag:$0x7], $0x7000, s6, s4, $0x38;
	[tilespmem:$0x1C000] =	vst v63  }
0x17b: {  	_ =	swait.ge [sflag:s11], $0x7000  }
0x17c: {  	s1 =	sld [smem:$0x7C6]  }
0x17d: {  	[sflag:s11] =	ssyncset.done $0x0  }
0x17e: {  	[sflag:s11] =	ssyncadd.s32 $0xFFFF9000  }
0x17f: {  	[tilespmem:s14], [sflag:$0x3] =	stream.strided.gather [hbm4b:s1+s4], $0x7000, s6, s4, $0x38;
	[tilespmem:$0x1C000] =	vst v63  }
0x180: {  	_ =	swait.ge [sflag:s19], $0x7000  }
0x181: {  	s1 =	sld [smem:$0x7C7]  }
0x182: {  	[sflag:s19] =	ssyncset.done $0x0  }
0x183: {  	[sflag:s19] =	ssyncadd.s32 $0xFFFF9000  }
0x184: {  	[hbm4b:s1+s4] =	stream.strided.scatter [tilespmem:s10], [sflag:$0x8], $0x7000, s6, s4, $0x38;
	[tilespmem:$0x1C000] =	vst v63  }
0x185: {  	_ =	swait.ge [sflag:s8], $0x7000  }
0x186: {  	s1 =	sld [smem:$0x7C8]  }
0x187: {  	[sflag:s8] =	ssyncset.done $0x0  }
0x188: {  	[sflag:s8] =	ssyncadd.s32 $0xFFFF9000  }
0x189: {  	[tilespmem:s10], [sflag:$0x4] =	stream.strided.gather [hbm4b:s1+s4], $0x7000, s6, s4, $0x38;
	[tilespmem:$0x1C000] =	vst v63  }
0x18a: {  	_ =	swait.ge [sflag:s22], $0x7000  }
0x18b: {  	s1 =	sld [smem:$0x7C9]  }
0x18c: {  	[sflag:s22] =	ssyncset.done $0x0  }
0x18d: {  	[sflag:s22] =	ssyncadd.s32 $0xFFFF9000  }
0x18e: {  	[hbm4b:s1+s4] =	stream.strided.scatter [tilespmem:s2], [sflag:$0x5], $0x7000, s6, s4, $0x38;
	[tilespmem:$0x1C000] =	vst v63  }
0x18f: {  	_ =	swait.ge [sflag:s7], $0x7000  }
0x190: {  	s1 =	sld [smem:$0x7CA]  }
0x191: {  	[sflag:s7] =	ssyncset.done $0x0  }
0x192: {  	[sflag:s7] =	ssyncadd.s32 $0xFFFF9000  }
0x193: {  	[tilespmem:s2], [sflag:$0x1] =	stream.strided.gather [hbm4b:s1+s4], $0x7000, s6, s4, $0x38;
	[tilespmem:$0x1C000] =	vst v63  }
0x194: {  	_ =	swait.ge [sflag:s23], $0x7000  }
0x195: {  	s1 =	sld [smem:$0x7CB]  }
0x196: {  	[sflag:s23] =	ssyncset.done $0x0  }
0x197: {  	[sflag:s23] =	ssyncadd.s32 $0xFFFF9000  }
0x198: {  	[hbm4b:s1+s4] =	stream.strided.scatter [tilespmem:s16], [sflag:$0x6], $0x7000, s6, s4, $0x38;
	[tilespmem:$0x1C000] =	vst v63  }
0x199: {  	_ =	swait.ge [sflag:s12], $0x7000  }
0x19a: {  	s1 =	sld [smem:$0x7CC]  }
0x19b: {  	[sflag:s12] =	ssyncset.done $0x0  }
0x19c: {  	[sflag:s12] =	ssyncadd.s32 $0xFFFF9000  }
0x19d: {  	[tilespmem:s16], [sflag:$0x2] =	stream.strided.gather [hbm4b:s1+s4], $0x7000, s6, s4, $0x38;
	[tilespmem:$0x1C000] =	vst v63  }
0x19e: {  	_ =	swait.ge [sflag:s20], $0x7000  }
0x19f: {  	s1 =	sld [smem:$0x7CD]  }
0x1a0: {  	[sflag:s20] =	ssyncset.done $0x0  }
0x1a1: {  	[sflag:s20] =	ssyncadd.s32 $0xFFFF9000  }
0x1a2: {  	[hbm4b:s1+s4] =	stream.strided.scatter [tilespmem:s14], [sflag:$0x7], $0x7000, s6, s4, $0x38;
	[tilespmem:$0x1C000] =	vst v63  }
0x1a3: {  	_ =	swait.ge [sflag:s11], $0x7000  }
0x1a4: {  	s1 =	sld [smem:$0x7CE]  }
0x1a5: {  	[sflag:s11] =	ssyncset.done $0x0  }
0x1a6: {  	[sflag:s11] =	ssyncadd.s32 $0xFFFF9000  }
0x1a7: {  	[tilespmem:s14], [sflag:$0x3] =	stream.strided.gather [hbm4b:s1+s4], $0x7000, s6, s4, $0x38;
	[tilespmem:$0x1C000] =	vst v63  }
0x1a8: {  	_ =	swait.ge [sflag:s19], $0x7000  }
0x1a9: {  	s1 =	sld [smem:$0x7CF]  }
0x1aa: {  	[sflag:s19] =	ssyncset.done $0x0  }
0x1ab: {  	[sflag:s19] =	ssyncadd.s32 $0xFFFF9000  }
0x1ac: {  	[hbm4b:s1+s4] =	stream.strided.scatter [tilespmem:s10], [sflag:$0x8], $0x7000, s6, s4, $0x38;
	[tilespmem:$0x1C000] =	vst v63  }
0x1ad: {  	_ =	swait.ge [sflag:s8], $0x7000  }
0x1ae: {  	s1 =	sld [smem:$0x7D0]  }
0x1af: {  	[sflag:s8] =	ssyncset.done $0x0  }
0x1b0: {  	[sflag:s8] =	ssyncadd.s32 $0xFFFF9000  }
0x1b1: {  	[tilespmem:s10], [sflag:$0x4] =	stream.strided.gather [hbm4b:s1+s4], $0x7000, s6, s4, $0x38;
	[tilespmem:$0x1C000] =	vst v63  }
0x1b2: {  	_ =	swait.ge [sflag:s22], $0x7000  }
0x1b3: {  	s1 =	sld [smem:$0x7D1]  }
0x1b4: {  	[sflag:s22] =	ssyncset.done $0x0  }
0x1b5: {  	[sflag:s22] =	ssyncadd.s32 $0xFFFF9000  }
0x1b6: {  	[hbm4b:s1+s4] =	stream.strided.scatter [tilespmem:s2], [sflag:$0x5], $0x7000, s6, s4, $0x38;
	[tilespmem:$0x1C000] =	vst v63  }
0x1b7: {  	_ =	swait.ge [sflag:s7], $0x7000  }
0x1b8: {  	s1 =	sld [smem:$0x7D2]  }
0x1b9: {  	[sflag:s7] =	ssyncset.done $0x0  }
0x1ba: {  	[sflag:s7] =	ssyncadd.s32 $0xFFFF9000  }
0x1bb: {  	[tilespmem:s2], [sflag:$0x1] =	stream.strided.gather [hbm4b:s1+s4], $0x7000, s6, s4, $0x38;
	[tilespmem:$0x1C000] =	vst v63  }
0x1bc: {  	_ =	swait.ge [sflag:s23], $0x7000  }
0x1bd: {  	s1 =	sld [smem:$0x7D3]  }
0x1be: {  	[sflag:s23] =	ssyncset.done $0x0  }
0x1bf: {  	[sflag:s23] =	ssyncadd.s32 $0xFFFF9000  }
0x1c0: {  	[hbm4b:s1+s4] =	stream.strided.scatter [tilespmem:s16], [sflag:$0x6], $0x7000, s6, s4, $0x38;
	[tilespmem:$0x1C000] =	vst v63  }
0x1c1: {  	_ =	swait.ge [sflag:s12], $0x7000  }
0x1c2: {  	s1 =	sld [smem:$0x7D4]  }
0x1c3: {  	[sflag:s12] =	ssyncset.done $0x0  }
0x1c4: {  	[sflag:s12] =	ssyncadd.s32 $0xFFFF9000  }
0x1c5: {  	[tilespmem:s16], [sflag:$0x2] =	stream.strided.gather [hbm4b:s1+s4], $0x7000, s6, s4, $0x38;
	[tilespmem:$0x1C000] =	vst v63  }
0x1c6: {  	_ =	swait.ge [sflag:s20], $0x7000  }
0x1c7: {  	s1 =	sld [smem:$0x7D5]  }
0x1c8: {  	[sflag:s20] =	ssyncset.done $0x0  }
0x1c9: {  	[sflag:s20] =	ssyncadd.s32 $0xFFFF9000  }
0x1ca: {  	[hbm4b:s1+s4] =	stream.strided.scatter [tilespmem:s14], [sflag:$0x7], $0x7000, s6, s4, $0x38;
	[tilespmem:$0x1C000] =	vst v63  }
0x1cb: {  	_ =	swait.ge [sflag:s11], $0x7000  }
0x1cc: {  	s1 =	sld [smem:$0x7D6]  }
0x1cd: {  	[sflag:s11] =	ssyncset.done $0x0  }
0x1ce: {  	[sflag:s11] =	ssyncadd.s32 $0xFFFF9000  }
0x1cf: {  	[tilespmem:s14], [sflag:$0x3] =	stream.strided.gather [hbm4b:s1+s4], $0x7000, s6, s4, $0x38;
	[tilespmem:$0x1C000] =	vst v63  }
0x1d0: {  	_ =	swait.ge [sflag:s19], $0x7000  }
0x1d1: {  	s1 =	sld [smem:$0x7D7]  }
0x1d2: {  	[sflag:s19] =	ssyncset.done $0x0  }
0x1d3: {  	[sflag:s19] =	ssyncadd.s32 $0xFFFF9000  }
0x1d4: {  	[hbm4b:s1+s4] =	stream.strided.scatter [tilespmem:s10], [sflag:$0x8], $0x7000, s6, s4, $0x38;
	[tilespmem:$0x1C000] =	vst v63  }
0x1d5: {  	_ =	swait.ge [sflag:s8], $0x7000  }
0x1d6: {  	s1 =	sld [smem:$0x7D8]  }
0x1d7: {  	[sflag:s8] =	ssyncset.done $0x0  }
0x1d8: {  	[sflag:s8] =	ssyncadd.s32 $0xFFFF9000  }
0x1d9: {  	[tilespmem:s10], [sflag:$0x4] =	stream.strided.gather [hbm4b:s1+s4], $0x7000, s6, s4, $0x38;
	[tilespmem:$0x1C000] =	vst v63  }
0x1da: {  	_ =	swait.ge [sflag:s22], $0x7000  }
0x1db: {  	s1 =	sld [smem:$0x7D9]  }
0x1dc: {  	[sflag:s22] =	ssyncset.done $0x0  }
0x1dd: {  	[sflag:s22] =	ssyncadd.s32 $0xFFFF9000  }
0x1de: {  	[hbm4b:s1+s4] =	stream.strided.scatter [tilespmem:s2], [sflag:$0x5], $0x7000, s6, s4, $0x38;
	[tilespmem:$0x1C000] =	vst v63  }
0x1df: {  	_ =	swait.ge [sflag:s7], $0x7000  }
0x1e0: {  	s1 =	sld [smem:$0x7DA]  }
0x1e1: {  	[sflag:s7] =	ssyncset.done $0x0  }
0x1e2: {  	[sflag:s7] =	ssyncadd.s32 $0xFFFF9000  }
0x1e3: {  	[tilespmem:s2], [sflag:$0x1] =	stream.strided.gather [hbm4b:s1+s4], $0x7000, s6, s4, $0x38;
	[tilespmem:$0x1C000] =	vst v63  }
0x1e4: {  	_ =	swait.ge [sflag:s23], $0x7000  }
0x1e5: {  	s1 =	sld [smem:$0x7DB]  }
0x1e6: {  	[sflag:s23] =	ssyncset.done $0x0  }
0x1e7: {  	[sflag:s23] =	ssyncadd.s32 $0xFFFF9000  }
0x1e8: {  	[hbm4b:s1+s4] =	stream.strided.scatter [tilespmem:s16], [sflag:$0x6], $0x7000, s6, s4, $0x38;
	[tilespmem:$0x1C000] =	vst v63  }
0x1e9: {  	_ =	swait.ge [sflag:s12], $0x7000  }
0x1ea: {  	s1 =	sld [smem:$0x7DC]  }
0x1eb: {  	[sflag:s12] =	ssyncset.done $0x0  }
0x1ec: {  	[sflag:s12] =	ssyncadd.s32 $0xFFFF9000  }
0x1ed: {  	[tilespmem:s16], [sflag:$0x2] =	stream.strided.gather [hbm4b:s1+s4], $0x7000, s6, s4, $0x38;
	[tilespmem:$0x1C000] =	vst v63  }
0x1ee: {  	_ =	swait.ge [sflag:s20], $0x7000  }
0x1ef: {  	s1 =	sld [smem:$0x7DD]  }
0x1f0: {  	[sflag:s20] =	ssyncset.done $0x0  }
0x1f1: {  	[sflag:s20] =	ssyncadd.s32 $0xFFFF9000  }
0x1f2: {  	[hbm4b:s1+s4] =	stream.strided.scatter [tilespmem:s14], [sflag:$0x7], $0x7000, s6, s4, $0x38;
	[tilespmem:$0x1C000] =	vst v63  }
0x1f3: {  	_ =	swait.ge [sflag:s11], $0x7000  }
0x1f4: {  	s1 =	sld [smem:$0x7DE]  }
0x1f5: {  	[sflag:s11] =	ssyncset.done $0x0  }
0x1f6: {  	[sflag:s11] =	ssyncadd.s32 $0xFFFF9000  }
0x1f7: {  	[tilespmem:s14], [sflag:$0x3] =	stream.strided.gather [hbm4b:s1+s4], $0x7000, s6, s4, $0x38;
	[tilespmem:$0x1C000] =	vst v63  }
0x1f8: {  	_ =	swait.ge [sflag:s19], $0x7000  }
0x1f9: {  	s1 =	sld [smem:$0x7DF]  }
0x1fa: {  	[sflag:s19] =	ssyncset.done $0x0  }
0x1fb: {  	[sflag:s19] =	ssyncadd.s32 $0xFFFF9000  }
0x1fc: {  	[hbm4b:s1+s4] =	stream.strided.scatter [tilespmem:s10], [sflag:$0x8], $0x7000, s6, s4, $0x38;
	[tilespmem:$0x1C000] =	vst v63  }
0x1fd: {  	_ =	swait.ge [sflag:s8], $0x7000  }
0x1fe: {  	s1 =	sld [smem:$0x7E0]  }
0x1ff: {  	[sflag:s8] =	ssyncset.done $0x0  }
0x200: {  	[sflag:s8] =	ssyncadd.s32 $0xFFFF9000  }
0x201: {  	[tilespmem:s10], [sflag:$0x4] =	stream.strided.gather [hbm4b:s1+s4], $0x7000, s6, s4, $0x38;
	[tilespmem:$0x1C000] =	vst v63  }
0x202: {  	_ =	swait.ge [sflag:s22], $0x7000  }
0x203: {  	s1 =	sld [smem:$0x7E1]  }
0x204: {  	[sflag:s22] =	ssyncset.done $0x0  }
0x205: {  	[sflag:s22] =	ssyncadd.s32 $0xFFFF9000  }
0x206: {  	[hbm4b:s1+s4] =	stream.strided.scatter [tilespmem:s2], [sflag:$0x5], $0x7000, s6, s4, $0x38;
	[tilespmem:$0x1C000] =	vst v63  }
0x207: {  	_ =	swait.ge [sflag:s7], $0x7000  }
0x208: {  	s1 =	sld [smem:$0x7E2]  }
0x209: {  	[sflag:s7] =	ssyncset.done $0x0  }
0x20a: {  	[sflag:s7] =	ssyncadd.s32 $0xFFFF9000  }
0x20b: {  	[tilespmem:s2], [sflag:$0x1] =	stream.strided.gather [hbm4b:s1+s4], $0x7000, s6, s4, $0x38;
	[tilespmem:$0x1C000] =	vst v63  }
0x20c: {  	_ =	swait.ge [sflag:s23], $0x7000  }
0x20d: {  	s1 =	sld [smem:$0x7E3]  }
0x20e: {  	[sflag:s23] =	ssyncset.done $0x0  }
0x20f: {  	[sflag:s23] =	ssyncadd.s32 $0xFFFF9000  }
0x210: {  	[hbm4b:s1+s4] =	stream.strided.scatter [tilespmem:s16], [sflag:$0x6], $0x7000, s6, s4, $0x38;
	[tilespmem:$0x1C000] =	vst v63  }
0x211: {  	_ =	swait.ge [sflag:s12], $0x7000  }
0x212: {  	s1 =	sld [smem:$0x7E4]  }
0x213: {  	[sflag:s12] =	ssyncset.done $0x0  }
0x214: {  	[sflag:s12] =	ssyncadd.s32 $0xFFFF9000  }
0x215: {  	[tilespmem:s16], [sflag:$0x2] =	stream.strided.gather [hbm4b:s1+s4], $0x7000, s6, s4, $0x38;
	[tilespmem:$0x1C000] =	vst v63  }
0x216: {  	_ =	swait.ge [sflag:s20], $0x7000  }
0x217: {  	s1 =	sld [smem:$0x7E5]  }
0x218: {  	[sflag:s20] =	ssyncset.done $0x0  }
0x219: {  	[sflag:s20] =	ssyncadd.s32 $0xFFFF9000  }
0x21a: {  	[hbm4b:s1+s4] =	stream.strided.scatter [tilespmem:s14], [sflag:$0x7], $0x7000, s6, s4, $0x38;
	[tilespmem:$0x1C000] =	vst v63  }
0x21b: {  	_ =	swait.ge [sflag:s11], $0x7000  }
0x21c: {  	s1 =	sld [smem:$0x7E6]  }
0x21d: {  	[sflag:s11] =	ssyncset.done $0x0  }
0x21e: {  	[sflag:s11] =	ssyncadd.s32 $0xFFFF9000  }
0x21f: {  	[tilespmem:s14], [sflag:$0x3] =	stream.strided.gather [hbm4b:s1+s4], $0x7000, s6, s4, $0x38;
	[tilespmem:$0x1C000] =	vst v63  }
0x220: {  	_ =	swait.ge [sflag:s19], $0x7000  }
0x221: {  	s1 =	sld [smem:$0x7E7]  }
0x222: {  	[sflag:s19] =	ssyncset.done $0x0  }
0x223: {  	[sflag:s19] =	ssyncadd.s32 $0xFFFF9000  }
0x224: {  	[hbm4b:s1+s4] =	stream.strided.scatter [tilespmem:s10], [sflag:$0x8], $0x7000, s6, s4, $0x38;
	[tilespmem:$0x1C000] =	vst v63  }
0x225: {  	_ =	swait.ge [sflag:s8], $0x7000  }
0x226: {  	s1 =	sld [smem:$0x7E8]  }
0x227: {  	[sflag:s8] =	ssyncset.done $0x0  }
0x228: {  	[sflag:s8] =	ssyncadd.s32 $0xFFFF9000  }
0x229: {  	[tilespmem:s10], [sflag:$0x4] =	stream.strided.gather [hbm4b:s1+s4], $0x7000, s6, s4, $0x38;
	[tilespmem:$0x1C000] =	vst v63  }
0x22a: {  	_ =	swait.ge [sflag:s22], $0x7000  }
0x22b: {  	s1 =	sld [smem:$0x7E9]  }
0x22c: {  	[sflag:s22] =	ssyncset.done $0x0  }
0x22d: {  	[sflag:s22] =	ssyncadd.s32 $0xFFFF9000  }
0x22e: {  	[hbm4b:s1+s4] =	stream.strided.scatter [tilespmem:s2], [sflag:$0x5], $0x7000, s6, s4, $0x38;
	[tilespmem:$0x1C000] =	vst v63  }
0x22f: {  	_ =	swait.ge [sflag:s7], $0x7000  }
0x230: {  	s1 =	sld [smem:$0x7EA]  }
0x231: {  	[sflag:s7] =	ssyncset.done $0x0  }
0x232: {  	[sflag:s7] =	ssyncadd.s32 $0xFFFF9000  }
0x233: {  	[tilespmem:s2], [sflag:$0x1] =	stream.strided.gather [hbm4b:s1+s4], $0x7000, s6, s4, $0x38;
	[tilespmem:$0x1C000] =	vst v63  }
0x234: {  	_ =	swait.ge [sflag:s23], $0x7000  }
0x235: {  	s1 =	sld [smem:$0x7EB]  }
0x236: {  	[sflag:s23] =	ssyncset.done $0x0  }
0x237: {  	[sflag:s23] =	ssyncadd.s32 $0xFFFF9000  }
0x238: {  	[hbm4b:s1+s4] =	stream.strided.scatter [tilespmem:s16], [sflag:$0x6], $0x7000, s6, s4, $0x38;
	[tilespmem:$0x1C000] =	vst v63  }
0x239: {  	_ =	swait.ge [sflag:s12], $0x7000  }
0x23a: {  	s1 =	sld [smem:$0x7EC]  }
0x23b: {  	[sflag:s12] =	ssyncset.done $0x0  }
0x23c: {  	[sflag:s12] =	ssyncadd.s32 $0xFFFF9000  }
0x23d: {  	[tilespmem:s16], [sflag:$0x2] =	stream.strided.gather [hbm4b:s1+s4], $0x7000, s6, s4, $0x38;
	[tilespmem:$0x1C000] =	vst v63  }
0x23e: {  	_ =	swait.ge [sflag:s20], $0x7000  }
0x23f: {  	s1 =	sld [smem:$0x7ED]  }
0x240: {  	[sflag:s20] =	ssyncset.done $0x0  }
0x241: {  	[sflag:s20] =	ssyncadd.s32 $0xFFFF9000  }
0x242: {  	[hbm4b:s1+s4] =	stream.strided.scatter [tilespmem:s14], [sflag:$0x7], $0x7000, s6, s4, $0x38;
	[tilespmem:$0x1C000] =	vst v63  }
0x243: {  	_ =	swait.ge [sflag:s11], $0x7000  }
0x244: {  	s1 =	sld [smem:$0x7EE]  }
0x245: {  	[sflag:s11] =	ssyncset.done $0x0  }
0x246: {  	[sflag:s11] =	ssyncadd.s32 $0xFFFF9000  }
0x247: {  	[tilespmem:s14], [sflag:$0x3] =	stream.strided.gather [hbm4b:s1+s4], $0x7000, s6, s4, $0x38;
	[tilespmem:$0x1C000] =	vst v63  }
0x248: {  	_ =	swait.ge [sflag:s19], $0x7000  }
0x249: {  	s1 =	sld [smem:$0x7EF]  }
0x24a: {  	[sflag:s19] =	ssyncset.done $0x0  }
0x24b: {  	[sflag:s19] =	ssyncadd.s32 $0xFFFF9000  }
0x24c: {  	[hbm4b:s1+s4] =	stream.strided.scatter [tilespmem:s10], [sflag:$0x8], $0x7000, s6, s4, $0x38;
	[tilespmem:$0x1C000] =	vst v63  }
0x24d: {  	_ =	swait.ge [sflag:s8], $0x7000  }
0x24e: {  	s1 =	sld [smem:$0x7F0]  }
0x24f: {  	[sflag:s8] =	ssyncset.done $0x0  }
0x250: {  	[sflag:s8] =	ssyncadd.s32 $0xFFFF9000  }
0x251: {  	[tilespmem:s10], [sflag:$0x4] =	stream.strided.gather [hbm4b:s1+s4], $0x7000, s6, s4, $0x38;
	[tilespmem:$0x1C000] =	vst v63  }
0x252: {  	_ =	swait.ge [sflag:s22], $0x7000  }
0x253: {  	s1 =	sld [smem:$0x7F1]  }
0x254: {  	[sflag:s22] =	ssyncset.done $0x0  }
0x255: {  	[sflag:s22] =	ssyncadd.s32 $0xFFFF9000  }
0x256: {  	[hbm4b:s1+s4] =	stream.strided.scatter [tilespmem:s2], [sflag:$0x5], $0x7000, s6, s4, $0x38;
	[tilespmem:$0x1C000] =	vst v63  }
0x257: {  	_ =	swait.ge [sflag:s7], $0x7000  }
0x258: {  	s1 =	sld [smem:$0x7F2]  }
0x259: {  	[sflag:s7] =	ssyncset.done $0x0  }
0x25a: {  	[sflag:s7] =	ssyncadd.s32 $0xFFFF9000  }
0x25b: {  	[tilespmem:s2], [sflag:$0x1] =	stream.strided.gather [hbm4b:s1+s4], $0x7000, s6, s4, $0x38;
	[tilespmem:$0x1C000] =	vst v63  }
0x25c: {  	_ =	swait.ge [sflag:s23], $0x7000  }
0x25d: {  	s1 =	sld [smem:$0x7F3]  }
0x25e: {  	[sflag:s23] =	ssyncset.done $0x0  }
0x25f: {  	[sflag:s23] =	ssyncadd.s32 $0xFFFF9000  }
0x260: {  	[hbm4b:s1+s4] =	stream.strided.scatter [tilespmem:s16], [sflag:$0x6], $0x7000, s6, s4, $0x38;
	[tilespmem:$0x1C000] =	vst v63  }
0x261: {  	_ =	swait.ge [sflag:s12], $0x7000  }
0x262: {  	s1 =	sld [smem:$0x7F4]  }
0x263: {  	[sflag:s12] =	ssyncset.done $0x0  }
0x264: {  	[sflag:s12] =	ssyncadd.s32 $0xFFFF9000  }
0x265: {  	[tilespmem:s16], [sflag:$0x2] =	stream.strided.gather [hbm4b:s1+s4], $0x7000, s6, s4, $0x38;
	[tilespmem:$0x1C000] =	vst v63  }
0x266: {  	_ =	swait.ge [sflag:s20], $0x7000  }
0x267: {  	s1 =	sld [smem:$0x7F5]  }
0x268: {  	[sflag:s20] =	ssyncset.done $0x0  }
0x269: {  	[sflag:s20] =	ssyncadd.s32 $0xFFFF9000  }
0x26a: {  	[hbm4b:s1+s4] =	stream.strided.scatter [tilespmem:s14], [sflag:$0x7], $0x7000, s6, s4, $0x38;
	[tilespmem:$0x1C000] =	vst v63  }
0x26b: {  	_ =	swait.ge [sflag:s11], $0x7000  }
0x26c: {  	s1 =	sld [smem:$0x7F6]  }
0x26d: {  	[sflag:s11] =	ssyncset.done $0x0  }
0x26e: {  	[sflag:s11] =	ssyncadd.s32 $0xFFFF9000  }
0x26f: {  	[tilespmem:s14], [sflag:$0x3] =	stream.strided.gather [hbm4b:s1+s4], $0x7000, s6, s4, $0x38;
	[tilespmem:$0x1C000] =	vst v63  }
0x270: {  	_ =	swait.ge [sflag:s19], $0x7000  }
0x271: {  	s1 =	sld [smem:$0x7F7]  }
0x272: {  	[sflag:s19] =	ssyncset.done $0x0  }
0x273: {  	[sflag:s19] =	ssyncadd.s32 $0xFFFF9000  }
0x274: {  	[hbm4b:s1+s4] =	stream.strided.scatter [tilespmem:s10], [sflag:$0x8], $0x7000, s6, s4, $0x38;
	[tilespmem:$0x1C000] =	vst v63  }
0x275: {  	_ =	swait.ge [sflag:s8], $0x7000  }
0x276: {  	s1 =	sld [smem:$0x7F8]  }
0x277: {  	[sflag:s8] =	ssyncset.done $0x0  }
0x278: {  	[sflag:s8] =	ssyncadd.s32 $0xFFFF9000  }
0x279: {  	[tilespmem:s10], [sflag:$0x4] =	stream.strided.gather [hbm4b:s1+s4], $0x7000, s6, s4, $0x38;
	[tilespmem:$0x1C000] =	vst v63  }
0x27a: {  	_ =	swait.ge [sflag:s22], $0x7000  }
0x27b: {  	s1 =	sld [smem:$0x7F9]  }
0x27c: {  	[sflag:s22] =	ssyncset.done $0x0  }
0x27d: {  	[sflag:s22] =	ssyncadd.s32 $0xFFFF9000  }
0x27e: {  	[hbm4b:s1+s4] =	stream.strided.scatter [tilespmem:s2], [sflag:$0x5], $0x7000, s6, s4, $0x38;
	[tilespmem:$0x1C000] =	vst v63  }
0x27f: {  	_ =	swait.ge [sflag:s7], $0x7000  }
0x280: {  	s1 =	sld [smem:$0x7FA]  }
0x281: {  	[sflag:s7] =	ssyncset.done $0x0  }
0x282: {  	[sflag:s7] =	ssyncadd.s32 $0xFFFF9000  }
0x283: {  	[tilespmem:s2], [sflag:$0x1] =	stream.strided.gather [hbm4b:s1+s4], $0x7000, s6, s4, $0x38;
	[tilespmem:$0x1C000] =	vst v63  }
0x284: {  	_ =	swait.ge [sflag:s23], $0x7000  }
0x285: {  	s1 =	sld [smem:$0x7FB]  }
0x286: {  	[sflag:s23] =	ssyncset.done $0x0  }
0x287: {  	[sflag:s23] =	ssyncadd.s32 $0xFFFF9000  }
0x288: {  	[hbm4b:s1+s4] =	stream.strided.scatter [tilespmem:s16], [sflag:$0x6], $0x7000, s6, s4, $0x38;
	[tilespmem:$0x1C000] =	vst v63  }
0x289: {  	_ =	swait.ge [sflag:s12], $0x7000  }
0x28a: {  	s1 =	sld [smem:$0x7FC]  }
0x28b: {  	[sflag:s12] =	ssyncset.done $0x0  }
0x28c: {  	[sflag:s12] =	ssyncadd.s32 $0xFFFF9000  }
0x28d: {  	[tilespmem:s16], [sflag:$0x2] =	stream.strided.gather [hbm4b:s1+s4], $0x7000, s6, s4, $0x38;
	[tilespmem:$0x1C000] =	vst v63  }
0x28e: {  	_ =	swait.ge [sflag:s20], $0x7000  }
0x28f: {  	s1 =	sld [smem:$0x7FD]  }
0x290: {  	[sflag:s20] =	ssyncset.done $0x0  }
0x291: {  	[sflag:s20] =	ssyncadd.s32 $0xFFFF9000  }
0x292: {  	[hbm4b:s1+s4] =	stream.strided.scatter [tilespmem:s14], [sflag:$0x7], $0x7000, s6, s4, $0x38;
	[tilespmem:$0x1C000] =	vst v63  }
0x293: {  	_ =	swait.ge [sflag:s11], $0x7000  }
0x294: {  	[sflag:s11] =	ssyncset.done $0x0  }
0x295: {  	[sflag:s11] =	ssyncadd.s32 $0xFFFF9000  }
0x296: {  	[tilespmem:s14], [sflag:$0x3] =	stream.strided.gather [hbm4b:s31+s4], $0x7000, s6, s4, $0x38;
	[tilespmem:$0x1C000] =	vst v63  }
0x297: {  	_ =	swait.ge [sflag:s19], $0x7000  }
0x298: {  	[sflag:s19] =	ssyncset.done $0x0  }
0x299: {  	[sflag:s19] =	ssyncadd.s32 $0xFFFF9000  }
0x29a: {  	[hbm4b:s30+s4] =	stream.strided.scatter [tilespmem:s10], [sflag:$0x8], $0x7000, s6, s4, $0x38;
	[tilespmem:$0x1C000] =	vst v63  }
0x29b: {  	_ =	swait.ge [sflag:s8], $0x7000  }
0x29c: {  	[sflag:s8] =	ssyncset.done $0x0  }
0x29d: {  	[sflag:s8] =	ssyncadd.s32 $0xFFFF9000  }
0x29e: {  	[tilespmem:s10], [sflag:$0x4] =	stream.strided.gather [hbm4b:s29+s4], $0x7000, s6, s4, $0x38;
	[tilespmem:$0x1C000] =	vst v63  }
0x29f: {  	_ =	swait.ge [sflag:s22], $0x7000  }
0x2a0: {  	[sflag:s22] =	ssyncset.done $0x0  }
0x2a1: {  	[sflag:s22] =	ssyncadd.s32 $0xFFFF9000  }
0x2a2: {  	[hbm4b:s28+s4] =	stream.strided.scatter [tilespmem:s2], [sflag:$0x5], $0x7000, s6, s4, $0x38;
	[tilespmem:$0x1C000] =	vst v63  }
0x2a3: {  	_ =	swait.ge [sflag:s7], $0x7000  }
0x2a4: {  	[sflag:s7] =	ssyncset.done $0x0  }
0x2a5: {  	[sflag:s7] =	ssyncadd.s32 $0xFFFF9000  }
0x2a6: {  	[tilespmem:s2], [sflag:$0x1] =	stream.strided.gather [hbm4b:s26+s4], $0x7000, s6, s4, $0x38;
	[tilespmem:$0x1C000] =	vst v63  }
0x2a7: {  	_ =	swait.ge [sflag:s23], $0x7000  }
0x2a8: {  	[sflag:s23] =	ssyncset.done $0x0  }
0x2a9: {  	[sflag:s23] =	ssyncadd.s32 $0xFFFF9000  }
0x2aa: {  	[hbm4b:s25+s4] =	stream.strided.scatter [tilespmem:s16], [sflag:$0x6], $0x7000, s6, s4, $0x38;
	[tilespmem:$0x1C000] =	vst v63  }
0x2ab: {  	_ =	swait.ge [sflag:s12], $0x7000  }
0x2ac: {  	[sflag:s12] =	ssyncset.done $0x0  }
0x2ad: {  	[sflag:s12] =	ssyncadd.s32 $0xFFFF9000  }
0x2ae: {  	[tilespmem:s16], [sflag:$0x2] =	stream.strided.gather [hbm4b:s24+s4], $0x7000, s6, s4, $0x38;
	[tilespmem:$0x1C000] =	vst v63  }
0x2af: {  	_ =	swait.ge [sflag:s20], $0x7000  }
0x2b0: {  	[sflag:s20] =	ssyncset.done $0x0  }
0x2b1: {  	[sflag:s20] =	ssyncadd.s32 $0xFFFF9000  }
0x2b2: {  	[hbm4b:s21+s4] =	stream.strided.scatter [tilespmem:s14], [sflag:$0x7], $0x7000, s6, s4, $0x38;
	[tilespmem:$0x1C000] =	vst v63  }
0x2b3: {  	_ =	swait.ge [sflag:s11], $0x7000  }
0x2b4: {  	[sflag:s11] =	ssyncset.done $0x0  }
0x2b5: {  	[sflag:s11] =	ssyncadd.s32 $0xFFFF9000  }
0x2b6: {  	[tilespmem:s14], [sflag:$0x3] =	stream.strided.gather [hbm4b:s18+s4], $0x7000, s6, s4, $0x38;
	[tilespmem:$0x1C000] =	vst v63  }
0x2b7: {  	_ =	swait.ge [sflag:s19], $0x7000  }
0x2b8: {  	[sflag:s19] =	ssyncset.done $0x0  }
0x2b9: {  	[sflag:s19] =	ssyncadd.s32 $0xFFFF9000  }
0x2ba: {  	[hbm4b:s17+s4] =	stream.strided.scatter [tilespmem:s10], [sflag:$0x8], $0x7000, s6, s4, $0x38;
	[tilespmem:$0x1C000] =	vst v63  }
0x2bb: {  	_ =	swait.ge [sflag:s8], $0x7000  }
0x2bc: {  	[sflag:s8] =	ssyncset.done $0x0  }
0x2bd: {  	[sflag:s8] =	ssyncadd.s32 $0xFFFF9000  }
0x2be: {  	[tilespmem:s10], [sflag:$0x4] =	stream.strided.gather [hbm4b:s15+s4], $0x7000, s6, s4, $0x38;
	[tilespmem:$0x1C000] =	vst v63  }
0x2bf: {  	_ =	swait.ge [sflag:s22], $0x7000  }
0x2c0: {  	[sflag:s22] =	ssyncset.done $0x0  }
0x2c1: {  	[sflag:s22] =	ssyncadd.s32 $0xFFFF9000  }
0x2c2: {  	[hbm4b:s13+s4] =	stream.strided.scatter [tilespmem:s2], [sflag:$0x5], $0x7000, s6, s4, $0x38;
	[tilespmem:$0x1C000] =	vst v63  }
0x2c3: {  	_ =	swait.ge [sflag:s23], $0x7000  }
0x2c4: {  	[sflag:s23] =	ssyncset.done $0x0  }
0x2c5: {  	[sflag:s23] =	ssyncadd.s32 $0xFFFF9000  }
0x2c6: {  	[hbm4b:s9+s4] =	stream.strided.scatter [tilespmem:s16], [sflag:$0x6], $0x7000, s6, s4, $0x38;
	[tilespmem:$0x1C000] =	vst v63  }
0x2c7: {  	_ =	swait.ge [sflag:s20], $0x7000  }
0x2c8: {  	[sflag:s20] =	ssyncset.done $0x0  }
0x2c9: {  	[sflag:s20] =	ssyncadd.s32 $0xFFFF9000  }
0x2ca: {  	[hbm4b:s5+s4] =	stream.strided.scatter [tilespmem:s14], [sflag:$0x7], $0x7000, s6, s4, $0x38;
	[tilespmem:$0x1C000] =	vst v63  }
0x2cb: {  	_ =	swait.ge [sflag:s19], $0x7000  }
0x2cc: {  	[sflag:s19] =	ssyncset.done $0x0  }
0x2cd: {  	[sflag:s19] =	ssyncadd.s32 $0xFFFF9000  }
0x2ce: {  	[hbm4b:s3+s4] =	stream.strided.scatter [tilespmem:s10], [sflag:$0x8], $0x7000, s6, s4, $0x38;
	[tilespmem:$0x1C000] =	vst v63  }
0x2cf: {  	_ =	swait.ge [sflag:s7], $0x7000  }
0x2d0: {  	[sflag:s7] =	ssyncset.done $0x0  }
0x2d1: {  	[sflag:s7] =	ssyncadd.s32 $0xFFFF9000  }
0x2d2: {  	_ =	swait.ge [sflag:s12], $0x7000  }
0x2d3: {  	[sflag:s12] =	ssyncset.done $0x0  }
0x2d4: {  	[sflag:s12] =	ssyncadd.s32 $0xFFFF9000  }
0x2d5: {  	_ =	swait.ge [sflag:s11], $0x7000  }
0x2d6: {  	s1 =	sld [smem:$0x7AA];
	_ =	sdelay $0x2  }
0x2d7: {  	p1 =	sne.s32 s1, $0x1  }
.Ltmp1:
0x2d8: {  	_ = 	snop;
	(pc) =	sbr.rel @!p1 .LBB2_3-.Ltmp1, $4  }
0x2d9: {  	[sflag:s11] =	ssyncset.done $0x0  }
0x2da: {  	[sflag:s11] =	ssyncadd.s32 $0xFFFF9000  }
0x2db: {  	p0 =	por $0x1, $0x1;
	_ =	swait.ge [sflag:s8], $0x7000  }
0x2dc: {  	s1 =	sadd.s32 $0xFFFFFFFF, s1;
	s0 =	rddreg [dreg:$0x2];
	[sflag:s8] =	ssyncset.done $0x0  }
.LBB2_2:
0x2dd: {  	p1 =	sne.s32 s1, $0x1;
	s2 =	sadd.s32 $0xFFFFFFFF, s1  }
0x2de: {  	[sflag:s8] =	ssyncadd.s32 $0xFFFF9000;
	s10 =	simm.s32 $0x0;
	s1 =	smov.u32 s31  }
0x2df: {  	s31 =	smov.u32 s30;
	s30 =	smov.u32 s29;
	s29 =	smov.u32 s28  }
0x2e0: {  	s28 =	smov.u32 s26;
	s26 =	smov.u32 s25;
	s25 =	smov.u32 s24  }
0x2e1: {  	s24 =	smov.u32 s21;
	s21 =	smov.u32 s18;
	s18 =	smov.u32 s17  }
0x2e2: {  	s17 =	smov.u32 s15;
	s15 =	smov.u32 s13;
	s13 =	smov.u32 s9  }
0x2e3: {  	[tilespmem:s10], [sflag:$0x1] =	stream.strided.gather [hbm4b:s0+s4], $0x7000, s6, s4, $0x38;
	[tilespmem:$0x1C000] =	vst v63  }
0x2e4: {  	s9 =	smov.u32 s5;
	s5 =	smov.u32 s3;
	s3 =	rddreg [dreg:$0x3]  }
0x2e5: {  	[tilespmem:s16], [sflag:$0x2] =	stream.strided.gather [hbm4b:s3+s4], $0x7000, s6, s4, $0x38;
	[tilespmem:$0x1C000] =	vst v63  }
0x2e6: {  	s0 =	rddreg [dreg:$0x4]  }
0x2e7: {  	[tilespmem:s14], [sflag:$0x3] =	stream.strided.gather [hbm4b:s0+s4], $0x7000, s6, s4, $0x38;
	[tilespmem:$0x1C000] =	vst v63  }
0x2e8: {  	s10 =	simm.s32 $0x15000;
	s3 =	rddreg [dreg:$0x5]  }
0x2e9: {  	[tilespmem:s10], [sflag:$0x4] =	stream.strided.gather [hbm4b:s3+s4], $0x7000, s6, s4, $0x38;
	[tilespmem:$0x1C000] =	vst v63  }
0x2ea: {  	s3 =	smov.u32 s5;
	s5 =	smov.u32 s9;
	s9 =	smov.u32 s13  }
0x2eb: {  	s13 =	smov.u32 s15;
	s15 =	smov.u32 s17;
	s17 =	smov.u32 s18  }
0x2ec: {  	s18 =	smov.u32 s21;
	s21 =	smov.u32 s24;
	s24 =	smov.u32 s25  }
0x2ed: {  	s25 =	smov.u32 s26;
	s26 =	smov.u32 s28;
	s28 =	smov.u32 s29  }
0x2ee: {  	s29 =	smov.u32 s30;
	s30 =	smov.u32 s31;
	_ =	swait.ge [sflag:s22], $0x7000  }
0x2ef: {  	s31 =	smov.u32 s1;
	s1 =	smov.u32 s2;
	[sflag:s22] =	ssyncset.done $0x0  }
0x2f0: {  	s2 =	simm.s32 $0x0;
	s0 =	rddreg [dreg:$0x6];
	[sflag:s22] =	ssyncadd.s32 $0xFFFF9000  }
0x2f1: {  	[hbm4b:s0+s4] =	stream.strided.scatter [tilespmem:s2], [sflag:$0x5], $0x7000, s6, s4, $0x38;
	[tilespmem:$0x1C000] =	vst v63  }
0x2f2: {  	_ =	swait.ge [sflag:s7], $0x7000  }
0x2f3: {  	[sflag:s7] =	ssyncset.done $0x0  }
0x2f4: {  	s0 =	rddreg [dreg:$0x7];
	[sflag:s7] =	ssyncadd.s32 $0xFFFF9000  }
0x2f5: {  	[tilespmem:s2], [sflag:$0x1] =	stream.strided.gather [hbm4b:s0+s4], $0x7000, s6, s4, $0x38;
	[tilespmem:$0x1C000] =	vst v63  }
0x2f6: {  	_ =	swait.ge [sflag:s23], $0x7000  }
0x2f7: {  	[sflag:s23] =	ssyncset.done $0x0  }
0x2f8: {  	s0 =	rddreg [dreg:$0x8];
	[sflag:s23] =	ssyncadd.s32 $0xFFFF9000  }
0x2f9: {  	[hbm4b:s0+s4] =	stream.strided.scatter [tilespmem:s16], [sflag:$0x6], $0x7000, s6, s4, $0x38;
	[tilespmem:$0x1C000] =	vst v63  }
0x2fa: {  	_ =	swait.ge [sflag:s12], $0x7000  }
0x2fb: {  	[sflag:s12] =	ssyncset.done $0x0  }
0x2fc: {  	s0 =	rddreg [dreg:$0x9];
	[sflag:s12] =	ssyncadd.s32 $0xFFFF9000  }
0x2fd: {  	[tilespmem:s16], [sflag:$0x2] =	stream.strided.gather [hbm4b:s0+s4], $0x7000, s6, s4, $0x38;
	[tilespmem:$0x1C000] =	vst v63  }
0x2fe: {  	_ =	swait.ge [sflag:s20], $0x7000  }
0x2ff: {  	[sflag:s20] =	ssyncset.done $0x0  }
0x300: {  	s0 =	rddreg [dreg:$0xa];
	[sflag:s20] =	ssyncadd.s32 $0xFFFF9000  }
0x301: {  	[hbm4b:s0+s4] =	stream.strided.scatter [tilespmem:s14], [sflag:$0x7], $0x7000, s6, s4, $0x38;
	[tilespmem:$0x1C000] =	vst v63  }
0x302: {  	_ =	swait.ge [sflag:s11], $0x7000  }
0x303: {  	[sflag:s11] =	ssyncset.done $0x0  }
0x304: {  	s0 =	rddreg [dreg:$0xb];
	[sflag:s11] =	ssyncadd.s32 $0xFFFF9000  }
0x305: {  	[tilespmem:s14], [sflag:$0x3] =	stream.strided.gather [hbm4b:s0+s4], $0x7000, s6, s4, $0x38;
	[tilespmem:$0x1C000] =	vst v63  }
0x306: {  	_ =	swait.ge [sflag:s19], $0x7000  }
0x307: {  	[sflag:s19] =	ssyncset.done $0x0  }
0x308: {  	s0 =	rddreg [dreg:$0xc];
	[sflag:s19] =	ssyncadd.s32 $0xFFFF9000  }
0x309: {  	[hbm4b:s0+s4] =	stream.strided.scatter [tilespmem:s10], [sflag:$0x8], $0x7000, s6, s4, $0x38;
	[tilespmem:$0x1C000] =	vst v63  }
0x30a: {  	_ =	swait.ge [sflag:s8], $0x7000  }
0x30b: {  	[sflag:s8] =	ssyncset.done $0x0  }
0x30c: {  	s0 =	rddreg [dreg:$0xd];
	[sflag:s8] =	ssyncadd.s32 $0xFFFF9000  }
0x30d: {  	[tilespmem:s10], [sflag:$0x4] =	stream.strided.gather [hbm4b:s0+s4], $0x7000, s6, s4, $0x38;
	[tilespmem:$0x1C000] =	vst v63  }
0x30e: {  	_ =	swait.ge [sflag:s22], $0x7000  }
0x30f: {  	[sflag:s22] =	ssyncset.done $0x0  }
0x310: {  	s0 =	rddreg [dreg:$0xe];
	[sflag:s22] =	ssyncadd.s32 $0xFFFF9000  }
0x311: {  	[hbm4b:s0+s4] =	stream.strided.scatter [tilespmem:s2], [sflag:$0x5], $0x7000, s6, s4, $0x38;
	[tilespmem:$0x1C000] =	vst v63  }
0x312: {  	_ =	swait.ge [sflag:s7], $0x7000  }
0x313: {  	[sflag:s7] =	ssyncset.done $0x0  }
0x314: {  	s0 =	rddreg [dreg:$0xf];
	[sflag:s7] =	ssyncadd.s32 $0xFFFF9000  }
0x315: {  	[tilespmem:s2], [sflag:$0x1] =	stream.strided.gather [hbm4b:s0+s4], $0x7000, s6, s4, $0x38;
	[tilespmem:$0x1C000] =	vst v63  }
0x316: {  	_ =	swait.ge [sflag:s23], $0x7000  }
0x317: {  	[sflag:s23] =	ssyncset.done $0x0  }
0x318: {  	s0 =	rddreg [dreg:$0x10];
	[sflag:s23] =	ssyncadd.s32 $0xFFFF9000  }
0x319: {  	[hbm4b:s0+s4] =	stream.strided.scatter [tilespmem:s16], [sflag:$0x6], $0x7000, s6, s4, $0x38;
	[tilespmem:$0x1C000] =	vst v63  }
0x31a: {  	_ =	swait.ge [sflag:s12], $0x7000  }
0x31b: {  	[sflag:s12] =	ssyncset.done $0x0  }
0x31c: {  	s0 =	rddreg [dreg:$0x11];
	[sflag:s12] =	ssyncadd.s32 $0xFFFF9000  }
0x31d: {  	[tilespmem:s16], [sflag:$0x2] =	stream.strided.gather [hbm4b:s0+s4], $0x7000, s6, s4, $0x38;
	[tilespmem:$0x1C000] =	vst v63  }
0x31e: {  	_ =	swait.ge [sflag:s20], $0x7000  }
0x31f: {  	[sflag:s20] =	ssyncset.done $0x0  }
0x320: {  	s0 =	rddreg [dreg:$0x12];
	[sflag:s20] =	ssyncadd.s32 $0xFFFF9000  }
0x321: {  	[hbm4b:s0+s4] =	stream.strided.scatter [tilespmem:s14], [sflag:$0x7], $0x7000, s6, s4, $0x38;
	[tilespmem:$0x1C000] =	vst v63  }
0x322: {  	_ =	swait.ge [sflag:s11], $0x7000  }
0x323: {  	[sflag:s11] =	ssyncset.done $0x0  }
0x324: {  	s0 =	rddreg [dreg:$0x13];
	[sflag:s11] =	ssyncadd.s32 $0xFFFF9000  }
0x325: {  	[tilespmem:s14], [sflag:$0x3] =	stream.strided.gather [hbm4b:s0+s4], $0x7000, s6, s4, $0x38;
	[tilespmem:$0x1C000] =	vst v63  }
0x326: {  	_ =	swait.ge [sflag:s19], $0x7000  }
0x327: {  	[sflag:s19] =	ssyncset.done $0x0  }
0x328: {  	s0 =	rddreg [dreg:$0x14];
	[sflag:s19] =	ssyncadd.s32 $0xFFFF9000  }
0x329: {  	[hbm4b:s0+s4] =	stream.strided.scatter [tilespmem:s10], [sflag:$0x8], $0x7000, s6, s4, $0x38;
	[tilespmem:$0x1C000] =	vst v63  }
0x32a: {  	_ =	swait.ge [sflag:s8], $0x7000  }
0x32b: {  	[sflag:s8] =	ssyncset.done $0x0  }
0x32c: {  	s0 =	rddreg [dreg:$0x15];
	[sflag:s8] =	ssyncadd.s32 $0xFFFF9000  }
0x32d: {  	[tilespmem:s10], [sflag:$0x4] =	stream.strided.gather [hbm4b:s0+s4], $0x7000, s6, s4, $0x38;
	[tilespmem:$0x1C000] =	vst v63  }
0x32e: {  	_ =	swait.ge [sflag:s22], $0x7000  }
0x32f: {  	[sflag:s22] =	ssyncset.done $0x0  }
0x330: {  	s0 =	rddreg [dreg:$0x16];
	[sflag:s22] =	ssyncadd.s32 $0xFFFF9000  }
0x331: {  	[hbm4b:s0+s4] =	stream.strided.scatter [tilespmem:s2], [sflag:$0x5], $0x7000, s6, s4, $0x38;
	[tilespmem:$0x1C000] =	vst v63  }
0x332: {  	_ =	swait.ge [sflag:s7], $0x7000  }
0x333: {  	[sflag:s7] =	ssyncset.done $0x0  }
0x334: {  	s0 =	rddreg [dreg:$0x17];
	[sflag:s7] =	ssyncadd.s32 $0xFFFF9000  }
0x335: {  	[tilespmem:s2], [sflag:$0x1] =	stream.strided.gather [hbm4b:s0+s4], $0x7000, s6, s4, $0x38;
	[tilespmem:$0x1C000] =	vst v63  }
0x336: {  	_ =	swait.ge [sflag:s23], $0x7000  }
0x337: {  	[sflag:s23] =	ssyncset.done $0x0  }
0x338: {  	s0 =	rddreg [dreg:$0x18];
	[sflag:s23] =	ssyncadd.s32 $0xFFFF9000  }
0x339: {  	[hbm4b:s0+s4] =	stream.strided.scatter [tilespmem:s16], [sflag:$0x6], $0x7000, s6, s4, $0x38;
	[tilespmem:$0x1C000] =	vst v63  }
0x33a: {  	_ =	swait.ge [sflag:s12], $0x7000  }
0x33b: {  	[sflag:s12] =	ssyncset.done $0x0  }
0x33c: {  	s0 =	rddreg [dreg:$0x19];
	[sflag:s12] =	ssyncadd.s32 $0xFFFF9000  }
0x33d: {  	[tilespmem:s16], [sflag:$0x2] =	stream.strided.gather [hbm4b:s0+s4], $0x7000, s6, s4, $0x38;
	[tilespmem:$0x1C000] =	vst v63  }
0x33e: {  	_ =	swait.ge [sflag:s20], $0x7000  }
0x33f: {  	[sflag:s20] =	ssyncset.done $0x0  }
0x340: {  	s0 =	rddreg [dreg:$0x1a];
	[sflag:s20] =	ssyncadd.s32 $0xFFFF9000  }
0x341: {  	[hbm4b:s0+s4] =	stream.strided.scatter [tilespmem:s14], [sflag:$0x7], $0x7000, s6, s4, $0x38;
	[tilespmem:$0x1C000] =	vst v63  }
0x342: {  	_ =	swait.ge [sflag:s11], $0x7000  }
0x343: {  	[sflag:s11] =	ssyncset.done $0x0  }
0x344: {  	s0 =	rddreg [dreg:$0x1b];
	[sflag:s11] =	ssyncadd.s32 $0xFFFF9000  }
0x345: {  	[tilespmem:s14], [sflag:$0x3] =	stream.strided.gather [hbm4b:s0+s4], $0x7000, s6, s4, $0x38;
	[tilespmem:$0x1C000] =	vst v63  }
0x346: {  	_ =	swait.ge [sflag:s19], $0x7000  }
0x347: {  	[sflag:s19] =	ssyncset.done $0x0  }
0x348: {  	s0 =	rddreg [dreg:$0x1c];
	[sflag:s19] =	ssyncadd.s32 $0xFFFF9000  }
0x349: {  	[hbm4b:s0+s4] =	stream.strided.scatter [tilespmem:s10], [sflag:$0x8], $0x7000, s6, s4, $0x38;
	[tilespmem:$0x1C000] =	vst v63  }
0x34a: {  	_ =	swait.ge [sflag:s8], $0x7000  }
0x34b: {  	[sflag:s8] =	ssyncset.done $0x0  }
0x34c: {  	s0 =	rddreg [dreg:$0x1d];
	[sflag:s8] =	ssyncadd.s32 $0xFFFF9000  }
0x34d: {  	[tilespmem:s10], [sflag:$0x4] =	stream.strided.gather [hbm4b:s0+s4], $0x7000, s6, s4, $0x38;
	[tilespmem:$0x1C000] =	vst v63  }
0x34e: {  	_ =	swait.ge [sflag:s22], $0x7000  }
0x34f: {  	[sflag:s22] =	ssyncset.done $0x0  }
0x350: {  	s0 =	rddreg [dreg:$0x1e];
	[sflag:s22] =	ssyncadd.s32 $0xFFFF9000  }
0x351: {  	[hbm4b:s0+s4] =	stream.strided.scatter [tilespmem:s2], [sflag:$0x5], $0x7000, s6, s4, $0x38;
	[tilespmem:$0x1C000] =	vst v63  }
0x352: {  	_ =	swait.ge [sflag:s7], $0x7000  }
0x353: {  	[sflag:s7] =	ssyncset.done $0x0  }
0x354: {  	s0 =	rddreg [dreg:$0x1f];
	[sflag:s7] =	ssyncadd.s32 $0xFFFF9000  }
0x355: {  	[tilespmem:s2], [sflag:$0x1] =	stream.strided.gather [hbm4b:s0+s4], $0x7000, s6, s4, $0x38;
	[tilespmem:$0x1C000] =	vst v63  }
0x356: {  	_ =	swait.ge [sflag:s23], $0x7000  }
0x357: {  	s0 =	sld [smem:$0x7AB]  }
0x358: {  	[sflag:s23] =	ssyncset.done $0x0  }
0x359: {  	[sflag:s23] =	ssyncadd.s32 $0xFFFF9000  }
0x35a: {  	[hbm4b:s0+s4] =	stream.strided.scatter [tilespmem:s16], [sflag:$0x6], $0x7000, s6, s4, $0x38;
	[tilespmem:$0x1C000] =	vst v63  }
0x35b: {  	_ =	swait.ge [sflag:s12], $0x7000  }
0x35c: {  	s0 =	sld [smem:$0x7AC]  }
0x35d: {  	[sflag:s12] =	ssyncset.done $0x0  }
0x35e: {  	[sflag:s12] =	ssyncadd.s32 $0xFFFF9000  }
0x35f: {  	[tilespmem:s16], [sflag:$0x2] =	stream.strided.gather [hbm4b:s0+s4], $0x7000, s6, s4, $0x38;
	[tilespmem:$0x1C000] =	vst v63  }
0x360: {  	_ =	swait.ge [sflag:s20], $0x7000  }
0x361: {  	s0 =	sld [smem:$0x7AD]  }
0x362: {  	[sflag:s20] =	ssyncset.done $0x0  }
0x363: {  	[sflag:s20] =	ssyncadd.s32 $0xFFFF9000  }
0x364: {  	[hbm4b:s0+s4] =	stream.strided.scatter [tilespmem:s14], [sflag:$0x7], $0x7000, s6, s4, $0x38;
	[tilespmem:$0x1C000] =	vst v63  }
0x365: {  	_ =	swait.ge [sflag:s11], $0x7000  }
0x366: {  	s0 =	sld [smem:$0x7AE]  }
0x367: {  	[sflag:s11] =	ssyncset.done $0x0  }
0x368: {  	[sflag:s11] =	ssyncadd.s32 $0xFFFF9000  }
0x369: {  	[tilespmem:s14], [sflag:$0x3] =	stream.strided.gather [hbm4b:s0+s4], $0x7000, s6, s4, $0x38;
	[tilespmem:$0x1C000] =	vst v63  }
0x36a: {  	_ =	swait.ge [sflag:s19], $0x7000  }
0x36b: {  	s0 =	sld [smem:$0x7AF]  }
0x36c: {  	[sflag:s19] =	ssyncset.done $0x0  }
0x36d: {  	[sflag:s19] =	ssyncadd.s32 $0xFFFF9000  }
0x36e: {  	[hbm4b:s0+s4] =	stream.strided.scatter [tilespmem:s10], [sflag:$0x8], $0x7000, s6, s4, $0x38;
	[tilespmem:$0x1C000] =	vst v63  }
0x36f: {  	_ =	swait.ge [sflag:s8], $0x7000  }
0x370: {  	s0 =	sld [smem:$0x7B0]  }
0x371: {  	[sflag:s8] =	ssyncset.done $0x0  }
0x372: {  	[sflag:s8] =	ssyncadd.s32 $0xFFFF9000  }
0x373: {  	[tilespmem:s10], [sflag:$0x4] =	stream.strided.gather [hbm4b:s0+s4], $0x7000, s6, s4, $0x38;
	[tilespmem:$0x1C000] =	vst v63  }
0x374: {  	_ =	swait.ge [sflag:s22], $0x7000  }
0x375: {  	s0 =	sld [smem:$0x7B1]  }
0x376: {  	[sflag:s22] =	ssyncset.done $0x0  }
0x377: {  	[sflag:s22] =	ssyncadd.s32 $0xFFFF9000  }
0x378: {  	[hbm4b:s0+s4] =	stream.strided.scatter [tilespmem:s2], [sflag:$0x5], $0x7000, s6, s4, $0x38;
	[tilespmem:$0x1C000] =	vst v63  }
0x379: {  	_ =	swait.ge [sflag:s7], $0x7000  }
0x37a: {  	s0 =	sld [smem:$0x7B2]  }
0x37b: {  	[sflag:s7] =	ssyncset.done $0x0  }
0x37c: {  	[sflag:s7] =	ssyncadd.s32 $0xFFFF9000  }
0x37d: {  	[tilespmem:s2], [sflag:$0x1] =	stream.strided.gather [hbm4b:s0+s4], $0x7000, s6, s4, $0x38;
	[tilespmem:$0x1C000] =	vst v63  }
0x37e: {  	_ =	swait.ge [sflag:s23], $0x7000  }
0x37f: {  	s0 =	sld [smem:$0x7B3]  }
0x380: {  	[sflag:s23] =	ssyncset.done $0x0  }
0x381: {  	[sflag:s23] =	ssyncadd.s32 $0xFFFF9000  }
0x382: {  	[hbm4b:s0+s4] =	stream.strided.scatter [tilespmem:s16], [sflag:$0x6], $0x7000, s6, s4, $0x38;
	[tilespmem:$0x1C000] =	vst v63  }
0x383: {  	_ =	swait.ge [sflag:s12], $0x7000  }
0x384: {  	s0 =	sld [smem:$0x7B4]  }
0x385: {  	[sflag:s12] =	ssyncset.done $0x0  }
0x386: {  	[sflag:s12] =	ssyncadd.s32 $0xFFFF9000  }
0x387: {  	[tilespmem:s16], [sflag:$0x2] =	stream.strided.gather [hbm4b:s0+s4], $0x7000, s6, s4, $0x38;
	[tilespmem:$0x1C000] =	vst v63  }
0x388: {  	_ =	swait.ge [sflag:s20], $0x7000  }
0x389: {  	s0 =	sld [smem:$0x7B5]  }
0x38a: {  	[sflag:s20] =	ssyncset.done $0x0  }
0x38b: {  	[sflag:s20] =	ssyncadd.s32 $0xFFFF9000  }
0x38c: {  	[hbm4b:s0+s4] =	stream.strided.scatter [tilespmem:s14], [sflag:$0x7], $0x7000, s6, s4, $0x38;
	[tilespmem:$0x1C000] =	vst v63  }
0x38d: {  	_ =	swait.ge [sflag:s11], $0x7000  }
0x38e: {  	s0 =	sld [smem:$0x7B6]  }
0x38f: {  	[sflag:s11] =	ssyncset.done $0x0  }
0x390: {  	[sflag:s11] =	ssyncadd.s32 $0xFFFF9000  }
0x391: {  	[tilespmem:s14], [sflag:$0x3] =	stream.strided.gather [hbm4b:s0+s4], $0x7000, s6, s4, $0x38;
	[tilespmem:$0x1C000] =	vst v63  }
0x392: {  	_ =	swait.ge [sflag:s19], $0x7000  }
0x393: {  	s0 =	sld [smem:$0x7B7]  }
0x394: {  	[sflag:s19] =	ssyncset.done $0x0  }
0x395: {  	[sflag:s19] =	ssyncadd.s32 $0xFFFF9000  }
0x396: {  	[hbm4b:s0+s4] =	stream.strided.scatter [tilespmem:s10], [sflag:$0x8], $0x7000, s6, s4, $0x38;
	[tilespmem:$0x1C000] =	vst v63  }
0x397: {  	_ =	swait.ge [sflag:s8], $0x7000  }
0x398: {  	s0 =	sld [smem:$0x7B8]  }
0x399: {  	[sflag:s8] =	ssyncset.done $0x0  }
0x39a: {  	[sflag:s8] =	ssyncadd.s32 $0xFFFF9000  }
0x39b: {  	[tilespmem:s10], [sflag:$0x4] =	stream.strided.gather [hbm4b:s0+s4], $0x7000, s6, s4, $0x38;
	[tilespmem:$0x1C000] =	vst v63  }
0x39c: {  	_ =	swait.ge [sflag:s22], $0x7000  }
0x39d: {  	s0 =	sld [smem:$0x7B9]  }
0x39e: {  	[sflag:s22] =	ssyncset.done $0x0  }
0x39f: {  	[sflag:s22] =	ssyncadd.s32 $0xFFFF9000  }
0x3a0: {  	[hbm4b:s0+s4] =	stream.strided.scatter [tilespmem:s2], [sflag:$0x5], $0x7000, s6, s4, $0x38;
	[tilespmem:$0x1C000] =	vst v63  }
0x3a1: {  	_ =	swait.ge [sflag:s7], $0x7000  }
0x3a2: {  	s0 =	sld [smem:$0x7BA]  }
0x3a3: {  	[sflag:s7] =	ssyncset.done $0x0  }
0x3a4: {  	[sflag:s7] =	ssyncadd.s32 $0xFFFF9000  }
0x3a5: {  	[tilespmem:s2], [sflag:$0x1] =	stream.strided.gather [hbm4b:s0+s4], $0x7000, s6, s4, $0x38;
	[tilespmem:$0x1C000] =	vst v63  }
0x3a6: {  	_ =	swait.ge [sflag:s23], $0x7000  }
0x3a7: {  	s0 =	sld [smem:$0x7BB]  }
0x3a8: {  	[sflag:s23] =	ssyncset.done $0x0  }
0x3a9: {  	[sflag:s23] =	ssyncadd.s32 $0xFFFF9000  }
0x3aa: {  	[hbm4b:s0+s4] =	stream.strided.scatter [tilespmem:s16], [sflag:$0x6], $0x7000, s6, s4, $0x38;
	[tilespmem:$0x1C000] =	vst v63  }
0x3ab: {  	_ =	swait.ge [sflag:s12], $0x7000  }
0x3ac: {  	s0 =	sld [smem:$0x7BC]  }
0x3ad: {  	[sflag:s12] =	ssyncset.done $0x0  }
0x3ae: {  	[sflag:s12] =	ssyncadd.s32 $0xFFFF9000  }
0x3af: {  	[tilespmem:s16], [sflag:$0x2] =	stream.strided.gather [hbm4b:s0+s4], $0x7000, s6, s4, $0x38;
	[tilespmem:$0x1C000] =	vst v63  }
0x3b0: {  	_ =	swait.ge [sflag:s20], $0x7000  }
0x3b1: {  	s0 =	sld [smem:$0x7BD]  }
0x3b2: {  	[sflag:s20] =	ssyncset.done $0x0  }
0x3b3: {  	[sflag:s20] =	ssyncadd.s32 $0xFFFF9000  }
0x3b4: {  	[hbm4b:s0+s4] =	stream.strided.scatter [tilespmem:s14], [sflag:$0x7], $0x7000, s6, s4, $0x38;
	[tilespmem:$0x1C000] =	vst v63  }
0x3b5: {  	_ =	swait.ge [sflag:s11], $0x7000  }
0x3b6: {  	s0 =	sld [smem:$0x7BE]  }
0x3b7: {  	[sflag:s11] =	ssyncset.done $0x0  }
0x3b8: {  	[sflag:s11] =	ssyncadd.s32 $0xFFFF9000  }
0x3b9: {  	[tilespmem:s14], [sflag:$0x3] =	stream.strided.gather [hbm4b:s0+s4], $0x7000, s6, s4, $0x38;
	[tilespmem:$0x1C000] =	vst v63  }
0x3ba: {  	_ =	swait.ge [sflag:s19], $0x7000  }
0x3bb: {  	s0 =	sld [smem:$0x7BF]  }
0x3bc: {  	[sflag:s19] =	ssyncset.done $0x0  }
0x3bd: {  	[sflag:s19] =	ssyncadd.s32 $0xFFFF9000  }
0x3be: {  	[hbm4b:s0+s4] =	stream.strided.scatter [tilespmem:s10], [sflag:$0x8], $0x7000, s6, s4, $0x38;
	[tilespmem:$0x1C000] =	vst v63  }
0x3bf: {  	_ =	swait.ge [sflag:s8], $0x7000  }
0x3c0: {  	s0 =	sld [smem:$0x7C0]  }
0x3c1: {  	[sflag:s8] =	ssyncset.done $0x0  }
0x3c2: {  	[sflag:s8] =	ssyncadd.s32 $0xFFFF9000  }
0x3c3: {  	[tilespmem:s10], [sflag:$0x4] =	stream.strided.gather [hbm4b:s0+s4], $0x7000, s6, s4, $0x38;
	[tilespmem:$0x1C000] =	vst v63  }
0x3c4: {  	_ =	swait.ge [sflag:s22], $0x7000  }
0x3c5: {  	s0 =	sld [smem:$0x7C1]  }
0x3c6: {  	[sflag:s22] =	ssyncset.done $0x0  }
0x3c7: {  	[sflag:s22] =	ssyncadd.s32 $0xFFFF9000  }
0x3c8: {  	[hbm4b:s0+s4] =	stream.strided.scatter [tilespmem:s2], [sflag:$0x5], $0x7000, s6, s4, $0x38;
	[tilespmem:$0x1C000] =	vst v63  }
0x3c9: {  	_ =	swait.ge [sflag:s7], $0x7000  }
0x3ca: {  	s0 =	sld [smem:$0x7C2]  }
0x3cb: {  	[sflag:s7] =	ssyncset.done $0x0  }
0x3cc: {  	[sflag:s7] =	ssyncadd.s32 $0xFFFF9000  }
0x3cd: {  	[tilespmem:s2], [sflag:$0x1] =	stream.strided.gather [hbm4b:s0+s4], $0x7000, s6, s4, $0x38;
	[tilespmem:$0x1C000] =	vst v63  }
0x3ce: {  	_ =	swait.ge [sflag:s23], $0x7000  }
0x3cf: {  	s0 =	sld [smem:$0x7C3]  }
0x3d0: {  	[sflag:s23] =	ssyncset.done $0x0  }
0x3d1: {  	[sflag:s23] =	ssyncadd.s32 $0xFFFF9000  }
0x3d2: {  	[hbm4b:s0+s4] =	stream.strided.scatter [tilespmem:s16], [sflag:$0x6], $0x7000, s6, s4, $0x38;
	[tilespmem:$0x1C000] =	vst v63  }
0x3d3: {  	_ =	swait.ge [sflag:s12], $0x7000  }
0x3d4: {  	s0 =	sld [smem:$0x7C4]  }
0x3d5: {  	[sflag:s12] =	ssyncset.done $0x0  }
0x3d6: {  	[sflag:s12] =	ssyncadd.s32 $0xFFFF9000  }
0x3d7: {  	[tilespmem:s16], [sflag:$0x2] =	stream.strided.gather [hbm4b:s0+s4], $0x7000, s6, s4, $0x38;
	[tilespmem:$0x1C000] =	vst v63  }
0x3d8: {  	_ =	swait.ge [sflag:s20], $0x7000  }
0x3d9: {  	s0 =	sld [smem:$0x7C5]  }
0x3da: {  	[sflag:s20] =	ssyncset.done $0x0  }
0x3db: {  	[sflag:s20] =	ssyncadd.s32 $0xFFFF9000  }
0x3dc: {  	[hbm4b:s0+s4] =	stream.strided.scatter [tilespmem:s14], [sflag:$0x7], $0x7000, s6, s4, $0x38;
	[tilespmem:$0x1C000] =	vst v63  }
0x3dd: {  	_ =	swait.ge [sflag:s11], $0x7000  }
0x3de: {  	s0 =	sld [smem:$0x7C6]  }
0x3df: {  	[sflag:s11] =	ssyncset.done $0x0  }
0x3e0: {  	[sflag:s11] =	ssyncadd.s32 $0xFFFF9000  }
0x3e1: {  	[tilespmem:s14], [sflag:$0x3] =	stream.strided.gather [hbm4b:s0+s4], $0x7000, s6, s4, $0x38;
	[tilespmem:$0x1C000] =	vst v63  }
0x3e2: {  	_ =	swait.ge [sflag:s19], $0x7000  }
0x3e3: {  	s0 =	sld [smem:$0x7C7]  }
0x3e4: {  	[sflag:s19] =	ssyncset.done $0x0  }
0x3e5: {  	[sflag:s19] =	ssyncadd.s32 $0xFFFF9000  }
0x3e6: {  	[hbm4b:s0+s4] =	stream.strided.scatter [tilespmem:s10], [sflag:$0x8], $0x7000, s6, s4, $0x38;
	[tilespmem:$0x1C000] =	vst v63  }
0x3e7: {  	_ =	swait.ge [sflag:s8], $0x7000  }
0x3e8: {  	s0 =	sld [smem:$0x7C8]  }
0x3e9: {  	[sflag:s8] =	ssyncset.done $0x0  }
0x3ea: {  	[sflag:s8] =	ssyncadd.s32 $0xFFFF9000  }
0x3eb: {  	[tilespmem:s10], [sflag:$0x4] =	stream.strided.gather [hbm4b:s0+s4], $0x7000, s6, s4, $0x38;
	[tilespmem:$0x1C000] =	vst v63  }
0x3ec: {  	_ =	swait.ge [sflag:s22], $0x7000  }
0x3ed: {  	s0 =	sld [smem:$0x7C9]  }
0x3ee: {  	[sflag:s22] =	ssyncset.done $0x0  }
0x3ef: {  	[sflag:s22] =	ssyncadd.s32 $0xFFFF9000  }
0x3f0: {  	[hbm4b:s0+s4] =	stream.strided.scatter [tilespmem:s2], [sflag:$0x5], $0x7000, s6, s4, $0x38;
	[tilespmem:$0x1C000] =	vst v63  }
0x3f1: {  	_ =	swait.ge [sflag:s7], $0x7000  }
0x3f2: {  	s0 =	sld [smem:$0x7CA]  }
0x3f3: {  	[sflag:s7] =	ssyncset.done $0x0  }
0x3f4: {  	[sflag:s7] =	ssyncadd.s32 $0xFFFF9000  }
0x3f5: {  	[tilespmem:s2], [sflag:$0x1] =	stream.strided.gather [hbm4b:s0+s4], $0x7000, s6, s4, $0x38;
	[tilespmem:$0x1C000] =	vst v63  }
0x3f6: {  	_ =	swait.ge [sflag:s23], $0x7000  }
0x3f7: {  	s0 =	sld [smem:$0x7CB]  }
0x3f8: {  	[sflag:s23] =	ssyncset.done $0x0  }
0x3f9: {  	[sflag:s23] =	ssyncadd.s32 $0xFFFF9000  }
0x3fa: {  	[hbm4b:s0+s4] =	stream.strided.scatter [tilespmem:s16], [sflag:$0x6], $0x7000, s6, s4, $0x38;
	[tilespmem:$0x1C000] =	vst v63  }
0x3fb: {  	_ =	swait.ge [sflag:s12], $0x7000  }
0x3fc: {  	s0 =	sld [smem:$0x7CC]  }
0x3fd: {  	[sflag:s12] =	ssyncset.done $0x0  }
0x3fe: {  	[sflag:s12] =	ssyncadd.s32 $0xFFFF9000  }
0x3ff: {  	[tilespmem:s16], [sflag:$0x2] =	stream.strided.gather [hbm4b:s0+s4], $0x7000, s6, s4, $0x38;
	[tilespmem:$0x1C000] =	vst v63  }
0x400: {  	_ =	swait.ge [sflag:s20], $0x7000  }
0x401: {  	s0 =	sld [smem:$0x7CD]  }
0x402: {  	[sflag:s20] =	ssyncset.done $0x0  }
0x403: {  	[sflag:s20] =	ssyncadd.s32 $0xFFFF9000  }
0x404: {  	[hbm4b:s0+s4] =	stream.strided.scatter [tilespmem:s14], [sflag:$0x7], $0x7000, s6, s4, $0x38;
	[tilespmem:$0x1C000] =	vst v63  }
0x405: {  	_ =	swait.ge [sflag:s11], $0x7000  }
0x406: {  	s0 =	sld [smem:$0x7CE]  }
0x407: {  	[sflag:s11] =	ssyncset.done $0x0  }
0x408: {  	[sflag:s11] =	ssyncadd.s32 $0xFFFF9000  }
0x409: {  	[tilespmem:s14], [sflag:$0x3] =	stream.strided.gather [hbm4b:s0+s4], $0x7000, s6, s4, $0x38;
	[tilespmem:$0x1C000] =	vst v63  }
0x40a: {  	_ =	swait.ge [sflag:s19], $0x7000  }
0x40b: {  	s0 =	sld [smem:$0x7CF]  }
0x40c: {  	[sflag:s19] =	ssyncset.done $0x0  }
0x40d: {  	[sflag:s19] =	ssyncadd.s32 $0xFFFF9000  }
0x40e: {  	[hbm4b:s0+s4] =	stream.strided.scatter [tilespmem:s10], [sflag:$0x8], $0x7000, s6, s4, $0x38;
	[tilespmem:$0x1C000] =	vst v63  }
0x40f: {  	_ =	swait.ge [sflag:s8], $0x7000  }
0x410: {  	s0 =	sld [smem:$0x7D0]  }
0x411: {  	[sflag:s8] =	ssyncset.done $0x0  }
0x412: {  	[sflag:s8] =	ssyncadd.s32 $0xFFFF9000  }
0x413: {  	[tilespmem:s10], [sflag:$0x4] =	stream.strided.gather [hbm4b:s0+s4], $0x7000, s6, s4, $0x38;
	[tilespmem:$0x1C000] =	vst v63  }
0x414: {  	_ =	swait.ge [sflag:s22], $0x7000  }
0x415: {  	s0 =	sld [smem:$0x7D1]  }
0x416: {  	[sflag:s22] =	ssyncset.done $0x0  }
0x417: {  	[sflag:s22] =	ssyncadd.s32 $0xFFFF9000  }
0x418: {  	[hbm4b:s0+s4] =	stream.strided.scatter [tilespmem:s2], [sflag:$0x5], $0x7000, s6, s4, $0x38;
	[tilespmem:$0x1C000] =	vst v63  }
0x419: {  	_ =	swait.ge [sflag:s7], $0x7000  }
0x41a: {  	s0 =	sld [smem:$0x7D2]  }
0x41b: {  	[sflag:s7] =	ssyncset.done $0x0  }
0x41c: {  	[sflag:s7] =	ssyncadd.s32 $0xFFFF9000  }
0x41d: {  	[tilespmem:s2], [sflag:$0x1] =	stream.strided.gather [hbm4b:s0+s4], $0x7000, s6, s4, $0x38;
	[tilespmem:$0x1C000] =	vst v63  }
0x41e: {  	_ =	swait.ge [sflag:s23], $0x7000  }
0x41f: {  	s0 =	sld [smem:$0x7D3]  }
0x420: {  	[sflag:s23] =	ssyncset.done $0x0  }
0x421: {  	[sflag:s23] =	ssyncadd.s32 $0xFFFF9000  }
0x422: {  	[hbm4b:s0+s4] =	stream.strided.scatter [tilespmem:s16], [sflag:$0x6], $0x7000, s6, s4, $0x38;
	[tilespmem:$0x1C000] =	vst v63  }
0x423: {  	_ =	swait.ge [sflag:s12], $0x7000  }
0x424: {  	s0 =	sld [smem:$0x7D4]  }
0x425: {  	[sflag:s12] =	ssyncset.done $0x0  }
0x426: {  	[sflag:s12] =	ssyncadd.s32 $0xFFFF9000  }
0x427: {  	[tilespmem:s16], [sflag:$0x2] =	stream.strided.gather [hbm4b:s0+s4], $0x7000, s6, s4, $0x38;
	[tilespmem:$0x1C000] =	vst v63  }
0x428: {  	_ =	swait.ge [sflag:s20], $0x7000  }
0x429: {  	s0 =	sld [smem:$0x7D5]  }
0x42a: {  	[sflag:s20] =	ssyncset.done $0x0  }
0x42b: {  	[sflag:s20] =	ssyncadd.s32 $0xFFFF9000  }
0x42c: {  	[hbm4b:s0+s4] =	stream.strided.scatter [tilespmem:s14], [sflag:$0x7], $0x7000, s6, s4, $0x38;
	[tilespmem:$0x1C000] =	vst v63  }
0x42d: {  	_ =	swait.ge [sflag:s11], $0x7000  }
0x42e: {  	s0 =	sld [smem:$0x7D6]  }
0x42f: {  	[sflag:s11] =	ssyncset.done $0x0  }
0x430: {  	[sflag:s11] =	ssyncadd.s32 $0xFFFF9000  }
0x431: {  	[tilespmem:s14], [sflag:$0x3] =	stream.strided.gather [hbm4b:s0+s4], $0x7000, s6, s4, $0x38;
	[tilespmem:$0x1C000] =	vst v63  }
0x432: {  	_ =	swait.ge [sflag:s19], $0x7000  }
0x433: {  	s0 =	sld [smem:$0x7D7]  }
0x434: {  	[sflag:s19] =	ssyncset.done $0x0  }
0x435: {  	[sflag:s19] =	ssyncadd.s32 $0xFFFF9000  }
0x436: {  	[hbm4b:s0+s4] =	stream.strided.scatter [tilespmem:s10], [sflag:$0x8], $0x7000, s6, s4, $0x38;
	[tilespmem:$0x1C000] =	vst v63  }
0x437: {  	_ =	swait.ge [sflag:s8], $0x7000  }
0x438: {  	s0 =	sld [smem:$0x7D8]  }
0x439: {  	[sflag:s8] =	ssyncset.done $0x0  }
0x43a: {  	[sflag:s8] =	ssyncadd.s32 $0xFFFF9000  }
0x43b: {  	[tilespmem:s10], [sflag:$0x4] =	stream.strided.gather [hbm4b:s0+s4], $0x7000, s6, s4, $0x38;
	[tilespmem:$0x1C000] =	vst v63  }
0x43c: {  	_ =	swait.ge [sflag:s22], $0x7000  }
0x43d: {  	s0 =	sld [smem:$0x7D9]  }
0x43e: {  	[sflag:s22] =	ssyncset.done $0x0  }
0x43f: {  	[sflag:s22] =	ssyncadd.s32 $0xFFFF9000  }
0x440: {  	[hbm4b:s0+s4] =	stream.strided.scatter [tilespmem:s2], [sflag:$0x5], $0x7000, s6, s4, $0x38;
	[tilespmem:$0x1C000] =	vst v63  }
0x441: {  	_ =	swait.ge [sflag:s7], $0x7000  }
0x442: {  	s0 =	sld [smem:$0x7DA]  }
0x443: {  	[sflag:s7] =	ssyncset.done $0x0  }
0x444: {  	[sflag:s7] =	ssyncadd.s32 $0xFFFF9000  }
0x445: {  	[tilespmem:s2], [sflag:$0x1] =	stream.strided.gather [hbm4b:s0+s4], $0x7000, s6, s4, $0x38;
	[tilespmem:$0x1C000] =	vst v63  }
0x446: {  	_ =	swait.ge [sflag:s23], $0x7000  }
0x447: {  	s0 =	sld [smem:$0x7DB]  }
0x448: {  	[sflag:s23] =	ssyncset.done $0x0  }
0x449: {  	[sflag:s23] =	ssyncadd.s32 $0xFFFF9000  }
0x44a: {  	[hbm4b:s0+s4] =	stream.strided.scatter [tilespmem:s16], [sflag:$0x6], $0x7000, s6, s4, $0x38;
	[tilespmem:$0x1C000] =	vst v63  }
0x44b: {  	_ =	swait.ge [sflag:s12], $0x7000  }
0x44c: {  	s0 =	sld [smem:$0x7DC]  }
0x44d: {  	[sflag:s12] =	ssyncset.done $0x0  }
0x44e: {  	[sflag:s12] =	ssyncadd.s32 $0xFFFF9000  }
0x44f: {  	[tilespmem:s16], [sflag:$0x2] =	stream.strided.gather [hbm4b:s0+s4], $0x7000, s6, s4, $0x38;
	[tilespmem:$0x1C000] =	vst v63  }
0x450: {  	_ =	swait.ge [sflag:s20], $0x7000  }
0x451: {  	s0 =	sld [smem:$0x7DD]  }
0x452: {  	[sflag:s20] =	ssyncset.done $0x0  }
0x453: {  	[sflag:s20] =	ssyncadd.s32 $0xFFFF9000  }
0x454: {  	[hbm4b:s0+s4] =	stream.strided.scatter [tilespmem:s14], [sflag:$0x7], $0x7000, s6, s4, $0x38;
	[tilespmem:$0x1C000] =	vst v63  }
0x455: {  	_ =	swait.ge [sflag:s11], $0x7000  }
0x456: {  	s0 =	sld [smem:$0x7DE]  }
0x457: {  	[sflag:s11] =	ssyncset.done $0x0  }
0x458: {  	[sflag:s11] =	ssyncadd.s32 $0xFFFF9000  }
0x459: {  	[tilespmem:s14], [sflag:$0x3] =	stream.strided.gather [hbm4b:s0+s4], $0x7000, s6, s4, $0x38;
	[tilespmem:$0x1C000] =	vst v63  }
0x45a: {  	_ =	swait.ge [sflag:s19], $0x7000  }
0x45b: {  	s0 =	sld [smem:$0x7DF]  }
0x45c: {  	[sflag:s19] =	ssyncset.done $0x0  }
0x45d: {  	[sflag:s19] =	ssyncadd.s32 $0xFFFF9000  }
0x45e: {  	[hbm4b:s0+s4] =	stream.strided.scatter [tilespmem:s10], [sflag:$0x8], $0x7000, s6, s4, $0x38;
	[tilespmem:$0x1C000] =	vst v63  }
0x45f: {  	_ =	swait.ge [sflag:s8], $0x7000  }
0x460: {  	s0 =	sld [smem:$0x7E0]  }
0x461: {  	[sflag:s8] =	ssyncset.done $0x0  }
0x462: {  	[sflag:s8] =	ssyncadd.s32 $0xFFFF9000  }
0x463: {  	[tilespmem:s10], [sflag:$0x4] =	stream.strided.gather [hbm4b:s0+s4], $0x7000, s6, s4, $0x38;
	[tilespmem:$0x1C000] =	vst v63  }
0x464: {  	_ =	swait.ge [sflag:s22], $0x7000  }
0x465: {  	s0 =	sld [smem:$0x7E1]  }
0x466: {  	[sflag:s22] =	ssyncset.done $0x0  }
0x467: {  	[sflag:s22] =	ssyncadd.s32 $0xFFFF9000  }
0x468: {  	[hbm4b:s0+s4] =	stream.strided.scatter [tilespmem:s2], [sflag:$0x5], $0x7000, s6, s4, $0x38;
	[tilespmem:$0x1C000] =	vst v63  }
0x469: {  	_ =	swait.ge [sflag:s7], $0x7000  }
0x46a: {  	s0 =	sld [smem:$0x7E2]  }
0x46b: {  	[sflag:s7] =	ssyncset.done $0x0  }
0x46c: {  	[sflag:s7] =	ssyncadd.s32 $0xFFFF9000  }
0x46d: {  	[tilespmem:s2], [sflag:$0x1] =	stream.strided.gather [hbm4b:s0+s4], $0x7000, s6, s4, $0x38;
	[tilespmem:$0x1C000] =	vst v63  }
0x46e: {  	_ =	swait.ge [sflag:s23], $0x7000  }
0x46f: {  	s0 =	sld [smem:$0x7E3]  }
0x470: {  	[sflag:s23] =	ssyncset.done $0x0  }
0x471: {  	[sflag:s23] =	ssyncadd.s32 $0xFFFF9000  }
0x472: {  	[hbm4b:s0+s4] =	stream.strided.scatter [tilespmem:s16], [sflag:$0x6], $0x7000, s6, s4, $0x38;
	[tilespmem:$0x1C000] =	vst v63  }
0x473: {  	_ =	swait.ge [sflag:s12], $0x7000  }
0x474: {  	s0 =	sld [smem:$0x7E4]  }
0x475: {  	[sflag:s12] =	ssyncset.done $0x0  }
0x476: {  	[sflag:s12] =	ssyncadd.s32 $0xFFFF9000  }
0x477: {  	[tilespmem:s16], [sflag:$0x2] =	stream.strided.gather [hbm4b:s0+s4], $0x7000, s6, s4, $0x38;
	[tilespmem:$0x1C000] =	vst v63  }
0x478: {  	_ =	swait.ge [sflag:s20], $0x7000  }
0x479: {  	s0 =	sld [smem:$0x7E5]  }
0x47a: {  	[sflag:s20] =	ssyncset.done $0x0  }
0x47b: {  	[sflag:s20] =	ssyncadd.s32 $0xFFFF9000  }
0x47c: {  	[hbm4b:s0+s4] =	stream.strided.scatter [tilespmem:s14], [sflag:$0x7], $0x7000, s6, s4, $0x38;
	[tilespmem:$0x1C000] =	vst v63  }
0x47d: {  	_ =	swait.ge [sflag:s11], $0x7000  }
0x47e: {  	s0 =	sld [smem:$0x7E6]  }
0x47f: {  	[sflag:s11] =	ssyncset.done $0x0  }
0x480: {  	[sflag:s11] =	ssyncadd.s32 $0xFFFF9000  }
0x481: {  	[tilespmem:s14], [sflag:$0x3] =	stream.strided.gather [hbm4b:s0+s4], $0x7000, s6, s4, $0x38;
	[tilespmem:$0x1C000] =	vst v63  }
0x482: {  	_ =	swait.ge [sflag:s19], $0x7000  }
0x483: {  	s0 =	sld [smem:$0x7E7]  }
0x484: {  	[sflag:s19] =	ssyncset.done $0x0  }
0x485: {  	[sflag:s19] =	ssyncadd.s32 $0xFFFF9000  }
0x486: {  	[hbm4b:s0+s4] =	stream.strided.scatter [tilespmem:s10], [sflag:$0x8], $0x7000, s6, s4, $0x38;
	[tilespmem:$0x1C000] =	vst v63  }
0x487: {  	_ =	swait.ge [sflag:s8], $0x7000  }
0x488: {  	s0 =	sld [smem:$0x7E8]  }
0x489: {  	[sflag:s8] =	ssyncset.done $0x0  }
0x48a: {  	[sflag:s8] =	ssyncadd.s32 $0xFFFF9000  }
0x48b: {  	[tilespmem:s10], [sflag:$0x4] =	stream.strided.gather [hbm4b:s0+s4], $0x7000, s6, s4, $0x38;
	[tilespmem:$0x1C000] =	vst v63  }
0x48c: {  	_ =	swait.ge [sflag:s22], $0x7000  }
0x48d: {  	s0 =	sld [smem:$0x7E9]  }
0x48e: {  	[sflag:s22] =	ssyncset.done $0x0  }
0x48f: {  	[sflag:s22] =	ssyncadd.s32 $0xFFFF9000  }
0x490: {  	[hbm4b:s0+s4] =	stream.strided.scatter [tilespmem:s2], [sflag:$0x5], $0x7000, s6, s4, $0x38;
	[tilespmem:$0x1C000] =	vst v63  }
0x491: {  	_ =	swait.ge [sflag:s7], $0x7000  }
0x492: {  	s0 =	sld [smem:$0x7EA]  }
0x493: {  	[sflag:s7] =	ssyncset.done $0x0  }
0x494: {  	[sflag:s7] =	ssyncadd.s32 $0xFFFF9000  }
0x495: {  	[tilespmem:s2], [sflag:$0x1] =	stream.strided.gather [hbm4b:s0+s4], $0x7000, s6, s4, $0x38;
	[tilespmem:$0x1C000] =	vst v63  }
0x496: {  	_ =	swait.ge [sflag:s23], $0x7000  }
0x497: {  	s0 =	sld [smem:$0x7EB]  }
0x498: {  	[sflag:s23] =	ssyncset.done $0x0  }
0x499: {  	[sflag:s23] =	ssyncadd.s32 $0xFFFF9000  }
0x49a: {  	[hbm4b:s0+s4] =	stream.strided.scatter [tilespmem:s16], [sflag:$0x6], $0x7000, s6, s4, $0x38;
	[tilespmem:$0x1C000] =	vst v63  }
0x49b: {  	_ =	swait.ge [sflag:s12], $0x7000  }
0x49c: {  	s0 =	sld [smem:$0x7EC]  }
0x49d: {  	[sflag:s12] =	ssyncset.done $0x0  }
0x49e: {  	[sflag:s12] =	ssyncadd.s32 $0xFFFF9000  }
0x49f: {  	[tilespmem:s16], [sflag:$0x2] =	stream.strided.gather [hbm4b:s0+s4], $0x7000, s6, s4, $0x38;
	[tilespmem:$0x1C000] =	vst v63  }
0x4a0: {  	_ =	swait.ge [sflag:s20], $0x7000  }
0x4a1: {  	s0 =	sld [smem:$0x7ED]  }
0x4a2: {  	[sflag:s20] =	ssyncset.done $0x0  }
0x4a3: {  	[sflag:s20] =	ssyncadd.s32 $0xFFFF9000  }
0x4a4: {  	[hbm4b:s0+s4] =	stream.strided.scatter [tilespmem:s14], [sflag:$0x7], $0x7000, s6, s4, $0x38;
	[tilespmem:$0x1C000] =	vst v63  }
0x4a5: {  	_ =	swait.ge [sflag:s11], $0x7000  }
0x4a6: {  	s0 =	sld [smem:$0x7EE]  }
0x4a7: {  	[sflag:s11] =	ssyncset.done $0x0  }
0x4a8: {  	[sflag:s11] =	ssyncadd.s32 $0xFFFF9000  }
0x4a9: {  	[tilespmem:s14], [sflag:$0x3] =	stream.strided.gather [hbm4b:s0+s4], $0x7000, s6, s4, $0x38;
	[tilespmem:$0x1C000] =	vst v63  }
0x4aa: {  	_ =	swait.ge [sflag:s19], $0x7000  }
0x4ab: {  	s0 =	sld [smem:$0x7EF]  }
0x4ac: {  	[sflag:s19] =	ssyncset.done $0x0  }
0x4ad: {  	[sflag:s19] =	ssyncadd.s32 $0xFFFF9000  }
0x4ae: {  	[hbm4b:s0+s4] =	stream.strided.scatter [tilespmem:s10], [sflag:$0x8], $0x7000, s6, s4, $0x38;
	[tilespmem:$0x1C000] =	vst v63  }
0x4af: {  	_ =	swait.ge [sflag:s8], $0x7000  }
0x4b0: {  	s0 =	sld [smem:$0x7F0]  }
0x4b1: {  	[sflag:s8] =	ssyncset.done $0x0  }
0x4b2: {  	[sflag:s8] =	ssyncadd.s32 $0xFFFF9000  }
0x4b3: {  	[tilespmem:s10], [sflag:$0x4] =	stream.strided.gather [hbm4b:s0+s4], $0x7000, s6, s4, $0x38;
	[tilespmem:$0x1C000] =	vst v63  }
0x4b4: {  	_ =	swait.ge [sflag:s22], $0x7000  }
0x4b5: {  	s0 =	sld [smem:$0x7F1]  }
0x4b6: {  	[sflag:s22] =	ssyncset.done $0x0  }
0x4b7: {  	[sflag:s22] =	ssyncadd.s32 $0xFFFF9000  }
0x4b8: {  	[hbm4b:s0+s4] =	stream.strided.scatter [tilespmem:s2], [sflag:$0x5], $0x7000, s6, s4, $0x38;
	[tilespmem:$0x1C000] =	vst v63  }
0x4b9: {  	_ =	swait.ge [sflag:s7], $0x7000  }
0x4ba: {  	s0 =	sld [smem:$0x7F2]  }
0x4bb: {  	[sflag:s7] =	ssyncset.done $0x0  }
0x4bc: {  	[sflag:s7] =	ssyncadd.s32 $0xFFFF9000  }
0x4bd: {  	[tilespmem:s2], [sflag:$0x1] =	stream.strided.gather [hbm4b:s0+s4], $0x7000, s6, s4, $0x38;
	[tilespmem:$0x1C000] =	vst v63  }
0x4be: {  	_ =	swait.ge [sflag:s23], $0x7000  }
0x4bf: {  	s0 =	sld [smem:$0x7F3]  }
0x4c0: {  	[sflag:s23] =	ssyncset.done $0x0  }
0x4c1: {  	[sflag:s23] =	ssyncadd.s32 $0xFFFF9000  }
0x4c2: {  	[hbm4b:s0+s4] =	stream.strided.scatter [tilespmem:s16], [sflag:$0x6], $0x7000, s6, s4, $0x38;
	[tilespmem:$0x1C000] =	vst v63  }
0x4c3: {  	_ =	swait.ge [sflag:s12], $0x7000  }
0x4c4: {  	s0 =	sld [smem:$0x7F4]  }
0x4c5: {  	[sflag:s12] =	ssyncset.done $0x0  }
0x4c6: {  	[sflag:s12] =	ssyncadd.s32 $0xFFFF9000  }
0x4c7: {  	[tilespmem:s16], [sflag:$0x2] =	stream.strided.gather [hbm4b:s0+s4], $0x7000, s6, s4, $0x38;
	[tilespmem:$0x1C000] =	vst v63  }
0x4c8: {  	_ =	swait.ge [sflag:s20], $0x7000  }
0x4c9: {  	s0 =	sld [smem:$0x7F5]  }
0x4ca: {  	[sflag:s20] =	ssyncset.done $0x0  }
0x4cb: {  	[sflag:s20] =	ssyncadd.s32 $0xFFFF9000  }
0x4cc: {  	[hbm4b:s0+s4] =	stream.strided.scatter [tilespmem:s14], [sflag:$0x7], $0x7000, s6, s4, $0x38;
	[tilespmem:$0x1C000] =	vst v63  }
0x4cd: {  	_ =	swait.ge [sflag:s11], $0x7000  }
0x4ce: {  	s0 =	sld [smem:$0x7F6]  }
0x4cf: {  	[sflag:s11] =	ssyncset.done $0x0  }
0x4d0: {  	[sflag:s11] =	ssyncadd.s32 $0xFFFF9000  }
0x4d1: {  	[tilespmem:s14], [sflag:$0x3] =	stream.strided.gather [hbm4b:s0+s4], $0x7000, s6, s4, $0x38;
	[tilespmem:$0x1C000] =	vst v63  }
0x4d2: {  	_ =	swait.ge [sflag:s19], $0x7000  }
0x4d3: {  	s0 =	sld [smem:$0x7F7]  }
0x4d4: {  	[sflag:s19] =	ssyncset.done $0x0  }
0x4d5: {  	[sflag:s19] =	ssyncadd.s32 $0xFFFF9000  }
0x4d6: {  	[hbm4b:s0+s4] =	stream.strided.scatter [tilespmem:s10], [sflag:$0x8], $0x7000, s6, s4, $0x38;
	[tilespmem:$0x1C000] =	vst v63  }
0x4d7: {  	_ =	swait.ge [sflag:s8], $0x7000  }
0x4d8: {  	s0 =	sld [smem:$0x7F8]  }
0x4d9: {  	[sflag:s8] =	ssyncset.done $0x0  }
0x4da: {  	[sflag:s8] =	ssyncadd.s32 $0xFFFF9000  }
0x4db: {  	[tilespmem:s10], [sflag:$0x4] =	stream.strided.gather [hbm4b:s0+s4], $0x7000, s6, s4, $0x38;
	[tilespmem:$0x1C000] =	vst v63  }
0x4dc: {  	_ =	swait.ge [sflag:s22], $0x7000  }
0x4dd: {  	s0 =	sld [smem:$0x7F9]  }
0x4de: {  	[sflag:s22] =	ssyncset.done $0x0  }
0x4df: {  	[sflag:s22] =	ssyncadd.s32 $0xFFFF9000  }
0x4e0: {  	[hbm4b:s0+s4] =	stream.strided.scatter [tilespmem:s2], [sflag:$0x5], $0x7000, s6, s4, $0x38;
	[tilespmem:$0x1C000] =	vst v63  }
0x4e1: {  	_ =	swait.ge [sflag:s7], $0x7000  }
0x4e2: {  	s0 =	sld [smem:$0x7FA]  }
0x4e3: {  	[sflag:s7] =	ssyncset.done $0x0  }
0x4e4: {  	[sflag:s7] =	ssyncadd.s32 $0xFFFF9000  }
0x4e5: {  	[tilespmem:s2], [sflag:$0x1] =	stream.strided.gather [hbm4b:s0+s4], $0x7000, s6, s4, $0x38;
	[tilespmem:$0x1C000] =	vst v63  }
0x4e6: {  	_ =	swait.ge [sflag:s23], $0x7000  }
0x4e7: {  	s0 =	sld [smem:$0x7FB]  }
0x4e8: {  	[sflag:s23] =	ssyncset.done $0x0  }
0x4e9: {  	[sflag:s23] =	ssyncadd.s32 $0xFFFF9000  }
0x4ea: {  	[hbm4b:s0+s4] =	stream.strided.scatter [tilespmem:s16], [sflag:$0x6], $0x7000, s6, s4, $0x38;
	[tilespmem:$0x1C000] =	vst v63  }
0x4eb: {  	_ =	swait.ge [sflag:s12], $0x7000  }
0x4ec: {  	s0 =	sld [smem:$0x7FC]  }
0x4ed: {  	[sflag:s12] =	ssyncset.done $0x0  }
0x4ee: {  	[sflag:s12] =	ssyncadd.s32 $0xFFFF9000  }
0x4ef: {  	[tilespmem:s16], [sflag:$0x2] =	stream.strided.gather [hbm4b:s0+s4], $0x7000, s6, s4, $0x38;
	[tilespmem:$0x1C000] =	vst v63  }
0x4f0: {  	_ =	swait.ge [sflag:s20], $0x7000  }
0x4f1: {  	s0 =	sld [smem:$0x7FD]  }
0x4f2: {  	[sflag:s20] =	ssyncset.done $0x0  }
0x4f3: {  	[sflag:s20] =	ssyncadd.s32 $0xFFFF9000  }
0x4f4: {  	[hbm4b:s0+s4] =	stream.strided.scatter [tilespmem:s14], [sflag:$0x7], $0x7000, s6, s4, $0x38;
	[tilespmem:$0x1C000] =	vst v63  }
0x4f5: {  	_ =	swait.ge [sflag:s11], $0x7000  }
0x4f6: {  	[sflag:s11] =	ssyncset.done $0x0  }
0x4f7: {  	[sflag:s11] =	ssyncadd.s32 $0xFFFF9000  }
0x4f8: {  	[tilespmem:s14], [sflag:$0x3] =	stream.strided.gather [hbm4b:s31+s4], $0x7000, s6, s4, $0x38;
	[tilespmem:$0x1C000] =	vst v63  }
0x4f9: {  	_ =	swait.ge [sflag:s19], $0x7000  }
0x4fa: {  	[sflag:s19] =	ssyncset.done $0x0  }
0x4fb: {  	[sflag:s19] =	ssyncadd.s32 $0xFFFF9000  }
0x4fc: {  	[hbm4b:s30+s4] =	stream.strided.scatter [tilespmem:s10], [sflag:$0x8], $0x7000, s6, s4, $0x38;
	[tilespmem:$0x1C000] =	vst v63  }
0x4fd: {  	_ =	swait.ge [sflag:s8], $0x7000  }
0x4fe: {  	[sflag:s8] =	ssyncset.done $0x0  }
0x4ff: {  	[sflag:s8] =	ssyncadd.s32 $0xFFFF9000  }
0x500: {  	[tilespmem:s10], [sflag:$0x4] =	stream.strided.gather [hbm4b:s29+s4], $0x7000, s6, s4, $0x38;
	[tilespmem:$0x1C000] =	vst v63  }
0x501: {  	_ =	swait.ge [sflag:s22], $0x7000  }
0x502: {  	[sflag:s22] =	ssyncset.done $0x0  }
0x503: {  	[sflag:s22] =	ssyncadd.s32 $0xFFFF9000  }
0x504: {  	[hbm4b:s28+s4] =	stream.strided.scatter [tilespmem:s2], [sflag:$0x5], $0x7000, s6, s4, $0x38;
	[tilespmem:$0x1C000] =	vst v63  }
0x505: {  	_ =	swait.ge [sflag:s7], $0x7000  }
0x506: {  	[sflag:s7] =	ssyncset.done $0x0  }
0x507: {  	[sflag:s7] =	ssyncadd.s32 $0xFFFF9000  }
0x508: {  	[tilespmem:s2], [sflag:$0x1] =	stream.strided.gather [hbm4b:s26+s4], $0x7000, s6, s4, $0x38;
	[tilespmem:$0x1C000] =	vst v63  }
0x509: {  	_ =	swait.ge [sflag:s23], $0x7000  }
0x50a: {  	[sflag:s23] =	ssyncset.done $0x0  }
0x50b: {  	[sflag:s23] =	ssyncadd.s32 $0xFFFF9000  }
0x50c: {  	[hbm4b:s25+s4] =	stream.strided.scatter [tilespmem:s16], [sflag:$0x6], $0x7000, s6, s4, $0x38;
	[tilespmem:$0x1C000] =	vst v63  }
0x50d: {  	_ =	swait.ge [sflag:s12], $0x7000  }
0x50e: {  	[sflag:s12] =	ssyncset.done $0x0  }
0x50f: {  	[sflag:s12] =	ssyncadd.s32 $0xFFFF9000  }
0x510: {  	[tilespmem:s16], [sflag:$0x2] =	stream.strided.gather [hbm4b:s24+s4], $0x7000, s6, s4, $0x38;
	[tilespmem:$0x1C000] =	vst v63  }
0x511: {  	_ =	swait.ge [sflag:s20], $0x7000  }
0x512: {  	[sflag:s20] =	ssyncset.done $0x0  }
0x513: {  	[sflag:s20] =	ssyncadd.s32 $0xFFFF9000  }
0x514: {  	[hbm4b:s21+s4] =	stream.strided.scatter [tilespmem:s14], [sflag:$0x7], $0x7000, s6, s4, $0x38;
	[tilespmem:$0x1C000] =	vst v63  }
0x515: {  	_ =	swait.ge [sflag:s11], $0x7000  }
0x516: {  	[sflag:s11] =	ssyncset.done $0x0  }
0x517: {  	[sflag:s11] =	ssyncadd.s32 $0xFFFF9000  }
0x518: {  	[tilespmem:s14], [sflag:$0x3] =	stream.strided.gather [hbm4b:s18+s4], $0x7000, s6, s4, $0x38;
	[tilespmem:$0x1C000] =	vst v63  }
0x519: {  	_ =	swait.ge [sflag:s19], $0x7000  }
0x51a: {  	[sflag:s19] =	ssyncset.done $0x0  }
0x51b: {  	[sflag:s19] =	ssyncadd.s32 $0xFFFF9000  }
0x51c: {  	[hbm4b:s17+s4] =	stream.strided.scatter [tilespmem:s10], [sflag:$0x8], $0x7000, s6, s4, $0x38;
	[tilespmem:$0x1C000] =	vst v63  }
0x51d: {  	_ =	swait.ge [sflag:s8], $0x7000  }
0x51e: {  	[sflag:s8] =	ssyncset.done $0x0  }
0x51f: {  	[sflag:s8] =	ssyncadd.s32 $0xFFFF9000  }
0x520: {  	[tilespmem:s10], [sflag:$0x4] =	stream.strided.gather [hbm4b:s15+s4], $0x7000, s6, s4, $0x38;
	[tilespmem:$0x1C000] =	vst v63  }
0x521: {  	_ =	swait.ge [sflag:s22], $0x7000  }
0x522: {  	[sflag:s22] =	ssyncset.done $0x0  }
0x523: {  	[sflag:s22] =	ssyncadd.s32 $0xFFFF9000  }
0x524: {  	[hbm4b:s13+s4] =	stream.strided.scatter [tilespmem:s2], [sflag:$0x5], $0x7000, s6, s4, $0x38;
	[tilespmem:$0x1C000] =	vst v63  }
0x525: {  	_ =	swait.ge [sflag:s23], $0x7000  }
0x526: {  	[sflag:s23] =	ssyncset.done $0x0  }
0x527: {  	[sflag:s23] =	ssyncadd.s32 $0xFFFF9000  }
0x528: {  	[hbm4b:s9+s4] =	stream.strided.scatter [tilespmem:s16], [sflag:$0x6], $0x7000, s6, s4, $0x38;
	[tilespmem:$0x1C000] =	vst v63  }
0x529: {  	_ =	swait.ge [sflag:s20], $0x7000  }
0x52a: {  	[sflag:s20] =	ssyncset.done $0x0  }
0x52b: {  	[sflag:s20] =	ssyncadd.s32 $0xFFFF9000  }
0x52c: {  	[hbm4b:s5+s4] =	stream.strided.scatter [tilespmem:s14], [sflag:$0x7], $0x7000, s6, s4, $0x38;
	[tilespmem:$0x1C000] =	vst v63  }
0x52d: {  	_ =	swait.ge [sflag:s19], $0x7000  }
0x52e: {  	[sflag:s19] =	ssyncset.done $0x0  }
0x52f: {  	[sflag:s19] =	ssyncadd.s32 $0xFFFF9000  }
0x530: {  	[hbm4b:s3+s4] =	stream.strided.scatter [tilespmem:s10], [sflag:$0x8], $0x7000, s6, s4, $0x38;
	[tilespmem:$0x1C000] =	vst v63  }
0x531: {  	_ =	swait.ge [sflag:s7], $0x7000  }
0x532: {  	[sflag:s7] =	ssyncset.done $0x0  }
0x533: {  	[sflag:s7] =	ssyncadd.s32 $0xFFFF9000  }
0x534: {  	_ =	swait.ge [sflag:s12], $0x7000  }
0x535: {  	[sflag:s12] =	ssyncset.done $0x0  }
0x536: {  	[sflag:s12] =	ssyncadd.s32 $0xFFFF9000  }
.Ltmp2:
0x537: {  	_ =	swait.ge [sflag:s11], $0x7000;
	(pc) =	sbr.rel @p1 .LBB2_2-.Ltmp2, $4  }
0x538: {  	[sflag:s11] =	ssyncset.done $0x0  }
0x539: {  	[sflag:s11] =	ssyncadd.s32 $0xFFFF9000  }
0x53a: {  	_ =	swait.ge [sflag:s8], $0x7000  }
0x53b: {  	s0 =	rddreg [dreg:$0x2];
	[sflag:s8] =	ssyncset.done $0x0  }
.LBB2_3:
0x53c: {  	[sflag:s8] =	ssyncadd.s32 @p0 $0xFFFF9000  }
0x53d: {  	[tilespmem:s2], [sflag:$0x1] =	stream.strided.gather [hbm4b:s0+s4], $0x7000, s6, s4, $0x38;
	[tilespmem:$0x1C000] =	vst v63  }
0x53e: {  	s1 =	rddreg [dreg:$0x3]  }
0x53f: {  	[tilespmem:s16], [sflag:$0x2] =	stream.strided.gather [hbm4b:s1+s4], $0x7000, s6, s4, $0x38;
	[tilespmem:$0x1C000] =	vst v63  }
0x540: {  	s0 =	rddreg [dreg:$0x4]  }
0x541: {  	[tilespmem:s14], [sflag:$0x3] =	stream.strided.gather [hbm4b:s0+s4], $0x7000, s6, s4, $0x38;
	[tilespmem:$0x1C000] =	vst v63  }
0x542: {  	s1 =	rddreg [dreg:$0x5]  }
0x543: {  	[tilespmem:s10], [sflag:$0x4] =	stream.strided.gather [hbm4b:s1+s4], $0x7000, s6, s4, $0x38;
	[tilespmem:$0x1C000] =	vst v63  }
0x544: {  	_ =	swait.ge [sflag:s22], $0x7000  }
0x545: {  	[sflag:s22] =	ssyncset.done $0x0  }
0x546: {  	s1 =	rddreg [dreg:$0x6];
	[sflag:s22] =	ssyncadd.s32 $0xFFFF9000  }
0x547: {  	[hbm4b:s1+s4] =	stream.strided.scatter [tilespmem:s2], [sflag:$0x5], $0x7000, s6, s4, $0x38;
	[tilespmem:$0x1C000] =	vst v63  }
0x548: {  	_ =	swait.ge [sflag:s7], $0x7000  }
0x549: {  	[sflag:s7] =	ssyncset.done $0x0  }
0x54a: {  	s1 =	rddreg [dreg:$0x7];
	[sflag:s7] =	ssyncadd.s32 $0xFFFF9000  }
0x54b: {  	[tilespmem:s2], [sflag:$0x1] =	stream.strided.gather [hbm4b:s1+s4], $0x7000, s6, s4, $0x38;
	[tilespmem:$0x1C000] =	vst v63  }
0x54c: {  	_ =	swait.ge [sflag:s23], $0x7000  }
0x54d: {  	[sflag:s23] =	ssyncset.done $0x0  }
0x54e: {  	s1 =	rddreg [dreg:$0x8];
	[sflag:s23] =	ssyncadd.s32 $0xFFFF9000  }
0x54f: {  	[hbm4b:s1+s4] =	stream.strided.scatter [tilespmem:s16], [sflag:$0x6], $0x7000, s6, s4, $0x38;
	[tilespmem:$0x1C000] =	vst v63  }
0x550: {  	_ =	swait.ge [sflag:s12], $0x7000  }
0x551: {  	[sflag:s12] =	ssyncset.done $0x0  }
0x552: {  	s1 =	rddreg [dreg:$0x9];
	[sflag:s12] =	ssyncadd.s32 $0xFFFF9000  }
0x553: {  	[tilespmem:s16], [sflag:$0x2] =	stream.strided.gather [hbm4b:s1+s4], $0x7000, s6, s4, $0x38;
	[tilespmem:$0x1C000] =	vst v63  }
0x554: {  	_ =	swait.ge [sflag:s20], $0x7000  }
0x555: {  	[sflag:s20] =	ssyncset.done $0x0  }
0x556: {  	s1 =	rddreg [dreg:$0xa];
	[sflag:s20] =	ssyncadd.s32 $0xFFFF9000  }
0x557: {  	[hbm4b:s1+s4] =	stream.strided.scatter [tilespmem:s14], [sflag:$0x7], $0x7000, s6, s4, $0x38;
	[tilespmem:$0x1C000] =	vst v63  }
0x558: {  	_ =	swait.ge [sflag:s11], $0x7000  }
0x559: {  	[sflag:s11] =	ssyncset.done $0x0  }
0x55a: {  	s1 =	rddreg [dreg:$0xb];
	[sflag:s11] =	ssyncadd.s32 $0xFFFF9000  }
0x55b: {  	[tilespmem:s14], [sflag:$0x3] =	stream.strided.gather [hbm4b:s1+s4], $0x7000, s6, s4, $0x38;
	[tilespmem:$0x1C000] =	vst v63  }
0x55c: {  	_ =	swait.ge [sflag:s19], $0x7000  }
0x55d: {  	[sflag:s19] =	ssyncset.done $0x0  }
0x55e: {  	s1 =	rddreg [dreg:$0xc];
	[sflag:s19] =	ssyncadd.s32 $0xFFFF9000  }
0x55f: {  	[hbm4b:s1+s4] =	stream.strided.scatter [tilespmem:s10], [sflag:$0x8], $0x7000, s6, s4, $0x38;
	[tilespmem:$0x1C000] =	vst v63  }
0x560: {  	_ =	swait.ge [sflag:s8], $0x7000  }
0x561: {  	[sflag:s8] =	ssyncset.done $0x0  }
0x562: {  	s1 =	rddreg [dreg:$0xd];
	[sflag:s8] =	ssyncadd.s32 $0xFFFF9000  }
0x563: {  	[tilespmem:s10], [sflag:$0x4] =	stream.strided.gather [hbm4b:s1+s4], $0x7000, s6, s4, $0x38;
	[tilespmem:$0x1C000] =	vst v63  }
0x564: {  	_ =	swait.ge [sflag:s22], $0x7000  }
0x565: {  	[sflag:s22] =	ssyncset.done $0x0  }
0x566: {  	s1 =	rddreg [dreg:$0xe];
	[sflag:s22] =	ssyncadd.s32 $0xFFFF9000  }
0x567: {  	[hbm4b:s1+s4] =	stream.strided.scatter [tilespmem:s2], [sflag:$0x5], $0x7000, s6, s4, $0x38;
	[tilespmem:$0x1C000] =	vst v63  }
0x568: {  	_ =	swait.ge [sflag:s7], $0x7000  }
0x569: {  	[sflag:s7] =	ssyncset.done $0x0  }
0x56a: {  	s1 =	rddreg [dreg:$0xf];
	[sflag:s7] =	ssyncadd.s32 $0xFFFF9000  }
0x56b: {  	[tilespmem:s2], [sflag:$0x1] =	stream.strided.gather [hbm4b:s1+s4], $0x7000, s6, s4, $0x38;
	[tilespmem:$0x1C000] =	vst v63  }
0x56c: {  	_ =	swait.ge [sflag:s23], $0x7000  }
0x56d: {  	[sflag:s23] =	ssyncset.done $0x0  }
0x56e: {  	s1 =	rddreg [dreg:$0x10];
	[sflag:s23] =	ssyncadd.s32 $0xFFFF9000  }
0x56f: {  	[hbm4b:s1+s4] =	stream.strided.scatter [tilespmem:s16], [sflag:$0x6], $0x7000, s6, s4, $0x38;
	[tilespmem:$0x1C000] =	vst v63  }
0x570: {  	_ =	swait.ge [sflag:s12], $0x7000  }
0x571: {  	[sflag:s12] =	ssyncset.done $0x0  }
0x572: {  	s1 =	rddreg [dreg:$0x11];
	[sflag:s12] =	ssyncadd.s32 $0xFFFF9000  }
0x573: {  	[tilespmem:s16], [sflag:$0x2] =	stream.strided.gather [hbm4b:s1+s4], $0x7000, s6, s4, $0x38;
	[tilespmem:$0x1C000] =	vst v63  }
0x574: {  	_ =	swait.ge [sflag:s20], $0x7000  }
0x575: {  	[sflag:s20] =	ssyncset.done $0x0  }
0x576: {  	s1 =	rddreg [dreg:$0x12];
	[sflag:s20] =	ssyncadd.s32 $0xFFFF9000  }
0x577: {  	[hbm4b:s1+s4] =	stream.strided.scatter [tilespmem:s14], [sflag:$0x7], $0x7000, s6, s4, $0x38;
	[tilespmem:$0x1C000] =	vst v63  }
0x578: {  	_ =	swait.ge [sflag:s11], $0x7000  }
0x579: {  	[sflag:s11] =	ssyncset.done $0x0  }
0x57a: {  	s1 =	rddreg [dreg:$0x13];
	[sflag:s11] =	ssyncadd.s32 $0xFFFF9000  }
0x57b: {  	[tilespmem:s14], [sflag:$0x3] =	stream.strided.gather [hbm4b:s1+s4], $0x7000, s6, s4, $0x38;
	[tilespmem:$0x1C000] =	vst v63  }
0x57c: {  	_ =	swait.ge [sflag:s19], $0x7000  }
0x57d: {  	[sflag:s19] =	ssyncset.done $0x0  }
0x57e: {  	s1 =	rddreg [dreg:$0x14];
	[sflag:s19] =	ssyncadd.s32 $0xFFFF9000  }
0x57f: {  	[hbm4b:s1+s4] =	stream.strided.scatter [tilespmem:s10], [sflag:$0x8], $0x7000, s6, s4, $0x38;
	[tilespmem:$0x1C000] =	vst v63  }
0x580: {  	_ =	swait.ge [sflag:s8], $0x7000  }
0x581: {  	[sflag:s8] =	ssyncset.done $0x0  }
0x582: {  	s1 =	rddreg [dreg:$0x15];
	[sflag:s8] =	ssyncadd.s32 $0xFFFF9000  }
0x583: {  	[tilespmem:s10], [sflag:$0x4] =	stream.strided.gather [hbm4b:s1+s4], $0x7000, s6, s4, $0x38;
	[tilespmem:$0x1C000] =	vst v63  }
0x584: {  	_ =	swait.ge [sflag:s22], $0x7000  }
0x585: {  	[sflag:s22] =	ssyncset.done $0x0  }
0x586: {  	s1 =	rddreg [dreg:$0x16];
	[sflag:s22] =	ssyncadd.s32 $0xFFFF9000  }
0x587: {  	[hbm4b:s1+s4] =	stream.strided.scatter [tilespmem:s2], [sflag:$0x5], $0x7000, s6, s4, $0x38;
	[tilespmem:$0x1C000] =	vst v63  }
0x588: {  	_ =	swait.ge [sflag:s7], $0x7000  }
0x589: {  	[sflag:s7] =	ssyncset.done $0x0  }
0x58a: {  	s1 =	rddreg [dreg:$0x17];
	[sflag:s7] =	ssyncadd.s32 $0xFFFF9000  }
0x58b: {  	[tilespmem:s2], [sflag:$0x1] =	stream.strided.gather [hbm4b:s1+s4], $0x7000, s6, s4, $0x38;
	[tilespmem:$0x1C000] =	vst v63  }
0x58c: {  	_ =	swait.ge [sflag:s23], $0x7000  }
0x58d: {  	[sflag:s23] =	ssyncset.done $0x0  }
0x58e: {  	s1 =	rddreg [dreg:$0x18];
	[sflag:s23] =	ssyncadd.s32 $0xFFFF9000  }
0x58f: {  	[hbm4b:s1+s4] =	stream.strided.scatter [tilespmem:s16], [sflag:$0x6], $0x7000, s6, s4, $0x38;
	[tilespmem:$0x1C000] =	vst v63  }
0x590: {  	_ =	swait.ge [sflag:s12], $0x7000  }
0x591: {  	[sflag:s12] =	ssyncset.done $0x0  }
0x592: {  	s1 =	rddreg [dreg:$0x19];
	[sflag:s12] =	ssyncadd.s32 $0xFFFF9000  }
0x593: {  	[tilespmem:s16], [sflag:$0x2] =	stream.strided.gather [hbm4b:s1+s4], $0x7000, s6, s4, $0x38;
	[tilespmem:$0x1C000] =	vst v63  }
0x594: {  	_ =	swait.ge [sflag:s20], $0x7000  }
0x595: {  	[sflag:s20] =	ssyncset.done $0x0  }
0x596: {  	s1 =	rddreg [dreg:$0x1a];
	[sflag:s20] =	ssyncadd.s32 $0xFFFF9000  }
0x597: {  	[hbm4b:s1+s4] =	stream.strided.scatter [tilespmem:s14], [sflag:$0x7], $0x7000, s6, s4, $0x38;
	[tilespmem:$0x1C000] =	vst v63  }
0x598: {  	_ =	swait.ge [sflag:s11], $0x7000  }
0x599: {  	[sflag:s11] =	ssyncset.done $0x0  }
0x59a: {  	s1 =	rddreg [dreg:$0x1b];
	[sflag:s11] =	ssyncadd.s32 $0xFFFF9000  }
0x59b: {  	[tilespmem:s14], [sflag:$0x3] =	stream.strided.gather [hbm4b:s1+s4], $0x7000, s6, s4, $0x38;
	[tilespmem:$0x1C000] =	vst v63  }
0x59c: {  	_ =	swait.ge [sflag:s19], $0x7000  }
0x59d: {  	[sflag:s19] =	ssyncset.done $0x0  }
0x59e: {  	s1 =	rddreg [dreg:$0x1c];
	[sflag:s19] =	ssyncadd.s32 $0xFFFF9000  }
0x59f: {  	[hbm4b:s1+s4] =	stream.strided.scatter [tilespmem:s10], [sflag:$0x8], $0x7000, s6, s4, $0x38;
	[tilespmem:$0x1C000] =	vst v63  }
0x5a0: {  	_ =	swait.ge [sflag:s8], $0x7000  }
0x5a1: {  	[sflag:s8] =	ssyncset.done $0x0  }
0x5a2: {  	s1 =	rddreg [dreg:$0x1d];
	[sflag:s8] =	ssyncadd.s32 $0xFFFF9000  }
0x5a3: {  	[tilespmem:s10], [sflag:$0x4] =	stream.strided.gather [hbm4b:s1+s4], $0x7000, s6, s4, $0x38;
	[tilespmem:$0x1C000] =	vst v63  }
0x5a4: {  	_ =	swait.ge [sflag:s22], $0x7000  }
0x5a5: {  	[sflag:s22] =	ssyncset.done $0x0  }
0x5a6: {  	s1 =	rddreg [dreg:$0x1e];
	[sflag:s22] =	ssyncadd.s32 $0xFFFF9000  }
0x5a7: {  	[hbm4b:s1+s4] =	stream.strided.scatter [tilespmem:s2], [sflag:$0x5], $0x7000, s6, s4, $0x38;
	[tilespmem:$0x1C000] =	vst v63  }
0x5a8: {  	_ =	swait.ge [sflag:s7], $0x7000  }
0x5a9: {  	[sflag:s7] =	ssyncset.done $0x0  }
0x5aa: {  	s1 =	rddreg [dreg:$0x1f];
	[sflag:s7] =	ssyncadd.s32 $0xFFFF9000  }
0x5ab: {  	[tilespmem:s2], [sflag:$0x1] =	stream.strided.gather [hbm4b:s1+s4], $0x7000, s6, s4, $0x38;
	[tilespmem:$0x1C000] =	vst v63  }
0x5ac: {  	_ =	swait.ge [sflag:s23], $0x7000  }
0x5ad: {  	s1 =	sld [smem:$0x7AB]  }
0x5ae: {  	[sflag:s23] =	ssyncset.done $0x0  }
0x5af: {  	[sflag:s23] =	ssyncadd.s32 $0xFFFF9000  }
0x5b0: {  	[hbm4b:s1+s4] =	stream.strided.scatter [tilespmem:s16], [sflag:$0x6], $0x7000, s6, s4, $0x38;
	[tilespmem:$0x1C000] =	vst v63  }
0x5b1: {  	_ =	swait.ge [sflag:s12], $0x7000  }
0x5b2: {  	s1 =	sld [smem:$0x7AC]  }
0x5b3: {  	[sflag:s12] =	ssyncset.done $0x0  }
0x5b4: {  	[sflag:s12] =	ssyncadd.s32 $0xFFFF9000  }
0x5b5: {  	[tilespmem:s16], [sflag:$0x2] =	stream.strided.gather [hbm4b:s1+s4], $0x7000, s6, s4, $0x38;
	[tilespmem:$0x1C000] =	vst v63  }
0x5b6: {  	_ =	swait.ge [sflag:s20], $0x7000  }
0x5b7: {  	s1 =	sld [smem:$0x7AD]  }
0x5b8: {  	[sflag:s20] =	ssyncset.done $0x0  }
0x5b9: {  	[sflag:s20] =	ssyncadd.s32 $0xFFFF9000  }
0x5ba: {  	[hbm4b:s1+s4] =	stream.strided.scatter [tilespmem:s14], [sflag:$0x7], $0x7000, s6, s4, $0x38;
	[tilespmem:$0x1C000] =	vst v63  }
0x5bb: {  	_ =	swait.ge [sflag:s11], $0x7000  }
0x5bc: {  	s1 =	sld [smem:$0x7AE]  }
0x5bd: {  	[sflag:s11] =	ssyncset.done $0x0  }
0x5be: {  	[sflag:s11] =	ssyncadd.s32 $0xFFFF9000  }
0x5bf: {  	[tilespmem:s14], [sflag:$0x3] =	stream.strided.gather [hbm4b:s1+s4], $0x7000, s6, s4, $0x38;
	[tilespmem:$0x1C000] =	vst v63  }
0x5c0: {  	_ =	swait.ge [sflag:s19], $0x7000  }
0x5c1: {  	s1 =	sld [smem:$0x7AF]  }
0x5c2: {  	[sflag:s19] =	ssyncset.done $0x0  }
0x5c3: {  	[sflag:s19] =	ssyncadd.s32 $0xFFFF9000  }
0x5c4: {  	[hbm4b:s1+s4] =	stream.strided.scatter [tilespmem:s10], [sflag:$0x8], $0x7000, s6, s4, $0x38;
	[tilespmem:$0x1C000] =	vst v63  }
0x5c5: {  	_ =	swait.ge [sflag:s8], $0x7000  }
0x5c6: {  	s1 =	sld [smem:$0x7B0]  }
0x5c7: {  	[sflag:s8] =	ssyncset.done $0x0  }
0x5c8: {  	[sflag:s8] =	ssyncadd.s32 $0xFFFF9000  }
0x5c9: {  	[tilespmem:s10], [sflag:$0x4] =	stream.strided.gather [hbm4b:s1+s4], $0x7000, s6, s4, $0x38;
	[tilespmem:$0x1C000] =	vst v63  }
0x5ca: {  	_ =	swait.ge [sflag:s22], $0x7000  }
0x5cb: {  	s1 =	sld [smem:$0x7B1]  }
0x5cc: {  	[sflag:s22] =	ssyncset.done $0x0  }
0x5cd: {  	[sflag:s22] =	ssyncadd.s32 $0xFFFF9000  }
0x5ce: {  	[hbm4b:s1+s4] =	stream.strided.scatter [tilespmem:s2], [sflag:$0x5], $0x7000, s6, s4, $0x38;
	[tilespmem:$0x1C000] =	vst v63  }
0x5cf: {  	_ =	swait.ge [sflag:s7], $0x7000  }
0x5d0: {  	s1 =	sld [smem:$0x7B2]  }
0x5d1: {  	[sflag:s7] =	ssyncset.done $0x0  }
0x5d2: {  	[sflag:s7] =	ssyncadd.s32 $0xFFFF9000  }
0x5d3: {  	[tilespmem:s2], [sflag:$0x1] =	stream.strided.gather [hbm4b:s1+s4], $0x7000, s6, s4, $0x38;
	[tilespmem:$0x1C000] =	vst v63  }
0x5d4: {  	_ =	swait.ge [sflag:s23], $0x7000  }
0x5d5: {  	s1 =	sld [smem:$0x7B3]  }
0x5d6: {  	[sflag:s23] =	ssyncset.done $0x0  }
0x5d7: {  	[sflag:s23] =	ssyncadd.s32 $0xFFFF9000  }
0x5d8: {  	[hbm4b:s1+s4] =	stream.strided.scatter [tilespmem:s16], [sflag:$0x6], $0x7000, s6, s4, $0x38;
	[tilespmem:$0x1C000] =	vst v63  }
0x5d9: {  	_ =	swait.ge [sflag:s12], $0x7000  }
0x5da: {  	s1 =	sld [smem:$0x7B4]  }
0x5db: {  	[sflag:s12] =	ssyncset.done $0x0  }
0x5dc: {  	[sflag:s12] =	ssyncadd.s32 $0xFFFF9000  }
0x5dd: {  	[tilespmem:s16], [sflag:$0x2] =	stream.strided.gather [hbm4b:s1+s4], $0x7000, s6, s4, $0x38;
	[tilespmem:$0x1C000] =	vst v63  }
0x5de: {  	_ =	swait.ge [sflag:s20], $0x7000  }
0x5df: {  	s1 =	sld [smem:$0x7B5]  }
0x5e0: {  	[sflag:s20] =	ssyncset.done $0x0  }
0x5e1: {  	[sflag:s20] =	ssyncadd.s32 $0xFFFF9000  }
0x5e2: {  	[hbm4b:s1+s4] =	stream.strided.scatter [tilespmem:s14], [sflag:$0x7], $0x7000, s6, s4, $0x38;
	[tilespmem:$0x1C000] =	vst v63  }
0x5e3: {  	_ =	swait.ge [sflag:s11], $0x7000  }
0x5e4: {  	s1 =	sld [smem:$0x7B6]  }
0x5e5: {  	[sflag:s11] =	ssyncset.done $0x0  }
0x5e6: {  	[sflag:s11] =	ssyncadd.s32 $0xFFFF9000  }
0x5e7: {  	[tilespmem:s14], [sflag:$0x3] =	stream.strided.gather [hbm4b:s1+s4], $0x7000, s6, s4, $0x38;
	[tilespmem:$0x1C000] =	vst v63  }
0x5e8: {  	_ =	swait.ge [sflag:s19], $0x7000  }
0x5e9: {  	s1 =	sld [smem:$0x7B7]  }
0x5ea: {  	[sflag:s19] =	ssyncset.done $0x0  }
0x5eb: {  	[sflag:s19] =	ssyncadd.s32 $0xFFFF9000  }
0x5ec: {  	[hbm4b:s1+s4] =	stream.strided.scatter [tilespmem:s10], [sflag:$0x8], $0x7000, s6, s4, $0x38;
	[tilespmem:$0x1C000] =	vst v63  }
0x5ed: {  	_ =	swait.ge [sflag:s8], $0x7000  }
0x5ee: {  	s1 =	sld [smem:$0x7B8]  }
0x5ef: {  	[sflag:s8] =	ssyncset.done $0x0  }
0x5f0: {  	[sflag:s8] =	ssyncadd.s32 $0xFFFF9000  }
0x5f1: {  	[tilespmem:s10], [sflag:$0x4] =	stream.strided.gather [hbm4b:s1+s4], $0x7000, s6, s4, $0x38;
	[tilespmem:$0x1C000] =	vst v63  }
0x5f2: {  	_ =	swait.ge [sflag:s22], $0x7000  }
0x5f3: {  	s1 =	sld [smem:$0x7B9]  }
0x5f4: {  	[sflag:s22] =	ssyncset.done $0x0  }
0x5f5: {  	[sflag:s22] =	ssyncadd.s32 $0xFFFF9000  }
0x5f6: {  	[hbm4b:s1+s4] =	stream.strided.scatter [tilespmem:s2], [sflag:$0x5], $0x7000, s6, s4, $0x38;
	[tilespmem:$0x1C000] =	vst v63  }
0x5f7: {  	_ =	swait.ge [sflag:s7], $0x7000  }
0x5f8: {  	s1 =	sld [smem:$0x7BA]  }
0x5f9: {  	[sflag:s7] =	ssyncset.done $0x0  }
0x5fa: {  	[sflag:s7] =	ssyncadd.s32 $0xFFFF9000  }
0x5fb: {  	[tilespmem:s2], [sflag:$0x1] =	stream.strided.gather [hbm4b:s1+s4], $0x7000, s6, s4, $0x38;
	[tilespmem:$0x1C000] =	vst v63  }
0x5fc: {  	_ =	swait.ge [sflag:s23], $0x7000  }
0x5fd: {  	s1 =	sld [smem:$0x7BB]  }
0x5fe: {  	[sflag:s23] =	ssyncset.done $0x0  }
0x5ff: {  	[sflag:s23] =	ssyncadd.s32 $0xFFFF9000  }
0x600: {  	[hbm4b:s1+s4] =	stream.strided.scatter [tilespmem:s16], [sflag:$0x6], $0x7000, s6, s4, $0x38;
	[tilespmem:$0x1C000] =	vst v63  }
0x601: {  	_ =	swait.ge [sflag:s12], $0x7000  }
0x602: {  	s1 =	sld [smem:$0x7BC]  }
0x603: {  	[sflag:s12] =	ssyncset.done $0x0  }
0x604: {  	[sflag:s12] =	ssyncadd.s32 $0xFFFF9000  }
0x605: {  	[tilespmem:s16], [sflag:$0x2] =	stream.strided.gather [hbm4b:s1+s4], $0x7000, s6, s4, $0x38;
	[tilespmem:$0x1C000] =	vst v63  }
0x606: {  	_ =	swait.ge [sflag:s20], $0x7000  }
0x607: {  	s1 =	sld [smem:$0x7BD]  }
0x608: {  	[sflag:s20] =	ssyncset.done $0x0  }
0x609: {  	[sflag:s20] =	ssyncadd.s32 $0xFFFF9000  }
0x60a: {  	[hbm4b:s1+s4] =	stream.strided.scatter [tilespmem:s14], [sflag:$0x7], $0x7000, s6, s4, $0x38;
	[tilespmem:$0x1C000] =	vst v63  }
0x60b: {  	_ =	swait.ge [sflag:s11], $0x7000  }
0x60c: {  	s1 =	sld [smem:$0x7BE]  }
0x60d: {  	[sflag:s11] =	ssyncset.done $0x0  }
0x60e: {  	[sflag:s11] =	ssyncadd.s32 $0xFFFF9000  }
0x60f: {  	[tilespmem:s14], [sflag:$0x3] =	stream.strided.gather [hbm4b:s1+s4], $0x7000, s6, s4, $0x38;
	[tilespmem:$0x1C000] =	vst v63  }
0x610: {  	_ =	swait.ge [sflag:s19], $0x7000  }
0x611: {  	s1 =	sld [smem:$0x7BF]  }
0x612: {  	[sflag:s19] =	ssyncset.done $0x0  }
0x613: {  	[sflag:s19] =	ssyncadd.s32 $0xFFFF9000  }
0x614: {  	[hbm4b:s1+s4] =	stream.strided.scatter [tilespmem:s10], [sflag:$0x8], $0x7000, s6, s4, $0x38;
	[tilespmem:$0x1C000] =	vst v63  }
0x615: {  	_ =	swait.ge [sflag:s8], $0x7000  }
0x616: {  	s1 =	sld [smem:$0x7C0]  }
0x617: {  	[sflag:s8] =	ssyncset.done $0x0  }
0x618: {  	[sflag:s8] =	ssyncadd.s32 $0xFFFF9000  }
0x619: {  	[tilespmem:s10], [sflag:$0x4] =	stream.strided.gather [hbm4b:s1+s4], $0x7000, s6, s4, $0x38;
	[tilespmem:$0x1C000] =	vst v63  }
0x61a: {  	_ =	swait.ge [sflag:s22], $0x7000  }
0x61b: {  	s1 =	sld [smem:$0x7C1]  }
0x61c: {  	[sflag:s22] =	ssyncset.done $0x0  }
0x61d: {  	[sflag:s22] =	ssyncadd.s32 $0xFFFF9000  }
0x61e: {  	[hbm4b:s1+s4] =	stream.strided.scatter [tilespmem:s2], [sflag:$0x5], $0x7000, s6, s4, $0x38;
	[tilespmem:$0x1C000] =	vst v63  }
0x61f: {  	_ =	swait.ge [sflag:s7], $0x7000  }
0x620: {  	s1 =	sld [smem:$0x7C2]  }
0x621: {  	[sflag:s7] =	ssyncset.done $0x0  }
0x622: {  	[sflag:s7] =	ssyncadd.s32 $0xFFFF9000  }
0x623: {  	[tilespmem:s2], [sflag:$0x1] =	stream.strided.gather [hbm4b:s1+s4], $0x7000, s6, s4, $0x38;
	[tilespmem:$0x1C000] =	vst v63  }
0x624: {  	_ =	swait.ge [sflag:s23], $0x7000  }
0x625: {  	s1 =	sld [smem:$0x7C3]  }
0x626: {  	[sflag:s23] =	ssyncset.done $0x0  }
0x627: {  	[sflag:s23] =	ssyncadd.s32 $0xFFFF9000  }
0x628: {  	[hbm4b:s1+s4] =	stream.strided.scatter [tilespmem:s16], [sflag:$0x6], $0x7000, s6, s4, $0x38;
	[tilespmem:$0x1C000] =	vst v63  }
0x629: {  	_ =	swait.ge [sflag:s12], $0x7000  }
0x62a: {  	s1 =	sld [smem:$0x7C4]  }
0x62b: {  	[sflag:s12] =	ssyncset.done $0x0  }
0x62c: {  	[sflag:s12] =	ssyncadd.s32 $0xFFFF9000  }
0x62d: {  	[tilespmem:s16], [sflag:$0x2] =	stream.strided.gather [hbm4b:s1+s4], $0x7000, s6, s4, $0x38;
	[tilespmem:$0x1C000] =	vst v63  }
0x62e: {  	_ =	swait.ge [sflag:s20], $0x7000  }
0x62f: {  	s1 =	sld [smem:$0x7C5]  }
0x630: {  	[sflag:s20] =	ssyncset.done $0x0  }
0x631: {  	[sflag:s20] =	ssyncadd.s32 $0xFFFF9000  }
0x632: {  	[hbm4b:s1+s4] =	stream.strided.scatter [tilespmem:s14], [sflag:$0x7], $0x7000, s6, s4, $0x38;
	[tilespmem:$0x1C000] =	vst v63  }
0x633: {  	_ =	swait.ge [sflag:s11], $0x7000  }
0x634: {  	s1 =	sld [smem:$0x7C6]  }
0x635: {  	[sflag:s11] =	ssyncset.done $0x0  }
0x636: {  	[sflag:s11] =	ssyncadd.s32 $0xFFFF9000  }
0x637: {  	[tilespmem:s14], [sflag:$0x3] =	stream.strided.gather [hbm4b:s1+s4], $0x7000, s6, s4, $0x38;
	[tilespmem:$0x1C000] =	vst v63  }
0x638: {  	_ =	swait.ge [sflag:s19], $0x7000  }
0x639: {  	s1 =	sld [smem:$0x7C7]  }
0x63a: {  	[sflag:s19] =	ssyncset.done $0x0  }
0x63b: {  	[sflag:s19] =	ssyncadd.s32 $0xFFFF9000  }
0x63c: {  	[hbm4b:s1+s4] =	stream.strided.scatter [tilespmem:s10], [sflag:$0x8], $0x7000, s6, s4, $0x38;
	[tilespmem:$0x1C000] =	vst v63  }
0x63d: {  	_ =	swait.ge [sflag:s8], $0x7000  }
0x63e: {  	s1 =	sld [smem:$0x7C8]  }
0x63f: {  	[sflag:s8] =	ssyncset.done $0x0  }
0x640: {  	[sflag:s8] =	ssyncadd.s32 $0xFFFF9000  }
0x641: {  	[tilespmem:s10], [sflag:$0x4] =	stream.strided.gather [hbm4b:s1+s4], $0x7000, s6, s4, $0x38;
	[tilespmem:$0x1C000] =	vst v63  }
0x642: {  	_ =	swait.ge [sflag:s22], $0x7000  }
0x643: {  	s1 =	sld [smem:$0x7C9]  }
0x644: {  	[sflag:s22] =	ssyncset.done $0x0  }
0x645: {  	[sflag:s22] =	ssyncadd.s32 $0xFFFF9000  }
0x646: {  	[hbm4b:s1+s4] =	stream.strided.scatter [tilespmem:s2], [sflag:$0x5], $0x7000, s6, s4, $0x38;
	[tilespmem:$0x1C000] =	vst v63  }
0x647: {  	_ =	swait.ge [sflag:s7], $0x7000  }
0x648: {  	s1 =	sld [smem:$0x7CA]  }
0x649: {  	[sflag:s7] =	ssyncset.done $0x0  }
0x64a: {  	[sflag:s7] =	ssyncadd.s32 $0xFFFF9000  }
0x64b: {  	[tilespmem:s2], [sflag:$0x1] =	stream.strided.gather [hbm4b:s1+s4], $0x7000, s6, s4, $0x38;
	[tilespmem:$0x1C000] =	vst v63  }
0x64c: {  	_ =	swait.ge [sflag:s23], $0x7000  }
0x64d: {  	s1 =	sld [smem:$0x7CB]  }
0x64e: {  	[sflag:s23] =	ssyncset.done $0x0  }
0x64f: {  	[sflag:s23] =	ssyncadd.s32 $0xFFFF9000  }
0x650: {  	[hbm4b:s1+s4] =	stream.strided.scatter [tilespmem:s16], [sflag:$0x6], $0x7000, s6, s4, $0x38;
	[tilespmem:$0x1C000] =	vst v63  }
0x651: {  	_ =	swait.ge [sflag:s12], $0x7000  }
0x652: {  	s1 =	sld [smem:$0x7CC]  }
0x653: {  	[sflag:s12] =	ssyncset.done $0x0  }
0x654: {  	[sflag:s12] =	ssyncadd.s32 $0xFFFF9000  }
0x655: {  	[tilespmem:s16], [sflag:$0x2] =	stream.strided.gather [hbm4b:s1+s4], $0x7000, s6, s4, $0x38;
	[tilespmem:$0x1C000] =	vst v63  }
0x656: {  	_ =	swait.ge [sflag:s20], $0x7000  }
0x657: {  	s1 =	sld [smem:$0x7CD]  }
0x658: {  	[sflag:s20] =	ssyncset.done $0x0  }
0x659: {  	[sflag:s20] =	ssyncadd.s32 $0xFFFF9000  }
0x65a: {  	[hbm4b:s1+s4] =	stream.strided.scatter [tilespmem:s14], [sflag:$0x7], $0x7000, s6, s4, $0x38;
	[tilespmem:$0x1C000] =	vst v63  }
0x65b: {  	_ =	swait.ge [sflag:s11], $0x7000  }
0x65c: {  	s1 =	sld [smem:$0x7CE]  }
0x65d: {  	[sflag:s11] =	ssyncset.done $0x0  }
0x65e: {  	[sflag:s11] =	ssyncadd.s32 $0xFFFF9000  }
0x65f: {  	[tilespmem:s14], [sflag:$0x3] =	stream.strided.gather [hbm4b:s1+s4], $0x7000, s6, s4, $0x38;
	[tilespmem:$0x1C000] =	vst v63  }
0x660: {  	_ =	swait.ge [sflag:s19], $0x7000  }
0x661: {  	s1 =	sld [smem:$0x7CF]  }
0x662: {  	[sflag:s19] =	ssyncset.done $0x0  }
0x663: {  	[sflag:s19] =	ssyncadd.s32 $0xFFFF9000  }
0x664: {  	[hbm4b:s1+s4] =	stream.strided.scatter [tilespmem:s10], [sflag:$0x8], $0x7000, s6, s4, $0x38;
	[tilespmem:$0x1C000] =	vst v63  }
0x665: {  	_ =	swait.ge [sflag:s8], $0x7000  }
0x666: {  	s1 =	sld [smem:$0x7D0]  }
0x667: {  	[sflag:s8] =	ssyncset.done $0x0  }
0x668: {  	[sflag:s8] =	ssyncadd.s32 $0xFFFF9000  }
0x669: {  	[tilespmem:s10], [sflag:$0x4] =	stream.strided.gather [hbm4b:s1+s4], $0x7000, s6, s4, $0x38;
	[tilespmem:$0x1C000] =	vst v63  }
0x66a: {  	_ =	swait.ge [sflag:s22], $0x7000  }
0x66b: {  	s1 =	sld [smem:$0x7D1]  }
0x66c: {  	[sflag:s22] =	ssyncset.done $0x0  }
0x66d: {  	[sflag:s22] =	ssyncadd.s32 $0xFFFF9000  }
0x66e: {  	[hbm4b:s1+s4] =	stream.strided.scatter [tilespmem:s2], [sflag:$0x5], $0x7000, s6, s4, $0x38;
	[tilespmem:$0x1C000] =	vst v63  }
0x66f: {  	_ =	swait.ge [sflag:s7], $0x7000  }
0x670: {  	s1 =	sld [smem:$0x7D2]  }
0x671: {  	[sflag:s7] =	ssyncset.done $0x0  }
0x672: {  	[sflag:s7] =	ssyncadd.s32 $0xFFFF9000  }
0x673: {  	[tilespmem:s2], [sflag:$0x1] =	stream.strided.gather [hbm4b:s1+s4], $0x7000, s6, s4, $0x38;
	[tilespmem:$0x1C000] =	vst v63  }
0x674: {  	_ =	swait.ge [sflag:s23], $0x7000  }
0x675: {  	s1 =	sld [smem:$0x7D3]  }
0x676: {  	[sflag:s23] =	ssyncset.done $0x0  }
0x677: {  	[sflag:s23] =	ssyncadd.s32 $0xFFFF9000  }
0x678: {  	[hbm4b:s1+s4] =	stream.strided.scatter [tilespmem:s16], [sflag:$0x6], $0x7000, s6, s4, $0x38;
	[tilespmem:$0x1C000] =	vst v63  }
0x679: {  	_ =	swait.ge [sflag:s12], $0x7000  }
0x67a: {  	s1 =	sld [smem:$0x7D4]  }
0x67b: {  	[sflag:s12] =	ssyncset.done $0x0  }
0x67c: {  	[sflag:s12] =	ssyncadd.s32 $0xFFFF9000  }
0x67d: {  	[tilespmem:s16], [sflag:$0x2] =	stream.strided.gather [hbm4b:s1+s4], $0x7000, s6, s4, $0x38;
	[tilespmem:$0x1C000] =	vst v63  }
0x67e: {  	_ =	swait.ge [sflag:s20], $0x7000  }
0x67f: {  	s1 =	sld [smem:$0x7D5]  }
0x680: {  	[sflag:s20] =	ssyncset.done $0x0  }
0x681: {  	[sflag:s20] =	ssyncadd.s32 $0xFFFF9000  }
0x682: {  	[hbm4b:s1+s4] =	stream.strided.scatter [tilespmem:s14], [sflag:$0x7], $0x7000, s6, s4, $0x38;
	[tilespmem:$0x1C000] =	vst v63  }
0x683: {  	_ =	swait.ge [sflag:s11], $0x7000  }
0x684: {  	s1 =	sld [smem:$0x7D6]  }
0x685: {  	[sflag:s11] =	ssyncset.done $0x0  }
0x686: {  	[sflag:s11] =	ssyncadd.s32 $0xFFFF9000  }
0x687: {  	[tilespmem:s14], [sflag:$0x3] =	stream.strided.gather [hbm4b:s1+s4], $0x7000, s6, s4, $0x38;
	[tilespmem:$0x1C000] =	vst v63  }
0x688: {  	_ =	swait.ge [sflag:s19], $0x7000  }
0x689: {  	s1 =	sld [smem:$0x7D7]  }
0x68a: {  	[sflag:s19] =	ssyncset.done $0x0  }
0x68b: {  	[sflag:s19] =	ssyncadd.s32 $0xFFFF9000  }
0x68c: {  	[hbm4b:s1+s4] =	stream.strided.scatter [tilespmem:s10], [sflag:$0x8], $0x7000, s6, s4, $0x38;
	[tilespmem:$0x1C000] =	vst v63  }
0x68d: {  	_ =	swait.ge [sflag:s8], $0x7000  }
0x68e: {  	s1 =	sld [smem:$0x7D8]  }
0x68f: {  	[sflag:s8] =	ssyncset.done $0x0  }
0x690: {  	[sflag:s8] =	ssyncadd.s32 $0xFFFF9000  }
0x691: {  	[tilespmem:s10], [sflag:$0x4] =	stream.strided.gather [hbm4b:s1+s4], $0x7000, s6, s4, $0x38;
	[tilespmem:$0x1C000] =	vst v63  }
0x692: {  	_ =	swait.ge [sflag:s22], $0x7000  }
0x693: {  	s1 =	sld [smem:$0x7D9]  }
0x694: {  	[sflag:s22] =	ssyncset.done $0x0  }
0x695: {  	[sflag:s22] =	ssyncadd.s32 $0xFFFF9000  }
0x696: {  	[hbm4b:s1+s4] =	stream.strided.scatter [tilespmem:s2], [sflag:$0x5], $0x7000, s6, s4, $0x38;
	[tilespmem:$0x1C000] =	vst v63  }
0x697: {  	_ =	swait.ge [sflag:s7], $0x7000  }
0x698: {  	s1 =	sld [smem:$0x7DA]  }
0x699: {  	[sflag:s7] =	ssyncset.done $0x0  }
0x69a: {  	[sflag:s7] =	ssyncadd.s32 $0xFFFF9000  }
0x69b: {  	[tilespmem:s2], [sflag:$0x1] =	stream.strided.gather [hbm4b:s1+s4], $0x7000, s6, s4, $0x38;
	[tilespmem:$0x1C000] =	vst v63  }
0x69c: {  	_ =	swait.ge [sflag:s23], $0x7000  }
0x69d: {  	s1 =	sld [smem:$0x7DB]  }
0x69e: {  	[sflag:s23] =	ssyncset.done $0x0  }
0x69f: {  	[sflag:s23] =	ssyncadd.s32 $0xFFFF9000  }
0x6a0: {  	[hbm4b:s1+s4] =	stream.strided.scatter [tilespmem:s16], [sflag:$0x6], $0x7000, s6, s4, $0x38;
	[tilespmem:$0x1C000] =	vst v63  }
0x6a1: {  	_ =	swait.ge [sflag:s12], $0x7000  }
0x6a2: {  	s1 =	sld [smem:$0x7DC]  }
0x6a3: {  	[sflag:s12] =	ssyncset.done $0x0  }
0x6a4: {  	[sflag:s12] =	ssyncadd.s32 $0xFFFF9000  }
0x6a5: {  	[tilespmem:s16], [sflag:$0x2] =	stream.strided.gather [hbm4b:s1+s4], $0x7000, s6, s4, $0x38;
	[tilespmem:$0x1C000] =	vst v63  }
0x6a6: {  	_ =	swait.ge [sflag:s20], $0x7000  }
0x6a7: {  	s1 =	sld [smem:$0x7DD]  }
0x6a8: {  	[sflag:s20] =	ssyncset.done $0x0  }
0x6a9: {  	[sflag:s20] =	ssyncadd.s32 $0xFFFF9000  }
0x6aa: {  	[hbm4b:s1+s4] =	stream.strided.scatter [tilespmem:s14], [sflag:$0x7], $0x7000, s6, s4, $0x38;
	[tilespmem:$0x1C000] =	vst v63  }
0x6ab: {  	_ =	swait.ge [sflag:s11], $0x7000  }
0x6ac: {  	s1 =	sld [smem:$0x7DE]  }
0x6ad: {  	[sflag:s11] =	ssyncset.done $0x0  }
0x6ae: {  	[sflag:s11] =	ssyncadd.s32 $0xFFFF9000  }
0x6af: {  	[tilespmem:s14], [sflag:$0x3] =	stream.strided.gather [hbm4b:s1+s4], $0x7000, s6, s4, $0x38;
	[tilespmem:$0x1C000] =	vst v63  }
0x6b0: {  	_ =	swait.ge [sflag:s19], $0x7000  }
0x6b1: {  	s1 =	sld [smem:$0x7DF]  }
0x6b2: {  	[sflag:s19] =	ssyncset.done $0x0  }
0x6b3: {  	[sflag:s19] =	ssyncadd.s32 $0xFFFF9000  }
0x6b4: {  	[hbm4b:s1+s4] =	stream.strided.scatter [tilespmem:s10], [sflag:$0x8], $0x7000, s6, s4, $0x38;
	[tilespmem:$0x1C000] =	vst v63  }
0x6b5: {  	_ =	swait.ge [sflag:s8], $0x7000  }
0x6b6: {  	s1 =	sld [smem:$0x7E0]  }
0x6b7: {  	[sflag:s8] =	ssyncset.done $0x0  }
0x6b8: {  	[sflag:s8] =	ssyncadd.s32 $0xFFFF9000  }
0x6b9: {  	[tilespmem:s10], [sflag:$0x4] =	stream.strided.gather [hbm4b:s1+s4], $0x7000, s6, s4, $0x38;
	[tilespmem:$0x1C000] =	vst v63  }
0x6ba: {  	_ =	swait.ge [sflag:s22], $0x7000  }
0x6bb: {  	s1 =	sld [smem:$0x7E1]  }
0x6bc: {  	[sflag:s22] =	ssyncset.done $0x0  }
0x6bd: {  	[sflag:s22] =	ssyncadd.s32 $0xFFFF9000  }
0x6be: {  	[hbm4b:s1+s4] =	stream.strided.scatter [tilespmem:s2], [sflag:$0x5], $0x7000, s6, s4, $0x38;
	[tilespmem:$0x1C000] =	vst v63  }
0x6bf: {  	_ =	swait.ge [sflag:s7], $0x7000  }
0x6c0: {  	s1 =	sld [smem:$0x7E2]  }
0x6c1: {  	[sflag:s7] =	ssyncset.done $0x0  }
0x6c2: {  	[sflag:s7] =	ssyncadd.s32 $0xFFFF9000  }
0x6c3: {  	[tilespmem:s2], [sflag:$0x1] =	stream.strided.gather [hbm4b:s1+s4], $0x7000, s6, s4, $0x38;
	[tilespmem:$0x1C000] =	vst v63  }
0x6c4: {  	_ =	swait.ge [sflag:s23], $0x7000  }
0x6c5: {  	s1 =	sld [smem:$0x7E3]  }
0x6c6: {  	[sflag:s23] =	ssyncset.done $0x0  }
0x6c7: {  	[sflag:s23] =	ssyncadd.s32 $0xFFFF9000  }
0x6c8: {  	[hbm4b:s1+s4] =	stream.strided.scatter [tilespmem:s16], [sflag:$0x6], $0x7000, s6, s4, $0x38;
	[tilespmem:$0x1C000] =	vst v63  }
0x6c9: {  	_ =	swait.ge [sflag:s12], $0x7000  }
0x6ca: {  	s1 =	sld [smem:$0x7E4]  }
0x6cb: {  	[sflag:s12] =	ssyncset.done $0x0  }
0x6cc: {  	[sflag:s12] =	ssyncadd.s32 $0xFFFF9000  }
0x6cd: {  	[tilespmem:s16], [sflag:$0x2] =	stream.strided.gather [hbm4b:s1+s4], $0x7000, s6, s4, $0x38;
	[tilespmem:$0x1C000] =	vst v63  }
0x6ce: {  	_ =	swait.ge [sflag:s20], $0x7000  }
0x6cf: {  	s1 =	sld [smem:$0x7E5]  }
0x6d0: {  	[sflag:s20] =	ssyncset.done $0x0  }
0x6d1: {  	[sflag:s20] =	ssyncadd.s32 $0xFFFF9000  }
0x6d2: {  	[hbm4b:s1+s4] =	stream.strided.scatter [tilespmem:s14], [sflag:$0x7], $0x7000, s6, s4, $0x38;
	[tilespmem:$0x1C000] =	vst v63  }
0x6d3: {  	_ =	swait.ge [sflag:s11], $0x7000  }
0x6d4: {  	s1 =	sld [smem:$0x7E6]  }
0x6d5: {  	[sflag:s11] =	ssyncset.done $0x0  }
0x6d6: {  	[sflag:s11] =	ssyncadd.s32 $0xFFFF9000  }
0x6d7: {  	[tilespmem:s14], [sflag:$0x3] =	stream.strided.gather [hbm4b:s1+s4], $0x7000, s6, s4, $0x38;
	[tilespmem:$0x1C000] =	vst v63  }
0x6d8: {  	_ =	swait.ge [sflag:s19], $0x7000  }
0x6d9: {  	s1 =	sld [smem:$0x7E7]  }
0x6da: {  	[sflag:s19] =	ssyncset.done $0x0  }
0x6db: {  	[sflag:s19] =	ssyncadd.s32 $0xFFFF9000  }
0x6dc: {  	[hbm4b:s1+s4] =	stream.strided.scatter [tilespmem:s10], [sflag:$0x8], $0x7000, s6, s4, $0x38;
	[tilespmem:$0x1C000] =	vst v63  }
0x6dd: {  	_ =	swait.ge [sflag:s8], $0x7000  }
0x6de: {  	s1 =	sld [smem:$0x7E8]  }
0x6df: {  	[sflag:s8] =	ssyncset.done $0x0  }
0x6e0: {  	[sflag:s8] =	ssyncadd.s32 $0xFFFF9000  }
0x6e1: {  	[tilespmem:s10], [sflag:$0x4] =	stream.strided.gather [hbm4b:s1+s4], $0x7000, s6, s4, $0x38;
	[tilespmem:$0x1C000] =	vst v63  }
0x6e2: {  	_ =	swait.ge [sflag:s22], $0x7000  }
0x6e3: {  	s1 =	sld [smem:$0x7E9]  }
0x6e4: {  	[sflag:s22] =	ssyncset.done $0x0  }
0x6e5: {  	[sflag:s22] =	ssyncadd.s32 $0xFFFF9000  }
0x6e6: {  	[hbm4b:s1+s4] =	stream.strided.scatter [tilespmem:s2], [sflag:$0x5], $0x7000, s6, s4, $0x38;
	[tilespmem:$0x1C000] =	vst v63  }
0x6e7: {  	_ =	swait.ge [sflag:s7], $0x7000  }
0x6e8: {  	s1 =	sld [smem:$0x7EA]  }
0x6e9: {  	[sflag:s7] =	ssyncset.done $0x0  }
0x6ea: {  	[sflag:s7] =	ssyncadd.s32 $0xFFFF9000  }
0x6eb: {  	[tilespmem:s2], [sflag:$0x1] =	stream.strided.gather [hbm4b:s1+s4], $0x7000, s6, s4, $0x38;
	[tilespmem:$0x1C000] =	vst v63  }
0x6ec: {  	_ =	swait.ge [sflag:s23], $0x7000  }
0x6ed: {  	s1 =	sld [smem:$0x7EB]  }
0x6ee: {  	[sflag:s23] =	ssyncset.done $0x0  }
0x6ef: {  	[sflag:s23] =	ssyncadd.s32 $0xFFFF9000  }
0x6f0: {  	[hbm4b:s1+s4] =	stream.strided.scatter [tilespmem:s16], [sflag:$0x6], $0x7000, s6, s4, $0x38;
	[tilespmem:$0x1C000] =	vst v63  }
0x6f1: {  	_ =	swait.ge [sflag:s12], $0x7000  }
0x6f2: {  	s1 =	sld [smem:$0x7EC]  }
0x6f3: {  	[sflag:s12] =	ssyncset.done $0x0  }
0x6f4: {  	[sflag:s12] =	ssyncadd.s32 $0xFFFF9000  }
0x6f5: {  	[tilespmem:s16], [sflag:$0x2] =	stream.strided.gather [hbm4b:s1+s4], $0x7000, s6, s4, $0x38;
	[tilespmem:$0x1C000] =	vst v63  }
0x6f6: {  	_ =	swait.ge [sflag:s20], $0x7000  }
0x6f7: {  	s1 =	sld [smem:$0x7ED]  }
0x6f8: {  	[sflag:s20] =	ssyncset.done $0x0  }
0x6f9: {  	[sflag:s20] =	ssyncadd.s32 $0xFFFF9000  }
0x6fa: {  	[hbm4b:s1+s4] =	stream.strided.scatter [tilespmem:s14], [sflag:$0x7], $0x7000, s6, s4, $0x38;
	[tilespmem:$0x1C000] =	vst v63  }
0x6fb: {  	_ =	swait.ge [sflag:s11], $0x7000  }
0x6fc: {  	s1 =	sld [smem:$0x7EE]  }
0x6fd: {  	[sflag:s11] =	ssyncset.done $0x0  }
0x6fe: {  	[sflag:s11] =	ssyncadd.s32 $0xFFFF9000  }
0x6ff: {  	[tilespmem:s14], [sflag:$0x3] =	stream.strided.gather [hbm4b:s1+s4], $0x7000, s6, s4, $0x38;
	[tilespmem:$0x1C000] =	vst v63  }
0x700: {  	_ =	swait.ge [sflag:s19], $0x7000  }
0x701: {  	s1 =	sld [smem:$0x7EF]  }
0x702: {  	[sflag:s19] =	ssyncset.done $0x0  }
0x703: {  	[sflag:s19] =	ssyncadd.s32 $0xFFFF9000  }
0x704: {  	[hbm4b:s1+s4] =	stream.strided.scatter [tilespmem:s10], [sflag:$0x8], $0x7000, s6, s4, $0x38;
	[tilespmem:$0x1C000] =	vst v63  }
0x705: {  	_ =	swait.ge [sflag:s8], $0x7000  }
0x706: {  	s1 =	sld [smem:$0x7F0]  }
0x707: {  	[sflag:s8] =	ssyncset.done $0x0  }
0x708: {  	[sflag:s8] =	ssyncadd.s32 $0xFFFF9000  }
0x709: {  	[tilespmem:s10], [sflag:$0x4] =	stream.strided.gather [hbm4b:s1+s4], $0x7000, s6, s4, $0x38;
	[tilespmem:$0x1C000] =	vst v63  }
0x70a: {  	_ =	swait.ge [sflag:s22], $0x7000  }
0x70b: {  	s1 =	sld [smem:$0x7F1]  }
0x70c: {  	[sflag:s22] =	ssyncset.done $0x0  }
0x70d: {  	[sflag:s22] =	ssyncadd.s32 $0xFFFF9000  }
0x70e: {  	[hbm4b:s1+s4] =	stream.strided.scatter [tilespmem:s2], [sflag:$0x5], $0x7000, s6, s4, $0x38;
	[tilespmem:$0x1C000] =	vst v63  }
0x70f: {  	_ =	swait.ge [sflag:s7], $0x7000  }
0x710: {  	s1 =	sld [smem:$0x7F2]  }
0x711: {  	[sflag:s7] =	ssyncset.done $0x0  }
0x712: {  	[sflag:s7] =	ssyncadd.s32 $0xFFFF9000  }
0x713: {  	[tilespmem:s2], [sflag:$0x1] =	stream.strided.gather [hbm4b:s1+s4], $0x7000, s6, s4, $0x38;
	[tilespmem:$0x1C000] =	vst v63  }
0x714: {  	_ =	swait.ge [sflag:s23], $0x7000  }
0x715: {  	s1 =	sld [smem:$0x7F3]  }
0x716: {  	[sflag:s23] =	ssyncset.done $0x0  }
0x717: {  	[sflag:s23] =	ssyncadd.s32 $0xFFFF9000  }
0x718: {  	[hbm4b:s1+s4] =	stream.strided.scatter [tilespmem:s16], [sflag:$0x6], $0x7000, s6, s4, $0x38;
	[tilespmem:$0x1C000] =	vst v63  }
0x719: {  	_ =	swait.ge [sflag:s12], $0x7000  }
0x71a: {  	s1 =	sld [smem:$0x7F4]  }
0x71b: {  	[sflag:s12] =	ssyncset.done $0x0  }
0x71c: {  	[sflag:s12] =	ssyncadd.s32 $0xFFFF9000  }
0x71d: {  	[tilespmem:s16], [sflag:$0x2] =	stream.strided.gather [hbm4b:s1+s4], $0x7000, s6, s4, $0x38;
	[tilespmem:$0x1C000] =	vst v63  }
0x71e: {  	_ =	swait.ge [sflag:s20], $0x7000  }
0x71f: {  	s1 =	sld [smem:$0x7F5]  }
0x720: {  	[sflag:s20] =	ssyncset.done $0x0  }
0x721: {  	[sflag:s20] =	ssyncadd.s32 $0xFFFF9000  }
0x722: {  	[hbm4b:s1+s4] =	stream.strided.scatter [tilespmem:s14], [sflag:$0x7], $0x7000, s6, s4, $0x38;
	[tilespmem:$0x1C000] =	vst v63  }
0x723: {  	_ =	swait.ge [sflag:s11], $0x7000  }
0x724: {  	s1 =	sld [smem:$0x7F6]  }
0x725: {  	[sflag:s11] =	ssyncset.done $0x0  }
0x726: {  	[sflag:s11] =	ssyncadd.s32 $0xFFFF9000  }
0x727: {  	[tilespmem:s14], [sflag:$0x3] =	stream.strided.gather [hbm4b:s1+s4], $0x7000, s6, s4, $0x38;
	[tilespmem:$0x1C000] =	vst v63  }
0x728: {  	_ =	swait.ge [sflag:s19], $0x7000  }
0x729: {  	s1 =	sld [smem:$0x7F7]  }
0x72a: {  	[sflag:s19] =	ssyncset.done $0x0  }
0x72b: {  	[sflag:s19] =	ssyncadd.s32 $0xFFFF9000  }
0x72c: {  	[hbm4b:s1+s4] =	stream.strided.scatter [tilespmem:s10], [sflag:$0x8], $0x7000, s6, s4, $0x38;
	[tilespmem:$0x1C000] =	vst v63  }
0x72d: {  	_ =	swait.ge [sflag:s8], $0x7000  }
0x72e: {  	s1 =	sld [smem:$0x7F8]  }
0x72f: {  	[sflag:s8] =	ssyncset.done $0x0  }
0x730: {  	[sflag:s8] =	ssyncadd.s32 $0xFFFF9000  }
0x731: {  	[tilespmem:s10], [sflag:$0x4] =	stream.strided.gather [hbm4b:s1+s4], $0x7000, s6, s4, $0x38;
	[tilespmem:$0x1C000] =	vst v63  }
0x732: {  	_ =	swait.ge [sflag:s22], $0x7000  }
0x733: {  	s1 =	sld [smem:$0x7F9]  }
0x734: {  	[sflag:s22] =	ssyncset.done $0x0  }
0x735: {  	[sflag:s22] =	ssyncadd.s32 $0xFFFF9000  }
0x736: {  	[hbm4b:s1+s4] =	stream.strided.scatter [tilespmem:s2], [sflag:$0x5], $0x7000, s6, s4, $0x38;
	[tilespmem:$0x1C000] =	vst v63  }
0x737: {  	_ =	swait.ge [sflag:s7], $0x7000  }
0x738: {  	s1 =	sld [smem:$0x7FA]  }
0x739: {  	[sflag:s7] =	ssyncset.done $0x0  }
0x73a: {  	[sflag:s7] =	ssyncadd.s32 $0xFFFF9000  }
0x73b: {  	[tilespmem:s2], [sflag:$0x1] =	stream.strided.gather [hbm4b:s1+s4], $0x7000, s6, s4, $0x38;
	[tilespmem:$0x1C000] =	vst v63  }
0x73c: {  	_ =	swait.ge [sflag:s23], $0x7000  }
0x73d: {  	s1 =	sld [smem:$0x7FB]  }
0x73e: {  	[sflag:s23] =	ssyncset.done $0x0  }
0x73f: {  	[sflag:s23] =	ssyncadd.s32 $0xFFFF9000  }
0x740: {  	[hbm4b:s1+s4] =	stream.strided.scatter [tilespmem:s16], [sflag:$0x6], $0x7000, s6, s4, $0x38;
	[tilespmem:$0x1C000] =	vst v63  }
0x741: {  	_ =	swait.ge [sflag:s12], $0x7000  }
0x742: {  	s1 =	sld [smem:$0x7FC]  }
0x743: {  	[sflag:s12] =	ssyncset.done $0x0  }
0x744: {  	[sflag:s12] =	ssyncadd.s32 $0xFFFF9000  }
0x745: {  	[tilespmem:s16], [sflag:$0x2] =	stream.strided.gather [hbm4b:s1+s4], $0x7000, s6, s4, $0x38;
	[tilespmem:$0x1C000] =	vst v63  }
0x746: {  	_ =	swait.ge [sflag:s20], $0x7000  }
0x747: {  	s1 =	sld [smem:$0x7FD]  }
0x748: {  	[sflag:s20] =	ssyncset.done $0x0  }
0x749: {  	[sflag:s20] =	ssyncadd.s32 $0xFFFF9000  }
0x74a: {  	[hbm4b:s1+s4] =	stream.strided.scatter [tilespmem:s14], [sflag:$0x7], $0x7000, s6, s4, $0x38;
	[tilespmem:$0x1C000] =	vst v63  }
0x74b: {  	_ =	swait.ge [sflag:s11], $0x7000  }
0x74c: {  	[sflag:s11] =	ssyncset.done $0x0  }
0x74d: {  	[sflag:s11] =	ssyncadd.s32 $0xFFFF9000  }
0x74e: {  	[tilespmem:s14], [sflag:$0x3] =	stream.strided.gather [hbm4b:s31+s4], $0x7000, s6, s4, $0x38;
	[tilespmem:$0x1C000] =	vst v63  }
0x74f: {  	_ =	swait.ge [sflag:s19], $0x7000  }
0x750: {  	[sflag:s19] =	ssyncset.done $0x0  }
0x751: {  	[sflag:s19] =	ssyncadd.s32 $0xFFFF9000  }
0x752: {  	[hbm4b:s30+s4] =	stream.strided.scatter [tilespmem:s10], [sflag:$0x8], $0x7000, s6, s4, $0x38;
	[tilespmem:$0x1C000] =	vst v63  }
0x753: {  	_ =	swait.ge [sflag:s8], $0x7000  }
0x754: {  	[sflag:s8] =	ssyncset.done $0x0  }
0x755: {  	[sflag:s8] =	ssyncadd.s32 $0xFFFF9000  }
0x756: {  	[tilespmem:s10], [sflag:$0x4] =	stream.strided.gather [hbm4b:s29+s4], $0x7000, s6, s4, $0x38;
	[tilespmem:$0x1C000] =	vst v63  }
0x757: {  	_ =	swait.ge [sflag:s22], $0x7000  }
0x758: {  	[sflag:s22] =	ssyncset.done $0x0  }
0x759: {  	[sflag:s22] =	ssyncadd.s32 $0xFFFF9000  }
0x75a: {  	[hbm4b:s28+s4] =	stream.strided.scatter [tilespmem:s2], [sflag:$0x5], $0x7000, s6, s4, $0x38;
	[tilespmem:$0x1C000] =	vst v63  }
0x75b: {  	_ =	swait.ge [sflag:s7], $0x7000  }
0x75c: {  	[sflag:s7] =	ssyncset.done $0x0  }
0x75d: {  	[sflag:s7] =	ssyncadd.s32 $0xFFFF9000  }
0x75e: {  	[tilespmem:s2], [sflag:$0x1] =	stream.strided.gather [hbm4b:s26+s4], $0x7000, s6, s4, $0x38;
	[tilespmem:$0x1C000] =	vst v63  }
0x75f: {  	_ =	swait.ge [sflag:s23], $0x7000  }
0x760: {  	[sflag:s23] =	ssyncset.done $0x0  }
0x761: {  	[sflag:s23] =	ssyncadd.s32 $0xFFFF9000  }
0x762: {  	[hbm4b:s25+s4] =	stream.strided.scatter [tilespmem:s16], [sflag:$0x6], $0x7000, s6, s4, $0x38;
	[tilespmem:$0x1C000] =	vst v63  }
0x763: {  	_ =	swait.ge [sflag:s12], $0x7000  }
0x764: {  	[sflag:s12] =	ssyncset.done $0x0  }
0x765: {  	[sflag:s12] =	ssyncadd.s32 $0xFFFF9000  }
0x766: {  	[tilespmem:s16], [sflag:$0x2] =	stream.strided.gather [hbm4b:s24+s4], $0x7000, s6, s4, $0x38;
	[tilespmem:$0x1C000] =	vst v63  }
0x767: {  	_ =	swait.ge [sflag:s20], $0x7000  }
0x768: {  	[sflag:s20] =	ssyncset.done $0x0  }
0x769: {  	[sflag:s20] =	ssyncadd.s32 $0xFFFF9000  }
0x76a: {  	[hbm4b:s21+s4] =	stream.strided.scatter [tilespmem:s14], [sflag:$0x7], $0x7000, s6, s4, $0x38;
	[tilespmem:$0x1C000] =	vst v63  }
0x76b: {  	_ =	swait.ge [sflag:s11], $0x7000  }
0x76c: {  	[sflag:s11] =	ssyncset.done $0x0  }
0x76d: {  	[sflag:s11] =	ssyncadd.s32 $0xFFFF9000  }
0x76e: {  	[tilespmem:s14], [sflag:$0x3] =	stream.strided.gather [hbm4b:s18+s4], $0x7000, s6, s4, $0x38;
	[tilespmem:$0x1C000] =	vst v63  }
0x76f: {  	_ =	swait.ge [sflag:s19], $0x7000  }
0x770: {  	[sflag:s19] =	ssyncset.done $0x0  }
0x771: {  	[sflag:s19] =	ssyncadd.s32 $0xFFFF9000  }
0x772: {  	[hbm4b:s17+s4] =	stream.strided.scatter [tilespmem:s10], [sflag:$0x8], $0x7000, s6, s4, $0x38;
	[tilespmem:$0x1C000] =	vst v63  }
0x773: {  	_ =	swait.ge [sflag:s8], $0x7000  }
0x774: {  	[sflag:s8] =	ssyncset.done $0x0  }
0x775: {  	[sflag:s8] =	ssyncadd.s32 $0xFFFF9000  }
0x776: {  	[tilespmem:s10], [sflag:$0x4] =	stream.strided.gather [hbm4b:s15+s4], $0x7000, s6, s4, $0x38;
	[tilespmem:$0x1C000] =	vst v63  }
0x777: {  	_ =	swait.ge [sflag:s22], $0x7000  }
0x778: {  	[sflag:s22] =	ssyncset.done $0x0  }
0x779: {  	[sflag:s22] =	ssyncadd.s32 $0xFFFF9000  }
0x77a: {  	[hbm4b:s13+s4] =	stream.strided.scatter [tilespmem:s2], [sflag:$0x5], $0x7000, s6, s4, $0x38;
	[tilespmem:$0x1C000] =	vst v63  }
0x77b: {  	_ =	swait.ge [sflag:s23], $0x7000  }
0x77c: {  	[sflag:s23] =	ssyncset.done $0x0  }
0x77d: {  	[sflag:s23] =	ssyncadd.s32 $0xFFFF9000  }
0x77e: {  	[hbm4b:s9+s4] =	stream.strided.scatter [tilespmem:s16], [sflag:$0x6], $0x7000, s6, s4, $0x38;
	[tilespmem:$0x1C000] =	vst v63  }
0x77f: {  	_ =	swait.ge [sflag:s20], $0x7000  }
0x780: {  	[sflag:s20] =	ssyncset.done $0x0  }
0x781: {  	[sflag:s20] =	ssyncadd.s32 $0xFFFF9000  }
0x782: {  	[hbm4b:s5+s4] =	stream.strided.scatter [tilespmem:s14], [sflag:$0x7], $0x7000, s6, s4, $0x38;
	[tilespmem:$0x1C000] =	vst v63  }
0x783: {  	_ =	swait.ge [sflag:s19], $0x7000  }
0x784: {  	[sflag:s19] =	ssyncset.done $0x0  }
0x785: {  	[sflag:s19] =	ssyncadd.s32 $0xFFFF9000  }
0x786: {  	[hbm4b:s3+s4] =	stream.strided.scatter [tilespmem:s10], [sflag:$0x8], $0x7000, s6, s4, $0x38;
	[tilespmem:$0x1C000] =	vst v63  }
0x787: {  	_ =	swait.ge [sflag:s7], $0x7000  }
0x788: {  	[sflag:s7] =	ssyncset.done $0x0  }
0x789: {  	[sflag:s7] =	ssyncadd.s32 $0xFFFF9000  }
0x78a: {  	_ =	swait.ge [sflag:s12], $0x7000  }
0x78b: {  	[sflag:s12] =	ssyncset.done $0x0  }
0x78c: {  	[sflag:s12] =	ssyncadd.s32 $0xFFFF9000  }
0x78d: {  	_ =	swait.ge [sflag:s11], $0x7000  }
0x78e: {  	[sflag:s11] =	ssyncset.done $0x0  }
0x78f: {  	[sflag:s11] =	ssyncadd.s32 $0xFFFF9000  }
0x790: {  	_ =	swait.ge [sflag:s8], $0x7000  }
0x791: {  	[sflag:s8] =	ssyncset.done $0x0  }
0x792: {  	[sflag:s8] =	ssyncadd.s32 $0xFFFF9000  }
0x793: {  	_ =	sfence.sel $0x180000  }
0x794: {  	[bflag:$0x0] =	sbarrier.arrive $0xFFFF  }
0x795: {  	_ =	strace $0x90000047  }
0x796: {  	s31 =	stileid.u32;
	[bflag:$0x2] =	sbarrier.arrive $0xFFFF  }
0x797: {  	p0 =	sne.s32 s31, $0x0;
	s0 =	rddreg [dreg:$0x1]  }
0x798: {  	s0 =	sadd.s32 @!p0 $0x100000, s0  }
0x799: {  	[sflag:s0] =	ssyncadd.tile.s32 @!p0 $0x1;
	_ =	shalt  }
.Lfunc_end2:
_tile_overlayer_lowered:
.L_overlay_start_2:
0x79a: {  	(tag) =	ssettag $0x2  }
0x79b: {  	s0 =	rddreg [dreg:$0x0];
	s2 =	stileid.u32  }
0x79c: {  	s1 =	rddreg [dreg:$0x1];
	p0 =	sne.s32 s2, $0x0  }
0x79d: {  	s3 =	rddreg [dreg:$0x2];
	[bflag:$0x3] =	sbarrier.arrive $0xFFFF;
	s2 =	simm.s32 @!p0 $0x1C09  }
0x79e: {  	[timem:s3], [sflag:s2] =	dma.local @!p0 [hbm:s0], s1  }
0x79f: {  	s0 =	simm.s32 @!p0 $0x9  }
0x7a0: {  	_ =	swait.ge @!p0 [sflag:s0], s1  }
0x7a1: {  	s1 =	ssub.s32 @!p0 $0x0, s1;
	[sflag:s0] =	ssyncset.done @!p0 $0x0  }
0x7a2: {  	[sflag:s0] =	ssyncadd.s32 @!p0 s1  }
0x7a3: {  	[bflag:$0x3] =	sbarrier.arrive $0xFFFF  }
0x7a4: {  	_ =	shalt  }

</sc_bundles>
